<compile_context>
chip_gen: v7x
topology: tpu7x:2x2x1
jax: 0.10.2.dev20260603
libtpu: 0.0.44.dev20260713+nightly
codegen_flags: <defaults>
</compile_context>

<pallas_src>
import jax
import jax.numpy as jnp
from jax import lax
from jax.experimental import pallas as pl
from jax.experimental.pallas import tpu as pltpu
from jax.experimental.pallas import tpu_sc as plsc

N_NODES = 10000
N_EDGES = 320000
D = 128
DH = D // 2

NC = 2
NS = 16
NW = NC * NS

EDGES_PER_TILE = N_EDGES // NS
CHUNK = 125
NCHUNK = EDGES_PER_TILE // CHUNK
N_PAD = 10240
ROWS_PER_TILE = N_PAD // NS
ZROWS = 32
DEG_W = 16


def _sc_body(h_hbm, src_hbm, dst_hbm, agg_out, deg_out, src_v, dst_v, rows,
             ones_v, zb, zbd, agg_sh, deg_sh, gsem, ssem, dsem):
    c = lax.axis_index("c")
    s = lax.axis_index("s")
    wid = c * NS + s

    cp_src = pltpu.async_copy(src_hbm.at[wid], src_v, gsem.at[0])
    cp_dst = pltpu.async_copy(dst_hbm.at[s], dst_v, gsem.at[1])

    zeros32 = jnp.zeros((32,), jnp.bfloat16)
    zeros16 = jnp.zeros((16,), jnp.float32)
    ones16 = jnp.ones((16,), jnp.float32)

    def zrow(i, carry):
        for k in range(DH // 32):
            zb[i, pl.ds(k * 32, 32)] = zeros32
        zbd[i] = zeros16
        return carry

    lax.fori_loop(0, ZROWS, zrow, 0)

    def orow(i, carry):
        ones_v[i] = ones16
        return carry

    lax.fori_loop(0, CHUNK, orow, 0)

    base = s * ROWS_PER_TILE
    zcps = []
    for k in range(ROWS_PER_TILE // ZROWS):
        zcps.append(pltpu.async_copy(
            zb, agg_sh.at[pl.ds(base + k * ZROWS, ZROWS)], ssem.at[k % 4]))
        zcps.append(pltpu.async_copy(
            zbd, deg_sh.at[pl.ds(base + k * ZROWS, ZROWS)], ssem.at[k % 4]))
    for cp in zcps:
        cp.wait()
    cp_src.wait()
    cp_dst.wait()
    plsc.subcore_barrier()

    def gstart(j, b):
        pltpu.async_copy(h_hbm.at[src_v.at[j]], rows.at[b], gsem.at[b])

    def gwait(j, b):
        pltpu.make_async_copy(h_hbm.at[src_v.at[j]], rows.at[b],
                              gsem.at[b]).wait()

    def sstart(j, b):
        pltpu.async_copy(rows.at[b], agg_sh.at[dst_v.at[j]], ssem.at[b],
                         add=True)

    def swait(j, b):
        pltpu.make_async_copy(rows.at[b], agg_sh.at[dst_v.at[j]],
                              ssem.at[b]).wait()

    def dscat(j, b):
        @pl.when(c == b % 2)
        def _():
            pltpu.async_copy(ones_v, deg_sh.at[dst_v.at[j]], dsem.at[b],
                             add=True)

    def dswait(j, b):
        @pl.when(c == b % 2)
        def _():
            pltpu.make_async_copy(ones_v, deg_sh.at[dst_v.at[j]],
                                  dsem.at[b]).wait()

    gstart(0, 0)
    gstart(1, 1)
    gstart(2, 2)

    def step(k4, carry):
        for b in range(4):
            j = 4 * k4 + b
            gwait(j, b)
            sstart(j, b)

            @pl.when(k4 > 0)
            def _():
                dswait(j - 4, b)

            dscat(j, b)
            nb = (b + 3) % 4
            if b == 0:
                @pl.when(k4 > 0)
                def _():
                    swait(j - 1, nb)
                gstart(j + 3, nb)
            else:
                @pl.when(k4 < NCHUNK // 4 - 1)
                def _():
                    swait(j - 1, nb)
                    gstart(j + 3, nb)
        return carry

    lax.fori_loop(0, NCHUNK // 4, step, 0)
    for b in range(4):
        swait(NCHUNK - 4 + b, b)
        dswait(NCHUNK - 4 + b, b)

    plsc.subcore_barrier()
    obase = c * N_PAD + s * ROWS_PER_TILE
    pltpu.sync_copy(agg_sh.at[pl.ds(base, ROWS_PER_TILE)],
                    agg_out.at[pl.ds(obase, ROWS_PER_TILE)])
    pltpu.sync_copy(deg_sh.at[pl.ds(base, ROWS_PER_TILE)],
                    deg_out.at[pl.ds(obase, ROWS_PER_TILE)])


_sc_agg_deg = pl.kernel(
    _sc_body,
    out_type=(
        jax.ShapeDtypeStruct((NC * N_PAD, DH), jnp.bfloat16),
        jax.ShapeDtypeStruct((NC * N_PAD, DEG_W), jnp.float32),
    ),
    mesh=plsc.VectorSubcoreMesh(core_axis_name="c", subcore_axis_name="s"),
    compiler_params=pltpu.CompilerParams(use_tc_tiling_on_sc=False),
    scratch_types=[
        pltpu.VMEM((NCHUNK, CHUNK), jnp.int32),
        pltpu.VMEM((NCHUNK, CHUNK), jnp.int32),
        pltpu.VMEM((4, CHUNK, DH), jnp.bfloat16),
        pltpu.VMEM((CHUNK, DEG_W), jnp.float32),
        pltpu.VMEM((ZROWS, DH), jnp.bfloat16),
        pltpu.VMEM((ZROWS, DEG_W), jnp.float32),
        pltpu.VMEM_SHARED((N_PAD, DH), jnp.bfloat16),
        pltpu.VMEM_SHARED((N_PAD, DEG_W), jnp.float32),
        pltpu.SemaphoreType.DMA((4,)),
        pltpu.SemaphoreType.DMA((4,)),
        pltpu.SemaphoreType.DMA((4,)),
    ],
)

BLK = 2000
NBLK = N_NODES // BLK


def _self_body(h_ref, ws_ref, b_ref, o_ref):
    o_ref[...] = (jnp.dot(h_ref[...], ws_ref[...],
                          preferred_element_type=jnp.float32) + b_ref[...])


_self_k = pl.pallas_call(
    _self_body,
    grid=(NBLK,),
    in_specs=[
        pl.BlockSpec((BLK, D), lambda i: (i, 0)),
        pl.BlockSpec((D, D), lambda i: (0, 0)),
        pl.BlockSpec((1, D), lambda i: (0, 0)),
    ],
    out_specs=pl.BlockSpec((BLK, D), lambda i: (i, 0)),
    out_shape=jax.ShapeDtypeStruct((N_NODES, D), jnp.float32),
)


def _make_tc_layer(emit_table):
    def body(s_ref, a0_ref, a1_ref, d0_ref, d1_ref, wn_ref, *o_refs):
        agg = jnp.concatenate([a0_ref[0], a1_ref[0]],
                              axis=1).astype(jnp.float32)
        deg = d0_ref[0, :, 0:1] + d1_ref[0, :, 0:1]
        mean = agg / jnp.maximum(deg, 1.0)
        out = (s_ref[...]
               + jnp.dot(mean, wn_ref[...],
                         preferred_element_type=jnp.float32))
        if emit_table:
            out = jnp.maximum(out, 0.0)
            o_refs[1][0] = out[:, :DH].astype(jnp.bfloat16)
            o_refs[1][1] = out[:, DH:].astype(jnp.bfloat16)
        o_refs[0][...] = out

    return pl.pallas_call(
        body,
        grid=(NBLK,),
        in_specs=[
            pl.BlockSpec((BLK, D), lambda i: (i, 0)),
            pl.BlockSpec((1, BLK, DH), lambda i: (0, i, 0)),
            pl.BlockSpec((1, BLK, DH), lambda i: (1, i, 0)),
            pl.BlockSpec((1, BLK, DEG_W), lambda i: (0, i, 0)),
            pl.BlockSpec((1, BLK, DEG_W), lambda i: (1, i, 0)),
            pl.BlockSpec((D, D), lambda i: (0, 0)),
        ],
        out_specs=(
            [pl.BlockSpec((BLK, D), lambda i: (i, 0))]
            + ([pl.BlockSpec((2, BLK, DH), lambda i: (0, i, 0))]
               if emit_table else [])
        ),
        out_shape=(
            [jax.ShapeDtypeStruct((N_NODES, D), jnp.float32)]
            + ([jax.ShapeDtypeStruct((2, N_NODES, DH), jnp.bfloat16)]
               if emit_table else [])
        ),
    )


_tc_layer1 = _make_tc_layer(True)
_tc_layer2 = _make_tc_layer(False)


def _split_body(h_ref, o_ref):
    o_ref[0] = h_ref[:, :DH].astype(jnp.bfloat16)
    o_ref[1] = h_ref[:, DH:].astype(jnp.bfloat16)


_split_k = pl.pallas_call(
    _split_body,
    grid=(NBLK,),
    in_specs=[pl.BlockSpec((BLK, D), lambda i: (i, 0))],
    out_specs=pl.BlockSpec((2, BLK, DH), lambda i: (0, i, 0)),
    out_shape=jax.ShapeDtypeStruct((2, N_NODES, DH), jnp.bfloat16),
)


def kernel(x, edge_index, W_self1, W_neigh1, b1, W_self2, W_neigh2, b2):
    ei = edge_index.astype(jnp.int32)
    src_r = ei[0].reshape(1, NS, NCHUNK, CHUNK)
    dst_r = ei[1].reshape(1, NS, NCHUNK, CHUNK)
    src = jnp.concatenate([src_r, src_r + N_NODES],
                          axis=0).reshape(NW, NCHUNK, CHUNK)
    dst = dst_r.reshape(NS, NCHUNK, CHUNK)

    agg1, deg = _sc_agg_deg(_split_k(x).reshape(NC * N_NODES, DH), src, dst)
    self1 = _self_k(x, W_self1, b1.reshape(1, D))
    agg1 = agg1.reshape(NC, N_PAD, DH)
    deg = deg.reshape(NC, N_PAD, DEG_W)
    h1, tab2 = _tc_layer1(self1, agg1, agg1, deg, deg, W_neigh1)

    agg2, _ = _sc_agg_deg(tab2.reshape(NC * N_NODES, DH), src, dst)
    self2 = _self_k(h1, W_self2, b2.reshape(1, D))
    agg2 = agg2.reshape(NC, N_PAD, DH)
    (out,) = _tc_layer2(self2, agg2, agg2, deg, deg, W_neigh2)
    return out

# --- scband reference (transcript-rebuilt; emitter-appended) ---
"""Pipeline reference for scband-sage-61022895342087 (READ-ONLY COPY).

The authoritative reference and input builder live on the scoring server;
editing this copy changes nothing except your own understanding.
"""

import jax, jax.numpy as jnp
import numpy as np

N_NODES = 10000
N_EDGES = 320000
D_IN = 128
D_HID = 128


def setup_inputs(seed: int = 0) -> dict:
    key = jax.random.key(seed)
    ks = jax.random.split(key, 9)
    x = jax.random.normal(ks[0], (N_NODES, D_IN), dtype=jnp.float32)
    edge_index = jax.random.randint(ks[1], (2, N_EDGES), 0, N_NODES, dtype=jnp.int64)
    s1 = 1.0 / np.sqrt(D_IN)
    s2 = 1.0 / np.sqrt(D_HID)
    W_self1 = jax.random.uniform(ks[2], (D_IN, D_HID), dtype=jnp.float32, minval=-s1, maxval=s1)
    W_neigh1 = jax.random.uniform(ks[3], (D_IN, D_HID), dtype=jnp.float32, minval=-s1, maxval=s1)
    b1 = jnp.zeros((D_HID,), dtype=jnp.float32)
    W_self2 = jax.random.uniform(ks[4], (D_HID, D_HID), dtype=jnp.float32, minval=-s2, maxval=s2)
    W_neigh2 = jax.random.uniform(ks[5], (D_HID, D_HID), dtype=jnp.float32, minval=-s2, maxval=s2)
    b2 = jnp.zeros((D_HID,), dtype=jnp.float32)
    return {"x": x, "edge_index": edge_index, "W_self1": W_self1, "W_neigh1": W_neigh1, "b1": b1, "W_self2": W_self2, "W_neigh2": W_neigh2, "b2": b2}


def _sage_conv(h, src, dst, W_self, W_neigh, b):
    # DGL SAGEConv with 'mean' aggregator: out = h_dst @ W_self + mean_{src in N(dst)}(h_src) @ W_neigh + b
    msg = jnp.take(h, src, axis=0)
    agg = jax.ops.segment_sum(msg, dst, num_segments=N_NODES)
    deg = jax.ops.segment_sum(jnp.ones((src.shape[0],), dtype=h.dtype), dst, num_segments=N_NODES)
    mean = agg / jnp.clip(deg, 1.0, None)[:, None]
    return h @ W_self + mean @ W_neigh + b


def reference(x, edge_index, W_self1, W_neigh1, b1, W_self2, W_neigh2, b2):
    src = edge_index[0]
    dst = edge_index[1]
    h = _sage_conv(x, src, dst, W_self1, W_neigh1, b1)
    h = jax.nn.relu(h)
    h = _sage_conv(h, src, dst, W_self2, W_neigh2, b2)
    return h

if __name__ == "__main__":
    import jax
    _d = setup_inputs()
    print(jax.jit(kernel)(*tuple(_d.values())))

</pallas_src>

<mosaic_0001>
#map = affine_map<(d0, d1) -> (0, 0)>
#map1 = affine_map<(d0, d1) -> (0, 0, 0)>
module attributes {stable_mosaic.version = 14 : i64} {
  func.func @_sc_body(%arg0: i32, %arg1: i32, %arg2: memref<20000x64xbf16, #tpu.memory_space<hbm>>, %arg3: memref<32x160x125xi32, #tpu.memory_space<hbm>>, %arg4: memref<16x160x125xi32, #tpu.memory_space<hbm>>, %arg5: memref<20480x64xbf16, #tpu.memory_space<hbm>>, %arg6: memref<20480x16xf32, #tpu.memory_space<hbm>>, %arg7: memref<160x125xi32, #tpu.memory_space<vmem>>, %arg8: memref<160x125xi32, #tpu.memory_space<vmem>>, %arg9: memref<4x125x64xbf16, #tpu.memory_space<vmem>>, %arg10: memref<125x16xf32, #tpu.memory_space<vmem>>, %arg11: memref<32x64xbf16, #tpu.memory_space<vmem>>, %arg12: memref<32x16xf32, #tpu.memory_space<vmem>>, %arg13: memref<10240x64xbf16, #tpu.memory_space<vmem_shared>>, %arg14: memref<10240x16xf32, #tpu.memory_space<vmem_shared>>, %arg15: memref<4x!tpu.dma_semaphore, #tpu.memory_space<semaphore_mem>>, %arg16: memref<4x!tpu.dma_semaphore, #tpu.memory_space<semaphore_mem>>, %arg17: memref<4x!tpu.dma_semaphore, #tpu.memory_space<semaphore_mem>>) attributes {dimension_semantics = [#tpu.dimension_semantics<core_parallel>, #tpu.dimension_semantics<subcore_parallel>], iteration_bounds = array<i64: 2, 16>, scalar_prefetch = 0 : i64, scratch_operands = 11 : i64, tpu.core_type = #tpu.core_type<sc_vector_subcore>, window_params = [{transform_indices = #map}, {transform_indices = #map1}, {transform_indices = #map1}, {transform_indices = #map}, {transform_indices = #map}]} {
    %mul3A = arith.constant 16 : i32
    %mul3A_0 = arith.muli %arg0, %mul3A : i32
    %add3A = arith.addi %mul3A_0, %arg1 : i32
    %dma_start3A = arith.constant 0 : i32
    %dma_start3A_1 = arith.constant 0 : i32
    %dma_start3A_2 = arith.constant 0 : i32
    %dma_start3A_3 = tpu.memref_slice %arg3[%add3A, %dma_start3A_1, %dma_start3A_2] : memref<32x160x125xi32, #tpu.memory_space<hbm>> -> memref<1x160x125xi32, #tpu.memory_space<hbm>>
    %dma_start3A_4 = tpu.memref_squeeze %dma_start3A_3 : memref<1x160x125xi32, #tpu.memory_space<hbm>> -> memref<160x125xi32, #tpu.memory_space<hbm>>
    %dma_start3A_5 = tpu.memref_slice %arg15[%dma_start3A] : memref<4x!tpu.dma_semaphore, #tpu.memory_space<semaphore_mem>> -> memref<1x!tpu.dma_semaphore, #tpu.memory_space<semaphore_mem>>
    %dma_start3A_6 = tpu.memref_squeeze %dma_start3A_5 : memref<1x!tpu.dma_semaphore, #tpu.memory_space<semaphore_mem>> -> memref<!tpu.dma_semaphore, #tpu.memory_space<semaphore_mem>>
    %dma_start3A_7 = arith.constant 0 : i32
    %dma_start3A_8 = arith.constant 0 : i32
    %dma_start3A_9 = tpu.memref_slice %arg3[%add3A, %dma_start3A_7, %dma_start3A_8] : memref<32x160x125xi32, #tpu.memory_space<hbm>> -> memref<1x160x125xi32, #tpu.memory_space<hbm>>
    %dma_start3A_10 = tpu.memref_squeeze %dma_start3A_9 : memref<1x160x125xi32, #tpu.memory_space<hbm>> -> memref<160x125xi32, #tpu.memory_space<hbm>>
    tpu.enqueue_dma source(%dma_start3A_10 : memref<160x125xi32, #tpu.memory_space<hbm>>) target(%arg7 : memref<160x125xi32, #tpu.memory_space<vmem>>) target_semaphore(%dma_start3A_6 : memref<!tpu.dma_semaphore, #tpu.memory_space<semaphore_mem>>)
    %dma_start3A_11 = arith.constant 1 : i32
    %dma_start3A_12 = arith.constant 0 : i32
    %dma_start3A_13 = arith.constant 0 : i32
    %dma_start3A_14 = tpu.memref_slice %arg4[%arg1, %dma_start3A_12, %dma_start3A_13] : memref<16x160x125xi32, #tpu.memory_space<hbm>> -> memref<1x160x125xi32, #tpu.memory_space<hbm>>
    %dma_start3A_15 = tpu.memref_squeeze %dma_start3A_14 : memref<1x160x125xi32, #tpu.memory_space<hbm>> -> memref<160x125xi32, #tpu.memory_space<hbm>>
    %dma_start3A_16 = tpu.memref_slice %arg15[%dma_start3A_11] : memref<4x!tpu.dma_semaphore, #tpu.memory_space<semaphore_mem>> -> memref<1x!tpu.dma_semaphore, #tpu.memory_space<semaphore_mem>>
    %dma_start3A_17 = tpu.memref_squeeze %dma_start3A_16 : memref<1x!tpu.dma_semaphore, #tpu.memory_space<semaphore_mem>> -> memref<!tpu.dma_semaphore, #tpu.memory_space<semaphore_mem>>
    %dma_start3A_18 = arith.constant 0 : i32
    %dma_start3A_19 = arith.constant 0 : i32
    %dma_start3A_20 = tpu.memref_slice %arg4[%arg1, %dma_start3A_18, %dma_start3A_19] : memref<16x160x125xi32, #tpu.memory_space<hbm>> -> memref<1x160x125xi32, #tpu.memory_space<hbm>>
    %dma_start3A_21 = tpu.memref_squeeze %dma_start3A_20 : memref<1x160x125xi32, #tpu.memory_space<hbm>> -> memref<160x125xi32, #tpu.memory_space<hbm>>
    tpu.enqueue_dma source(%dma_start3A_21 : memref<160x125xi32, #tpu.memory_space<hbm>>) target(%arg8 : memref<160x125xi32, #tpu.memory_space<vmem>>) target_semaphore(%dma_start3A_17 : memref<!tpu.dma_semaphore, #tpu.memory_space<semaphore_mem>>)
    %broadcast_in_dim3A = arith.constant 0.000000e+00 : bf16
    %broadcast_in_dim3A_22 = vector.broadcast %broadcast_in_dim3A : bf16 to vector<32xbf16>
    %broadcast_in_dim3A_23 = arith.constant 0.000000e+00 : f32
    %broadcast_in_dim3A_24 = vector.broadcast %broadcast_in_dim3A_23 : f32 to vector<16xf32>
    %broadcast_in_dim3A_25 = arith.constant 1.000000e+00 : f32
    %broadcast_in_dim3A_26 = vector.broadcast %broadcast_in_dim3A_25 : f32 to vector<16xf32>
    %scan3A = arith.constant 0 : i32
    %scan3A_27 = arith.constant 0 : i32
    %scan3A_28 = arith.constant 32 : i32
    %scan3A_29 = arith.addi %scan3A_27, %scan3A_28 : i32
    %scan3A_30 = arith.constant 1 : i32
    scf.for %scan3A_835 = %scan3A_27 to %scan3A_29 step %scan3A_30  : i32 {
      %swap3A = arith.index_cast %scan3A_835 : i32 to index
      %swap3A_836 = arith.constant 0 : index
      %swap3A_837 = tpu.vector_load %arg11[%swap3A, %swap3A_836] {strides = array<i32>} : memref<32x64xbf16, #tpu.memory_space<vmem>>, vector<1x32xbf16>,
      %swap3A_838 = vector.shape_cast %swap3A_837 : vector<1x32xbf16> to vector<32xbf16>
      %swap3A_839 = vector.shape_cast %broadcast_in_dim3A_22 : vector<32xbf16> to vector<1x32xbf16>
      tpu.vector_store %arg11[%swap3A, %swap3A_836], %swap3A_839 {strides = array<i32>} : memref<32x64xbf16, #tpu.memory_space<vmem>>, vector<1x32xbf16>,
      %swap3A_840 = arith.index_cast %scan3A_835 : i32 to index
      %swap3A_841 = arith.constant 32 : index
      %swap3A_842 = tpu.vector_load %arg11[%swap3A_840, %swap3A_841] {strides = array<i32>} : memref<32x64xbf16, #tpu.memory_space<vmem>>, vector<1x32xbf16>,
      %swap3A_843 = vector.shape_cast %swap3A_842 : vector<1x32xbf16> to vector<32xbf16>
      %swap3A_844 = vector.shape_cast %broadcast_in_dim3A_22 : vector<32xbf16> to vector<1x32xbf16>
      tpu.vector_store %arg11[%swap3A_840, %swap3A_841], %swap3A_844 {strides = array<i32>} : memref<32x64xbf16, #tpu.memory_space<vmem>>, vector<1x32xbf16>,
      %swap3A_845 = arith.index_cast %scan3A_835 : i32 to index
      %swap3A_846 = arith.constant 0 : index
      %swap3A_847 = tpu.vector_load %arg12[%swap3A_845, %swap3A_846] {strides = array<i32>} : memref<32x16xf32, #tpu.memory_space<vmem>>, vector<1x16xf32>,
      %swap3A_848 = vector.shape_cast %swap3A_847 : vector<1x16xf32> to vector<16xf32>
      %swap3A_849 = vector.shape_cast %broadcast_in_dim3A_24 : vector<16xf32> to vector<1x16xf32>
      tpu.vector_store %arg12[%swap3A_845, %swap3A_846], %swap3A_849 {strides = array<i32>} : memref<32x16xf32, #tpu.memory_space<vmem>>, vector<1x16xf32>,
    }
    %scan3A_31 = arith.constant 32 : i32
    %scan3A_32 = arith.constant 0 : i32
    %scan3A_33 = arith.constant 0 : i32
    %scan3A_34 = arith.constant 125 : i32
    %scan3A_35 = arith.addi %scan3A_33, %scan3A_34 : i32
    %scan3A_36 = arith.constant 1 : i32
    scf.for %scan3A_835 = %scan3A_33 to %scan3A_35 step %scan3A_36  : i32 {
      %swap3A = arith.index_cast %scan3A_835 : i32 to index
      %swap3A_836 = arith.constant 0 : index
      %swap3A_837 = tpu.vector_load %arg10[%swap3A, %swap3A_836] {strides = array<i32>} : memref<125x16xf32, #tpu.memory_space<vmem>>, vector<1x16xf32>,
      %swap3A_838 = vector.shape_cast %swap3A_837 : vector<1x16xf32> to vector<16xf32>
      %swap3A_839 = vector.shape_cast %broadcast_in_dim3A_26 : vector<16xf32> to vector<1x16xf32>
      tpu.vector_store %arg10[%swap3A, %swap3A_836], %swap3A_839 {strides = array<i32>} : memref<125x16xf32, #tpu.memory_space<vmem>>, vector<1x16xf32>,
    }
    %scan3A_37 = arith.constant 125 : i32
    %mul3A_38 = arith.constant 640 : i32
    %mul3A_39 = arith.muli %arg1, %mul3A_38 : i32
    %add3A_40 = arith.constant 0 : i32
    %add3A_41 = arith.addi %mul3A_39, %add3A_40 : i32
    %dma_start3A_42 = arith.constant 0 : i32
    %dma_start3A_43 = arith.constant 0 : i32
    %dma_start3A_44 = tpu.memref_slice %arg13[%add3A_41, %dma_start3A_43] : memref<10240x64xbf16, #tpu.memory_space<vmem_shared>> -> memref<32x64xbf16, #tpu.memory_space<vmem_shared>>
    %dma_start3A_45 = tpu.memref_slice %arg16[%dma_start3A_42] : memref<4x!tpu.dma_semaphore, #tpu.memory_space<semaphore_mem>> -> memref<1x!tpu.dma_semaphore, #tpu.memory_space<semaphore_mem>>
    %dma_start3A_46 = tpu.memref_squeeze %dma_start3A_45 : memref<1x!tpu.dma_semaphore, #tpu.memory_space<semaphore_mem>> -> memref<!tpu.dma_semaphore, #tpu.memory_space<semaphore_mem>>
    %dma_start3A_47 = arith.constant 0 : i32
    %dma_start3A_48 = tpu.memref_slice %arg13[%add3A_41, %dma_start3A_47] : memref<10240x64xbf16, #tpu.memory_space<vmem_shared>> -> memref<32x64xbf16, #tpu.memory_space<vmem_shared>>
    tpu.enqueue_dma source(%arg11 : memref<32x64xbf16, #tpu.memory_space<vmem>>) target(%dma_start3A_48 : memref<32x64xbf16, #tpu.memory_space<vmem_shared>>) target_semaphore(%dma_start3A_46 : memref<!tpu.dma_semaphore, #tpu.memory_space<semaphore_mem>>)
    %add3A_49 = arith.constant 0 : i32
    %add3A_50 = arith.addi %mul3A_39, %add3A_49 : i32
    %dma_start3A_51 = arith.constant 0 : i32
    %dma_start3A_52 = arith.constant 0 : i32
    %dma_start3A_53 = tpu.memref_slice %arg14[%add3A_50, %dma_start3A_52] : memref<10240x16xf32, #tpu.memory_space<vmem_shared>> -> memref<32x16xf32, #tpu.memory_space<vmem_shared>>
    %dma_start3A_54 = tpu.memref_slice %arg16[%dma_start3A_51] : memref<4x!tpu.dma_semaphore, #tpu.memory_space<semaphore_mem>> -> memref<1x!tpu.dma_semaphore, #tpu.memory_space<semaphore_mem>>
    %dma_start3A_55 = tpu.memref_squeeze %dma_start3A_54 : memref<1x!tpu.dma_semaphore, #tpu.memory_space<semaphore_mem>> -> memref<!tpu.dma_semaphore, #tpu.memory_space<semaphore_mem>>
    %dma_start3A_56 = arith.constant 0 : i32
    %dma_start3A_57 = tpu.memref_slice %arg14[%add3A_50, %dma_start3A_56] : memref<10240x16xf32, #tpu.memory_space<vmem_shared>> -> memref<32x16xf32, #tpu.memory_space<vmem_shared>>
    tpu.enqueue_dma source(%arg12 : memref<32x16xf32, #tpu.memory_space<vmem>>) target(%dma_start3A_57 : memref<32x16xf32, #tpu.memory_space<vmem_shared>>) target_semaphore(%dma_start3A_55 : memref<!tpu.dma_semaphore, #tpu.memory_space<semaphore_mem>>)
    %add3A_58 = arith.constant 32 : i32
    %add3A_59 = arith.addi %mul3A_39, %add3A_58 : i32
    %dma_start3A_60 = arith.constant 1 : i32
    %dma_start3A_61 = arith.constant 0 : i32
    %dma_start3A_62 = tpu.memref_slice %arg13[%add3A_59, %dma_start3A_61] : memref<10240x64xbf16, #tpu.memory_space<vmem_shared>> -> memref<32x64xbf16, #tpu.memory_space<vmem_shared>>
    %dma_start3A_63 = tpu.memref_slice %arg16[%dma_start3A_60] : memref<4x!tpu.dma_semaphore, #tpu.memory_space<semaphore_mem>> -> memref<1x!tpu.dma_semaphore, #tpu.memory_space<semaphore_mem>>
    %dma_start3A_64 = tpu.memref_squeeze %dma_start3A_63 : memref<1x!tpu.dma_semaphore, #tpu.memory_space<semaphore_mem>> -> memref<!tpu.dma_semaphore, #tpu.memory_space<semaphore_mem>>
    %dma_start3A_65 = arith.constant 0 : i32
    %dma_start3A_66 = tpu.memref_slice %arg13[%add3A_59, %dma_start3A_65] : memref<10240x64xbf16, #tpu.memory_space<vmem_shared>> -> memref<32x64xbf16, #tpu.memory_space<vmem_shared>>
    tpu.enqueue_dma source(%arg11 : memref<32x64xbf16, #tpu.memory_space<vmem>>) target(%dma_start3A_66 : memref<32x64xbf16, #tpu.memory_space<vmem_shared>>) target_semaphore(%dma_start3A_64 : memref<!tpu.dma_semaphore, #tpu.memory_space<semaphore_mem>>)
    %add3A_67 = arith.constant 32 : i32
    %add3A_68 = arith.addi %mul3A_39, %add3A_67 : i32
    %dma_start3A_69 = arith.constant 1 : i32
    %dma_start3A_70 = arith.constant 0 : i32
    %dma_start3A_71 = tpu.memref_slice %arg14[%add3A_68, %dma_start3A_70] : memref<10240x16xf32, #tpu.memory_space<vmem_shared>> -> memref<32x16xf32, #tpu.memory_space<vmem_shared>>
    %dma_start3A_72 = tpu.memref_slice %arg16[%dma_start3A_69] : memref<4x!tpu.dma_semaphore, #tpu.memory_space<semaphore_mem>> -> memref<1x!tpu.dma_semaphore, #tpu.memory_space<semaphore_mem>>
    %dma_start3A_73 = tpu.memref_squeeze %dma_start3A_72 : memref<1x!tpu.dma_semaphore, #tpu.memory_space<semaphore_mem>> -> memref<!tpu.dma_semaphore, #tpu.memory_space<semaphore_mem>>
    %dma_start3A_74 = arith.constant 0 : i32
    %dma_start3A_75 = tpu.memref_slice %arg14[%add3A_68, %dma_start3A_74] : memref<10240x16xf32, #tpu.memory_space<vmem_shared>> -> memref<32x16xf32, #tpu.memory_space<vmem_shared>>
    tpu.enqueue_dma source(%arg12 : memref<32x16xf32, #tpu.memory_space<vmem>>) target(%dma_start3A_75 : memref<32x16xf32, #tpu.memory_space<vmem_shared>>) target_semaphore(%dma_start3A_73 : memref<!tpu.dma_semaphore, #tpu.memory_space<semaphore_mem>>)
    %add3A_76 = arith.constant 64 : i32
    %add3A_77 = arith.addi %mul3A_39, %add3A_76 : i32
    %dma_start3A_78 = arith.constant 2 : i32
    %dma_start3A_79 = arith.constant 0 : i32
    %dma_start3A_80 = tpu.memref_slice %arg13[%add3A_77, %dma_start3A_79] : memref<10240x64xbf16, #tpu.memory_space<vmem_shared>> -> memref<32x64xbf16, #tpu.memory_space<vmem_shared>>
    %dma_start3A_81 = tpu.memref_slice %arg16[%dma_start3A_78] : memref<4x!tpu.dma_semaphore, #tpu.memory_space<semaphore_mem>> -> memref<1x!tpu.dma_semaphore, #tpu.memory_space<semaphore_mem>>
    %dma_start3A_82 = tpu.memref_squeeze %dma_start3A_81 : memref<1x!tpu.dma_semaphore, #tpu.memory_space<semaphore_mem>> -> memref<!tpu.dma_semaphore, #tpu.memory_space<semaphore_mem>>
    %dma_start3A_83 = arith.constant 0 : i32
    %dma_start3A_84 = tpu.memref_slice %arg13[%add3A_77, %dma_start3A_83] : memref<10240x64xbf16, #tpu.memory_space<vmem_shared>> -> memref<32x64xbf16, #tpu.memory_space<vmem_shared>>
    tpu.enqueue_dma source(%arg11 : memref<32x64xbf16, #tpu.memory_space<vmem>>) target(%dma_start3A_84 : memref<32x64xbf16, #tpu.memory_space<vmem_shared>>) target_semaphore(%dma_start3A_82 : memref<!tpu.dma_semaphore, #tpu.memory_space<semaphore_mem>>)
    %add3A_85 = arith.constant 64 : i32
    %add3A_86 = arith.addi %mul3A_39, %add3A_85 : i32
    %dma_start3A_87 = arith.constant 2 : i32
    %dma_start3A_88 = arith.constant 0 : i32
    %dma_start3A_89 = tpu.memref_slice %arg14[%add3A_86, %dma_start3A_88] : memref<10240x16xf32, #tpu.memory_space<vmem_shared>> -> memref<32x16xf32, #tpu.memory_space<vmem_shared>>
    %dma_start3A_90 = tpu.memref_slice %arg16[%dma_start3A_87] : memref<4x!tpu.dma_semaphore, #tpu.memory_space<semaphore_mem>> -> memref<1x!tpu.dma_semaphore, #tpu.memory_space<semaphore_mem>>
    %dma_start3A_91 = tpu.memref_squeeze %dma_start3A_90 : memref<1x!tpu.dma_semaphore, #tpu.memory_space<semaphore_mem>> -> memref<!tpu.dma_semaphore, #tpu.memory_space<semaphore_mem>>
    %dma_start3A_92 = arith.constant 0 : i32
    %dma_start3A_93 = tpu.memref_slice %arg14[%add3A_86, %dma_start3A_92] : memref<10240x16xf32, #tpu.memory_space<vmem_shared>> -> memref<32x16xf32, #tpu.memory_space<vmem_shared>>
    tpu.enqueue_dma source(%arg12 : memref<32x16xf32, #tpu.memory_space<vmem>>) target(%dma_start3A_93 : memref<32x16xf32, #tpu.memory_space<vmem_shared>>) target_semaphore(%dma_start3A_91 : memref<!tpu.dma_semaphore, #tpu.memory_space<semaphore_mem>>)
    %add3A_94 = arith.constant 96 : i32
    %add3A_95 = arith.addi %mul3A_39, %add3A_94 : i32
    %dma_start3A_96 = arith.constant 3 : i32
    %dma_start3A_97 = arith.constant 0 : i32
    %dma_start3A_98 = tpu.memref_slice %arg13[%add3A_95, %dma_start3A_97] : memref<10240x64xbf16, #tpu.memory_space<vmem_shared>> -> memref<32x64xbf16, #tpu.memory_space<vmem_shared>>
    %dma_start3A_99 = tpu.memref_slice %arg16[%dma_start3A_96] : memref<4x!tpu.dma_semaphore, #tpu.memory_space<semaphore_mem>> -> memref<1x!tpu.dma_semaphore, #tpu.memory_space<semaphore_mem>>
    %dma_start3A_100 = tpu.memref_squeeze %dma_start3A_99 : memref<1x!tpu.dma_semaphore, #tpu.memory_space<semaphore_mem>> -> memref<!tpu.dma_semaphore, #tpu.memory_space<semaphore_mem>>
    %dma_start3A_101 = arith.constant 0 : i32
    %dma_start3A_102 = tpu.memref_slice %arg13[%add3A_95, %dma_start3A_101] : memref<10240x64xbf16, #tpu.memory_space<vmem_shared>> -> memref<32x64xbf16, #tpu.memory_space<vmem_shared>>
    tpu.enqueue_dma source(%arg11 : memref<32x64xbf16, #tpu.memory_space<vmem>>) target(%dma_start3A_102 : memref<32x64xbf16, #tpu.memory_space<vmem_shared>>) target_semaphore(%dma_start3A_100 : memref<!tpu.dma_semaphore, #tpu.memory_space<semaphore_mem>>)
    %add3A_103 = arith.constant 96 : i32
    %add3A_104 = arith.addi %mul3A_39, %add3A_103 : i32
    %dma_start3A_105 = arith.constant 3 : i32
    %dma_start3A_106 = arith.constant 0 : i32
    %dma_start3A_107 = tpu.memref_slice %arg14[%add3A_104, %dma_start3A_106] : memref<10240x16xf32, #tpu.memory_space<vmem_shared>> -> memref<32x16xf32, #tpu.memory_space<vmem_shared>>
    %dma_start3A_108 = tpu.memref_slice %arg16[%dma_start3A_105] : memref<4x!tpu.dma_semaphore, #tpu.memory_space<semaphore_mem>> -> memref<1x!tpu.dma_semaphore, #tpu.memory_space<semaphore_mem>>
    %dma_start3A_109 = tpu.memref_squeeze %dma_start3A_108 : memref<1x!tpu.dma_semaphore, #tpu.memory_space<semaphore_mem>> -> memref<!tpu.dma_semaphore, #tpu.memory_space<semaphore_mem>>
    %dma_start3A_110 = arith.constant 0 : i32
    %dma_start3A_111 = tpu.memref_slice %arg14[%add3A_104, %dma_start3A_110] : memref<10240x16xf32, #tpu.memory_space<vmem_shared>> -> memref<32x16xf32, #tpu.memory_space<vmem_shared>>
    tpu.enqueue_dma source(%arg12 : memref<32x16xf32, #tpu.memory_space<vmem>>) target(%dma_start3A_111 : memref<32x16xf32, #tpu.memory_space<vmem_shared>>) target_semaphore(%dma_start3A_109 : memref<!tpu.dma_semaphore, #tpu.memory_space<semaphore_mem>>)
    %add3A_112 = arith.constant 128 : i32
    %add3A_113 = arith.addi %mul3A_39, %add3A_112 : i32
    %dma_start3A_114 = arith.constant 0 : i32
    %dma_start3A_115 = arith.constant 0 : i32
    %dma_start3A_116 = tpu.memref_slice %arg13[%add3A_113, %dma_start3A_115] : memref<10240x64xbf16, #tpu.memory_space<vmem_shared>> -> memref<32x64xbf16, #tpu.memory_space<vmem_shared>>
    %dma_start3A_117 = tpu.memref_slice %arg16[%dma_start3A_114] : memref<4x!tpu.dma_semaphore, #tpu.memory_space<semaphore_mem>> -> memref<1x!tpu.dma_semaphore, #tpu.memory_space<semaphore_mem>>
    %dma_start3A_118 = tpu.memref_squeeze %dma_start3A_117 : memref<1x!tpu.dma_semaphore, #tpu.memory_space<semaphore_mem>> -> memref<!tpu.dma_semaphore, #tpu.memory_space<semaphore_mem>>
    %dma_start3A_119 = arith.constant 0 : i32
    %dma_start3A_120 = tpu.memref_slice %arg13[%add3A_113, %dma_start3A_119] : memref<10240x64xbf16, #tpu.memory_space<vmem_shared>> -> memref<32x64xbf16, #tpu.memory_space<vmem_shared>>
    tpu.enqueue_dma source(%arg11 : memref<32x64xbf16, #tpu.memory_space<vmem>>) target(%dma_start3A_120 : memref<32x64xbf16, #tpu.memory_space<vmem_shared>>) target_semaphore(%dma_start3A_118 : memref<!tpu.dma_semaphore, #tpu.memory_space<semaphore_mem>>)
    %add3A_121 = arith.constant 128 : i32
    %add3A_122 = arith.addi %mul3A_39, %add3A_121 : i32
    %dma_start3A_123 = arith.constant 0 : i32
    %dma_start3A_124 = arith.constant 0 : i32
    %dma_start3A_125 = tpu.memref_slice %arg14[%add3A_122, %dma_start3A_124] : memref<10240x16xf32, #tpu.memory_space<vmem_shared>> -> memref<32x16xf32, #tpu.memory_space<vmem_shared>>
    %dma_start3A_126 = tpu.memref_slice %arg16[%dma_start3A_123] : memref<4x!tpu.dma_semaphore, #tpu.memory_space<semaphore_mem>> -> memref<1x!tpu.dma_semaphore, #tpu.memory_space<semaphore_mem>>
    %dma_start3A_127 = tpu.memref_squeeze %dma_start3A_126 : memref<1x!tpu.dma_semaphore, #tpu.memory_space<semaphore_mem>> -> memref<!tpu.dma_semaphore, #tpu.memory_space<semaphore_mem>>
    %dma_start3A_128 = arith.constant 0 : i32
    %dma_start3A_129 = tpu.memref_slice %arg14[%add3A_122, %dma_start3A_128] : memref<10240x16xf32, #tpu.memory_space<vmem_shared>> -> memref<32x16xf32, #tpu.memory_space<vmem_shared>>
    tpu.enqueue_dma source(%arg12 : memref<32x16xf32, #tpu.memory_space<vmem>>) target(%dma_start3A_129 : memref<32x16xf32, #tpu.memory_space<vmem_shared>>) target_semaphore(%dma_start3A_127 : memref<!tpu.dma_semaphore, #tpu.memory_space<semaphore_mem>>)
    %add3A_130 = arith.constant 160 : i32
    %add3A_131 = arith.addi %mul3A_39, %add3A_130 : i32
    %dma_start3A_132 = arith.constant 1 : i32
    %dma_start3A_133 = arith.constant 0 : i32
    %dma_start3A_134 = tpu.memref_slice %arg13[%add3A_131, %dma_start3A_133] : memref<10240x64xbf16, #tpu.memory_space<vmem_shared>> -> memref<32x64xbf16, #tpu.memory_space<vmem_shared>>
    %dma_start3A_135 = tpu.memref_slice %arg16[%dma_start3A_132] : memref<4x!tpu.dma_semaphore, #tpu.memory_space<semaphore_mem>> -> memref<1x!tpu.dma_semaphore, #tpu.memory_space<semaphore_mem>>
    %dma_start3A_136 = tpu.memref_squeeze %dma_start3A_135 : memref<1x!tpu.dma_semaphore, #tpu.memory_space<semaphore_mem>> -> memref<!tpu.dma_semaphore, #tpu.memory_space<semaphore_mem>>
    %dma_start3A_137 = arith.constant 0 : i32
    %dma_start3A_138 = tpu.memref_slice %arg13[%add3A_131, %dma_start3A_137] : memref<10240x64xbf16, #tpu.memory_space<vmem_shared>> -> memref<32x64xbf16, #tpu.memory_space<vmem_shared>>
    tpu.enqueue_dma source(%arg11 : memref<32x64xbf16, #tpu.memory_space<vmem>>) target(%dma_start3A_138 : memref<32x64xbf16, #tpu.memory_space<vmem_shared>>) target_semaphore(%dma_start3A_136 : memref<!tpu.dma_semaphore, #tpu.memory_space<semaphore_mem>>)
    %add3A_139 = arith.constant 160 : i32
    %add3A_140 = arith.addi %mul3A_39, %add3A_139 : i32
    %dma_start3A_141 = arith.constant 1 : i32
    %dma_start3A_142 = arith.constant 0 : i32
    %dma_start3A_143 = tpu.memref_slice %arg14[%add3A_140, %dma_start3A_142] : memref<10240x16xf32, #tpu.memory_space<vmem_shared>> -> memref<32x16xf32, #tpu.memory_space<vmem_shared>>
    %dma_start3A_144 = tpu.memref_slice %arg16[%dma_start3A_141] : memref<4x!tpu.dma_semaphore, #tpu.memory_space<semaphore_mem>> -> memref<1x!tpu.dma_semaphore, #tpu.memory_space<semaphore_mem>>
    %dma_start3A_145 = tpu.memref_squeeze %dma_start3A_144 : memref<1x!tpu.dma_semaphore, #tpu.memory_space<semaphore_mem>> -> memref<!tpu.dma_semaphore, #tpu.memory_space<semaphore_mem>>
    %dma_start3A_146 = arith.constant 0 : i32
    %dma_start3A_147 = tpu.memref_slice %arg14[%add3A_140, %dma_start3A_146] : memref<10240x16xf32, #tpu.memory_space<vmem_shared>> -> memref<32x16xf32, #tpu.memory_space<vmem_shared>>
    tpu.enqueue_dma source(%arg12 : memref<32x16xf32, #tpu.memory_space<vmem>>) target(%dma_start3A_147 : memref<32x16xf32, #tpu.memory_space<vmem_shared>>) target_semaphore(%dma_start3A_145 : memref<!tpu.dma_semaphore, #tpu.memory_space<semaphore_mem>>)
    %add3A_148 = arith.constant 192 : i32
    %add3A_149 = arith.addi %mul3A_39, %add3A_148 : i32
    %dma_start3A_150 = arith.constant 2 : i32
    %dma_start3A_151 = arith.constant 0 : i32
    %dma_start3A_152 = tpu.memref_slice %arg13[%add3A_149, %dma_start3A_151] : memref<10240x64xbf16, #tpu.memory_space<vmem_shared>> -> memref<32x64xbf16, #tpu.memory_space<vmem_shared>>
    %dma_start3A_153 = tpu.memref_slice %arg16[%dma_start3A_150] : memref<4x!tpu.dma_semaphore, #tpu.memory_space<semaphore_mem>> -> memref<1x!tpu.dma_semaphore, #tpu.memory_space<semaphore_mem>>
    %dma_start3A_154 = tpu.memref_squeeze %dma_start3A_153 : memref<1x!tpu.dma_semaphore, #tpu.memory_space<semaphore_mem>> -> memref<!tpu.dma_semaphore, #tpu.memory_space<semaphore_mem>>
    %dma_start3A_155 = arith.constant 0 : i32
    %dma_start3A_156 = tpu.memref_slice %arg13[%add3A_149, %dma_start3A_155] : memref<10240x64xbf16, #tpu.memory_space<vmem_shared>> -> memref<32x64xbf16, #tpu.memory_space<vmem_shared>>
    tpu.enqueue_dma source(%arg11 : memref<32x64xbf16, #tpu.memory_space<vmem>>) target(%dma_start3A_156 : memref<32x64xbf16, #tpu.memory_space<vmem_shared>>) target_semaphore(%dma_start3A_154 : memref<!tpu.dma_semaphore, #tpu.memory_space<semaphore_mem>>)
    %add3A_157 = arith.constant 192 : i32
    %add3A_158 = arith.addi %mul3A_39, %add3A_157 : i32
    %dma_start3A_159 = arith.constant 2 : i32
    %dma_start3A_160 = arith.constant 0 : i32
    %dma_start3A_161 = tpu.memref_slice %arg14[%add3A_158, %dma_start3A_160] : memref<10240x16xf32, #tpu.memory_space<vmem_shared>> -> memref<32x16xf32, #tpu.memory_space<vmem_shared>>
    %dma_start3A_162 = tpu.memref_slice %arg16[%dma_start3A_159] : memref<4x!tpu.dma_semaphore, #tpu.memory_space<semaphore_mem>> -> memref<1x!tpu.dma_semaphore, #tpu.memory_space<semaphore_mem>>
    %dma_start3A_163 = tpu.memref_squeeze %dma_start3A_162 : memref<1x!tpu.dma_semaphore, #tpu.memory_space<semaphore_mem>> -> memref<!tpu.dma_semaphore, #tpu.memory_space<semaphore_mem>>
    %dma_start3A_164 = arith.constant 0 : i32
    %dma_start3A_165 = tpu.memref_slice %arg14[%add3A_158, %dma_start3A_164] : memref<10240x16xf32, #tpu.memory_space<vmem_shared>> -> memref<32x16xf32, #tpu.memory_space<vmem_shared>>
    tpu.enqueue_dma source(%arg12 : memref<32x16xf32, #tpu.memory_space<vmem>>) target(%dma_start3A_165 : memref<32x16xf32, #tpu.memory_space<vmem_shared>>) target_semaphore(%dma_start3A_163 : memref<!tpu.dma_semaphore, #tpu.memory_space<semaphore_mem>>)
    %add3A_166 = arith.constant 224 : i32
    %add3A_167 = arith.addi %mul3A_39, %add3A_166 : i32
    %dma_start3A_168 = arith.constant 3 : i32
    %dma_start3A_169 = arith.constant 0 : i32
    %dma_start3A_170 = tpu.memref_slice %arg13[%add3A_167, %dma_start3A_169] : memref<10240x64xbf16, #tpu.memory_space<vmem_shared>> -> memref<32x64xbf16, #tpu.memory_space<vmem_shared>>
    %dma_start3A_171 = tpu.memref_slice %arg16[%dma_start3A_168] : memref<4x!tpu.dma_semaphore, #tpu.memory_space<semaphore_mem>> -> memref<1x!tpu.dma_semaphore, #tpu.memory_space<semaphore_mem>>
    %dma_start3A_172 = tpu.memref_squeeze %dma_start3A_171 : memref<1x!tpu.dma_semaphore, #tpu.memory_space<semaphore_mem>> -> memref<!tpu.dma_semaphore, #tpu.memory_space<semaphore_mem>>
    %dma_start3A_173 = arith.constant 0 : i32
    %dma_start3A_174 = tpu.memref_slice %arg13[%add3A_167, %dma_start3A_173] : memref<10240x64xbf16, #tpu.memory_space<vmem_shared>> -> memref<32x64xbf16, #tpu.memory_space<vmem_shared>>
    tpu.enqueue_dma source(%arg11 : memref<32x64xbf16, #tpu.memory_space<vmem>>) target(%dma_start3A_174 : memref<32x64xbf16, #tpu.memory_space<vmem_shared>>) target_semaphore(%dma_start3A_172 : memref<!tpu.dma_semaphore, #tpu.memory_space<semaphore_mem>>)
    %add3A_175 = arith.constant 224 : i32
    %add3A_176 = arith.addi %mul3A_39, %add3A_175 : i32
    %dma_start3A_177 = arith.constant 3 : i32
    %dma_start3A_178 = arith.constant 0 : i32
    %dma_start3A_179 = tpu.memref_slice %arg14[%add3A_176, %dma_start3A_178] : memref<10240x16xf32, #tpu.memory_space<vmem_shared>> -> memref<32x16xf32, #tpu.memory_space<vmem_shared>>
    %dma_start3A_180 = tpu.memref_slice %arg16[%dma_start3A_177] : memref<4x!tpu.dma_semaphore, #tpu.memory_space<semaphore_mem>> -> memref<1x!tpu.dma_semaphore, #tpu.memory_space<semaphore_mem>>
    %dma_start3A_181 = tpu.memref_squeeze %dma_start3A_180 : memref<1x!tpu.dma_semaphore, #tpu.memory_space<semaphore_mem>> -> memref<!tpu.dma_semaphore, #tpu.memory_space<semaphore_mem>>
    %dma_start3A_182 = arith.constant 0 : i32
    %dma_start3A_183 = tpu.memref_slice %arg14[%add3A_176, %dma_start3A_182] : memref<10240x16xf32, #tpu.memory_space<vmem_shared>> -> memref<32x16xf32, #tpu.memory_space<vmem_shared>>
    tpu.enqueue_dma source(%arg12 : memref<32x16xf32, #tpu.memory_space<vmem>>) target(%dma_start3A_183 : memref<32x16xf32, #tpu.memory_space<vmem_shared>>) target_semaphore(%dma_start3A_181 : memref<!tpu.dma_semaphore, #tpu.memory_space<semaphore_mem>>)
    %add3A_184 = arith.constant 256 : i32
    %add3A_185 = arith.addi %mul3A_39, %add3A_184 : i32
    %dma_start3A_186 = arith.constant 0 : i32
    %dma_start3A_187 = arith.constant 0 : i32
    %dma_start3A_188 = tpu.memref_slice %arg13[%add3A_185, %dma_start3A_187] : memref<10240x64xbf16, #tpu.memory_space<vmem_shared>> -> memref<32x64xbf16, #tpu.memory_space<vmem_shared>>
    %dma_start3A_189 = tpu.memref_slice %arg16[%dma_start3A_186] : memref<4x!tpu.dma_semaphore, #tpu.memory_space<semaphore_mem>> -> memref<1x!tpu.dma_semaphore, #tpu.memory_space<semaphore_mem>>
    %dma_start3A_190 = tpu.memref_squeeze %dma_start3A_189 : memref<1x!tpu.dma_semaphore, #tpu.memory_space<semaphore_mem>> -> memref<!tpu.dma_semaphore, #tpu.memory_space<semaphore_mem>>
    %dma_start3A_191 = arith.constant 0 : i32
    %dma_start3A_192 = tpu.memref_slice %arg13[%add3A_185, %dma_start3A_191] : memref<10240x64xbf16, #tpu.memory_space<vmem_shared>> -> memref<32x64xbf16, #tpu.memory_space<vmem_shared>>
    tpu.enqueue_dma source(%arg11 : memref<32x64xbf16, #tpu.memory_space<vmem>>) target(%dma_start3A_192 : memref<32x64xbf16, #tpu.memory_space<vmem_shared>>) target_semaphore(%dma_start3A_190 : memref<!tpu.dma_semaphore, #tpu.memory_space<semaphore_mem>>)
    %add3A_193 = arith.constant 256 : i32
    %add3A_194 = arith.addi %mul3A_39, %add3A_193 : i32
    %dma_start3A_195 = arith.constant 0 : i32
    %dma_start3A_196 = arith.constant 0 : i32
    %dma_start3A_197 = tpu.memref_slice %arg14[%add3A_194, %dma_start3A_196] : memref<10240x16xf32, #tpu.memory_space<vmem_shared>> -> memref<32x16xf32, #tpu.memory_space<vmem_shared>>
    %dma_start3A_198 = tpu.memref_slice %arg16[%dma_start3A_195] : memref<4x!tpu.dma_semaphore, #tpu.memory_space<semaphore_mem>> -> memref<1x!tpu.dma_semaphore, #tpu.memory_space<semaphore_mem>>
    %dma_start3A_199 = tpu.memref_squeeze %dma_start3A_198 : memref<1x!tpu.dma_semaphore, #tpu.memory_space<semaphore_mem>> -> memref<!tpu.dma_semaphore, #tpu.memory_space<semaphore_mem>>
    %dma_start3A_200 = arith.constant 0 : i32
    %dma_start3A_201 = tpu.memref_slice %arg14[%add3A_194, %dma_start3A_200] : memref<10240x16xf32, #tpu.memory_space<vmem_shared>> -> memref<32x16xf32, #tpu.memory_space<vmem_shared>>
    tpu.enqueue_dma source(%arg12 : memref<32x16xf32, #tpu.memory_space<vmem>>) target(%dma_start3A_201 : memref<32x16xf32, #tpu.memory_space<vmem_shared>>) target_semaphore(%dma_start3A_199 : memref<!tpu.dma_semaphore, #tpu.memory_space<semaphore_mem>>)
    %add3A_202 = arith.constant 288 : i32
    %add3A_203 = arith.addi %mul3A_39, %add3A_202 : i32
    %dma_start3A_204 = arith.constant 1 : i32
    %dma_start3A_205 = arith.constant 0 : i32
    %dma_start3A_206 = tpu.memref_slice %arg13[%add3A_203, %dma_start3A_205] : memref<10240x64xbf16, #tpu.memory_space<vmem_shared>> -> memref<32x64xbf16, #tpu.memory_space<vmem_shared>>
    %dma_start3A_207 = tpu.memref_slice %arg16[%dma_start3A_204] : memref<4x!tpu.dma_semaphore, #tpu.memory_space<semaphore_mem>> -> memref<1x!tpu.dma_semaphore, #tpu.memory_space<semaphore_mem>>
    %dma_start3A_208 = tpu.memref_squeeze %dma_start3A_207 : memref<1x!tpu.dma_semaphore, #tpu.memory_space<semaphore_mem>> -> memref<!tpu.dma_semaphore, #tpu.memory_space<semaphore_mem>>
    %dma_start3A_209 = arith.constant 0 : i32
    %dma_start3A_210 = tpu.memref_slice %arg13[%add3A_203, %dma_start3A_209] : memref<10240x64xbf16, #tpu.memory_space<vmem_shared>> -> memref<32x64xbf16, #tpu.memory_space<vmem_shared>>
    tpu.enqueue_dma source(%arg11 : memref<32x64xbf16, #tpu.memory_space<vmem>>) target(%dma_start3A_210 : memref<32x64xbf16, #tpu.memory_space<vmem_shared>>) target_semaphore(%dma_start3A_208 : memref<!tpu.dma_semaphore, #tpu.memory_space<semaphore_mem>>)
    %add3A_211 = arith.constant 288 : i32
    %add3A_212 = arith.addi %mul3A_39, %add3A_211 : i32
    %dma_start3A_213 = arith.constant 1 : i32
    %dma_start3A_214 = arith.constant 0 : i32
    %dma_start3A_215 = tpu.memref_slice %arg14[%add3A_212, %dma_start3A_214] : memref<10240x16xf32, #tpu.memory_space<vmem_shared>> -> memref<32x16xf32, #tpu.memory_space<vmem_shared>>
    %dma_start3A_216 = tpu.memref_slice %arg16[%dma_start3A_213] : memref<4x!tpu.dma_semaphore, #tpu.memory_space<semaphore_mem>> -> memref<1x!tpu.dma_semaphore, #tpu.memory_space<semaphore_mem>>
    %dma_start3A_217 = tpu.memref_squeeze %dma_start3A_216 : memref<1x!tpu.dma_semaphore, #tpu.memory_space<semaphore_mem>> -> memref<!tpu.dma_semaphore, #tpu.memory_space<semaphore_mem>>
    %dma_start3A_218 = arith.constant 0 : i32
    %dma_start3A_219 = tpu.memref_slice %arg14[%add3A_212, %dma_start3A_218] : memref<10240x16xf32, #tpu.memory_space<vmem_shared>> -> memref<32x16xf32, #tpu.memory_space<vmem_shared>>
    tpu.enqueue_dma source(%arg12 : memref<32x16xf32, #tpu.memory_space<vmem>>) target(%dma_start3A_219 : memref<32x16xf32, #tpu.memory_space<vmem_shared>>) target_semaphore(%dma_start3A_217 : memref<!tpu.dma_semaphore, #tpu.memory_space<semaphore_mem>>)
    %add3A_220 = arith.constant 320 : i32
    %add3A_221 = arith.addi %mul3A_39, %add3A_220 : i32
    %dma_start3A_222 = arith.constant 2 : i32
    %dma_start3A_223 = arith.constant 0 : i32
    %dma_start3A_224 = tpu.memref_slice %arg13[%add3A_221, %dma_start3A_223] : memref<10240x64xbf16, #tpu.memory_space<vmem_shared>> -> memref<32x64xbf16, #tpu.memory_space<vmem_shared>>
    %dma_start3A_225 = tpu.memref_slice %arg16[%dma_start3A_222] : memref<4x!tpu.dma_semaphore, #tpu.memory_space<semaphore_mem>> -> memref<1x!tpu.dma_semaphore, #tpu.memory_space<semaphore_mem>>
    %dma_start3A_226 = tpu.memref_squeeze %dma_start3A_225 : memref<1x!tpu.dma_semaphore, #tpu.memory_space<semaphore_mem>> -> memref<!tpu.dma_semaphore, #tpu.memory_space<semaphore_mem>>
    %dma_start3A_227 = arith.constant 0 : i32
    %dma_start3A_228 = tpu.memref_slice %arg13[%add3A_221, %dma_start3A_227] : memref<10240x64xbf16, #tpu.memory_space<vmem_shared>> -> memref<32x64xbf16, #tpu.memory_space<vmem_shared>>
    tpu.enqueue_dma source(%arg11 : memref<32x64xbf16, #tpu.memory_space<vmem>>) target(%dma_start3A_228 : memref<32x64xbf16, #tpu.memory_space<vmem_shared>>) target_semaphore(%dma_start3A_226 : memref<!tpu.dma_semaphore, #tpu.memory_space<semaphore_mem>>)
    %add3A_229 = arith.constant 320 : i32
    %add3A_230 = arith.addi %mul3A_39, %add3A_229 : i32
    %dma_start3A_231 = arith.constant 2 : i32
    %dma_start3A_232 = arith.constant 0 : i32
    %dma_start3A_233 = tpu.memref_slice %arg14[%add3A_230, %dma_start3A_232] : memref<10240x16xf32, #tpu.memory_space<vmem_shared>> -> memref<32x16xf32, #tpu.memory_space<vmem_shared>>
    %dma_start3A_234 = tpu.memref_slice %arg16[%dma_start3A_231] : memref<4x!tpu.dma_semaphore, #tpu.memory_space<semaphore_mem>> -> memref<1x!tpu.dma_semaphore, #tpu.memory_space<semaphore_mem>>
    %dma_start3A_235 = tpu.memref_squeeze %dma_start3A_234 : memref<1x!tpu.dma_semaphore, #tpu.memory_space<semaphore_mem>> -> memref<!tpu.dma_semaphore, #tpu.memory_space<semaphore_mem>>
    %dma_start3A_236 = arith.constant 0 : i32
    %dma_start3A_237 = tpu.memref_slice %arg14[%add3A_230, %dma_start3A_236] : memref<10240x16xf32, #tpu.memory_space<vmem_shared>> -> memref<32x16xf32, #tpu.memory_space<vmem_shared>>
    tpu.enqueue_dma source(%arg12 : memref<32x16xf32, #tpu.memory_space<vmem>>) target(%dma_start3A_237 : memref<32x16xf32, #tpu.memory_space<vmem_shared>>) target_semaphore(%dma_start3A_235 : memref<!tpu.dma_semaphore, #tpu.memory_space<semaphore_mem>>)
    %add3A_238 = arith.constant 352 : i32
    %add3A_239 = arith.addi %mul3A_39, %add3A_238 : i32
    %dma_start3A_240 = arith.constant 3 : i32
    %dma_start3A_241 = arith.constant 0 : i32
    %dma_start3A_242 = tpu.memref_slice %arg13[%add3A_239, %dma_start3A_241] : memref<10240x64xbf16, #tpu.memory_space<vmem_shared>> -> memref<32x64xbf16, #tpu.memory_space<vmem_shared>>
    %dma_start3A_243 = tpu.memref_slice %arg16[%dma_start3A_240] : memref<4x!tpu.dma_semaphore, #tpu.memory_space<semaphore_mem>> -> memref<1x!tpu.dma_semaphore, #tpu.memory_space<semaphore_mem>>
    %dma_start3A_244 = tpu.memref_squeeze %dma_start3A_243 : memref<1x!tpu.dma_semaphore, #tpu.memory_space<semaphore_mem>> -> memref<!tpu.dma_semaphore, #tpu.memory_space<semaphore_mem>>
    %dma_start3A_245 = arith.constant 0 : i32
    %dma_start3A_246 = tpu.memref_slice %arg13[%add3A_239, %dma_start3A_245] : memref<10240x64xbf16, #tpu.memory_space<vmem_shared>> -> memref<32x64xbf16, #tpu.memory_space<vmem_shared>>
    tpu.enqueue_dma source(%arg11 : memref<32x64xbf16, #tpu.memory_space<vmem>>) target(%dma_start3A_246 : memref<32x64xbf16, #tpu.memory_space<vmem_shared>>) target_semaphore(%dma_start3A_244 : memref<!tpu.dma_semaphore, #tpu.memory_space<semaphore_mem>>)
    %add3A_247 = arith.constant 352 : i32
    %add3A_248 = arith.addi %mul3A_39, %add3A_247 : i32
    %dma_start3A_249 = arith.constant 3 : i32
    %dma_start3A_250 = arith.constant 0 : i32
    %dma_start3A_251 = tpu.memref_slice %arg14[%add3A_248, %dma_start3A_250] : memref<10240x16xf32, #tpu.memory_space<vmem_shared>> -> memref<32x16xf32, #tpu.memory_space<vmem_shared>>
    %dma_start3A_252 = tpu.memref_slice %arg16[%dma_start3A_249] : memref<4x!tpu.dma_semaphore, #tpu.memory_space<semaphore_mem>> -> memref<1x!tpu.dma_semaphore, #tpu.memory_space<semaphore_mem>>
    %dma_start3A_253 = tpu.memref_squeeze %dma_start3A_252 : memref<1x!tpu.dma_semaphore, #tpu.memory_space<semaphore_mem>> -> memref<!tpu.dma_semaphore, #tpu.memory_space<semaphore_mem>>
    %dma_start3A_254 = arith.constant 0 : i32
    %dma_start3A_255 = tpu.memref_slice %arg14[%add3A_248, %dma_start3A_254] : memref<10240x16xf32, #tpu.memory_space<vmem_shared>> -> memref<32x16xf32, #tpu.memory_space<vmem_shared>>
    tpu.enqueue_dma source(%arg12 : memref<32x16xf32, #tpu.memory_space<vmem>>) target(%dma_start3A_255 : memref<32x16xf32, #tpu.memory_space<vmem_shared>>) target_semaphore(%dma_start3A_253 : memref<!tpu.dma_semaphore, #tpu.memory_space<semaphore_mem>>)
    %add3A_256 = arith.constant 384 : i32
    %add3A_257 = arith.addi %mul3A_39, %add3A_256 : i32
    %dma_start3A_258 = arith.constant 0 : i32
    %dma_start3A_259 = arith.constant 0 : i32
    %dma_start3A_260 = tpu.memref_slice %arg13[%add3A_257, %dma_start3A_259] : memref<10240x64xbf16, #tpu.memory_space<vmem_shared>> -> memref<32x64xbf16, #tpu.memory_space<vmem_shared>>
    %dma_start3A_261 = tpu.memref_slice %arg16[%dma_start3A_258] : memref<4x!tpu.dma_semaphore, #tpu.memory_space<semaphore_mem>> -> memref<1x!tpu.dma_semaphore, #tpu.memory_space<semaphore_mem>>
    %dma_start3A_262 = tpu.memref_squeeze %dma_start3A_261 : memref<1x!tpu.dma_semaphore, #tpu.memory_space<semaphore_mem>> -> memref<!tpu.dma_semaphore, #tpu.memory_space<semaphore_mem>>
    %dma_start3A_263 = arith.constant 0 : i32
    %dma_start3A_264 = tpu.memref_slice %arg13[%add3A_257, %dma_start3A_263] : memref<10240x64xbf16, #tpu.memory_space<vmem_shared>> -> memref<32x64xbf16, #tpu.memory_space<vmem_shared>>
    tpu.enqueue_dma source(%arg11 : memref<32x64xbf16, #tpu.memory_space<vmem>>) target(%dma_start3A_264 : memref<32x64xbf16, #tpu.memory_space<vmem_shared>>) target_semaphore(%dma_start3A_262 : memref<!tpu.dma_semaphore, #tpu.memory_space<semaphore_mem>>)
    %add3A_265 = arith.constant 384 : i32
    %add3A_266 = arith.addi %mul3A_39, %add3A_265 : i32
    %dma_start3A_267 = arith.constant 0 : i32
    %dma_start3A_268 = arith.constant 0 : i32
    %dma_start3A_269 = tpu.memref_slice %arg14[%add3A_266, %dma_start3A_268] : memref<10240x16xf32, #tpu.memory_space<vmem_shared>> -> memref<32x16xf32, #tpu.memory_space<vmem_shared>>
    %dma_start3A_270 = tpu.memref_slice %arg16[%dma_start3A_267] : memref<4x!tpu.dma_semaphore, #tpu.memory_space<semaphore_mem>> -> memref<1x!tpu.dma_semaphore, #tpu.memory_space<semaphore_mem>>
    %dma_start3A_271 = tpu.memref_squeeze %dma_start3A_270 : memref<1x!tpu.dma_semaphore, #tpu.memory_space<semaphore_mem>> -> memref<!tpu.dma_semaphore, #tpu.memory_space<semaphore_mem>>
    %dma_start3A_272 = arith.constant 0 : i32
    %dma_start3A_273 = tpu.memref_slice %arg14[%add3A_266, %dma_start3A_272] : memref<10240x16xf32, #tpu.memory_space<vmem_shared>> -> memref<32x16xf32, #tpu.memory_space<vmem_shared>>
    tpu.enqueue_dma source(%arg12 : memref<32x16xf32, #tpu.memory_space<vmem>>) target(%dma_start3A_273 : memref<32x16xf32, #tpu.memory_space<vmem_shared>>) target_semaphore(%dma_start3A_271 : memref<!tpu.dma_semaphore, #tpu.memory_space<semaphore_mem>>)
    %add3A_274 = arith.constant 416 : i32
    %add3A_275 = arith.addi %mul3A_39, %add3A_274 : i32
    %dma_start3A_276 = arith.constant 1 : i32
    %dma_start3A_277 = arith.constant 0 : i32
    %dma_start3A_278 = tpu.memref_slice %arg13[%add3A_275, %dma_start3A_277] : memref<10240x64xbf16, #tpu.memory_space<vmem_shared>> -> memref<32x64xbf16, #tpu.memory_space<vmem_shared>>
    %dma_start3A_279 = tpu.memref_slice %arg16[%dma_start3A_276] : memref<4x!tpu.dma_semaphore, #tpu.memory_space<semaphore_mem>> -> memref<1x!tpu.dma_semaphore, #tpu.memory_space<semaphore_mem>>
    %dma_start3A_280 = tpu.memref_squeeze %dma_start3A_279 : memref<1x!tpu.dma_semaphore, #tpu.memory_space<semaphore_mem>> -> memref<!tpu.dma_semaphore, #tpu.memory_space<semaphore_mem>>
    %dma_start3A_281 = arith.constant 0 : i32
    %dma_start3A_282 = tpu.memref_slice %arg13[%add3A_275, %dma_start3A_281] : memref<10240x64xbf16, #tpu.memory_space<vmem_shared>> -> memref<32x64xbf16, #tpu.memory_space<vmem_shared>>
    tpu.enqueue_dma source(%arg11 : memref<32x64xbf16, #tpu.memory_space<vmem>>) target(%dma_start3A_282 : memref<32x64xbf16, #tpu.memory_space<vmem_shared>>) target_semaphore(%dma_start3A_280 : memref<!tpu.dma_semaphore, #tpu.memory_space<semaphore_mem>>)
    %add3A_283 = arith.constant 416 : i32
    %add3A_284 = arith.addi %mul3A_39, %add3A_283 : i32
    %dma_start3A_285 = arith.constant 1 : i32
    %dma_start3A_286 = arith.constant 0 : i32
    %dma_start3A_287 = tpu.memref_slice %arg14[%add3A_284, %dma_start3A_286] : memref<10240x16xf32, #tpu.memory_space<vmem_shared>> -> memref<32x16xf32, #tpu.memory_space<vmem_shared>>
    %dma_start3A_288 = tpu.memref_slice %arg16[%dma_start3A_285] : memref<4x!tpu.dma_semaphore, #tpu.memory_space<semaphore_mem>> -> memref<1x!tpu.dma_semaphore, #tpu.memory_space<semaphore_mem>>
    %dma_start3A_289 = tpu.memref_squeeze %dma_start3A_288 : memref<1x!tpu.dma_semaphore, #tpu.memory_space<semaphore_mem>> -> memref<!tpu.dma_semaphore, #tpu.memory_space<semaphore_mem>>
    %dma_start3A_290 = arith.constant 0 : i32
    %dma_start3A_291 = tpu.memref_slice %arg14[%add3A_284, %dma_start3A_290] : memref<10240x16xf32, #tpu.memory_space<vmem_shared>> -> memref<32x16xf32, #tpu.memory_space<vmem_shared>>
    tpu.enqueue_dma source(%arg12 : memref<32x16xf32, #tpu.memory_space<vmem>>) target(%dma_start3A_291 : memref<32x16xf32, #tpu.memory_space<vmem_shared>>) target_semaphore(%dma_start3A_289 : memref<!tpu.dma_semaphore, #tpu.memory_space<semaphore_mem>>)
    %add3A_292 = arith.constant 448 : i32
    %add3A_293 = arith.addi %mul3A_39, %add3A_292 : i32
    %dma_start3A_294 = arith.constant 2 : i32
    %dma_start3A_295 = arith.constant 0 : i32
    %dma_start3A_296 = tpu.memref_slice %arg13[%add3A_293, %dma_start3A_295] : memref<10240x64xbf16, #tpu.memory_space<vmem_shared>> -> memref<32x64xbf16, #tpu.memory_space<vmem_shared>>
    %dma_start3A_297 = tpu.memref_slice %arg16[%dma_start3A_294] : memref<4x!tpu.dma_semaphore, #tpu.memory_space<semaphore_mem>> -> memref<1x!tpu.dma_semaphore, #tpu.memory_space<semaphore_mem>>
    %dma_start3A_298 = tpu.memref_squeeze %dma_start3A_297 : memref<1x!tpu.dma_semaphore, #tpu.memory_space<semaphore_mem>> -> memref<!tpu.dma_semaphore, #tpu.memory_space<semaphore_mem>>
    %dma_start3A_299 = arith.constant 0 : i32
    %dma_start3A_300 = tpu.memref_slice %arg13[%add3A_293, %dma_start3A_299] : memref<10240x64xbf16, #tpu.memory_space<vmem_shared>> -> memref<32x64xbf16, #tpu.memory_space<vmem_shared>>
    tpu.enqueue_dma source(%arg11 : memref<32x64xbf16, #tpu.memory_space<vmem>>) target(%dma_start3A_300 : memref<32x64xbf16, #tpu.memory_space<vmem_shared>>) target_semaphore(%dma_start3A_298 : memref<!tpu.dma_semaphore, #tpu.memory_space<semaphore_mem>>)
    %add3A_301 = arith.constant 448 : i32
    %add3A_302 = arith.addi %mul3A_39, %add3A_301 : i32
    %dma_start3A_303 = arith.constant 2 : i32
    %dma_start3A_304 = arith.constant 0 : i32
    %dma_start3A_305 = tpu.memref_slice %arg14[%add3A_302, %dma_start3A_304] : memref<10240x16xf32, #tpu.memory_space<vmem_shared>> -> memref<32x16xf32, #tpu.memory_space<vmem_shared>>
    %dma_start3A_306 = tpu.memref_slice %arg16[%dma_start3A_303] : memref<4x!tpu.dma_semaphore, #tpu.memory_space<semaphore_mem>> -> memref<1x!tpu.dma_semaphore, #tpu.memory_space<semaphore_mem>>
    %dma_start3A_307 = tpu.memref_squeeze %dma_start3A_306 : memref<1x!tpu.dma_semaphore, #tpu.memory_space<semaphore_mem>> -> memref<!tpu.dma_semaphore, #tpu.memory_space<semaphore_mem>>
    %dma_start3A_308 = arith.constant 0 : i32
    %dma_start3A_309 = tpu.memref_slice %arg14[%add3A_302, %dma_start3A_308] : memref<10240x16xf32, #tpu.memory_space<vmem_shared>> -> memref<32x16xf32, #tpu.memory_space<vmem_shared>>
    tpu.enqueue_dma source(%arg12 : memref<32x16xf32, #tpu.memory_space<vmem>>) target(%dma_start3A_309 : memref<32x16xf32, #tpu.memory_space<vmem_shared>>) target_semaphore(%dma_start3A_307 : memref<!tpu.dma_semaphore, #tpu.memory_space<semaphore_mem>>)
    %add3A_310 = arith.constant 480 : i32
    %add3A_311 = arith.addi %mul3A_39, %add3A_310 : i32
    %dma_start3A_312 = arith.constant 3 : i32
    %dma_start3A_313 = arith.constant 0 : i32
    %dma_start3A_314 = tpu.memref_slice %arg13[%add3A_311, %dma_start3A_313] : memref<10240x64xbf16, #tpu.memory_space<vmem_shared>> -> memref<32x64xbf16, #tpu.memory_space<vmem_shared>>
    %dma_start3A_315 = tpu.memref_slice %arg16[%dma_start3A_312] : memref<4x!tpu.dma_semaphore, #tpu.memory_space<semaphore_mem>> -> memref<1x!tpu.dma_semaphore, #tpu.memory_space<semaphore_mem>>
    %dma_start3A_316 = tpu.memref_squeeze %dma_start3A_315 : memref<1x!tpu.dma_semaphore, #tpu.memory_space<semaphore_mem>> -> memref<!tpu.dma_semaphore, #tpu.memory_space<semaphore_mem>>
    %dma_start3A_317 = arith.constant 0 : i32
    %dma_start3A_318 = tpu.memref_slice %arg13[%add3A_311, %dma_start3A_317] : memref<10240x64xbf16, #tpu.memory_space<vmem_shared>> -> memref<32x64xbf16, #tpu.memory_space<vmem_shared>>
    tpu.enqueue_dma source(%arg11 : memref<32x64xbf16, #tpu.memory_space<vmem>>) target(%dma_start3A_318 : memref<32x64xbf16, #tpu.memory_space<vmem_shared>>) target_semaphore(%dma_start3A_316 : memref<!tpu.dma_semaphore, #tpu.memory_space<semaphore_mem>>)
    %add3A_319 = arith.constant 480 : i32
    %add3A_320 = arith.addi %mul3A_39, %add3A_319 : i32
    %dma_start3A_321 = arith.constant 3 : i32
    %dma_start3A_322 = arith.constant 0 : i32
    %dma_start3A_323 = tpu.memref_slice %arg14[%add3A_320, %dma_start3A_322] : memref<10240x16xf32, #tpu.memory_space<vmem_shared>> -> memref<32x16xf32, #tpu.memory_space<vmem_shared>>
    %dma_start3A_324 = tpu.memref_slice %arg16[%dma_start3A_321] : memref<4x!tpu.dma_semaphore, #tpu.memory_space<semaphore_mem>> -> memref<1x!tpu.dma_semaphore, #tpu.memory_space<semaphore_mem>>
    %dma_start3A_325 = tpu.memref_squeeze %dma_start3A_324 : memref<1x!tpu.dma_semaphore, #tpu.memory_space<semaphore_mem>> -> memref<!tpu.dma_semaphore, #tpu.memory_space<semaphore_mem>>
    %dma_start3A_326 = arith.constant 0 : i32
    %dma_start3A_327 = tpu.memref_slice %arg14[%add3A_320, %dma_start3A_326] : memref<10240x16xf32, #tpu.memory_space<vmem_shared>> -> memref<32x16xf32, #tpu.memory_space<vmem_shared>>
    tpu.enqueue_dma source(%arg12 : memref<32x16xf32, #tpu.memory_space<vmem>>) target(%dma_start3A_327 : memref<32x16xf32, #tpu.memory_space<vmem_shared>>) target_semaphore(%dma_start3A_325 : memref<!tpu.dma_semaphore, #tpu.memory_space<semaphore_mem>>)
    %add3A_328 = arith.constant 512 : i32
    %add3A_329 = arith.addi %mul3A_39, %add3A_328 : i32
    %dma_start3A_330 = arith.constant 0 : i32
    %dma_start3A_331 = arith.constant 0 : i32
    %dma_start3A_332 = tpu.memref_slice %arg13[%add3A_329, %dma_start3A_331] : memref<10240x64xbf16, #tpu.memory_space<vmem_shared>> -> memref<32x64xbf16, #tpu.memory_space<vmem_shared>>
    %dma_start3A_333 = tpu.memref_slice %arg16[%dma_start3A_330] : memref<4x!tpu.dma_semaphore, #tpu.memory_space<semaphore_mem>> -> memref<1x!tpu.dma_semaphore, #tpu.memory_space<semaphore_mem>>
    %dma_start3A_334 = tpu.memref_squeeze %dma_start3A_333 : memref<1x!tpu.dma_semaphore, #tpu.memory_space<semaphore_mem>> -> memref<!tpu.dma_semaphore, #tpu.memory_space<semaphore_mem>>
    %dma_start3A_335 = arith.constant 0 : i32
    %dma_start3A_336 = tpu.memref_slice %arg13[%add3A_329, %dma_start3A_335] : memref<10240x64xbf16, #tpu.memory_space<vmem_shared>> -> memref<32x64xbf16, #tpu.memory_space<vmem_shared>>
    tpu.enqueue_dma source(%arg11 : memref<32x64xbf16, #tpu.memory_space<vmem>>) target(%dma_start3A_336 : memref<32x64xbf16, #tpu.memory_space<vmem_shared>>) target_semaphore(%dma_start3A_334 : memref<!tpu.dma_semaphore, #tpu.memory_space<semaphore_mem>>)
    %add3A_337 = arith.constant 512 : i32
    %add3A_338 = arith.addi %mul3A_39, %add3A_337 : i32
    %dma_start3A_339 = arith.constant 0 : i32
    %dma_start3A_340 = arith.constant 0 : i32
    %dma_start3A_341 = tpu.memref_slice %arg14[%add3A_338, %dma_start3A_340] : memref<10240x16xf32, #tpu.memory_space<vmem_shared>> -> memref<32x16xf32, #tpu.memory_space<vmem_shared>>
    %dma_start3A_342 = tpu.memref_slice %arg16[%dma_start3A_339] : memref<4x!tpu.dma_semaphore, #tpu.memory_space<semaphore_mem>> -> memref<1x!tpu.dma_semaphore, #tpu.memory_space<semaphore_mem>>
    %dma_start3A_343 = tpu.memref_squeeze %dma_start3A_342 : memref<1x!tpu.dma_semaphore, #tpu.memory_space<semaphore_mem>> -> memref<!tpu.dma_semaphore, #tpu.memory_space<semaphore_mem>>
    %dma_start3A_344 = arith.constant 0 : i32
    %dma_start3A_345 = tpu.memref_slice %arg14[%add3A_338, %dma_start3A_344] : memref<10240x16xf32, #tpu.memory_space<vmem_shared>> -> memref<32x16xf32, #tpu.memory_space<vmem_shared>>
    tpu.enqueue_dma source(%arg12 : memref<32x16xf32, #tpu.memory_space<vmem>>) target(%dma_start3A_345 : memref<32x16xf32, #tpu.memory_space<vmem_shared>>) target_semaphore(%dma_start3A_343 : memref<!tpu.dma_semaphore, #tpu.memory_space<semaphore_mem>>)
    %add3A_346 = arith.constant 544 : i32
    %add3A_347 = arith.addi %mul3A_39, %add3A_346 : i32
    %dma_start3A_348 = arith.constant 1 : i32
    %dma_start3A_349 = arith.constant 0 : i32
    %dma_start3A_350 = tpu.memref_slice %arg13[%add3A_347, %dma_start3A_349] : memref<10240x64xbf16, #tpu.memory_space<vmem_shared>> -> memref<32x64xbf16, #tpu.memory_space<vmem_shared>>
    %dma_start3A_351 = tpu.memref_slice %arg16[%dma_start3A_348] : memref<4x!tpu.dma_semaphore, #tpu.memory_space<semaphore_mem>> -> memref<1x!tpu.dma_semaphore, #tpu.memory_space<semaphore_mem>>
    %dma_start3A_352 = tpu.memref_squeeze %dma_start3A_351 : memref<1x!tpu.dma_semaphore, #tpu.memory_space<semaphore_mem>> -> memref<!tpu.dma_semaphore, #tpu.memory_space<semaphore_mem>>
    %dma_start3A_353 = arith.constant 0 : i32
    %dma_start3A_354 = tpu.memref_slice %arg13[%add3A_347, %dma_start3A_353] : memref<10240x64xbf16, #tpu.memory_space<vmem_shared>> -> memref<32x64xbf16, #tpu.memory_space<vmem_shared>>
    tpu.enqueue_dma source(%arg11 : memref<32x64xbf16, #tpu.memory_space<vmem>>) target(%dma_start3A_354 : memref<32x64xbf16, #tpu.memory_space<vmem_shared>>) target_semaphore(%dma_start3A_352 : memref<!tpu.dma_semaphore, #tpu.memory_space<semaphore_mem>>)
    %add3A_355 = arith.constant 544 : i32
    %add3A_356 = arith.addi %mul3A_39, %add3A_355 : i32
    %dma_start3A_357 = arith.constant 1 : i32
    %dma_start3A_358 = arith.constant 0 : i32
    %dma_start3A_359 = tpu.memref_slice %arg14[%add3A_356, %dma_start3A_358] : memref<10240x16xf32, #tpu.memory_space<vmem_shared>> -> memref<32x16xf32, #tpu.memory_space<vmem_shared>>
    %dma_start3A_360 = tpu.memref_slice %arg16[%dma_start3A_357] : memref<4x!tpu.dma_semaphore, #tpu.memory_space<semaphore_mem>> -> memref<1x!tpu.dma_semaphore, #tpu.memory_space<semaphore_mem>>
    %dma_start3A_361 = tpu.memref_squeeze %dma_start3A_360 : memref<1x!tpu.dma_semaphore, #tpu.memory_space<semaphore_mem>> -> memref<!tpu.dma_semaphore, #tpu.memory_space<semaphore_mem>>
    %dma_start3A_362 = arith.constant 0 : i32
    %dma_start3A_363 = tpu.memref_slice %arg14[%add3A_356, %dma_start3A_362] : memref<10240x16xf32, #tpu.memory_space<vmem_shared>> -> memref<32x16xf32, #tpu.memory_space<vmem_shared>>
    tpu.enqueue_dma source(%arg12 : memref<32x16xf32, #tpu.memory_space<vmem>>) target(%dma_start3A_363 : memref<32x16xf32, #tpu.memory_space<vmem_shared>>) target_semaphore(%dma_start3A_361 : memref<!tpu.dma_semaphore, #tpu.memory_space<semaphore_mem>>)
    %add3A_364 = arith.constant 576 : i32
    %add3A_365 = arith.addi %mul3A_39, %add3A_364 : i32
    %dma_start3A_366 = arith.constant 2 : i32
    %dma_start3A_367 = arith.constant 0 : i32
    %dma_start3A_368 = tpu.memref_slice %arg13[%add3A_365, %dma_start3A_367] : memref<10240x64xbf16, #tpu.memory_space<vmem_shared>> -> memref<32x64xbf16, #tpu.memory_space<vmem_shared>>
    %dma_start3A_369 = tpu.memref_slice %arg16[%dma_start3A_366] : memref<4x!tpu.dma_semaphore, #tpu.memory_space<semaphore_mem>> -> memref<1x!tpu.dma_semaphore, #tpu.memory_space<semaphore_mem>>
    %dma_start3A_370 = tpu.memref_squeeze %dma_start3A_369 : memref<1x!tpu.dma_semaphore, #tpu.memory_space<semaphore_mem>> -> memref<!tpu.dma_semaphore, #tpu.memory_space<semaphore_mem>>
    %dma_start3A_371 = arith.constant 0 : i32
    %dma_start3A_372 = tpu.memref_slice %arg13[%add3A_365, %dma_start3A_371] : memref<10240x64xbf16, #tpu.memory_space<vmem_shared>> -> memref<32x64xbf16, #tpu.memory_space<vmem_shared>>
    tpu.enqueue_dma source(%arg11 : memref<32x64xbf16, #tpu.memory_space<vmem>>) target(%dma_start3A_372 : memref<32x64xbf16, #tpu.memory_space<vmem_shared>>) target_semaphore(%dma_start3A_370 : memref<!tpu.dma_semaphore, #tpu.memory_space<semaphore_mem>>)
    %add3A_373 = arith.constant 576 : i32
    %add3A_374 = arith.addi %mul3A_39, %add3A_373 : i32
    %dma_start3A_375 = arith.constant 2 : i32
    %dma_start3A_376 = arith.constant 0 : i32
    %dma_start3A_377 = tpu.memref_slice %arg14[%add3A_374, %dma_start3A_376] : memref<10240x16xf32, #tpu.memory_space<vmem_shared>> -> memref<32x16xf32, #tpu.memory_space<vmem_shared>>
    %dma_start3A_378 = tpu.memref_slice %arg16[%dma_start3A_375] : memref<4x!tpu.dma_semaphore, #tpu.memory_space<semaphore_mem>> -> memref<1x!tpu.dma_semaphore, #tpu.memory_space<semaphore_mem>>
    %dma_start3A_379 = tpu.memref_squeeze %dma_start3A_378 : memref<1x!tpu.dma_semaphore, #tpu.memory_space<semaphore_mem>> -> memref<!tpu.dma_semaphore, #tpu.memory_space<semaphore_mem>>
    %dma_start3A_380 = arith.constant 0 : i32
    %dma_start3A_381 = tpu.memref_slice %arg14[%add3A_374, %dma_start3A_380] : memref<10240x16xf32, #tpu.memory_space<vmem_shared>> -> memref<32x16xf32, #tpu.memory_space<vmem_shared>>
    tpu.enqueue_dma source(%arg12 : memref<32x16xf32, #tpu.memory_space<vmem>>) target(%dma_start3A_381 : memref<32x16xf32, #tpu.memory_space<vmem_shared>>) target_semaphore(%dma_start3A_379 : memref<!tpu.dma_semaphore, #tpu.memory_space<semaphore_mem>>)
    %add3A_382 = arith.constant 608 : i32
    %add3A_383 = arith.addi %mul3A_39, %add3A_382 : i32
    %dma_start3A_384 = arith.constant 3 : i32
    %dma_start3A_385 = arith.constant 0 : i32
    %dma_start3A_386 = tpu.memref_slice %arg13[%add3A_383, %dma_start3A_385] : memref<10240x64xbf16, #tpu.memory_space<vmem_shared>> -> memref<32x64xbf16, #tpu.memory_space<vmem_shared>>
    %dma_start3A_387 = tpu.memref_slice %arg16[%dma_start3A_384] : memref<4x!tpu.dma_semaphore, #tpu.memory_space<semaphore_mem>> -> memref<1x!tpu.dma_semaphore, #tpu.memory_space<semaphore_mem>>
    %dma_start3A_388 = tpu.memref_squeeze %dma_start3A_387 : memref<1x!tpu.dma_semaphore, #tpu.memory_space<semaphore_mem>> -> memref<!tpu.dma_semaphore, #tpu.memory_space<semaphore_mem>>
    %dma_start3A_389 = arith.constant 0 : i32
    %dma_start3A_390 = tpu.memref_slice %arg13[%add3A_383, %dma_start3A_389] : memref<10240x64xbf16, #tpu.memory_space<vmem_shared>> -> memref<32x64xbf16, #tpu.memory_space<vmem_shared>>
    tpu.enqueue_dma source(%arg11 : memref<32x64xbf16, #tpu.memory_space<vmem>>) target(%dma_start3A_390 : memref<32x64xbf16, #tpu.memory_space<vmem_shared>>) target_semaphore(%dma_start3A_388 : memref<!tpu.dma_semaphore, #tpu.memory_space<semaphore_mem>>)
    %add3A_391 = arith.constant 608 : i32
    %add3A_392 = arith.addi %mul3A_39, %add3A_391 : i32
    %dma_start3A_393 = arith.constant 3 : i32
    %dma_start3A_394 = arith.constant 0 : i32
    %dma_start3A_395 = tpu.memref_slice %arg14[%add3A_392, %dma_start3A_394] : memref<10240x16xf32, #tpu.memory_space<vmem_shared>> -> memref<32x16xf32, #tpu.memory_space<vmem_shared>>
    %dma_start3A_396 = tpu.memref_slice %arg16[%dma_start3A_393] : memref<4x!tpu.dma_semaphore, #tpu.memory_space<semaphore_mem>> -> memref<1x!tpu.dma_semaphore, #tpu.memory_space<semaphore_mem>>
    %dma_start3A_397 = tpu.memref_squeeze %dma_start3A_396 : memref<1x!tpu.dma_semaphore, #tpu.memory_space<semaphore_mem>> -> memref<!tpu.dma_semaphore, #tpu.memory_space<semaphore_mem>>
    %dma_start3A_398 = arith.constant 0 : i32
    %dma_start3A_399 = tpu.memref_slice %arg14[%add3A_392, %dma_start3A_398] : memref<10240x16xf32, #tpu.memory_space<vmem_shared>> -> memref<32x16xf32, #tpu.memory_space<vmem_shared>>
    tpu.enqueue_dma source(%arg12 : memref<32x16xf32, #tpu.memory_space<vmem>>) target(%dma_start3A_399 : memref<32x16xf32, #tpu.memory_space<vmem_shared>>) target_semaphore(%dma_start3A_397 : memref<!tpu.dma_semaphore, #tpu.memory_space<semaphore_mem>>)
    %dma_wait3A = arith.constant 0 : i32
    %dma_wait3A_400 = arith.constant 0 : i32
    %dma_wait3A_401 = tpu.memref_slice %arg13[%add3A_41, %dma_wait3A_400] : memref<10240x64xbf16, #tpu.memory_space<vmem_shared>> -> memref<32x64xbf16, #tpu.memory_space<vmem_shared>>
    %dma_wait3A_402 = tpu.memref_slice %arg16[%dma_wait3A] : memref<4x!tpu.dma_semaphore, #tpu.memory_space<semaphore_mem>> -> memref<1x!tpu.dma_semaphore, #tpu.memory_space<semaphore_mem>>
    %dma_wait3A_403 = tpu.memref_squeeze %dma_wait3A_402 : memref<1x!tpu.dma_semaphore, #tpu.memory_space<semaphore_mem>> -> memref<!tpu.dma_semaphore, #tpu.memory_space<semaphore_mem>>
    %dma_wait3A_404 = arith.constant 0 : i32
    %dma_wait3A_405 = tpu.memref_slice %arg13[%add3A_41, %dma_wait3A_404] : memref<10240x64xbf16, #tpu.memory_space<vmem_shared>> -> memref<32x64xbf16, #tpu.memory_space<vmem_shared>>
    tpu.wait_dma2 semaphore(%dma_wait3A_403 : memref<!tpu.dma_semaphore, #tpu.memory_space<semaphore_mem>>) src(%arg11 : memref<32x64xbf16, #tpu.memory_space<vmem>>) dst(%dma_wait3A_405 : memref<32x64xbf16, #tpu.memory_space<vmem_shared>>)
    %dma_wait3A_406 = arith.constant 0 : i32
    %dma_wait3A_407 = arith.constant 0 : i32
    %dma_wait3A_408 = tpu.memref_slice %arg14[%add3A_50, %dma_wait3A_407] : memref<10240x16xf32, #tpu.memory_space<vmem_shared>> -> memref<32x16xf32, #tpu.memory_space<vmem_shared>>
    %dma_wait3A_409 = tpu.memref_slice %arg16[%dma_wait3A_406] : memref<4x!tpu.dma_semaphore, #tpu.memory_space<semaphore_mem>> -> memref<1x!tpu.dma_semaphore, #tpu.memory_space<semaphore_mem>>
    %dma_wait3A_410 = tpu.memref_squeeze %dma_wait3A_409 : memref<1x!tpu.dma_semaphore, #tpu.memory_space<semaphore_mem>> -> memref<!tpu.dma_semaphore, #tpu.memory_space<semaphore_mem>>
    %dma_wait3A_411 = arith.constant 0 : i32
    %dma_wait3A_412 = tpu.memref_slice %arg14[%add3A_50, %dma_wait3A_411] : memref<10240x16xf32, #tpu.memory_space<vmem_shared>> -> memref<32x16xf32, #tpu.memory_space<vmem_shared>>
    tpu.wait_dma2 semaphore(%dma_wait3A_410 : memref<!tpu.dma_semaphore, #tpu.memory_space<semaphore_mem>>) src(%arg12 : memref<32x16xf32, #tpu.memory_space<vmem>>) dst(%dma_wait3A_412 : memref<32x16xf32, #tpu.memory_space<vmem_shared>>)
    %dma_wait3A_413 = arith.constant 1 : i32
    %dma_wait3A_414 = arith.constant 0 : i32
    %dma_wait3A_415 = tpu.memref_slice %arg13[%add3A_59, %dma_wait3A_414] : memref<10240x64xbf16, #tpu.memory_space<vmem_shared>> -> memref<32x64xbf16, #tpu.memory_space<vmem_shared>>
    %dma_wait3A_416 = tpu.memref_slice %arg16[%dma_wait3A_413] : memref<4x!tpu.dma_semaphore, #tpu.memory_space<semaphore_mem>> -> memref<1x!tpu.dma_semaphore, #tpu.memory_space<semaphore_mem>>
    %dma_wait3A_417 = tpu.memref_squeeze %dma_wait3A_416 : memref<1x!tpu.dma_semaphore, #tpu.memory_space<semaphore_mem>> -> memref<!tpu.dma_semaphore, #tpu.memory_space<semaphore_mem>>
    %dma_wait3A_418 = arith.constant 0 : i32
    %dma_wait3A_419 = tpu.memref_slice %arg13[%add3A_59, %dma_wait3A_418] : memref<10240x64xbf16, #tpu.memory_space<vmem_shared>> -> memref<32x64xbf16, #tpu.memory_space<vmem_shared>>
    tpu.wait_dma2 semaphore(%dma_wait3A_417 : memref<!tpu.dma_semaphore, #tpu.memory_space<semaphore_mem>>) src(%arg11 : memref<32x64xbf16, #tpu.memory_space<vmem>>) dst(%dma_wait3A_419 : memref<32x64xbf16, #tpu.memory_space<vmem_shared>>)
    %dma_wait3A_420 = arith.constant 1 : i32
    %dma_wait3A_421 = arith.constant 0 : i32
    %dma_wait3A_422 = tpu.memref_slice %arg14[%add3A_68, %dma_wait3A_421] : memref<10240x16xf32, #tpu.memory_space<vmem_shared>> -> memref<32x16xf32, #tpu.memory_space<vmem_shared>>
    %dma_wait3A_423 = tpu.memref_slice %arg16[%dma_wait3A_420] : memref<4x!tpu.dma_semaphore, #tpu.memory_space<semaphore_mem>> -> memref<1x!tpu.dma_semaphore, #tpu.memory_space<semaphore_mem>>
    %dma_wait3A_424 = tpu.memref_squeeze %dma_wait3A_423 : memref<1x!tpu.dma_semaphore, #tpu.memory_space<semaphore_mem>> -> memref<!tpu.dma_semaphore, #tpu.memory_space<semaphore_mem>>
    %dma_wait3A_425 = arith.constant 0 : i32
    %dma_wait3A_426 = tpu.memref_slice %arg14[%add3A_68, %dma_wait3A_425] : memref<10240x16xf32, #tpu.memory_space<vmem_shared>> -> memref<32x16xf32, #tpu.memory_space<vmem_shared>>
    tpu.wait_dma2 semaphore(%dma_wait3A_424 : memref<!tpu.dma_semaphore, #tpu.memory_space<semaphore_mem>>) src(%arg12 : memref<32x16xf32, #tpu.memory_space<vmem>>) dst(%dma_wait3A_426 : memref<32x16xf32, #tpu.memory_space<vmem_shared>>)
    %dma_wait3A_427 = arith.constant 2 : i32
    %dma_wait3A_428 = arith.constant 0 : i32
    %dma_wait3A_429 = tpu.memref_slice %arg13[%add3A_77, %dma_wait3A_428] : memref<10240x64xbf16, #tpu.memory_space<vmem_shared>> -> memref<32x64xbf16, #tpu.memory_space<vmem_shared>>
    %dma_wait3A_430 = tpu.memref_slice %arg16[%dma_wait3A_427] : memref<4x!tpu.dma_semaphore, #tpu.memory_space<semaphore_mem>> -> memref<1x!tpu.dma_semaphore, #tpu.memory_space<semaphore_mem>>
    %dma_wait3A_431 = tpu.memref_squeeze %dma_wait3A_430 : memref<1x!tpu.dma_semaphore, #tpu.memory_space<semaphore_mem>> -> memref<!tpu.dma_semaphore, #tpu.memory_space<semaphore_mem>>
    %dma_wait3A_432 = arith.constant 0 : i32
    %dma_wait3A_433 = tpu.memref_slice %arg13[%add3A_77, %dma_wait3A_432] : memref<10240x64xbf16, #tpu.memory_space<vmem_shared>> -> memref<32x64xbf16, #tpu.memory_space<vmem_shared>>
    tpu.wait_dma2 semaphore(%dma_wait3A_431 : memref<!tpu.dma_semaphore, #tpu.memory_space<semaphore_mem>>) src(%arg11 : memref<32x64xbf16, #tpu.memory_space<vmem>>) dst(%dma_wait3A_433 : memref<32x64xbf16, #tpu.memory_space<vmem_shared>>)
    %dma_wait3A_434 = arith.constant 2 : i32
    %dma_wait3A_435 = arith.constant 0 : i32
    %dma_wait3A_436 = tpu.memref_slice %arg14[%add3A_86, %dma_wait3A_435] : memref<10240x16xf32, #tpu.memory_space<vmem_shared>> -> memref<32x16xf32, #tpu.memory_space<vmem_shared>>
    %dma_wait3A_437 = tpu.memref_slice %arg16[%dma_wait3A_434] : memref<4x!tpu.dma_semaphore, #tpu.memory_space<semaphore_mem>> -> memref<1x!tpu.dma_semaphore, #tpu.memory_space<semaphore_mem>>
    %dma_wait3A_438 = tpu.memref_squeeze %dma_wait3A_437 : memref<1x!tpu.dma_semaphore, #tpu.memory_space<semaphore_mem>> -> memref<!tpu.dma_semaphore, #tpu.memory_space<semaphore_mem>>
    %dma_wait3A_439 = arith.constant 0 : i32
    %dma_wait3A_440 = tpu.memref_slice %arg14[%add3A_86, %dma_wait3A_439] : memref<10240x16xf32, #tpu.memory_space<vmem_shared>> -> memref<32x16xf32, #tpu.memory_space<vmem_shared>>
    tpu.wait_dma2 semaphore(%dma_wait3A_438 : memref<!tpu.dma_semaphore, #tpu.memory_space<semaphore_mem>>) src(%arg12 : memref<32x16xf32, #tpu.memory_space<vmem>>) dst(%dma_wait3A_440 : memref<32x16xf32, #tpu.memory_space<vmem_shared>>)
    %dma_wait3A_441 = arith.constant 3 : i32
    %dma_wait3A_442 = arith.constant 0 : i32
    %dma_wait3A_443 = tpu.memref_slice %arg13[%add3A_95, %dma_wait3A_442] : memref<10240x64xbf16, #tpu.memory_space<vmem_shared>> -> memref<32x64xbf16, #tpu.memory_space<vmem_shared>>
    %dma_wait3A_444 = tpu.memref_slice %arg16[%dma_wait3A_441] : memref<4x!tpu.dma_semaphore, #tpu.memory_space<semaphore_mem>> -> memref<1x!tpu.dma_semaphore, #tpu.memory_space<semaphore_mem>>
    %dma_wait3A_445 = tpu.memref_squeeze %dma_wait3A_444 : memref<1x!tpu.dma_semaphore, #tpu.memory_space<semaphore_mem>> -> memref<!tpu.dma_semaphore, #tpu.memory_space<semaphore_mem>>
    %dma_wait3A_446 = arith.constant 0 : i32
    %dma_wait3A_447 = tpu.memref_slice %arg13[%add3A_95, %dma_wait3A_446] : memref<10240x64xbf16, #tpu.memory_space<vmem_shared>> -> memref<32x64xbf16, #tpu.memory_space<vmem_shared>>
    tpu.wait_dma2 semaphore(%dma_wait3A_445 : memref<!tpu.dma_semaphore, #tpu.memory_space<semaphore_mem>>) src(%arg11 : memref<32x64xbf16, #tpu.memory_space<vmem>>) dst(%dma_wait3A_447 : memref<32x64xbf16, #tpu.memory_space<vmem_shared>>)
    %dma_wait3A_448 = arith.constant 3 : i32
    %dma_wait3A_449 = arith.constant 0 : i32
    %dma_wait3A_450 = tpu.memref_slice %arg14[%add3A_104, %dma_wait3A_449] : memref<10240x16xf32, #tpu.memory_space<vmem_shared>> -> memref<32x16xf32, #tpu.memory_space<vmem_shared>>
    %dma_wait3A_451 = tpu.memref_slice %arg16[%dma_wait3A_448] : memref<4x!tpu.dma_semaphore, #tpu.memory_space<semaphore_mem>> -> memref<1x!tpu.dma_semaphore, #tpu.memory_space<semaphore_mem>>
    %dma_wait3A_452 = tpu.memref_squeeze %dma_wait3A_451 : memref<1x!tpu.dma_semaphore, #tpu.memory_space<semaphore_mem>> -> memref<!tpu.dma_semaphore, #tpu.memory_space<semaphore_mem>>
    %dma_wait3A_453 = arith.constant 0 : i32
    %dma_wait3A_454 = tpu.memref_slice %arg14[%add3A_104, %dma_wait3A_453] : memref<10240x16xf32, #tpu.memory_space<vmem_shared>> -> memref<32x16xf32, #tpu.memory_space<vmem_shared>>
    tpu.wait_dma2 semaphore(%dma_wait3A_452 : memref<!tpu.dma_semaphore, #tpu.memory_space<semaphore_mem>>) src(%arg12 : memref<32x16xf32, #tpu.memory_space<vmem>>) dst(%dma_wait3A_454 : memref<32x16xf32, #tpu.memory_space<vmem_shared>>)
    %dma_wait3A_455 = arith.constant 0 : i32
    %dma_wait3A_456 = arith.constant 0 : i32
    %dma_wait3A_457 = tpu.memref_slice %arg13[%add3A_113, %dma_wait3A_456] : memref<10240x64xbf16, #tpu.memory_space<vmem_shared>> -> memref<32x64xbf16, #tpu.memory_space<vmem_shared>>
    %dma_wait3A_458 = tpu.memref_slice %arg16[%dma_wait3A_455] : memref<4x!tpu.dma_semaphore, #tpu.memory_space<semaphore_mem>> -> memref<1x!tpu.dma_semaphore, #tpu.memory_space<semaphore_mem>>
    %dma_wait3A_459 = tpu.memref_squeeze %dma_wait3A_458 : memref<1x!tpu.dma_semaphore, #tpu.memory_space<semaphore_mem>> -> memref<!tpu.dma_semaphore, #tpu.memory_space<semaphore_mem>>
    %dma_wait3A_460 = arith.constant 0 : i32
    %dma_wait3A_461 = tpu.memref_slice %arg13[%add3A_113, %dma_wait3A_460] : memref<10240x64xbf16, #tpu.memory_space<vmem_shared>> -> memref<32x64xbf16, #tpu.memory_space<vmem_shared>>
    tpu.wait_dma2 semaphore(%dma_wait3A_459 : memref<!tpu.dma_semaphore, #tpu.memory_space<semaphore_mem>>) src(%arg11 : memref<32x64xbf16, #tpu.memory_space<vmem>>) dst(%dma_wait3A_461 : memref<32x64xbf16, #tpu.memory_space<vmem_shared>>)
    %dma_wait3A_462 = arith.constant 0 : i32
    %dma_wait3A_463 = arith.constant 0 : i32
    %dma_wait3A_464 = tpu.memref_slice %arg14[%add3A_122, %dma_wait3A_463] : memref<10240x16xf32, #tpu.memory_space<vmem_shared>> -> memref<32x16xf32, #tpu.memory_space<vmem_shared>>
    %dma_wait3A_465 = tpu.memref_slice %arg16[%dma_wait3A_462] : memref<4x!tpu.dma_semaphore, #tpu.memory_space<semaphore_mem>> -> memref<1x!tpu.dma_semaphore, #tpu.memory_space<semaphore_mem>>
    %dma_wait3A_466 = tpu.memref_squeeze %dma_wait3A_465 : memref<1x!tpu.dma_semaphore, #tpu.memory_space<semaphore_mem>> -> memref<!tpu.dma_semaphore, #tpu.memory_space<semaphore_mem>>
    %dma_wait3A_467 = arith.constant 0 : i32
    %dma_wait3A_468 = tpu.memref_slice %arg14[%add3A_122, %dma_wait3A_467] : memref<10240x16xf32, #tpu.memory_space<vmem_shared>> -> memref<32x16xf32, #tpu.memory_space<vmem_shared>>
    tpu.wait_dma2 semaphore(%dma_wait3A_466 : memref<!tpu.dma_semaphore, #tpu.memory_space<semaphore_mem>>) src(%arg12 : memref<32x16xf32, #tpu.memory_space<vmem>>) dst(%dma_wait3A_468 : memref<32x16xf32, #tpu.memory_space<vmem_shared>>)
    %dma_wait3A_469 = arith.constant 1 : i32
    %dma_wait3A_470 = arith.constant 0 : i32
    %dma_wait3A_471 = tpu.memref_slice %arg13[%add3A_131, %dma_wait3A_470] : memref<10240x64xbf16, #tpu.memory_space<vmem_shared>> -> memref<32x64xbf16, #tpu.memory_space<vmem_shared>>
    %dma_wait3A_472 = tpu.memref_slice %arg16[%dma_wait3A_469] : memref<4x!tpu.dma_semaphore, #tpu.memory_space<semaphore_mem>> -> memref<1x!tpu.dma_semaphore, #tpu.memory_space<semaphore_mem>>
    %dma_wait3A_473 = tpu.memref_squeeze %dma_wait3A_472 : memref<1x!tpu.dma_semaphore, #tpu.memory_space<semaphore_mem>> -> memref<!tpu.dma_semaphore, #tpu.memory_space<semaphore_mem>>
    %dma_wait3A_474 = arith.constant 0 : i32
    %dma_wait3A_475 = tpu.memref_slice %arg13[%add3A_131, %dma_wait3A_474] : memref<10240x64xbf16, #tpu.memory_space<vmem_shared>> -> memref<32x64xbf16, #tpu.memory_space<vmem_shared>>
    tpu.wait_dma2 semaphore(%dma_wait3A_473 : memref<!tpu.dma_semaphore, #tpu.memory_space<semaphore_mem>>) src(%arg11 : memref<32x64xbf16, #tpu.memory_space<vmem>>) dst(%dma_wait3A_475 : memref<32x64xbf16, #tpu.memory_space<vmem_shared>>)
    %dma_wait3A_476 = arith.constant 1 : i32
    %dma_wait3A_477 = arith.constant 0 : i32
    %dma_wait3A_478 = tpu.memref_slice %arg14[%add3A_140, %dma_wait3A_477] : memref<10240x16xf32, #tpu.memory_space<vmem_shared>> -> memref<32x16xf32, #tpu.memory_space<vmem_shared>>
    %dma_wait3A_479 = tpu.memref_slice %arg16[%dma_wait3A_476] : memref<4x!tpu.dma_semaphore, #tpu.memory_space<semaphore_mem>> -> memref<1x!tpu.dma_semaphore, #tpu.memory_space<semaphore_mem>>
    %dma_wait3A_480 = tpu.memref_squeeze %dma_wait3A_479 : memref<1x!tpu.dma_semaphore, #tpu.memory_space<semaphore_mem>> -> memref<!tpu.dma_semaphore, #tpu.memory_space<semaphore_mem>>
    %dma_wait3A_481 = arith.constant 0 : i32
    %dma_wait3A_482 = tpu.memref_slice %arg14[%add3A_140, %dma_wait3A_481] : memref<10240x16xf32, #tpu.memory_space<vmem_shared>> -> memref<32x16xf32, #tpu.memory_space<vmem_shared>>
    tpu.wait_dma2 semaphore(%dma_wait3A_480 : memref<!tpu.dma_semaphore, #tpu.memory_space<semaphore_mem>>) src(%arg12 : memref<32x16xf32, #tpu.memory_space<vmem>>) dst(%dma_wait3A_482 : memref<32x16xf32, #tpu.memory_space<vmem_shared>>)
    %dma_wait3A_483 = arith.constant 2 : i32
    %dma_wait3A_484 = arith.constant 0 : i32
    %dma_wait3A_485 = tpu.memref_slice %arg13[%add3A_149, %dma_wait3A_484] : memref<10240x64xbf16, #tpu.memory_space<vmem_shared>> -> memref<32x64xbf16, #tpu.memory_space<vmem_shared>>
    %dma_wait3A_486 = tpu.memref_slice %arg16[%dma_wait3A_483] : memref<4x!tpu.dma_semaphore, #tpu.memory_space<semaphore_mem>> -> memref<1x!tpu.dma_semaphore, #tpu.memory_space<semaphore_mem>>
    %dma_wait3A_487 = tpu.memref_squeeze %dma_wait3A_486 : memref<1x!tpu.dma_semaphore, #tpu.memory_space<semaphore_mem>> -> memref<!tpu.dma_semaphore, #tpu.memory_space<semaphore_mem>>
    %dma_wait3A_488 = arith.constant 0 : i32
    %dma_wait3A_489 = tpu.memref_slice %arg13[%add3A_149, %dma_wait3A_488] : memref<10240x64xbf16, #tpu.memory_space<vmem_shared>> -> memref<32x64xbf16, #tpu.memory_space<vmem_shared>>
    tpu.wait_dma2 semaphore(%dma_wait3A_487 : memref<!tpu.dma_semaphore, #tpu.memory_space<semaphore_mem>>) src(%arg11 : memref<32x64xbf16, #tpu.memory_space<vmem>>) dst(%dma_wait3A_489 : memref<32x64xbf16, #tpu.memory_space<vmem_shared>>)
    %dma_wait3A_490 = arith.constant 2 : i32
    %dma_wait3A_491 = arith.constant 0 : i32
    %dma_wait3A_492 = tpu.memref_slice %arg14[%add3A_158, %dma_wait3A_491] : memref<10240x16xf32, #tpu.memory_space<vmem_shared>> -> memref<32x16xf32, #tpu.memory_space<vmem_shared>>
    %dma_wait3A_493 = tpu.memref_slice %arg16[%dma_wait3A_490] : memref<4x!tpu.dma_semaphore, #tpu.memory_space<semaphore_mem>> -> memref<1x!tpu.dma_semaphore, #tpu.memory_space<semaphore_mem>>
    %dma_wait3A_494 = tpu.memref_squeeze %dma_wait3A_493 : memref<1x!tpu.dma_semaphore, #tpu.memory_space<semaphore_mem>> -> memref<!tpu.dma_semaphore, #tpu.memory_space<semaphore_mem>>
    %dma_wait3A_495 = arith.constant 0 : i32
    %dma_wait3A_496 = tpu.memref_slice %arg14[%add3A_158, %dma_wait3A_495] : memref<10240x16xf32, #tpu.memory_space<vmem_shared>> -> memref<32x16xf32, #tpu.memory_space<vmem_shared>>
    tpu.wait_dma2 semaphore(%dma_wait3A_494 : memref<!tpu.dma_semaphore, #tpu.memory_space<semaphore_mem>>) src(%arg12 : memref<32x16xf32, #tpu.memory_space<vmem>>) dst(%dma_wait3A_496 : memref<32x16xf32, #tpu.memory_space<vmem_shared>>)
    %dma_wait3A_497 = arith.constant 3 : i32
    %dma_wait3A_498 = arith.constant 0 : i32
    %dma_wait3A_499 = tpu.memref_slice %arg13[%add3A_167, %dma_wait3A_498] : memref<10240x64xbf16, #tpu.memory_space<vmem_shared>> -> memref<32x64xbf16, #tpu.memory_space<vmem_shared>>
    %dma_wait3A_500 = tpu.memref_slice %arg16[%dma_wait3A_497] : memref<4x!tpu.dma_semaphore, #tpu.memory_space<semaphore_mem>> -> memref<1x!tpu.dma_semaphore, #tpu.memory_space<semaphore_mem>>
    %dma_wait3A_501 = tpu.memref_squeeze %dma_wait3A_500 : memref<1x!tpu.dma_semaphore, #tpu.memory_space<semaphore_mem>> -> memref<!tpu.dma_semaphore, #tpu.memory_space<semaphore_mem>>
    %dma_wait3A_502 = arith.constant 0 : i32
    %dma_wait3A_503 = tpu.memref_slice %arg13[%add3A_167, %dma_wait3A_502] : memref<10240x64xbf16, #tpu.memory_space<vmem_shared>> -> memref<32x64xbf16, #tpu.memory_space<vmem_shared>>
    tpu.wait_dma2 semaphore(%dma_wait3A_501 : memref<!tpu.dma_semaphore, #tpu.memory_space<semaphore_mem>>) src(%arg11 : memref<32x64xbf16, #tpu.memory_space<vmem>>) dst(%dma_wait3A_503 : memref<32x64xbf16, #tpu.memory_space<vmem_shared>>)
    %dma_wait3A_504 = arith.constant 3 : i32
    %dma_wait3A_505 = arith.constant 0 : i32
    %dma_wait3A_506 = tpu.memref_slice %arg14[%add3A_176, %dma_wait3A_505] : memref<10240x16xf32, #tpu.memory_space<vmem_shared>> -> memref<32x16xf32, #tpu.memory_space<vmem_shared>>
    %dma_wait3A_507 = tpu.memref_slice %arg16[%dma_wait3A_504] : memref<4x!tpu.dma_semaphore, #tpu.memory_space<semaphore_mem>> -> memref<1x!tpu.dma_semaphore, #tpu.memory_space<semaphore_mem>>
    %dma_wait3A_508 = tpu.memref_squeeze %dma_wait3A_507 : memref<1x!tpu.dma_semaphore, #tpu.memory_space<semaphore_mem>> -> memref<!tpu.dma_semaphore, #tpu.memory_space<semaphore_mem>>
    %dma_wait3A_509 = arith.constant 0 : i32
    %dma_wait3A_510 = tpu.memref_slice %arg14[%add3A_176, %dma_wait3A_509] : memref<10240x16xf32, #tpu.memory_space<vmem_shared>> -> memref<32x16xf32, #tpu.memory_space<vmem_shared>>
    tpu.wait_dma2 semaphore(%dma_wait3A_508 : memref<!tpu.dma_semaphore, #tpu.memory_space<semaphore_mem>>) src(%arg12 : memref<32x16xf32, #tpu.memory_space<vmem>>) dst(%dma_wait3A_510 : memref<32x16xf32, #tpu.memory_space<vmem_shared>>)
    %dma_wait3A_511 = arith.constant 0 : i32
    %dma_wait3A_512 = arith.constant 0 : i32
    %dma_wait3A_513 = tpu.memref_slice %arg13[%add3A_185, %dma_wait3A_512] : memref<10240x64xbf16, #tpu.memory_space<vmem_shared>> -> memref<32x64xbf16, #tpu.memory_space<vmem_shared>>
    %dma_wait3A_514 = tpu.memref_slice %arg16[%dma_wait3A_511] : memref<4x!tpu.dma_semaphore, #tpu.memory_space<semaphore_mem>> -> memref<1x!tpu.dma_semaphore, #tpu.memory_space<semaphore_mem>>
    %dma_wait3A_515 = tpu.memref_squeeze %dma_wait3A_514 : memref<1x!tpu.dma_semaphore, #tpu.memory_space<semaphore_mem>> -> memref<!tpu.dma_semaphore, #tpu.memory_space<semaphore_mem>>
    %dma_wait3A_516 = arith.constant 0 : i32
    %dma_wait3A_517 = tpu.memref_slice %arg13[%add3A_185, %dma_wait3A_516] : memref<10240x64xbf16, #tpu.memory_space<vmem_shared>> -> memref<32x64xbf16, #tpu.memory_space<vmem_shared>>
    tpu.wait_dma2 semaphore(%dma_wait3A_515 : memref<!tpu.dma_semaphore, #tpu.memory_space<semaphore_mem>>) src(%arg11 : memref<32x64xbf16, #tpu.memory_space<vmem>>) dst(%dma_wait3A_517 : memref<32x64xbf16, #tpu.memory_space<vmem_shared>>)
    %dma_wait3A_518 = arith.constant 0 : i32
    %dma_wait3A_519 = arith.constant 0 : i32
    %dma_wait3A_520 = tpu.memref_slice %arg14[%add3A_194, %dma_wait3A_519] : memref<10240x16xf32, #tpu.memory_space<vmem_shared>> -> memref<32x16xf32, #tpu.memory_space<vmem_shared>>
    %dma_wait3A_521 = tpu.memref_slice %arg16[%dma_wait3A_518] : memref<4x!tpu.dma_semaphore, #tpu.memory_space<semaphore_mem>> -> memref<1x!tpu.dma_semaphore, #tpu.memory_space<semaphore_mem>>
    %dma_wait3A_522 = tpu.memref_squeeze %dma_wait3A_521 : memref<1x!tpu.dma_semaphore, #tpu.memory_space<semaphore_mem>> -> memref<!tpu.dma_semaphore, #tpu.memory_space<semaphore_mem>>
    %dma_wait3A_523 = arith.constant 0 : i32
    %dma_wait3A_524 = tpu.memref_slice %arg14[%add3A_194, %dma_wait3A_523] : memref<10240x16xf32, #tpu.memory_space<vmem_shared>> -> memref<32x16xf32, #tpu.memory_space<vmem_shared>>
    tpu.wait_dma2 semaphore(%dma_wait3A_522 : memref<!tpu.dma_semaphore, #tpu.memory_space<semaphore_mem>>) src(%arg12 : memref<32x16xf32, #tpu.memory_space<vmem>>) dst(%dma_wait3A_524 : memref<32x16xf32, #tpu.memory_space<vmem_shared>>)
    %dma_wait3A_525 = arith.constant 1 : i32
    %dma_wait3A_526 = arith.constant 0 : i32
    %dma_wait3A_527 = tpu.memref_slice %arg13[%add3A_203, %dma_wait3A_526] : memref<10240x64xbf16, #tpu.memory_space<vmem_shared>> -> memref<32x64xbf16, #tpu.memory_space<vmem_shared>>
    %dma_wait3A_528 = tpu.memref_slice %arg16[%dma_wait3A_525] : memref<4x!tpu.dma_semaphore, #tpu.memory_space<semaphore_mem>> -> memref<1x!tpu.dma_semaphore, #tpu.memory_space<semaphore_mem>>
    %dma_wait3A_529 = tpu.memref_squeeze %dma_wait3A_528 : memref<1x!tpu.dma_semaphore, #tpu.memory_space<semaphore_mem>> -> memref<!tpu.dma_semaphore, #tpu.memory_space<semaphore_mem>>
    %dma_wait3A_530 = arith.constant 0 : i32
    %dma_wait3A_531 = tpu.memref_slice %arg13[%add3A_203, %dma_wait3A_530] : memref<10240x64xbf16, #tpu.memory_space<vmem_shared>> -> memref<32x64xbf16, #tpu.memory_space<vmem_shared>>
    tpu.wait_dma2 semaphore(%dma_wait3A_529 : memref<!tpu.dma_semaphore, #tpu.memory_space<semaphore_mem>>) src(%arg11 : memref<32x64xbf16, #tpu.memory_space<vmem>>) dst(%dma_wait3A_531 : memref<32x64xbf16, #tpu.memory_space<vmem_shared>>)
    %dma_wait3A_532 = arith.constant 1 : i32
    %dma_wait3A_533 = arith.constant 0 : i32
    %dma_wait3A_534 = tpu.memref_slice %arg14[%add3A_212, %dma_wait3A_533] : memref<10240x16xf32, #tpu.memory_space<vmem_shared>> -> memref<32x16xf32, #tpu.memory_space<vmem_shared>>
    %dma_wait3A_535 = tpu.memref_slice %arg16[%dma_wait3A_532] : memref<4x!tpu.dma_semaphore, #tpu.memory_space<semaphore_mem>> -> memref<1x!tpu.dma_semaphore, #tpu.memory_space<semaphore_mem>>
    %dma_wait3A_536 = tpu.memref_squeeze %dma_wait3A_535 : memref<1x!tpu.dma_semaphore, #tpu.memory_space<semaphore_mem>> -> memref<!tpu.dma_semaphore, #tpu.memory_space<semaphore_mem>>
    %dma_wait3A_537 = arith.constant 0 : i32
    %dma_wait3A_538 = tpu.memref_slice %arg14[%add3A_212, %dma_wait3A_537] : memref<10240x16xf32, #tpu.memory_space<vmem_shared>> -> memref<32x16xf32, #tpu.memory_space<vmem_shared>>
    tpu.wait_dma2 semaphore(%dma_wait3A_536 : memref<!tpu.dma_semaphore, #tpu.memory_space<semaphore_mem>>) src(%arg12 : memref<32x16xf32, #tpu.memory_space<vmem>>) dst(%dma_wait3A_538 : memref<32x16xf32, #tpu.memory_space<vmem_shared>>)
    %dma_wait3A_539 = arith.constant 2 : i32
    %dma_wait3A_540 = arith.constant 0 : i32
    %dma_wait3A_541 = tpu.memref_slice %arg13[%add3A_221, %dma_wait3A_540] : memref<10240x64xbf16, #tpu.memory_space<vmem_shared>> -> memref<32x64xbf16, #tpu.memory_space<vmem_shared>>
    %dma_wait3A_542 = tpu.memref_slice %arg16[%dma_wait3A_539] : memref<4x!tpu.dma_semaphore, #tpu.memory_space<semaphore_mem>> -> memref<1x!tpu.dma_semaphore, #tpu.memory_space<semaphore_mem>>
    %dma_wait3A_543 = tpu.memref_squeeze %dma_wait3A_542 : memref<1x!tpu.dma_semaphore, #tpu.memory_space<semaphore_mem>> -> memref<!tpu.dma_semaphore, #tpu.memory_space<semaphore_mem>>
    %dma_wait3A_544 = arith.constant 0 : i32
    %dma_wait3A_545 = tpu.memref_slice %arg13[%add3A_221, %dma_wait3A_544] : memref<10240x64xbf16, #tpu.memory_space<vmem_shared>> -> memref<32x64xbf16, #tpu.memory_space<vmem_shared>>
    tpu.wait_dma2 semaphore(%dma_wait3A_543 : memref<!tpu.dma_semaphore, #tpu.memory_space<semaphore_mem>>) src(%arg11 : memref<32x64xbf16, #tpu.memory_space<vmem>>) dst(%dma_wait3A_545 : memref<32x64xbf16, #tpu.memory_space<vmem_shared>>)
    %dma_wait3A_546 = arith.constant 2 : i32
    %dma_wait3A_547 = arith.constant 0 : i32
    %dma_wait3A_548 = tpu.memref_slice %arg14[%add3A_230, %dma_wait3A_547] : memref<10240x16xf32, #tpu.memory_space<vmem_shared>> -> memref<32x16xf32, #tpu.memory_space<vmem_shared>>
    %dma_wait3A_549 = tpu.memref_slice %arg16[%dma_wait3A_546] : memref<4x!tpu.dma_semaphore, #tpu.memory_space<semaphore_mem>> -> memref<1x!tpu.dma_semaphore, #tpu.memory_space<semaphore_mem>>
    %dma_wait3A_550 = tpu.memref_squeeze %dma_wait3A_549 : memref<1x!tpu.dma_semaphore, #tpu.memory_space<semaphore_mem>> -> memref<!tpu.dma_semaphore, #tpu.memory_space<semaphore_mem>>
    %dma_wait3A_551 = arith.constant 0 : i32
    %dma_wait3A_552 = tpu.memref_slice %arg14[%add3A_230, %dma_wait3A_551] : memref<10240x16xf32, #tpu.memory_space<vmem_shared>> -> memref<32x16xf32, #tpu.memory_space<vmem_shared>>
    tpu.wait_dma2 semaphore(%dma_wait3A_550 : memref<!tpu.dma_semaphore, #tpu.memory_space<semaphore_mem>>) src(%arg12 : memref<32x16xf32, #tpu.memory_space<vmem>>) dst(%dma_wait3A_552 : memref<32x16xf32, #tpu.memory_space<vmem_shared>>)
    %dma_wait3A_553 = arith.constant 3 : i32
    %dma_wait3A_554 = arith.constant 0 : i32
    %dma_wait3A_555 = tpu.memref_slice %arg13[%add3A_239, %dma_wait3A_554] : memref<10240x64xbf16, #tpu.memory_space<vmem_shared>> -> memref<32x64xbf16, #tpu.memory_space<vmem_shared>>
    %dma_wait3A_556 = tpu.memref_slice %arg16[%dma_wait3A_553] : memref<4x!tpu.dma_semaphore, #tpu.memory_space<semaphore_mem>> -> memref<1x!tpu.dma_semaphore, #tpu.memory_space<semaphore_mem>>
    %dma_wait3A_557 = tpu.memref_squeeze %dma_wait3A_556 : memref<1x!tpu.dma_semaphore, #tpu.memory_space<semaphore_mem>> -> memref<!tpu.dma_semaphore, #tpu.memory_space<semaphore_mem>>
    %dma_wait3A_558 = arith.constant 0 : i32
    %dma_wait3A_559 = tpu.memref_slice %arg13[%add3A_239, %dma_wait3A_558] : memref<10240x64xbf16, #tpu.memory_space<vmem_shared>> -> memref<32x64xbf16, #tpu.memory_space<vmem_shared>>
    tpu.wait_dma2 semaphore(%dma_wait3A_557 : memref<!tpu.dma_semaphore, #tpu.memory_space<semaphore_mem>>) src(%arg11 : memref<32x64xbf16, #tpu.memory_space<vmem>>) dst(%dma_wait3A_559 : memref<32x64xbf16, #tpu.memory_space<vmem_shared>>)
    %dma_wait3A_560 = arith.constant 3 : i32
    %dma_wait3A_561 = arith.constant 0 : i32
    %dma_wait3A_562 = tpu.memref_slice %arg14[%add3A_248, %dma_wait3A_561] : memref<10240x16xf32, #tpu.memory_space<vmem_shared>> -> memref<32x16xf32, #tpu.memory_space<vmem_shared>>
    %dma_wait3A_563 = tpu.memref_slice %arg16[%dma_wait3A_560] : memref<4x!tpu.dma_semaphore, #tpu.memory_space<semaphore_mem>> -> memref<1x!tpu.dma_semaphore, #tpu.memory_space<semaphore_mem>>
    %dma_wait3A_564 = tpu.memref_squeeze %dma_wait3A_563 : memref<1x!tpu.dma_semaphore, #tpu.memory_space<semaphore_mem>> -> memref<!tpu.dma_semaphore, #tpu.memory_space<semaphore_mem>>
    %dma_wait3A_565 = arith.constant 0 : i32
    %dma_wait3A_566 = tpu.memref_slice %arg14[%add3A_248, %dma_wait3A_565] : memref<10240x16xf32, #tpu.memory_space<vmem_shared>> -> memref<32x16xf32, #tpu.memory_space<vmem_shared>>
    tpu.wait_dma2 semaphore(%dma_wait3A_564 : memref<!tpu.dma_semaphore, #tpu.memory_space<semaphore_mem>>) src(%arg12 : memref<32x16xf32, #tpu.memory_space<vmem>>) dst(%dma_wait3A_566 : memref<32x16xf32, #tpu.memory_space<vmem_shared>>)
    %dma_wait3A_567 = arith.constant 0 : i32
    %dma_wait3A_568 = arith.constant 0 : i32
    %dma_wait3A_569 = tpu.memref_slice %arg13[%add3A_257, %dma_wait3A_568] : memref<10240x64xbf16, #tpu.memory_space<vmem_shared>> -> memref<32x64xbf16, #tpu.memory_space<vmem_shared>>
    %dma_wait3A_570 = tpu.memref_slice %arg16[%dma_wait3A_567] : memref<4x!tpu.dma_semaphore, #tpu.memory_space<semaphore_mem>> -> memref<1x!tpu.dma_semaphore, #tpu.memory_space<semaphore_mem>>
    %dma_wait3A_571 = tpu.memref_squeeze %dma_wait3A_570 : memref<1x!tpu.dma_semaphore, #tpu.memory_space<semaphore_mem>> -> memref<!tpu.dma_semaphore, #tpu.memory_space<semaphore_mem>>
    %dma_wait3A_572 = arith.constant 0 : i32
    %dma_wait3A_573 = tpu.memref_slice %arg13[%add3A_257, %dma_wait3A_572] : memref<10240x64xbf16, #tpu.memory_space<vmem_shared>> -> memref<32x64xbf16, #tpu.memory_space<vmem_shared>>
    tpu.wait_dma2 semaphore(%dma_wait3A_571 : memref<!tpu.dma_semaphore, #tpu.memory_space<semaphore_mem>>) src(%arg11 : memref<32x64xbf16, #tpu.memory_space<vmem>>) dst(%dma_wait3A_573 : memref<32x64xbf16, #tpu.memory_space<vmem_shared>>)
    %dma_wait3A_574 = arith.constant 0 : i32
    %dma_wait3A_575 = arith.constant 0 : i32
    %dma_wait3A_576 = tpu.memref_slice %arg14[%add3A_266, %dma_wait3A_575] : memref<10240x16xf32, #tpu.memory_space<vmem_shared>> -> memref<32x16xf32, #tpu.memory_space<vmem_shared>>
    %dma_wait3A_577 = tpu.memref_slice %arg16[%dma_wait3A_574] : memref<4x!tpu.dma_semaphore, #tpu.memory_space<semaphore_mem>> -> memref<1x!tpu.dma_semaphore, #tpu.memory_space<semaphore_mem>>
    %dma_wait3A_578 = tpu.memref_squeeze %dma_wait3A_577 : memref<1x!tpu.dma_semaphore, #tpu.memory_space<semaphore_mem>> -> memref<!tpu.dma_semaphore, #tpu.memory_space<semaphore_mem>>
    %dma_wait3A_579 = arith.constant 0 : i32
    %dma_wait3A_580 = tpu.memref_slice %arg14[%add3A_266, %dma_wait3A_579] : memref<10240x16xf32, #tpu.memory_space<vmem_shared>> -> memref<32x16xf32, #tpu.memory_space<vmem_shared>>
    tpu.wait_dma2 semaphore(%dma_wait3A_578 : memref<!tpu.dma_semaphore, #tpu.memory_space<semaphore_mem>>) src(%arg12 : memref<32x16xf32, #tpu.memory_space<vmem>>) dst(%dma_wait3A_580 : memref<32x16xf32, #tpu.memory_space<vmem_shared>>)
    %dma_wait3A_581 = arith.constant 1 : i32
    %dma_wait3A_582 = arith.constant 0 : i32
    %dma_wait3A_583 = tpu.memref_slice %arg13[%add3A_275, %dma_wait3A_582] : memref<10240x64xbf16, #tpu.memory_space<vmem_shared>> -> memref<32x64xbf16, #tpu.memory_space<vmem_shared>>
    %dma_wait3A_584 = tpu.memref_slice %arg16[%dma_wait3A_581] : memref<4x!tpu.dma_semaphore, #tpu.memory_space<semaphore_mem>> -> memref<1x!tpu.dma_semaphore, #tpu.memory_space<semaphore_mem>>
    %dma_wait3A_585 = tpu.memref_squeeze %dma_wait3A_584 : memref<1x!tpu.dma_semaphore, #tpu.memory_space<semaphore_mem>> -> memref<!tpu.dma_semaphore, #tpu.memory_space<semaphore_mem>>
    %dma_wait3A_586 = arith.constant 0 : i32
    %dma_wait3A_587 = tpu.memref_slice %arg13[%add3A_275, %dma_wait3A_586] : memref<10240x64xbf16, #tpu.memory_space<vmem_shared>> -> memref<32x64xbf16, #tpu.memory_space<vmem_shared>>
    tpu.wait_dma2 semaphore(%dma_wait3A_585 : memref<!tpu.dma_semaphore, #tpu.memory_space<semaphore_mem>>) src(%arg11 : memref<32x64xbf16, #tpu.memory_space<vmem>>) dst(%dma_wait3A_587 : memref<32x64xbf16, #tpu.memory_space<vmem_shared>>)
    %dma_wait3A_588 = arith.constant 1 : i32
    %dma_wait3A_589 = arith.constant 0 : i32
    %dma_wait3A_590 = tpu.memref_slice %arg14[%add3A_284, %dma_wait3A_589] : memref<10240x16xf32, #tpu.memory_space<vmem_shared>> -> memref<32x16xf32, #tpu.memory_space<vmem_shared>>
    %dma_wait3A_591 = tpu.memref_slice %arg16[%dma_wait3A_588] : memref<4x!tpu.dma_semaphore, #tpu.memory_space<semaphore_mem>> -> memref<1x!tpu.dma_semaphore, #tpu.memory_space<semaphore_mem>>
    %dma_wait3A_592 = tpu.memref_squeeze %dma_wait3A_591 : memref<1x!tpu.dma_semaphore, #tpu.memory_space<semaphore_mem>> -> memref<!tpu.dma_semaphore, #tpu.memory_space<semaphore_mem>>
    %dma_wait3A_593 = arith.constant 0 : i32
    %dma_wait3A_594 = tpu.memref_slice %arg14[%add3A_284, %dma_wait3A_593] : memref<10240x16xf32, #tpu.memory_space<vmem_shared>> -> memref<32x16xf32, #tpu.memory_space<vmem_shared>>
    tpu.wait_dma2 semaphore(%dma_wait3A_592 : memref<!tpu.dma_semaphore, #tpu.memory_space<semaphore_mem>>) src(%arg12 : memref<32x16xf32, #tpu.memory_space<vmem>>) dst(%dma_wait3A_594 : memref<32x16xf32, #tpu.memory_space<vmem_shared>>)
    %dma_wait3A_595 = arith.constant 2 : i32
    %dma_wait3A_596 = arith.constant 0 : i32
    %dma_wait3A_597 = tpu.memref_slice %arg13[%add3A_293, %dma_wait3A_596] : memref<10240x64xbf16, #tpu.memory_space<vmem_shared>> -> memref<32x64xbf16, #tpu.memory_space<vmem_shared>>
    %dma_wait3A_598 = tpu.memref_slice %arg16[%dma_wait3A_595] : memref<4x!tpu.dma_semaphore, #tpu.memory_space<semaphore_mem>> -> memref<1x!tpu.dma_semaphore, #tpu.memory_space<semaphore_mem>>
    %dma_wait3A_599 = tpu.memref_squeeze %dma_wait3A_598 : memref<1x!tpu.dma_semaphore, #tpu.memory_space<semaphore_mem>> -> memref<!tpu.dma_semaphore, #tpu.memory_space<semaphore_mem>>
    %dma_wait3A_600 = arith.constant 0 : i32
    %dma_wait3A_601 = tpu.memref_slice %arg13[%add3A_293, %dma_wait3A_600] : memref<10240x64xbf16, #tpu.memory_space<vmem_shared>> -> memref<32x64xbf16, #tpu.memory_space<vmem_shared>>
    tpu.wait_dma2 semaphore(%dma_wait3A_599 : memref<!tpu.dma_semaphore, #tpu.memory_space<semaphore_mem>>) src(%arg11 : memref<32x64xbf16, #tpu.memory_space<vmem>>) dst(%dma_wait3A_601 : memref<32x64xbf16, #tpu.memory_space<vmem_shared>>)
    %dma_wait3A_602 = arith.constant 2 : i32
    %dma_wait3A_603 = arith.constant 0 : i32
    %dma_wait3A_604 = tpu.memref_slice %arg14[%add3A_302, %dma_wait3A_603] : memref<10240x16xf32, #tpu.memory_space<vmem_shared>> -> memref<32x16xf32, #tpu.memory_space<vmem_shared>>
    %dma_wait3A_605 = tpu.memref_slice %arg16[%dma_wait3A_602] : memref<4x!tpu.dma_semaphore, #tpu.memory_space<semaphore_mem>> -> memref<1x!tpu.dma_semaphore, #tpu.memory_space<semaphore_mem>>
    %dma_wait3A_606 = tpu.memref_squeeze %dma_wait3A_605 : memref<1x!tpu.dma_semaphore, #tpu.memory_space<semaphore_mem>> -> memref<!tpu.dma_semaphore, #tpu.memory_space<semaphore_mem>>
    %dma_wait3A_607 = arith.constant 0 : i32
    %dma_wait3A_608 = tpu.memref_slice %arg14[%add3A_302, %dma_wait3A_607] : memref<10240x16xf32, #tpu.memory_space<vmem_shared>> -> memref<32x16xf32, #tpu.memory_space<vmem_shared>>
    tpu.wait_dma2 semaphore(%dma_wait3A_606 : memref<!tpu.dma_semaphore, #tpu.memory_space<semaphore_mem>>) src(%arg12 : memref<32x16xf32, #tpu.memory_space<vmem>>) dst(%dma_wait3A_608 : memref<32x16xf32, #tpu.memory_space<vmem_shared>>)
    %dma_wait3A_609 = arith.constant 3 : i32
    %dma_wait3A_610 = arith.constant 0 : i32
    %dma_wait3A_611 = tpu.memref_slice %arg13[%add3A_311, %dma_wait3A_610] : memref<10240x64xbf16, #tpu.memory_space<vmem_shared>> -> memref<32x64xbf16, #tpu.memory_space<vmem_shared>>
    %dma_wait3A_612 = tpu.memref_slice %arg16[%dma_wait3A_609] : memref<4x!tpu.dma_semaphore, #tpu.memory_space<semaphore_mem>> -> memref<1x!tpu.dma_semaphore, #tpu.memory_space<semaphore_mem>>
    %dma_wait3A_613 = tpu.memref_squeeze %dma_wait3A_612 : memref<1x!tpu.dma_semaphore, #tpu.memory_space<semaphore_mem>> -> memref<!tpu.dma_semaphore, #tpu.memory_space<semaphore_mem>>
    %dma_wait3A_614 = arith.constant 0 : i32
    %dma_wait3A_615 = tpu.memref_slice %arg13[%add3A_311, %dma_wait3A_614] : memref<10240x64xbf16, #tpu.memory_space<vmem_shared>> -> memref<32x64xbf16, #tpu.memory_space<vmem_shared>>
    tpu.wait_dma2 semaphore(%dma_wait3A_613 : memref<!tpu.dma_semaphore, #tpu.memory_space<semaphore_mem>>) src(%arg11 : memref<32x64xbf16, #tpu.memory_space<vmem>>) dst(%dma_wait3A_615 : memref<32x64xbf16, #tpu.memory_space<vmem_shared>>)
    %dma_wait3A_616 = arith.constant 3 : i32
    %dma_wait3A_617 = arith.constant 0 : i32
    %dma_wait3A_618 = tpu.memref_slice %arg14[%add3A_320, %dma_wait3A_617] : memref<10240x16xf32, #tpu.memory_space<vmem_shared>> -> memref<32x16xf32, #tpu.memory_space<vmem_shared>>
    %dma_wait3A_619 = tpu.memref_slice %arg16[%dma_wait3A_616] : memref<4x!tpu.dma_semaphore, #tpu.memory_space<semaphore_mem>> -> memref<1x!tpu.dma_semaphore, #tpu.memory_space<semaphore_mem>>
    %dma_wait3A_620 = tpu.memref_squeeze %dma_wait3A_619 : memref<1x!tpu.dma_semaphore, #tpu.memory_space<semaphore_mem>> -> memref<!tpu.dma_semaphore, #tpu.memory_space<semaphore_mem>>
    %dma_wait3A_621 = arith.constant 0 : i32
    %dma_wait3A_622 = tpu.memref_slice %arg14[%add3A_320, %dma_wait3A_621] : memref<10240x16xf32, #tpu.memory_space<vmem_shared>> -> memref<32x16xf32, #tpu.memory_space<vmem_shared>>
    tpu.wait_dma2 semaphore(%dma_wait3A_620 : memref<!tpu.dma_semaphore, #tpu.memory_space<semaphore_mem>>) src(%arg12 : memref<32x16xf32, #tpu.memory_space<vmem>>) dst(%dma_wait3A_622 : memref<32x16xf32, #tpu.memory_space<vmem_shared>>)
    %dma_wait3A_623 = arith.constant 0 : i32
    %dma_wait3A_624 = arith.constant 0 : i32
    %dma_wait3A_625 = tpu.memref_slice %arg13[%add3A_329, %dma_wait3A_624] : memref<10240x64xbf16, #tpu.memory_space<vmem_shared>> -> memref<32x64xbf16, #tpu.memory_space<vmem_shared>>
    %dma_wait3A_626 = tpu.memref_slice %arg16[%dma_wait3A_623] : memref<4x!tpu.dma_semaphore, #tpu.memory_space<semaphore_mem>> -> memref<1x!tpu.dma_semaphore, #tpu.memory_space<semaphore_mem>>
    %dma_wait3A_627 = tpu.memref_squeeze %dma_wait3A_626 : memref<1x!tpu.dma_semaphore, #tpu.memory_space<semaphore_mem>> -> memref<!tpu.dma_semaphore, #tpu.memory_space<semaphore_mem>>
    %dma_wait3A_628 = arith.constant 0 : i32
    %dma_wait3A_629 = tpu.memref_slice %arg13[%add3A_329, %dma_wait3A_628] : memref<10240x64xbf16, #tpu.memory_space<vmem_shared>> -> memref<32x64xbf16, #tpu.memory_space<vmem_shared>>
    tpu.wait_dma2 semaphore(%dma_wait3A_627 : memref<!tpu.dma_semaphore, #tpu.memory_space<semaphore_mem>>) src(%arg11 : memref<32x64xbf16, #tpu.memory_space<vmem>>) dst(%dma_wait3A_629 : memref<32x64xbf16, #tpu.memory_space<vmem_shared>>)
    %dma_wait3A_630 = arith.constant 0 : i32
    %dma_wait3A_631 = arith.constant 0 : i32
    %dma_wait3A_632 = tpu.memref_slice %arg14[%add3A_338, %dma_wait3A_631] : memref<10240x16xf32, #tpu.memory_space<vmem_shared>> -> memref<32x16xf32, #tpu.memory_space<vmem_shared>>
    %dma_wait3A_633 = tpu.memref_slice %arg16[%dma_wait3A_630] : memref<4x!tpu.dma_semaphore, #tpu.memory_space<semaphore_mem>> -> memref<1x!tpu.dma_semaphore, #tpu.memory_space<semaphore_mem>>
    %dma_wait3A_634 = tpu.memref_squeeze %dma_wait3A_633 : memref<1x!tpu.dma_semaphore, #tpu.memory_space<semaphore_mem>> -> memref<!tpu.dma_semaphore, #tpu.memory_space<semaphore_mem>>
    %dma_wait3A_635 = arith.constant 0 : i32
    %dma_wait3A_636 = tpu.memref_slice %arg14[%add3A_338, %dma_wait3A_635] : memref<10240x16xf32, #tpu.memory_space<vmem_shared>> -> memref<32x16xf32, #tpu.memory_space<vmem_shared>>
    tpu.wait_dma2 semaphore(%dma_wait3A_634 : memref<!tpu.dma_semaphore, #tpu.memory_space<semaphore_mem>>) src(%arg12 : memref<32x16xf32, #tpu.memory_space<vmem>>) dst(%dma_wait3A_636 : memref<32x16xf32, #tpu.memory_space<vmem_shared>>)
    %dma_wait3A_637 = arith.constant 1 : i32
    %dma_wait3A_638 = arith.constant 0 : i32
    %dma_wait3A_639 = tpu.memref_slice %arg13[%add3A_347, %dma_wait3A_638] : memref<10240x64xbf16, #tpu.memory_space<vmem_shared>> -> memref<32x64xbf16, #tpu.memory_space<vmem_shared>>
    %dma_wait3A_640 = tpu.memref_slice %arg16[%dma_wait3A_637] : memref<4x!tpu.dma_semaphore, #tpu.memory_space<semaphore_mem>> -> memref<1x!tpu.dma_semaphore, #tpu.memory_space<semaphore_mem>>
    %dma_wait3A_641 = tpu.memref_squeeze %dma_wait3A_640 : memref<1x!tpu.dma_semaphore, #tpu.memory_space<semaphore_mem>> -> memref<!tpu.dma_semaphore, #tpu.memory_space<semaphore_mem>>
    %dma_wait3A_642 = arith.constant 0 : i32
    %dma_wait3A_643 = tpu.memref_slice %arg13[%add3A_347, %dma_wait3A_642] : memref<10240x64xbf16, #tpu.memory_space<vmem_shared>> -> memref<32x64xbf16, #tpu.memory_space<vmem_shared>>
    tpu.wait_dma2 semaphore(%dma_wait3A_641 : memref<!tpu.dma_semaphore, #tpu.memory_space<semaphore_mem>>) src(%arg11 : memref<32x64xbf16, #tpu.memory_space<vmem>>) dst(%dma_wait3A_643 : memref<32x64xbf16, #tpu.memory_space<vmem_shared>>)
    %dma_wait3A_644 = arith.constant 1 : i32
    %dma_wait3A_645 = arith.constant 0 : i32
    %dma_wait3A_646 = tpu.memref_slice %arg14[%add3A_356, %dma_wait3A_645] : memref<10240x16xf32, #tpu.memory_space<vmem_shared>> -> memref<32x16xf32, #tpu.memory_space<vmem_shared>>
    %dma_wait3A_647 = tpu.memref_slice %arg16[%dma_wait3A_644] : memref<4x!tpu.dma_semaphore, #tpu.memory_space<semaphore_mem>> -> memref<1x!tpu.dma_semaphore, #tpu.memory_space<semaphore_mem>>
    %dma_wait3A_648 = tpu.memref_squeeze %dma_wait3A_647 : memref<1x!tpu.dma_semaphore, #tpu.memory_space<semaphore_mem>> -> memref<!tpu.dma_semaphore, #tpu.memory_space<semaphore_mem>>
    %dma_wait3A_649 = arith.constant 0 : i32
    %dma_wait3A_650 = tpu.memref_slice %arg14[%add3A_356, %dma_wait3A_649] : memref<10240x16xf32, #tpu.memory_space<vmem_shared>> -> memref<32x16xf32, #tpu.memory_space<vmem_shared>>
    tpu.wait_dma2 semaphore(%dma_wait3A_648 : memref<!tpu.dma_semaphore, #tpu.memory_space<semaphore_mem>>) src(%arg12 : memref<32x16xf32, #tpu.memory_space<vmem>>) dst(%dma_wait3A_650 : memref<32x16xf32, #tpu.memory_space<vmem_shared>>)
    %dma_wait3A_651 = arith.constant 2 : i32
    %dma_wait3A_652 = arith.constant 0 : i32
    %dma_wait3A_653 = tpu.memref_slice %arg13[%add3A_365, %dma_wait3A_652] : memref<10240x64xbf16, #tpu.memory_space<vmem_shared>> -> memref<32x64xbf16, #tpu.memory_space<vmem_shared>>
    %dma_wait3A_654 = tpu.memref_slice %arg16[%dma_wait3A_651] : memref<4x!tpu.dma_semaphore, #tpu.memory_space<semaphore_mem>> -> memref<1x!tpu.dma_semaphore, #tpu.memory_space<semaphore_mem>>
    %dma_wait3A_655 = tpu.memref_squeeze %dma_wait3A_654 : memref<1x!tpu.dma_semaphore, #tpu.memory_space<semaphore_mem>> -> memref<!tpu.dma_semaphore, #tpu.memory_space<semaphore_mem>>
    %dma_wait3A_656 = arith.constant 0 : i32
    %dma_wait3A_657 = tpu.memref_slice %arg13[%add3A_365, %dma_wait3A_656] : memref<10240x64xbf16, #tpu.memory_space<vmem_shared>> -> memref<32x64xbf16, #tpu.memory_space<vmem_shared>>
    tpu.wait_dma2 semaphore(%dma_wait3A_655 : memref<!tpu.dma_semaphore, #tpu.memory_space<semaphore_mem>>) src(%arg11 : memref<32x64xbf16, #tpu.memory_space<vmem>>) dst(%dma_wait3A_657 : memref<32x64xbf16, #tpu.memory_space<vmem_shared>>)
    %dma_wait3A_658 = arith.constant 2 : i32
    %dma_wait3A_659 = arith.constant 0 : i32
    %dma_wait3A_660 = tpu.memref_slice %arg14[%add3A_374, %dma_wait3A_659] : memref<10240x16xf32, #tpu.memory_space<vmem_shared>> -> memref<32x16xf32, #tpu.memory_space<vmem_shared>>
    %dma_wait3A_661 = tpu.memref_slice %arg16[%dma_wait3A_658] : memref<4x!tpu.dma_semaphore, #tpu.memory_space<semaphore_mem>> -> memref<1x!tpu.dma_semaphore, #tpu.memory_space<semaphore_mem>>
    %dma_wait3A_662 = tpu.memref_squeeze %dma_wait3A_661 : memref<1x!tpu.dma_semaphore, #tpu.memory_space<semaphore_mem>> -> memref<!tpu.dma_semaphore, #tpu.memory_space<semaphore_mem>>
    %dma_wait3A_663 = arith.constant 0 : i32
    %dma_wait3A_664 = tpu.memref_slice %arg14[%add3A_374, %dma_wait3A_663] : memref<10240x16xf32, #tpu.memory_space<vmem_shared>> -> memref<32x16xf32, #tpu.memory_space<vmem_shared>>
    tpu.wait_dma2 semaphore(%dma_wait3A_662 : memref<!tpu.dma_semaphore, #tpu.memory_space<semaphore_mem>>) src(%arg12 : memref<32x16xf32, #tpu.memory_space<vmem>>) dst(%dma_wait3A_664 : memref<32x16xf32, #tpu.memory_space<vmem_shared>>)
    %dma_wait3A_665 = arith.constant 3 : i32
    %dma_wait3A_666 = arith.constant 0 : i32
    %dma_wait3A_667 = tpu.memref_slice %arg13[%add3A_383, %dma_wait3A_666] : memref<10240x64xbf16, #tpu.memory_space<vmem_shared>> -> memref<32x64xbf16, #tpu.memory_space<vmem_shared>>
    %dma_wait3A_668 = tpu.memref_slice %arg16[%dma_wait3A_665] : memref<4x!tpu.dma_semaphore, #tpu.memory_space<semaphore_mem>> -> memref<1x!tpu.dma_semaphore, #tpu.memory_space<semaphore_mem>>
    %dma_wait3A_669 = tpu.memref_squeeze %dma_wait3A_668 : memref<1x!tpu.dma_semaphore, #tpu.memory_space<semaphore_mem>> -> memref<!tpu.dma_semaphore, #tpu.memory_space<semaphore_mem>>
    %dma_wait3A_670 = arith.constant 0 : i32
    %dma_wait3A_671 = tpu.memref_slice %arg13[%add3A_383, %dma_wait3A_670] : memref<10240x64xbf16, #tpu.memory_space<vmem_shared>> -> memref<32x64xbf16, #tpu.memory_space<vmem_shared>>
    tpu.wait_dma2 semaphore(%dma_wait3A_669 : memref<!tpu.dma_semaphore, #tpu.memory_space<semaphore_mem>>) src(%arg11 : memref<32x64xbf16, #tpu.memory_space<vmem>>) dst(%dma_wait3A_671 : memref<32x64xbf16, #tpu.memory_space<vmem_shared>>)
    %dma_wait3A_672 = arith.constant 3 : i32
    %dma_wait3A_673 = arith.constant 0 : i32
    %dma_wait3A_674 = tpu.memref_slice %arg14[%add3A_392, %dma_wait3A_673] : memref<10240x16xf32, #tpu.memory_space<vmem_shared>> -> memref<32x16xf32, #tpu.memory_space<vmem_shared>>
    %dma_wait3A_675 = tpu.memref_slice %arg16[%dma_wait3A_672] : memref<4x!tpu.dma_semaphore, #tpu.memory_space<semaphore_mem>> -> memref<1x!tpu.dma_semaphore, #tpu.memory_space<semaphore_mem>>
    %dma_wait3A_676 = tpu.memref_squeeze %dma_wait3A_675 : memref<1x!tpu.dma_semaphore, #tpu.memory_space<semaphore_mem>> -> memref<!tpu.dma_semaphore, #tpu.memory_space<semaphore_mem>>
    %dma_wait3A_677 = arith.constant 0 : i32
    %dma_wait3A_678 = tpu.memref_slice %arg14[%add3A_392, %dma_wait3A_677] : memref<10240x16xf32, #tpu.memory_space<vmem_shared>> -> memref<32x16xf32, #tpu.memory_space<vmem_shared>>
    tpu.wait_dma2 semaphore(%dma_wait3A_676 : memref<!tpu.dma_semaphore, #tpu.memory_space<semaphore_mem>>) src(%arg12 : memref<32x16xf32, #tpu.memory_space<vmem>>) dst(%dma_wait3A_678 : memref<32x16xf32, #tpu.memory_space<vmem_shared>>)
    %dma_wait3A_679 = arith.constant 0 : i32
    %dma_wait3A_680 = arith.constant 0 : i32
    %dma_wait3A_681 = arith.constant 0 : i32
    %dma_wait3A_682 = tpu.memref_slice %arg3[%add3A, %dma_wait3A_680, %dma_wait3A_681] : memref<32x160x125xi32, #tpu.memory_space<hbm>> -> memref<1x160x125xi32, #tpu.memory_space<hbm>>
    %dma_wait3A_683 = tpu.memref_squeeze %dma_wait3A_682 : memref<1x160x125xi32, #tpu.memory_space<hbm>> -> memref<160x125xi32, #tpu.memory_space<hbm>>
    %dma_wait3A_684 = tpu.memref_slice %arg15[%dma_wait3A_679] : memref<4x!tpu.dma_semaphore, #tpu.memory_space<semaphore_mem>> -> memref<1x!tpu.dma_semaphore, #tpu.memory_space<semaphore_mem>>
    %dma_wait3A_685 = tpu.memref_squeeze %dma_wait3A_684 : memref<1x!tpu.dma_semaphore, #tpu.memory_space<semaphore_mem>> -> memref<!tpu.dma_semaphore, #tpu.memory_space<semaphore_mem>>
    %dma_wait3A_686 = arith.constant 0 : i32
    %dma_wait3A_687 = arith.constant 0 : i32
    %dma_wait3A_688 = tpu.memref_slice %arg3[%add3A, %dma_wait3A_686, %dma_wait3A_687] : memref<32x160x125xi32, #tpu.memory_space<hbm>> -> memref<1x160x125xi32, #tpu.memory_space<hbm>>
    %dma_wait3A_689 = tpu.memref_squeeze %dma_wait3A_688 : memref<1x160x125xi32, #tpu.memory_space<hbm>> -> memref<160x125xi32, #tpu.memory_space<hbm>>
    tpu.wait_dma2 semaphore(%dma_wait3A_685 : memref<!tpu.dma_semaphore, #tpu.memory_space<semaphore_mem>>) src(%dma_wait3A_689 : memref<160x125xi32, #tpu.memory_space<hbm>>) dst(%arg7 : memref<160x125xi32, #tpu.memory_space<vmem>>)
    %dma_wait3A_690 = arith.constant 1 : i32
    %dma_wait3A_691 = arith.constant 0 : i32
    %dma_wait3A_692 = arith.constant 0 : i32
    %dma_wait3A_693 = tpu.memref_slice %arg4[%arg1, %dma_wait3A_691, %dma_wait3A_692] : memref<16x160x125xi32, #tpu.memory_space<hbm>> -> memref<1x160x125xi32, #tpu.memory_space<hbm>>
    %dma_wait3A_694 = tpu.memref_squeeze %dma_wait3A_693 : memref<1x160x125xi32, #tpu.memory_space<hbm>> -> memref<160x125xi32, #tpu.memory_space<hbm>>
    %dma_wait3A_695 = tpu.memref_slice %arg15[%dma_wait3A_690] : memref<4x!tpu.dma_semaphore, #tpu.memory_space<semaphore_mem>> -> memref<1x!tpu.dma_semaphore, #tpu.memory_space<semaphore_mem>>
    %dma_wait3A_696 = tpu.memref_squeeze %dma_wait3A_695 : memref<1x!tpu.dma_semaphore, #tpu.memory_space<semaphore_mem>> -> memref<!tpu.dma_semaphore, #tpu.memory_space<semaphore_mem>>
    %dma_wait3A_697 = arith.constant 0 : i32
    %dma_wait3A_698 = arith.constant 0 : i32
    %dma_wait3A_699 = tpu.memref_slice %arg4[%arg1, %dma_wait3A_697, %dma_wait3A_698] : memref<16x160x125xi32, #tpu.memory_space<hbm>> -> memref<1x160x125xi32, #tpu.memory_space<hbm>>
    %dma_wait3A_700 = tpu.memref_squeeze %dma_wait3A_699 : memref<1x160x125xi32, #tpu.memory_space<hbm>> -> memref<160x125xi32, #tpu.memory_space<hbm>>
    tpu.wait_dma2 semaphore(%dma_wait3A_696 : memref<!tpu.dma_semaphore, #tpu.memory_space<semaphore_mem>>) src(%dma_wait3A_700 : memref<160x125xi32, #tpu.memory_space<hbm>>) dst(%arg8 : memref<160x125xi32, #tpu.memory_space<vmem>>)
    %barrier3A = arith.constant 0 : index
    tpu.barrier barrier_id(%barrier3A)
    %dma_start3A_701 = arith.constant 0 : i32
    %dma_start3A_702 = arith.constant 0 : i32
    %dma_start3A_703 = arith.constant 0 : i32
    %dma_start3A_704 = arith.constant 0 : i32
    %dma_start3A_705 = arith.constant 0 : i32
    %dma_start3A_706 = tpu.memref_slice %arg9[%dma_start3A_702, %dma_start3A_704, %dma_start3A_705] : memref<4x125x64xbf16, #tpu.memory_space<vmem>> -> memref<1x125x64xbf16, #tpu.memory_space<vmem>>
    %dma_start3A_707 = tpu.memref_squeeze %dma_start3A_706 : memref<1x125x64xbf16, #tpu.memory_space<vmem>> -> memref<125x64xbf16, #tpu.memory_space<vmem>>
    %dma_start3A_708 = arith.constant 0 : i32
    %dma_start3A_709 = tpu.memref_slice %arg7[%dma_start3A_701, %dma_start3A_708] : memref<160x125xi32, #tpu.memory_space<vmem>> -> memref<1x125xi32, #tpu.memory_space<vmem>>
    %dma_start3A_710 = tpu.memref_squeeze %dma_start3A_709 : memref<1x125xi32, #tpu.memory_space<vmem>> -> memref<125xi32, #tpu.memory_space<vmem>>
    %dma_start3A_711 = arith.constant 0 : i32
    %dma_start3A_712 = arith.constant 0 : i32
    %dma_start3A_713 = tpu.memref_slice %arg2[%dma_start3A_711, %dma_start3A_712] : memref<20000x64xbf16, #tpu.memory_space<hbm>> -> memref<20000x64xbf16, #tpu.memory_space<hbm>>
    %dma_start3A_714 = tpu.memref_slice %arg15[%dma_start3A_703] : memref<4x!tpu.dma_semaphore, #tpu.memory_space<semaphore_mem>> -> memref<1x!tpu.dma_semaphore, #tpu.memory_space<semaphore_mem>>
    %dma_start3A_715 = tpu.memref_squeeze %dma_start3A_714 : memref<1x!tpu.dma_semaphore, #tpu.memory_space<semaphore_mem>> -> memref<!tpu.dma_semaphore, #tpu.memory_space<semaphore_mem>>
    tpu.enqueue_indirect_dma source(%dma_start3A_713 : memref<20000x64xbf16, #tpu.memory_space<hbm>>) target(%dma_start3A_707 : memref<125x64xbf16, #tpu.memory_space<vmem>>) offsets(%dma_start3A_710 : memref<125xi32, #tpu.memory_space<vmem>>) semaphore(%dma_start3A_715 : memref<!tpu.dma_semaphore, #tpu.memory_space<semaphore_mem>>)
    %dma_start3A_716 = arith.constant 1 : i32
    %dma_start3A_717 = arith.constant 1 : i32
    %dma_start3A_718 = arith.constant 1 : i32
    %dma_start3A_719 = arith.constant 0 : i32
    %dma_start3A_720 = arith.constant 0 : i32
    %dma_start3A_721 = tpu.memref_slice %arg9[%dma_start3A_717, %dma_start3A_719, %dma_start3A_720] : memref<4x125x64xbf16, #tpu.memory_space<vmem>> -> memref<1x125x64xbf16, #tpu.memory_space<vmem>>
    %dma_start3A_722 = tpu.memref_squeeze %dma_start3A_721 : memref<1x125x64xbf16, #tpu.memory_space<vmem>> -> memref<125x64xbf16, #tpu.memory_space<vmem>>
    %dma_start3A_723 = arith.constant 0 : i32
    %dma_start3A_724 = tpu.memref_slice %arg7[%dma_start3A_716, %dma_start3A_723] : memref<160x125xi32, #tpu.memory_space<vmem>> -> memref<1x125xi32, #tpu.memory_space<vmem>>
    %dma_start3A_725 = tpu.memref_squeeze %dma_start3A_724 : memref<1x125xi32, #tpu.memory_space<vmem>> -> memref<125xi32, #tpu.memory_space<vmem>>
    %dma_start3A_726 = arith.constant 0 : i32
    %dma_start3A_727 = arith.constant 0 : i32
    %dma_start3A_728 = tpu.memref_slice %arg2[%dma_start3A_726, %dma_start3A_727] : memref<20000x64xbf16, #tpu.memory_space<hbm>> -> memref<20000x64xbf16, #tpu.memory_space<hbm>>
    %dma_start3A_729 = tpu.memref_slice %arg15[%dma_start3A_718] : memref<4x!tpu.dma_semaphore, #tpu.memory_space<semaphore_mem>> -> memref<1x!tpu.dma_semaphore, #tpu.memory_space<semaphore_mem>>
    %dma_start3A_730 = tpu.memref_squeeze %dma_start3A_729 : memref<1x!tpu.dma_semaphore, #tpu.memory_space<semaphore_mem>> -> memref<!tpu.dma_semaphore, #tpu.memory_space<semaphore_mem>>
    tpu.enqueue_indirect_dma source(%dma_start3A_728 : memref<20000x64xbf16, #tpu.memory_space<hbm>>) target(%dma_start3A_722 : memref<125x64xbf16, #tpu.memory_space<vmem>>) offsets(%dma_start3A_725 : memref<125xi32, #tpu.memory_space<vmem>>) semaphore(%dma_start3A_730 : memref<!tpu.dma_semaphore, #tpu.memory_space<semaphore_mem>>)
    %dma_start3A_731 = arith.constant 2 : i32
    %dma_start3A_732 = arith.constant 2 : i32
    %dma_start3A_733 = arith.constant 2 : i32
    %dma_start3A_734 = arith.constant 0 : i32
    %dma_start3A_735 = arith.constant 0 : i32
    %dma_start3A_736 = tpu.memref_slice %arg9[%dma_start3A_732, %dma_start3A_734, %dma_start3A_735] : memref<4x125x64xbf16, #tpu.memory_space<vmem>> -> memref<1x125x64xbf16, #tpu.memory_space<vmem>>
    %dma_start3A_737 = tpu.memref_squeeze %dma_start3A_736 : memref<1x125x64xbf16, #tpu.memory_space<vmem>> -> memref<125x64xbf16, #tpu.memory_space<vmem>>
    %dma_start3A_738 = arith.constant 0 : i32
    %dma_start3A_739 = tpu.memref_slice %arg7[%dma_start3A_731, %dma_start3A_738] : memref<160x125xi32, #tpu.memory_space<vmem>> -> memref<1x125xi32, #tpu.memory_space<vmem>>
    %dma_start3A_740 = tpu.memref_squeeze %dma_start3A_739 : memref<1x125xi32, #tpu.memory_space<vmem>> -> memref<125xi32, #tpu.memory_space<vmem>>
    %dma_start3A_741 = arith.constant 0 : i32
    %dma_start3A_742 = arith.constant 0 : i32
    %dma_start3A_743 = tpu.memref_slice %arg2[%dma_start3A_741, %dma_start3A_742] : memref<20000x64xbf16, #tpu.memory_space<hbm>> -> memref<20000x64xbf16, #tpu.memory_space<hbm>>
    %dma_start3A_744 = tpu.memref_slice %arg15[%dma_start3A_733] : memref<4x!tpu.dma_semaphore, #tpu.memory_space<semaphore_mem>> -> memref<1x!tpu.dma_semaphore, #tpu.memory_space<semaphore_mem>>
    %dma_start3A_745 = tpu.memref_squeeze %dma_start3A_744 : memref<1x!tpu.dma_semaphore, #tpu.memory_space<semaphore_mem>> -> memref<!tpu.dma_semaphore, #tpu.memory_space<semaphore_mem>>
    tpu.enqueue_indirect_dma source(%dma_start3A_743 : memref<20000x64xbf16, #tpu.memory_space<hbm>>) target(%dma_start3A_737 : memref<125x64xbf16, #tpu.memory_space<vmem>>) offsets(%dma_start3A_740 : memref<125xi32, #tpu.memory_space<vmem>>) semaphore(%dma_start3A_745 : memref<!tpu.dma_semaphore, #tpu.memory_space<semaphore_mem>>)
    %scan3A_746 = arith.constant 0 : i32
    %scan3A_747 = arith.constant 0 : i32
    %scan3A_748 = arith.constant 40 : i32
    %scan3A_749 = arith.addi %scan3A_747, %scan3A_748 : i32
    %scan3A_750 = arith.constant 1 : i32
    scf.for %scan3A_835 = %scan3A_747 to %scan3A_749 step %scan3A_750  : i32 {
      %mul3A_836 = arith.constant 4 : i32
      %mul3A_837 = arith.muli %mul3A_836, %scan3A_835 : i32
      %add3A_838 = arith.constant 0 : i32
      %add3A_839 = arith.addi %mul3A_837, %add3A_838 : i32
      %dma_wait3A_840 = arith.constant 0 : i32
      %dma_wait3A_841 = arith.constant 0 : i32
      %dma_wait3A_842 = arith.constant 0 : i32
      %dma_wait3A_843 = arith.constant 0 : i32
      %dma_wait3A_844 = tpu.memref_slice %arg9[%dma_wait3A_840, %dma_wait3A_842, %dma_wait3A_843] : memref<4x125x64xbf16, #tpu.memory_space<vmem>> -> memref<1x125x64xbf16, #tpu.memory_space<vmem>>
      %dma_wait3A_845 = tpu.memref_squeeze %dma_wait3A_844 : memref<1x125x64xbf16, #tpu.memory_space<vmem>> -> memref<125x64xbf16, #tpu.memory_space<vmem>>
      %dma_wait3A_846 = arith.constant 0 : i32
      %dma_wait3A_847 = tpu.memref_slice %arg7[%add3A_839, %dma_wait3A_846] : memref<160x125xi32, #tpu.memory_space<vmem>> -> memref<1x125xi32, #tpu.memory_space<vmem>>
      %dma_wait3A_848 = tpu.memref_squeeze %dma_wait3A_847 : memref<1x125xi32, #tpu.memory_space<vmem>> -> memref<125xi32, #tpu.memory_space<vmem>>
      %dma_wait3A_849 = arith.constant 0 : i32
      %dma_wait3A_850 = arith.constant 0 : i32
      %dma_wait3A_851 = tpu.memref_slice %arg2[%dma_wait3A_849, %dma_wait3A_850] : memref<20000x64xbf16, #tpu.memory_space<hbm>> -> memref<20000x64xbf16, #tpu.memory_space<hbm>>
      %dma_wait3A_852 = tpu.memref_slice %arg15[%dma_wait3A_841] : memref<4x!tpu.dma_semaphore, #tpu.memory_space<semaphore_mem>> -> memref<1x!tpu.dma_semaphore, #tpu.memory_space<semaphore_mem>>
      %dma_wait3A_853 = tpu.memref_squeeze %dma_wait3A_852 : memref<1x!tpu.dma_semaphore, #tpu.memory_space<semaphore_mem>> -> memref<!tpu.dma_semaphore, #tpu.memory_space<semaphore_mem>>
      tpu.wait_indirect_dma semaphore(%dma_wait3A_853 : memref<!tpu.dma_semaphore, #tpu.memory_space<semaphore_mem>>) src(%dma_wait3A_851 : memref<20000x64xbf16, #tpu.memory_space<hbm>>) dst(%dma_wait3A_845 : memref<125x64xbf16, #tpu.memory_space<vmem>>)
      %dma_start3A_854 = arith.constant 0 : i32
      %dma_start3A_855 = arith.constant 0 : i32
      %dma_start3A_856 = arith.constant 0 : i32
      %dma_start3A_857 = arith.constant 0 : i32
      %dma_start3A_858 = tpu.memref_slice %arg9[%dma_start3A_854, %dma_start3A_856, %dma_start3A_857] : memref<4x125x64xbf16, #tpu.memory_space<vmem>> -> memref<1x125x64xbf16, #tpu.memory_space<vmem>>
      %dma_start3A_859 = tpu.memref_squeeze %dma_start3A_858 : memref<1x125x64xbf16, #tpu.memory_space<vmem>> -> memref<125x64xbf16, #tpu.memory_space<vmem>>
      %dma_start3A_860 = arith.constant 0 : i32
      %dma_start3A_861 = tpu.memref_slice %arg8[%add3A_839, %dma_start3A_860] : memref<160x125xi32, #tpu.memory_space<vmem>> -> memref<1x125xi32, #tpu.memory_space<vmem>>
      %dma_start3A_862 = tpu.memref_squeeze %dma_start3A_861 : memref<1x125xi32, #tpu.memory_space<vmem>> -> memref<125xi32, #tpu.memory_space<vmem>>
      %dma_start3A_863 = arith.constant 0 : i32
      %dma_start3A_864 = arith.constant 0 : i32
      %dma_start3A_865 = tpu.memref_slice %arg13[%dma_start3A_863, %dma_start3A_864] : memref<10240x64xbf16, #tpu.memory_space<vmem_shared>> -> memref<10240x64xbf16, #tpu.memory_space<vmem_shared>>
      %dma_start3A_866 = tpu.memref_slice %arg16[%dma_start3A_855] : memref<4x!tpu.dma_semaphore, #tpu.memory_space<semaphore_mem>> -> memref<1x!tpu.dma_semaphore, #tpu.memory_space<semaphore_mem>>
      %dma_start3A_867 = tpu.memref_squeeze %dma_start3A_866 : memref<1x!tpu.dma_semaphore, #tpu.memory_space<semaphore_mem>> -> memref<!tpu.dma_semaphore, #tpu.memory_space<semaphore_mem>>
      tpu.enqueue_indirect_dma source(%dma_start3A_859 : memref<125x64xbf16, #tpu.memory_space<vmem>>) target(%dma_start3A_865 : memref<10240x64xbf16, #tpu.memory_space<vmem_shared>>) offsets(%dma_start3A_862 : memref<125xi32, #tpu.memory_space<vmem>>) semaphore(%dma_start3A_867 : memref<!tpu.dma_semaphore, #tpu.memory_space<semaphore_mem>>) {add = true}
      %gt3A = arith.constant 0 : i32
      %gt3A_868 = arith.cmpi sgt, %scan3A_835, %gt3A : i32
      %convert_element_type3A_869 = arith.extui %gt3A_868 : i1 to i32
      %cond3A_870 = arith.constant 0 : i32
      %cond3A_871 = arith.cmpi ne, %convert_element_type3A_869, %cond3A_870 : i32
      scf.if %cond3A_871 {
        %sub3A = arith.constant 4 : i32
        %sub3A_1038 = arith.subi %add3A_839, %sub3A : i32
        %eq3A_1039 = arith.constant 0 : i32
        %eq3A_1040 = arith.cmpi eq, %arg0, %eq3A_1039 : i32
        %convert_element_type3A_1041 = arith.extui %eq3A_1040 : i1 to i32
        %cond3A_1042 = arith.constant 0 : i32
        %cond3A_1043 = arith.cmpi ne, %convert_element_type3A_1041, %cond3A_1042 : i32
        scf.if %cond3A_1043 {
          %dma_wait3A_1044 = arith.constant 0 : i32
          %dma_wait3A_1045 = arith.constant 0 : i32
          %dma_wait3A_1046 = tpu.memref_slice %arg8[%sub3A_1038, %dma_wait3A_1045] : memref<160x125xi32, #tpu.memory_space<vmem>> -> memref<1x125xi32, #tpu.memory_space<vmem>>
          %dma_wait3A_1047 = tpu.memref_squeeze %dma_wait3A_1046 : memref<1x125xi32, #tpu.memory_space<vmem>> -> memref<125xi32, #tpu.memory_space<vmem>>
          %dma_wait3A_1048 = arith.constant 0 : i32
          %dma_wait3A_1049 = arith.constant 0 : i32
          %dma_wait3A_1050 = tpu.memref_slice %arg14[%dma_wait3A_1048, %dma_wait3A_1049] : memref<10240x16xf32, #tpu.memory_space<vmem_shared>> -> memref<10240x16xf32, #tpu.memory_space<vmem_shared>>
          %dma_wait3A_1051 = tpu.memref_slice %arg17[%dma_wait3A_1044] : memref<4x!tpu.dma_semaphore, #tpu.memory_space<semaphore_mem>> -> memref<1x!tpu.dma_semaphore, #tpu.memory_space<semaphore_mem>>
          %dma_wait3A_1052 = tpu.memref_squeeze %dma_wait3A_1051 : memref<1x!tpu.dma_semaphore, #tpu.memory_space<semaphore_mem>> -> memref<!tpu.dma_semaphore, #tpu.memory_space<semaphore_mem>>
          tpu.wait_indirect_dma semaphore(%dma_wait3A_1052 : memref<!tpu.dma_semaphore, #tpu.memory_space<semaphore_mem>>) src(%arg10 : memref<125x16xf32, #tpu.memory_space<vmem>>) dst(%dma_wait3A_1050 : memref<10240x16xf32, #tpu.memory_space<vmem_shared>>)
        } else {
        }
      } else {
      }
      %eq3A_872 = arith.constant 0 : i32
      %eq3A_873 = arith.cmpi eq, %arg0, %eq3A_872 : i32
      %convert_element_type3A_874 = arith.extui %eq3A_873 : i1 to i32
      %cond3A_875 = arith.constant 0 : i32
      %cond3A_876 = arith.cmpi ne, %convert_element_type3A_874, %cond3A_875 : i32
      scf.if %cond3A_876 {
        %dma_start3A_1038 = arith.constant 0 : i32
        %dma_start3A_1039 = arith.constant 0 : i32
        %dma_start3A_1040 = tpu.memref_slice %arg8[%add3A_839, %dma_start3A_1039] : memref<160x125xi32, #tpu.memory_space<vmem>> -> memref<1x125xi32, #tpu.memory_space<vmem>>
        %dma_start3A_1041 = tpu.memref_squeeze %dma_start3A_1040 : memref<1x125xi32, #tpu.memory_space<vmem>> -> memref<125xi32, #tpu.memory_space<vmem>>
        %dma_start3A_1042 = arith.constant 0 : i32
        %dma_start3A_1043 = arith.constant 0 : i32
        %dma_start3A_1044 = tpu.memref_slice %arg14[%dma_start3A_1042, %dma_start3A_1043] : memref<10240x16xf32, #tpu.memory_space<vmem_shared>> -> memref<10240x16xf32, #tpu.memory_space<vmem_shared>>
        %dma_start3A_1045 = tpu.memref_slice %arg17[%dma_start3A_1038] : memref<4x!tpu.dma_semaphore, #tpu.memory_space<semaphore_mem>> -> memref<1x!tpu.dma_semaphore, #tpu.memory_space<semaphore_mem>>
        %dma_start3A_1046 = tpu.memref_squeeze %dma_start3A_1045 : memref<1x!tpu.dma_semaphore, #tpu.memory_space<semaphore_mem>> -> memref<!tpu.dma_semaphore, #tpu.memory_space<semaphore_mem>>
        tpu.enqueue_indirect_dma source(%arg10 : memref<125x16xf32, #tpu.memory_space<vmem>>) target(%dma_start3A_1044 : memref<10240x16xf32, #tpu.memory_space<vmem_shared>>) offsets(%dma_start3A_1041 : memref<125xi32, #tpu.memory_space<vmem>>) semaphore(%dma_start3A_1046 : memref<!tpu.dma_semaphore, #tpu.memory_space<semaphore_mem>>) {add = true}
      } else {
      }
      %gt3A_877 = arith.constant 0 : i32
      %gt3A_878 = arith.cmpi sgt, %scan3A_835, %gt3A_877 : i32
      %convert_element_type3A_879 = arith.extui %gt3A_878 : i1 to i32
      %cond3A_880 = arith.constant 0 : i32
      %cond3A_881 = arith.cmpi ne, %convert_element_type3A_879, %cond3A_880 : i32
      scf.if %cond3A_881 {
        %sub3A = arith.constant 1 : i32
        %sub3A_1038 = arith.subi %add3A_839, %sub3A : i32
        %dma_wait3A_1039 = arith.constant 3 : i32
        %dma_wait3A_1040 = arith.constant 3 : i32
        %dma_wait3A_1041 = arith.constant 0 : i32
        %dma_wait3A_1042 = arith.constant 0 : i32
        %dma_wait3A_1043 = tpu.memref_slice %arg9[%dma_wait3A_1039, %dma_wait3A_1041, %dma_wait3A_1042] : memref<4x125x64xbf16, #tpu.memory_space<vmem>> -> memref<1x125x64xbf16, #tpu.memory_space<vmem>>
        %dma_wait3A_1044 = tpu.memref_squeeze %dma_wait3A_1043 : memref<1x125x64xbf16, #tpu.memory_space<vmem>> -> memref<125x64xbf16, #tpu.memory_space<vmem>>
        %dma_wait3A_1045 = arith.constant 0 : i32
        %dma_wait3A_1046 = tpu.memref_slice %arg8[%sub3A_1038, %dma_wait3A_1045] : memref<160x125xi32, #tpu.memory_space<vmem>> -> memref<1x125xi32, #tpu.memory_space<vmem>>
        %dma_wait3A_1047 = tpu.memref_squeeze %dma_wait3A_1046 : memref<1x125xi32, #tpu.memory_space<vmem>> -> memref<125xi32, #tpu.memory_space<vmem>>
        %dma_wait3A_1048 = arith.constant 0 : i32
        %dma_wait3A_1049 = arith.constant 0 : i32
        %dma_wait3A_1050 = tpu.memref_slice %arg13[%dma_wait3A_1048, %dma_wait3A_1049] : memref<10240x64xbf16, #tpu.memory_space<vmem_shared>> -> memref<10240x64xbf16, #tpu.memory_space<vmem_shared>>
        %dma_wait3A_1051 = tpu.memref_slice %arg16[%dma_wait3A_1040] : memref<4x!tpu.dma_semaphore, #tpu.memory_space<semaphore_mem>> -> memref<1x!tpu.dma_semaphore, #tpu.memory_space<semaphore_mem>>
        %dma_wait3A_1052 = tpu.memref_squeeze %dma_wait3A_1051 : memref<1x!tpu.dma_semaphore, #tpu.memory_space<semaphore_mem>> -> memref<!tpu.dma_semaphore, #tpu.memory_space<semaphore_mem>>
        tpu.wait_indirect_dma semaphore(%dma_wait3A_1052 : memref<!tpu.dma_semaphore, #tpu.memory_space<semaphore_mem>>) src(%dma_wait3A_1044 : memref<125x64xbf16, #tpu.memory_space<vmem>>) dst(%dma_wait3A_1050 : memref<10240x64xbf16, #tpu.memory_space<vmem_shared>>)
      } else {
      }
      %add3A_882 = arith.constant 3 : i32
      %add3A_883 = arith.addi %add3A_839, %add3A_882 : i32
      %dma_start3A_884 = arith.constant 3 : i32
      %dma_start3A_885 = arith.constant 3 : i32
      %dma_start3A_886 = arith.constant 0 : i32
      %dma_start3A_887 = arith.constant 0 : i32
      %dma_start3A_888 = tpu.memref_slice %arg9[%dma_start3A_884, %dma_start3A_886, %dma_start3A_887] : memref<4x125x64xbf16, #tpu.memory_space<vmem>> -> memref<1x125x64xbf16, #tpu.memory_space<vmem>>
      %dma_start3A_889 = tpu.memref_squeeze %dma_start3A_888 : memref<1x125x64xbf16, #tpu.memory_space<vmem>> -> memref<125x64xbf16, #tpu.memory_space<vmem>>
      %dma_start3A_890 = arith.constant 0 : i32
      %dma_start3A_891 = tpu.memref_slice %arg7[%add3A_883, %dma_start3A_890] : memref<160x125xi32, #tpu.memory_space<vmem>> -> memref<1x125xi32, #tpu.memory_space<vmem>>
      %dma_start3A_892 = tpu.memref_squeeze %dma_start3A_891 : memref<1x125xi32, #tpu.memory_space<vmem>> -> memref<125xi32, #tpu.memory_space<vmem>>
      %dma_start3A_893 = arith.constant 0 : i32
      %dma_start3A_894 = arith.constant 0 : i32
      %dma_start3A_895 = tpu.memref_slice %arg2[%dma_start3A_893, %dma_start3A_894] : memref<20000x64xbf16, #tpu.memory_space<hbm>> -> memref<20000x64xbf16, #tpu.memory_space<hbm>>
      %dma_start3A_896 = tpu.memref_slice %arg15[%dma_start3A_885] : memref<4x!tpu.dma_semaphore, #tpu.memory_space<semaphore_mem>> -> memref<1x!tpu.dma_semaphore, #tpu.memory_space<semaphore_mem>>
      %dma_start3A_897 = tpu.memref_squeeze %dma_start3A_896 : memref<1x!tpu.dma_semaphore, #tpu.memory_space<semaphore_mem>> -> memref<!tpu.dma_semaphore, #tpu.memory_space<semaphore_mem>>
      tpu.enqueue_indirect_dma source(%dma_start3A_895 : memref<20000x64xbf16, #tpu.memory_space<hbm>>) target(%dma_start3A_889 : memref<125x64xbf16, #tpu.memory_space<vmem>>) offsets(%dma_start3A_892 : memref<125xi32, #tpu.memory_space<vmem>>) semaphore(%dma_start3A_897 : memref<!tpu.dma_semaphore, #tpu.memory_space<semaphore_mem>>)
      %mul3A_898 = arith.constant 4 : i32
      %mul3A_899 = arith.muli %mul3A_898, %scan3A_835 : i32
      %add3A_900 = arith.constant 1 : i32
      %add3A_901 = arith.addi %mul3A_899, %add3A_900 : i32
      %dma_wait3A_902 = arith.constant 1 : i32
      %dma_wait3A_903 = arith.constant 1 : i32
      %dma_wait3A_904 = arith.constant 0 : i32
      %dma_wait3A_905 = arith.constant 0 : i32
      %dma_wait3A_906 = tpu.memref_slice %arg9[%dma_wait3A_902, %dma_wait3A_904, %dma_wait3A_905] : memref<4x125x64xbf16, #tpu.memory_space<vmem>> -> memref<1x125x64xbf16, #tpu.memory_space<vmem>>
      %dma_wait3A_907 = tpu.memref_squeeze %dma_wait3A_906 : memref<1x125x64xbf16, #tpu.memory_space<vmem>> -> memref<125x64xbf16, #tpu.memory_space<vmem>>
      %dma_wait3A_908 = arith.constant 0 : i32
      %dma_wait3A_909 = tpu.memref_slice %arg7[%add3A_901, %dma_wait3A_908] : memref<160x125xi32, #tpu.memory_space<vmem>> -> memref<1x125xi32, #tpu.memory_space<vmem>>
      %dma_wait3A_910 = tpu.memref_squeeze %dma_wait3A_909 : memref<1x125xi32, #tpu.memory_space<vmem>> -> memref<125xi32, #tpu.memory_space<vmem>>
      %dma_wait3A_911 = arith.constant 0 : i32
      %dma_wait3A_912 = arith.constant 0 : i32
      %dma_wait3A_913 = tpu.memref_slice %arg2[%dma_wait3A_911, %dma_wait3A_912] : memref<20000x64xbf16, #tpu.memory_space<hbm>> -> memref<20000x64xbf16, #tpu.memory_space<hbm>>
      %dma_wait3A_914 = tpu.memref_slice %arg15[%dma_wait3A_903] : memref<4x!tpu.dma_semaphore, #tpu.memory_space<semaphore_mem>> -> memref<1x!tpu.dma_semaphore, #tpu.memory_space<semaphore_mem>>
      %dma_wait3A_915 = tpu.memref_squeeze %dma_wait3A_914 : memref<1x!tpu.dma_semaphore, #tpu.memory_space<semaphore_mem>> -> memref<!tpu.dma_semaphore, #tpu.memory_space<semaphore_mem>>
      tpu.wait_indirect_dma semaphore(%dma_wait3A_915 : memref<!tpu.dma_semaphore, #tpu.memory_space<semaphore_mem>>) src(%dma_wait3A_913 : memref<20000x64xbf16, #tpu.memory_space<hbm>>) dst(%dma_wait3A_907 : memref<125x64xbf16, #tpu.memory_space<vmem>>)
      %dma_start3A_916 = arith.constant 1 : i32
      %dma_start3A_917 = arith.constant 1 : i32
      %dma_start3A_918 = arith.constant 0 : i32
      %dma_start3A_919 = arith.constant 0 : i32
      %dma_start3A_920 = tpu.memref_slice %arg9[%dma_start3A_916, %dma_start3A_918, %dma_start3A_919] : memref<4x125x64xbf16, #tpu.memory_space<vmem>> -> memref<1x125x64xbf16, #tpu.memory_space<vmem>>
      %dma_start3A_921 = tpu.memref_squeeze %dma_start3A_920 : memref<1x125x64xbf16, #tpu.memory_space<vmem>> -> memref<125x64xbf16, #tpu.memory_space<vmem>>
      %dma_start3A_922 = arith.constant 0 : i32
      %dma_start3A_923 = tpu.memref_slice %arg8[%add3A_901, %dma_start3A_922] : memref<160x125xi32, #tpu.memory_space<vmem>> -> memref<1x125xi32, #tpu.memory_space<vmem>>
      %dma_start3A_924 = tpu.memref_squeeze %dma_start3A_923 : memref<1x125xi32, #tpu.memory_space<vmem>> -> memref<125xi32, #tpu.memory_space<vmem>>
      %dma_start3A_925 = arith.constant 0 : i32
      %dma_start3A_926 = arith.constant 0 : i32
      %dma_start3A_927 = tpu.memref_slice %arg13[%dma_start3A_925, %dma_start3A_926] : memref<10240x64xbf16, #tpu.memory_space<vmem_shared>> -> memref<10240x64xbf16, #tpu.memory_space<vmem_shared>>
      %dma_start3A_928 = tpu.memref_slice %arg16[%dma_start3A_917] : memref<4x!tpu.dma_semaphore, #tpu.memory_space<semaphore_mem>> -> memref<1x!tpu.dma_semaphore, #tpu.memory_space<semaphore_mem>>
      %dma_start3A_929 = tpu.memref_squeeze %dma_start3A_928 : memref<1x!tpu.dma_semaphore, #tpu.memory_space<semaphore_mem>> -> memref<!tpu.dma_semaphore, #tpu.memory_space<semaphore_mem>>
      tpu.enqueue_indirect_dma source(%dma_start3A_921 : memref<125x64xbf16, #tpu.memory_space<vmem>>) target(%dma_start3A_927 : memref<10240x64xbf16, #tpu.memory_space<vmem_shared>>) offsets(%dma_start3A_924 : memref<125xi32, #tpu.memory_space<vmem>>) semaphore(%dma_start3A_929 : memref<!tpu.dma_semaphore, #tpu.memory_space<semaphore_mem>>) {add = true}
      %gt3A_930 = arith.constant 0 : i32
      %gt3A_931 = arith.cmpi sgt, %scan3A_835, %gt3A_930 : i32
      %convert_element_type3A_932 = arith.extui %gt3A_931 : i1 to i32
      %cond3A_933 = arith.constant 0 : i32
      %cond3A_934 = arith.cmpi ne, %convert_element_type3A_932, %cond3A_933 : i32
      scf.if %cond3A_934 {
        %sub3A = arith.constant 4 : i32
        %sub3A_1038 = arith.subi %add3A_901, %sub3A : i32
        %eq3A_1039 = arith.constant 1 : i32
        %eq3A_1040 = arith.cmpi eq, %arg0, %eq3A_1039 : i32
        %convert_element_type3A_1041 = arith.extui %eq3A_1040 : i1 to i32
        %cond3A_1042 = arith.constant 0 : i32
        %cond3A_1043 = arith.cmpi ne, %convert_element_type3A_1041, %cond3A_1042 : i32
        scf.if %cond3A_1043 {
          %dma_wait3A_1044 = arith.constant 1 : i32
          %dma_wait3A_1045 = arith.constant 0 : i32
          %dma_wait3A_1046 = tpu.memref_slice %arg8[%sub3A_1038, %dma_wait3A_1045] : memref<160x125xi32, #tpu.memory_space<vmem>> -> memref<1x125xi32, #tpu.memory_space<vmem>>
          %dma_wait3A_1047 = tpu.memref_squeeze %dma_wait3A_1046 : memref<1x125xi32, #tpu.memory_space<vmem>> -> memref<125xi32, #tpu.memory_space<vmem>>
          %dma_wait3A_1048 = arith.constant 0 : i32
          %dma_wait3A_1049 = arith.constant 0 : i32
          %dma_wait3A_1050 = tpu.memref_slice %arg14[%dma_wait3A_1048, %dma_wait3A_1049] : memref<10240x16xf32, #tpu.memory_space<vmem_shared>> -> memref<10240x16xf32, #tpu.memory_space<vmem_shared>>
          %dma_wait3A_1051 = tpu.memref_slice %arg17[%dma_wait3A_1044] : memref<4x!tpu.dma_semaphore, #tpu.memory_space<semaphore_mem>> -> memref<1x!tpu.dma_semaphore, #tpu.memory_space<semaphore_mem>>
          %dma_wait3A_1052 = tpu.memref_squeeze %dma_wait3A_1051 : memref<1x!tpu.dma_semaphore, #tpu.memory_space<semaphore_mem>> -> memref<!tpu.dma_semaphore, #tpu.memory_space<semaphore_mem>>
          tpu.wait_indirect_dma semaphore(%dma_wait3A_1052 : memref<!tpu.dma_semaphore, #tpu.memory_space<semaphore_mem>>) src(%arg10 : memref<125x16xf32, #tpu.memory_space<vmem>>) dst(%dma_wait3A_1050 : memref<10240x16xf32, #tpu.memory_space<vmem_shared>>)
        } else {
        }
      } else {
      }
      %eq3A_935 = arith.constant 1 : i32
      %eq3A_936 = arith.cmpi eq, %arg0, %eq3A_935 : i32
      %convert_element_type3A_937 = arith.extui %eq3A_936 : i1 to i32
      %cond3A_938 = arith.constant 0 : i32
      %cond3A_939 = arith.cmpi ne, %convert_element_type3A_937, %cond3A_938 : i32
      scf.if %cond3A_939 {
        %dma_start3A_1038 = arith.constant 1 : i32
        %dma_start3A_1039 = arith.constant 0 : i32
        %dma_start3A_1040 = tpu.memref_slice %arg8[%add3A_901, %dma_start3A_1039] : memref<160x125xi32, #tpu.memory_space<vmem>> -> memref<1x125xi32, #tpu.memory_space<vmem>>
        %dma_start3A_1041 = tpu.memref_squeeze %dma_start3A_1040 : memref<1x125xi32, #tpu.memory_space<vmem>> -> memref<125xi32, #tpu.memory_space<vmem>>
        %dma_start3A_1042 = arith.constant 0 : i32
        %dma_start3A_1043 = arith.constant 0 : i32
        %dma_start3A_1044 = tpu.memref_slice %arg14[%dma_start3A_1042, %dma_start3A_1043] : memref<10240x16xf32, #tpu.memory_space<vmem_shared>> -> memref<10240x16xf32, #tpu.memory_space<vmem_shared>>
        %dma_start3A_1045 = tpu.memref_slice %arg17[%dma_start3A_1038] : memref<4x!tpu.dma_semaphore, #tpu.memory_space<semaphore_mem>> -> memref<1x!tpu.dma_semaphore, #tpu.memory_space<semaphore_mem>>
        %dma_start3A_1046 = tpu.memref_squeeze %dma_start3A_1045 : memref<1x!tpu.dma_semaphore, #tpu.memory_space<semaphore_mem>> -> memref<!tpu.dma_semaphore, #tpu.memory_space<semaphore_mem>>
        tpu.enqueue_indirect_dma source(%arg10 : memref<125x16xf32, #tpu.memory_space<vmem>>) target(%dma_start3A_1044 : memref<10240x16xf32, #tpu.memory_space<vmem_shared>>) offsets(%dma_start3A_1041 : memref<125xi32, #tpu.memory_space<vmem>>) semaphore(%dma_start3A_1046 : memref<!tpu.dma_semaphore, #tpu.memory_space<semaphore_mem>>) {add = true}
      } else {
      }
      %lt3A = arith.constant 39 : i32
      %lt3A_940 = arith.cmpi slt, %scan3A_835, %lt3A : i32
      %convert_element_type3A_941 = arith.extui %lt3A_940 : i1 to i32
      %cond3A_942 = arith.constant 0 : i32
      %cond3A_943 = arith.cmpi ne, %convert_element_type3A_941, %cond3A_942 : i32
      scf.if %cond3A_943 {
        %sub3A = arith.constant 1 : i32
        %sub3A_1038 = arith.subi %add3A_901, %sub3A : i32
        %dma_wait3A_1039 = arith.constant 0 : i32
        %dma_wait3A_1040 = arith.constant 0 : i32
        %dma_wait3A_1041 = arith.constant 0 : i32
        %dma_wait3A_1042 = arith.constant 0 : i32
        %dma_wait3A_1043 = tpu.memref_slice %arg9[%dma_wait3A_1039, %dma_wait3A_1041, %dma_wait3A_1042] : memref<4x125x64xbf16, #tpu.memory_space<vmem>> -> memref<1x125x64xbf16, #tpu.memory_space<vmem>>
        %dma_wait3A_1044 = tpu.memref_squeeze %dma_wait3A_1043 : memref<1x125x64xbf16, #tpu.memory_space<vmem>> -> memref<125x64xbf16, #tpu.memory_space<vmem>>
        %dma_wait3A_1045 = arith.constant 0 : i32
        %dma_wait3A_1046 = tpu.memref_slice %arg8[%sub3A_1038, %dma_wait3A_1045] : memref<160x125xi32, #tpu.memory_space<vmem>> -> memref<1x125xi32, #tpu.memory_space<vmem>>
        %dma_wait3A_1047 = tpu.memref_squeeze %dma_wait3A_1046 : memref<1x125xi32, #tpu.memory_space<vmem>> -> memref<125xi32, #tpu.memory_space<vmem>>
        %dma_wait3A_1048 = arith.constant 0 : i32
        %dma_wait3A_1049 = arith.constant 0 : i32
        %dma_wait3A_1050 = tpu.memref_slice %arg13[%dma_wait3A_1048, %dma_wait3A_1049] : memref<10240x64xbf16, #tpu.memory_space<vmem_shared>> -> memref<10240x64xbf16, #tpu.memory_space<vmem_shared>>
        %dma_wait3A_1051 = tpu.memref_slice %arg16[%dma_wait3A_1040] : memref<4x!tpu.dma_semaphore, #tpu.memory_space<semaphore_mem>> -> memref<1x!tpu.dma_semaphore, #tpu.memory_space<semaphore_mem>>
        %dma_wait3A_1052 = tpu.memref_squeeze %dma_wait3A_1051 : memref<1x!tpu.dma_semaphore, #tpu.memory_space<semaphore_mem>> -> memref<!tpu.dma_semaphore, #tpu.memory_space<semaphore_mem>>
        tpu.wait_indirect_dma semaphore(%dma_wait3A_1052 : memref<!tpu.dma_semaphore, #tpu.memory_space<semaphore_mem>>) src(%dma_wait3A_1044 : memref<125x64xbf16, #tpu.memory_space<vmem>>) dst(%dma_wait3A_1050 : memref<10240x64xbf16, #tpu.memory_space<vmem_shared>>)
        %add3A_1053 = arith.constant 3 : i32
        %add3A_1054 = arith.addi %add3A_901, %add3A_1053 : i32
        %dma_start3A_1055 = arith.constant 0 : i32
        %dma_start3A_1056 = arith.constant 0 : i32
        %dma_start3A_1057 = arith.constant 0 : i32
        %dma_start3A_1058 = arith.constant 0 : i32
        %dma_start3A_1059 = tpu.memref_slice %arg9[%dma_start3A_1055, %dma_start3A_1057, %dma_start3A_1058] : memref<4x125x64xbf16, #tpu.memory_space<vmem>> -> memref<1x125x64xbf16, #tpu.memory_space<vmem>>
        %dma_start3A_1060 = tpu.memref_squeeze %dma_start3A_1059 : memref<1x125x64xbf16, #tpu.memory_space<vmem>> -> memref<125x64xbf16, #tpu.memory_space<vmem>>
        %dma_start3A_1061 = arith.constant 0 : i32
        %dma_start3A_1062 = tpu.memref_slice %arg7[%add3A_1054, %dma_start3A_1061] : memref<160x125xi32, #tpu.memory_space<vmem>> -> memref<1x125xi32, #tpu.memory_space<vmem>>
        %dma_start3A_1063 = tpu.memref_squeeze %dma_start3A_1062 : memref<1x125xi32, #tpu.memory_space<vmem>> -> memref<125xi32, #tpu.memory_space<vmem>>
        %dma_start3A_1064 = arith.constant 0 : i32
        %dma_start3A_1065 = arith.constant 0 : i32
        %dma_start3A_1066 = tpu.memref_slice %arg2[%dma_start3A_1064, %dma_start3A_1065] : memref<20000x64xbf16, #tpu.memory_space<hbm>> -> memref<20000x64xbf16, #tpu.memory_space<hbm>>
        %dma_start3A_1067 = tpu.memref_slice %arg15[%dma_start3A_1056] : memref<4x!tpu.dma_semaphore, #tpu.memory_space<semaphore_mem>> -> memref<1x!tpu.dma_semaphore, #tpu.memory_space<semaphore_mem>>
        %dma_start3A_1068 = tpu.memref_squeeze %dma_start3A_1067 : memref<1x!tpu.dma_semaphore, #tpu.memory_space<semaphore_mem>> -> memref<!tpu.dma_semaphore, #tpu.memory_space<semaphore_mem>>
        tpu.enqueue_indirect_dma source(%dma_start3A_1066 : memref<20000x64xbf16, #tpu.memory_space<hbm>>) target(%dma_start3A_1060 : memref<125x64xbf16, #tpu.memory_space<vmem>>) offsets(%dma_start3A_1063 : memref<125xi32, #tpu.memory_space<vmem>>) semaphore(%dma_start3A_1068 : memref<!tpu.dma_semaphore, #tpu.memory_space<semaphore_mem>>)
      } else {
      }
      %mul3A_944 = arith.constant 4 : i32
      %mul3A_945 = arith.muli %mul3A_944, %scan3A_835 : i32
      %add3A_946 = arith.constant 2 : i32
      %add3A_947 = arith.addi %mul3A_945, %add3A_946 : i32
      %dma_wait3A_948 = arith.constant 2 : i32
      %dma_wait3A_949 = arith.constant 2 : i32
      %dma_wait3A_950 = arith.constant 0 : i32
      %dma_wait3A_951 = arith.constant 0 : i32
      %dma_wait3A_952 = tpu.memref_slice %arg9[%dma_wait3A_948, %dma_wait3A_950, %dma_wait3A_951] : memref<4x125x64xbf16, #tpu.memory_space<vmem>> -> memref<1x125x64xbf16, #tpu.memory_space<vmem>>
      %dma_wait3A_953 = tpu.memref_squeeze %dma_wait3A_952 : memref<1x125x64xbf16, #tpu.memory_space<vmem>> -> memref<125x64xbf16, #tpu.memory_space<vmem>>
      %dma_wait3A_954 = arith.constant 0 : i32
      %dma_wait3A_955 = tpu.memref_slice %arg7[%add3A_947, %dma_wait3A_954] : memref<160x125xi32, #tpu.memory_space<vmem>> -> memref<1x125xi32, #tpu.memory_space<vmem>>
      %dma_wait3A_956 = tpu.memref_squeeze %dma_wait3A_955 : memref<1x125xi32, #tpu.memory_space<vmem>> -> memref<125xi32, #tpu.memory_space<vmem>>
      %dma_wait3A_957 = arith.constant 0 : i32
      %dma_wait3A_958 = arith.constant 0 : i32
      %dma_wait3A_959 = tpu.memref_slice %arg2[%dma_wait3A_957, %dma_wait3A_958] : memref<20000x64xbf16, #tpu.memory_space<hbm>> -> memref<20000x64xbf16, #tpu.memory_space<hbm>>
      %dma_wait3A_960 = tpu.memref_slice %arg15[%dma_wait3A_949] : memref<4x!tpu.dma_semaphore, #tpu.memory_space<semaphore_mem>> -> memref<1x!tpu.dma_semaphore, #tpu.memory_space<semaphore_mem>>
      %dma_wait3A_961 = tpu.memref_squeeze %dma_wait3A_960 : memref<1x!tpu.dma_semaphore, #tpu.memory_space<semaphore_mem>> -> memref<!tpu.dma_semaphore, #tpu.memory_space<semaphore_mem>>
      tpu.wait_indirect_dma semaphore(%dma_wait3A_961 : memref<!tpu.dma_semaphore, #tpu.memory_space<semaphore_mem>>) src(%dma_wait3A_959 : memref<20000x64xbf16, #tpu.memory_space<hbm>>) dst(%dma_wait3A_953 : memref<125x64xbf16, #tpu.memory_space<vmem>>)
      %dma_start3A_962 = arith.constant 2 : i32
      %dma_start3A_963 = arith.constant 2 : i32
      %dma_start3A_964 = arith.constant 0 : i32
      %dma_start3A_965 = arith.constant 0 : i32
      %dma_start3A_966 = tpu.memref_slice %arg9[%dma_start3A_962, %dma_start3A_964, %dma_start3A_965] : memref<4x125x64xbf16, #tpu.memory_space<vmem>> -> memref<1x125x64xbf16, #tpu.memory_space<vmem>>
      %dma_start3A_967 = tpu.memref_squeeze %dma_start3A_966 : memref<1x125x64xbf16, #tpu.memory_space<vmem>> -> memref<125x64xbf16, #tpu.memory_space<vmem>>
      %dma_start3A_968 = arith.constant 0 : i32
      %dma_start3A_969 = tpu.memref_slice %arg8[%add3A_947, %dma_start3A_968] : memref<160x125xi32, #tpu.memory_space<vmem>> -> memref<1x125xi32, #tpu.memory_space<vmem>>
      %dma_start3A_970 = tpu.memref_squeeze %dma_start3A_969 : memref<1x125xi32, #tpu.memory_space<vmem>> -> memref<125xi32, #tpu.memory_space<vmem>>
      %dma_start3A_971 = arith.constant 0 : i32
      %dma_start3A_972 = arith.constant 0 : i32
      %dma_start3A_973 = tpu.memref_slice %arg13[%dma_start3A_971, %dma_start3A_972] : memref<10240x64xbf16, #tpu.memory_space<vmem_shared>> -> memref<10240x64xbf16, #tpu.memory_space<vmem_shared>>
      %dma_start3A_974 = tpu.memref_slice %arg16[%dma_start3A_963] : memref<4x!tpu.dma_semaphore, #tpu.memory_space<semaphore_mem>> -> memref<1x!tpu.dma_semaphore, #tpu.memory_space<semaphore_mem>>
      %dma_start3A_975 = tpu.memref_squeeze %dma_start3A_974 : memref<1x!tpu.dma_semaphore, #tpu.memory_space<semaphore_mem>> -> memref<!tpu.dma_semaphore, #tpu.memory_space<semaphore_mem>>
      tpu.enqueue_indirect_dma source(%dma_start3A_967 : memref<125x64xbf16, #tpu.memory_space<vmem>>) target(%dma_start3A_973 : memref<10240x64xbf16, #tpu.memory_space<vmem_shared>>) offsets(%dma_start3A_970 : memref<125xi32, #tpu.memory_space<vmem>>) semaphore(%dma_start3A_975 : memref<!tpu.dma_semaphore, #tpu.memory_space<semaphore_mem>>) {add = true}
      %gt3A_976 = arith.constant 0 : i32
      %gt3A_977 = arith.cmpi sgt, %scan3A_835, %gt3A_976 : i32
      %convert_element_type3A_978 = arith.extui %gt3A_977 : i1 to i32
      %cond3A_979 = arith.constant 0 : i32
      %cond3A_980 = arith.cmpi ne, %convert_element_type3A_978, %cond3A_979 : i32
      scf.if %cond3A_980 {
        %sub3A = arith.constant 4 : i32
        %sub3A_1038 = arith.subi %add3A_947, %sub3A : i32
        %eq3A_1039 = arith.constant 0 : i32
        %eq3A_1040 = arith.cmpi eq, %arg0, %eq3A_1039 : i32
        %convert_element_type3A_1041 = arith.extui %eq3A_1040 : i1 to i32
        %cond3A_1042 = arith.constant 0 : i32
        %cond3A_1043 = arith.cmpi ne, %convert_element_type3A_1041, %cond3A_1042 : i32
        scf.if %cond3A_1043 {
          %dma_wait3A_1044 = arith.constant 2 : i32
          %dma_wait3A_1045 = arith.constant 0 : i32
          %dma_wait3A_1046 = tpu.memref_slice %arg8[%sub3A_1038, %dma_wait3A_1045] : memref<160x125xi32, #tpu.memory_space<vmem>> -> memref<1x125xi32, #tpu.memory_space<vmem>>
          %dma_wait3A_1047 = tpu.memref_squeeze %dma_wait3A_1046 : memref<1x125xi32, #tpu.memory_space<vmem>> -> memref<125xi32, #tpu.memory_space<vmem>>
          %dma_wait3A_1048 = arith.constant 0 : i32
          %dma_wait3A_1049 = arith.constant 0 : i32
          %dma_wait3A_1050 = tpu.memref_slice %arg14[%dma_wait3A_1048, %dma_wait3A_1049] : memref<10240x16xf32, #tpu.memory_space<vmem_shared>> -> memref<10240x16xf32, #tpu.memory_space<vmem_shared>>
          %dma_wait3A_1051 = tpu.memref_slice %arg17[%dma_wait3A_1044] : memref<4x!tpu.dma_semaphore, #tpu.memory_space<semaphore_mem>> -> memref<1x!tpu.dma_semaphore, #tpu.memory_space<semaphore_mem>>
          %dma_wait3A_1052 = tpu.memref_squeeze %dma_wait3A_1051 : memref<1x!tpu.dma_semaphore, #tpu.memory_space<semaphore_mem>> -> memref<!tpu.dma_semaphore, #tpu.memory_space<semaphore_mem>>
          tpu.wait_indirect_dma semaphore(%dma_wait3A_1052 : memref<!tpu.dma_semaphore, #tpu.memory_space<semaphore_mem>>) src(%arg10 : memref<125x16xf32, #tpu.memory_space<vmem>>) dst(%dma_wait3A_1050 : memref<10240x16xf32, #tpu.memory_space<vmem_shared>>)
        } else {
        }
      } else {
      }
      %eq3A_981 = arith.constant 0 : i32
      %eq3A_982 = arith.cmpi eq, %arg0, %eq3A_981 : i32
      %convert_element_type3A_983 = arith.extui %eq3A_982 : i1 to i32
      %cond3A_984 = arith.constant 0 : i32
      %cond3A_985 = arith.cmpi ne, %convert_element_type3A_983, %cond3A_984 : i32
      scf.if %cond3A_985 {
        %dma_start3A_1038 = arith.constant 2 : i32
        %dma_start3A_1039 = arith.constant 0 : i32
        %dma_start3A_1040 = tpu.memref_slice %arg8[%add3A_947, %dma_start3A_1039] : memref<160x125xi32, #tpu.memory_space<vmem>> -> memref<1x125xi32, #tpu.memory_space<vmem>>
        %dma_start3A_1041 = tpu.memref_squeeze %dma_start3A_1040 : memref<1x125xi32, #tpu.memory_space<vmem>> -> memref<125xi32, #tpu.memory_space<vmem>>
        %dma_start3A_1042 = arith.constant 0 : i32
        %dma_start3A_1043 = arith.constant 0 : i32
        %dma_start3A_1044 = tpu.memref_slice %arg14[%dma_start3A_1042, %dma_start3A_1043] : memref<10240x16xf32, #tpu.memory_space<vmem_shared>> -> memref<10240x16xf32, #tpu.memory_space<vmem_shared>>
        %dma_start3A_1045 = tpu.memref_slice %arg17[%dma_start3A_1038] : memref<4x!tpu.dma_semaphore, #tpu.memory_space<semaphore_mem>> -> memref<1x!tpu.dma_semaphore, #tpu.memory_space<semaphore_mem>>
        %dma_start3A_1046 = tpu.memref_squeeze %dma_start3A_1045 : memref<1x!tpu.dma_semaphore, #tpu.memory_space<semaphore_mem>> -> memref<!tpu.dma_semaphore, #tpu.memory_space<semaphore_mem>>
        tpu.enqueue_indirect_dma source(%arg10 : memref<125x16xf32, #tpu.memory_space<vmem>>) target(%dma_start3A_1044 : memref<10240x16xf32, #tpu.memory_space<vmem_shared>>) offsets(%dma_start3A_1041 : memref<125xi32, #tpu.memory_space<vmem>>) semaphore(%dma_start3A_1046 : memref<!tpu.dma_semaphore, #tpu.memory_space<semaphore_mem>>) {add = true}
      } else {
      }
      %lt3A_986 = arith.constant 39 : i32
      %lt3A_987 = arith.cmpi slt, %scan3A_835, %lt3A_986 : i32
      %convert_element_type3A_988 = arith.extui %lt3A_987 : i1 to i32
      %cond3A_989 = arith.constant 0 : i32
      %cond3A_990 = arith.cmpi ne, %convert_element_type3A_988, %cond3A_989 : i32
      scf.if %cond3A_990 {
        %sub3A = arith.constant 1 : i32
        %sub3A_1038 = arith.subi %add3A_947, %sub3A : i32
        %dma_wait3A_1039 = arith.constant 1 : i32
        %dma_wait3A_1040 = arith.constant 1 : i32
        %dma_wait3A_1041 = arith.constant 0 : i32
        %dma_wait3A_1042 = arith.constant 0 : i32
        %dma_wait3A_1043 = tpu.memref_slice %arg9[%dma_wait3A_1039, %dma_wait3A_1041, %dma_wait3A_1042] : memref<4x125x64xbf16, #tpu.memory_space<vmem>> -> memref<1x125x64xbf16, #tpu.memory_space<vmem>>
        %dma_wait3A_1044 = tpu.memref_squeeze %dma_wait3A_1043 : memref<1x125x64xbf16, #tpu.memory_space<vmem>> -> memref<125x64xbf16, #tpu.memory_space<vmem>>
        %dma_wait3A_1045 = arith.constant 0 : i32
        %dma_wait3A_1046 = tpu.memref_slice %arg8[%sub3A_1038, %dma_wait3A_1045] : memref<160x125xi32, #tpu.memory_space<vmem>> -> memref<1x125xi32, #tpu.memory_space<vmem>>
        %dma_wait3A_1047 = tpu.memref_squeeze %dma_wait3A_1046 : memref<1x125xi32, #tpu.memory_space<vmem>> -> memref<125xi32, #tpu.memory_space<vmem>>
        %dma_wait3A_1048 = arith.constant 0 : i32
        %dma_wait3A_1049 = arith.constant 0 : i32
        %dma_wait3A_1050 = tpu.memref_slice %arg13[%dma_wait3A_1048, %dma_wait3A_1049] : memref<10240x64xbf16, #tpu.memory_space<vmem_shared>> -> memref<10240x64xbf16, #tpu.memory_space<vmem_shared>>
        %dma_wait3A_1051 = tpu.memref_slice %arg16[%dma_wait3A_1040] : memref<4x!tpu.dma_semaphore, #tpu.memory_space<semaphore_mem>> -> memref<1x!tpu.dma_semaphore, #tpu.memory_space<semaphore_mem>>
        %dma_wait3A_1052 = tpu.memref_squeeze %dma_wait3A_1051 : memref<1x!tpu.dma_semaphore, #tpu.memory_space<semaphore_mem>> -> memref<!tpu.dma_semaphore, #tpu.memory_space<semaphore_mem>>
        tpu.wait_indirect_dma semaphore(%dma_wait3A_1052 : memref<!tpu.dma_semaphore, #tpu.memory_space<semaphore_mem>>) src(%dma_wait3A_1044 : memref<125x64xbf16, #tpu.memory_space<vmem>>) dst(%dma_wait3A_1050 : memref<10240x64xbf16, #tpu.memory_space<vmem_shared>>)
        %add3A_1053 = arith.constant 3 : i32
        %add3A_1054 = arith.addi %add3A_947, %add3A_1053 : i32
        %dma_start3A_1055 = arith.constant 1 : i32
        %dma_start3A_1056 = arith.constant 1 : i32
        %dma_start3A_1057 = arith.constant 0 : i32
        %dma_start3A_1058 = arith.constant 0 : i32
        %dma_start3A_1059 = tpu.memref_slice %arg9[%dma_start3A_1055, %dma_start3A_1057, %dma_start3A_1058] : memref<4x125x64xbf16, #tpu.memory_space<vmem>> -> memref<1x125x64xbf16, #tpu.memory_space<vmem>>
        %dma_start3A_1060 = tpu.memref_squeeze %dma_start3A_1059 : memref<1x125x64xbf16, #tpu.memory_space<vmem>> -> memref<125x64xbf16, #tpu.memory_space<vmem>>
        %dma_start3A_1061 = arith.constant 0 : i32
        %dma_start3A_1062 = tpu.memref_slice %arg7[%add3A_1054, %dma_start3A_1061] : memref<160x125xi32, #tpu.memory_space<vmem>> -> memref<1x125xi32, #tpu.memory_space<vmem>>
        %dma_start3A_1063 = tpu.memref_squeeze %dma_start3A_1062 : memref<1x125xi32, #tpu.memory_space<vmem>> -> memref<125xi32, #tpu.memory_space<vmem>>
        %dma_start3A_1064 = arith.constant 0 : i32
        %dma_start3A_1065 = arith.constant 0 : i32
        %dma_start3A_1066 = tpu.memref_slice %arg2[%dma_start3A_1064, %dma_start3A_1065] : memref<20000x64xbf16, #tpu.memory_space<hbm>> -> memref<20000x64xbf16, #tpu.memory_space<hbm>>
        %dma_start3A_1067 = tpu.memref_slice %arg15[%dma_start3A_1056] : memref<4x!tpu.dma_semaphore, #tpu.memory_space<semaphore_mem>> -> memref<1x!tpu.dma_semaphore, #tpu.memory_space<semaphore_mem>>
        %dma_start3A_1068 = tpu.memref_squeeze %dma_start3A_1067 : memref<1x!tpu.dma_semaphore, #tpu.memory_space<semaphore_mem>> -> memref<!tpu.dma_semaphore, #tpu.memory_space<semaphore_mem>>
        tpu.enqueue_indirect_dma source(%dma_start3A_1066 : memref<20000x64xbf16, #tpu.memory_space<hbm>>) target(%dma_start3A_1060 : memref<125x64xbf16, #tpu.memory_space<vmem>>) offsets(%dma_start3A_1063 : memref<125xi32, #tpu.memory_space<vmem>>) semaphore(%dma_start3A_1068 : memref<!tpu.dma_semaphore, #tpu.memory_space<semaphore_mem>>)
      } else {
      }
      %mul3A_991 = arith.constant 4 : i32
      %mul3A_992 = arith.muli %mul3A_991, %scan3A_835 : i32
      %add3A_993 = arith.constant 3 : i32
      %add3A_994 = arith.addi %mul3A_992, %add3A_993 : i32
      %dma_wait3A_995 = arith.constant 3 : i32
      %dma_wait3A_996 = arith.constant 3 : i32
      %dma_wait3A_997 = arith.constant 0 : i32
      %dma_wait3A_998 = arith.constant 0 : i32
      %dma_wait3A_999 = tpu.memref_slice %arg9[%dma_wait3A_995, %dma_wait3A_997, %dma_wait3A_998] : memref<4x125x64xbf16, #tpu.memory_space<vmem>> -> memref<1x125x64xbf16, #tpu.memory_space<vmem>>
      %dma_wait3A_1000 = tpu.memref_squeeze %dma_wait3A_999 : memref<1x125x64xbf16, #tpu.memory_space<vmem>> -> memref<125x64xbf16, #tpu.memory_space<vmem>>
      %dma_wait3A_1001 = arith.constant 0 : i32
      %dma_wait3A_1002 = tpu.memref_slice %arg7[%add3A_994, %dma_wait3A_1001] : memref<160x125xi32, #tpu.memory_space<vmem>> -> memref<1x125xi32, #tpu.memory_space<vmem>>
      %dma_wait3A_1003 = tpu.memref_squeeze %dma_wait3A_1002 : memref<1x125xi32, #tpu.memory_space<vmem>> -> memref<125xi32, #tpu.memory_space<vmem>>
      %dma_wait3A_1004 = arith.constant 0 : i32
      %dma_wait3A_1005 = arith.constant 0 : i32
      %dma_wait3A_1006 = tpu.memref_slice %arg2[%dma_wait3A_1004, %dma_wait3A_1005] : memref<20000x64xbf16, #tpu.memory_space<hbm>> -> memref<20000x64xbf16, #tpu.memory_space<hbm>>
      %dma_wait3A_1007 = tpu.memref_slice %arg15[%dma_wait3A_996] : memref<4x!tpu.dma_semaphore, #tpu.memory_space<semaphore_mem>> -> memref<1x!tpu.dma_semaphore, #tpu.memory_space<semaphore_mem>>
      %dma_wait3A_1008 = tpu.memref_squeeze %dma_wait3A_1007 : memref<1x!tpu.dma_semaphore, #tpu.memory_space<semaphore_mem>> -> memref<!tpu.dma_semaphore, #tpu.memory_space<semaphore_mem>>
      tpu.wait_indirect_dma semaphore(%dma_wait3A_1008 : memref<!tpu.dma_semaphore, #tpu.memory_space<semaphore_mem>>) src(%dma_wait3A_1006 : memref<20000x64xbf16, #tpu.memory_space<hbm>>) dst(%dma_wait3A_1000 : memref<125x64xbf16, #tpu.memory_space<vmem>>)
      %dma_start3A_1009 = arith.constant 3 : i32
      %dma_start3A_1010 = arith.constant 3 : i32
      %dma_start3A_1011 = arith.constant 0 : i32
      %dma_start3A_1012 = arith.constant 0 : i32
      %dma_start3A_1013 = tpu.memref_slice %arg9[%dma_start3A_1009, %dma_start3A_1011, %dma_start3A_1012] : memref<4x125x64xbf16, #tpu.memory_space<vmem>> -> memref<1x125x64xbf16, #tpu.memory_space<vmem>>
      %dma_start3A_1014 = tpu.memref_squeeze %dma_start3A_1013 : memref<1x125x64xbf16, #tpu.memory_space<vmem>> -> memref<125x64xbf16, #tpu.memory_space<vmem>>
      %dma_start3A_1015 = arith.constant 0 : i32
      %dma_start3A_1016 = tpu.memref_slice %arg8[%add3A_994, %dma_start3A_1015] : memref<160x125xi32, #tpu.memory_space<vmem>> -> memref<1x125xi32, #tpu.memory_space<vmem>>
      %dma_start3A_1017 = tpu.memref_squeeze %dma_start3A_1016 : memref<1x125xi32, #tpu.memory_space<vmem>> -> memref<125xi32, #tpu.memory_space<vmem>>
      %dma_start3A_1018 = arith.constant 0 : i32
      %dma_start3A_1019 = arith.constant 0 : i32
      %dma_start3A_1020 = tpu.memref_slice %arg13[%dma_start3A_1018, %dma_start3A_1019] : memref<10240x64xbf16, #tpu.memory_space<vmem_shared>> -> memref<10240x64xbf16, #tpu.memory_space<vmem_shared>>
      %dma_start3A_1021 = tpu.memref_slice %arg16[%dma_start3A_1010] : memref<4x!tpu.dma_semaphore, #tpu.memory_space<semaphore_mem>> -> memref<1x!tpu.dma_semaphore, #tpu.memory_space<semaphore_mem>>
      %dma_start3A_1022 = tpu.memref_squeeze %dma_start3A_1021 : memref<1x!tpu.dma_semaphore, #tpu.memory_space<semaphore_mem>> -> memref<!tpu.dma_semaphore, #tpu.memory_space<semaphore_mem>>
      tpu.enqueue_indirect_dma source(%dma_start3A_1014 : memref<125x64xbf16, #tpu.memory_space<vmem>>) target(%dma_start3A_1020 : memref<10240x64xbf16, #tpu.memory_space<vmem_shared>>) offsets(%dma_start3A_1017 : memref<125xi32, #tpu.memory_space<vmem>>) semaphore(%dma_start3A_1022 : memref<!tpu.dma_semaphore, #tpu.memory_space<semaphore_mem>>) {add = true}
      %gt3A_1023 = arith.constant 0 : i32
      %gt3A_1024 = arith.cmpi sgt, %scan3A_835, %gt3A_1023 : i32
      %convert_element_type3A_1025 = arith.extui %gt3A_1024 : i1 to i32
      %cond3A_1026 = arith.constant 0 : i32
      %cond3A_1027 = arith.cmpi ne, %convert_element_type3A_1025, %cond3A_1026 : i32
      scf.if %cond3A_1027 {
        %sub3A = arith.constant 4 : i32
        %sub3A_1038 = arith.subi %add3A_994, %sub3A : i32
        %eq3A_1039 = arith.constant 1 : i32
        %eq3A_1040 = arith.cmpi eq, %arg0, %eq3A_1039 : i32
        %convert_element_type3A_1041 = arith.extui %eq3A_1040 : i1 to i32
        %cond3A_1042 = arith.constant 0 : i32
        %cond3A_1043 = arith.cmpi ne, %convert_element_type3A_1041, %cond3A_1042 : i32
        scf.if %cond3A_1043 {
          %dma_wait3A_1044 = arith.constant 3 : i32
          %dma_wait3A_1045 = arith.constant 0 : i32
          %dma_wait3A_1046 = tpu.memref_slice %arg8[%sub3A_1038, %dma_wait3A_1045] : memref<160x125xi32, #tpu.memory_space<vmem>> -> memref<1x125xi32, #tpu.memory_space<vmem>>
          %dma_wait3A_1047 = tpu.memref_squeeze %dma_wait3A_1046 : memref<1x125xi32, #tpu.memory_space<vmem>> -> memref<125xi32, #tpu.memory_space<vmem>>
          %dma_wait3A_1048 = arith.constant 0 : i32
          %dma_wait3A_1049 = arith.constant 0 : i32
          %dma_wait3A_1050 = tpu.memref_slice %arg14[%dma_wait3A_1048, %dma_wait3A_1049] : memref<10240x16xf32, #tpu.memory_space<vmem_shared>> -> memref<10240x16xf32, #tpu.memory_space<vmem_shared>>
          %dma_wait3A_1051 = tpu.memref_slice %arg17[%dma_wait3A_1044] : memref<4x!tpu.dma_semaphore, #tpu.memory_space<semaphore_mem>> -> memref<1x!tpu.dma_semaphore, #tpu.memory_space<semaphore_mem>>
          %dma_wait3A_1052 = tpu.memref_squeeze %dma_wait3A_1051 : memref<1x!tpu.dma_semaphore, #tpu.memory_space<semaphore_mem>> -> memref<!tpu.dma_semaphore, #tpu.memory_space<semaphore_mem>>
          tpu.wait_indirect_dma semaphore(%dma_wait3A_1052 : memref<!tpu.dma_semaphore, #tpu.memory_space<semaphore_mem>>) src(%arg10 : memref<125x16xf32, #tpu.memory_space<vmem>>) dst(%dma_wait3A_1050 : memref<10240x16xf32, #tpu.memory_space<vmem_shared>>)
        } else {
        }
      } else {
      }
      %eq3A_1028 = arith.constant 1 : i32
      %eq3A_1029 = arith.cmpi eq, %arg0, %eq3A_1028 : i32
      %convert_element_type3A_1030 = arith.extui %eq3A_1029 : i1 to i32
      %cond3A_1031 = arith.constant 0 : i32
      %cond3A_1032 = arith.cmpi ne, %convert_element_type3A_1030, %cond3A_1031 : i32
      scf.if %cond3A_1032 {
        %dma_start3A_1038 = arith.constant 3 : i32
        %dma_start3A_1039 = arith.constant 0 : i32
        %dma_start3A_1040 = tpu.memref_slice %arg8[%add3A_994, %dma_start3A_1039] : memref<160x125xi32, #tpu.memory_space<vmem>> -> memref<1x125xi32, #tpu.memory_space<vmem>>
        %dma_start3A_1041 = tpu.memref_squeeze %dma_start3A_1040 : memref<1x125xi32, #tpu.memory_space<vmem>> -> memref<125xi32, #tpu.memory_space<vmem>>
        %dma_start3A_1042 = arith.constant 0 : i32
        %dma_start3A_1043 = arith.constant 0 : i32
        %dma_start3A_1044 = tpu.memref_slice %arg14[%dma_start3A_1042, %dma_start3A_1043] : memref<10240x16xf32, #tpu.memory_space<vmem_shared>> -> memref<10240x16xf32, #tpu.memory_space<vmem_shared>>
        %dma_start3A_1045 = tpu.memref_slice %arg17[%dma_start3A_1038] : memref<4x!tpu.dma_semaphore, #tpu.memory_space<semaphore_mem>> -> memref<1x!tpu.dma_semaphore, #tpu.memory_space<semaphore_mem>>
        %dma_start3A_1046 = tpu.memref_squeeze %dma_start3A_1045 : memref<1x!tpu.dma_semaphore, #tpu.memory_space<semaphore_mem>> -> memref<!tpu.dma_semaphore, #tpu.memory_space<semaphore_mem>>
        tpu.enqueue_indirect_dma source(%arg10 : memref<125x16xf32, #tpu.memory_space<vmem>>) target(%dma_start3A_1044 : memref<10240x16xf32, #tpu.memory_space<vmem_shared>>) offsets(%dma_start3A_1041 : memref<125xi32, #tpu.memory_space<vmem>>) semaphore(%dma_start3A_1046 : memref<!tpu.dma_semaphore, #tpu.memory_space<semaphore_mem>>) {add = true}
      } else {
      }
      %lt3A_1033 = arith.constant 39 : i32
      %lt3A_1034 = arith.cmpi slt, %scan3A_835, %lt3A_1033 : i32
      %convert_element_type3A_1035 = arith.extui %lt3A_1034 : i1 to i32
      %cond3A_1036 = arith.constant 0 : i32
      %cond3A_1037 = arith.cmpi ne, %convert_element_type3A_1035, %cond3A_1036 : i32
      scf.if %cond3A_1037 {
        %sub3A = arith.constant 1 : i32
        %sub3A_1038 = arith.subi %add3A_994, %sub3A : i32
        %dma_wait3A_1039 = arith.constant 2 : i32
        %dma_wait3A_1040 = arith.constant 2 : i32
        %dma_wait3A_1041 = arith.constant 0 : i32
        %dma_wait3A_1042 = arith.constant 0 : i32
        %dma_wait3A_1043 = tpu.memref_slice %arg9[%dma_wait3A_1039, %dma_wait3A_1041, %dma_wait3A_1042] : memref<4x125x64xbf16, #tpu.memory_space<vmem>> -> memref<1x125x64xbf16, #tpu.memory_space<vmem>>
        %dma_wait3A_1044 = tpu.memref_squeeze %dma_wait3A_1043 : memref<1x125x64xbf16, #tpu.memory_space<vmem>> -> memref<125x64xbf16, #tpu.memory_space<vmem>>
        %dma_wait3A_1045 = arith.constant 0 : i32
        %dma_wait3A_1046 = tpu.memref_slice %arg8[%sub3A_1038, %dma_wait3A_1045] : memref<160x125xi32, #tpu.memory_space<vmem>> -> memref<1x125xi32, #tpu.memory_space<vmem>>
        %dma_wait3A_1047 = tpu.memref_squeeze %dma_wait3A_1046 : memref<1x125xi32, #tpu.memory_space<vmem>> -> memref<125xi32, #tpu.memory_space<vmem>>
        %dma_wait3A_1048 = arith.constant 0 : i32
        %dma_wait3A_1049 = arith.constant 0 : i32
        %dma_wait3A_1050 = tpu.memref_slice %arg13[%dma_wait3A_1048, %dma_wait3A_1049] : memref<10240x64xbf16, #tpu.memory_space<vmem_shared>> -> memref<10240x64xbf16, #tpu.memory_space<vmem_shared>>
        %dma_wait3A_1051 = tpu.memref_slice %arg16[%dma_wait3A_1040] : memref<4x!tpu.dma_semaphore, #tpu.memory_space<semaphore_mem>> -> memref<1x!tpu.dma_semaphore, #tpu.memory_space<semaphore_mem>>
        %dma_wait3A_1052 = tpu.memref_squeeze %dma_wait3A_1051 : memref<1x!tpu.dma_semaphore, #tpu.memory_space<semaphore_mem>> -> memref<!tpu.dma_semaphore, #tpu.memory_space<semaphore_mem>>
        tpu.wait_indirect_dma semaphore(%dma_wait3A_1052 : memref<!tpu.dma_semaphore, #tpu.memory_space<semaphore_mem>>) src(%dma_wait3A_1044 : memref<125x64xbf16, #tpu.memory_space<vmem>>) dst(%dma_wait3A_1050 : memref<10240x64xbf16, #tpu.memory_space<vmem_shared>>)
        %add3A_1053 = arith.constant 3 : i32
        %add3A_1054 = arith.addi %add3A_994, %add3A_1053 : i32
        %dma_start3A_1055 = arith.constant 2 : i32
        %dma_start3A_1056 = arith.constant 2 : i32
        %dma_start3A_1057 = arith.constant 0 : i32
        %dma_start3A_1058 = arith.constant 0 : i32
        %dma_start3A_1059 = tpu.memref_slice %arg9[%dma_start3A_1055, %dma_start3A_1057, %dma_start3A_1058] : memref<4x125x64xbf16, #tpu.memory_space<vmem>> -> memref<1x125x64xbf16, #tpu.memory_space<vmem>>
        %dma_start3A_1060 = tpu.memref_squeeze %dma_start3A_1059 : memref<1x125x64xbf16, #tpu.memory_space<vmem>> -> memref<125x64xbf16, #tpu.memory_space<vmem>>
        %dma_start3A_1061 = arith.constant 0 : i32
        %dma_start3A_1062 = tpu.memref_slice %arg7[%add3A_1054, %dma_start3A_1061] : memref<160x125xi32, #tpu.memory_space<vmem>> -> memref<1x125xi32, #tpu.memory_space<vmem>>
        %dma_start3A_1063 = tpu.memref_squeeze %dma_start3A_1062 : memref<1x125xi32, #tpu.memory_space<vmem>> -> memref<125xi32, #tpu.memory_space<vmem>>
        %dma_start3A_1064 = arith.constant 0 : i32
        %dma_start3A_1065 = arith.constant 0 : i32
        %dma_start3A_1066 = tpu.memref_slice %arg2[%dma_start3A_1064, %dma_start3A_1065] : memref<20000x64xbf16, #tpu.memory_space<hbm>> -> memref<20000x64xbf16, #tpu.memory_space<hbm>>
        %dma_start3A_1067 = tpu.memref_slice %arg15[%dma_start3A_1056] : memref<4x!tpu.dma_semaphore, #tpu.memory_space<semaphore_mem>> -> memref<1x!tpu.dma_semaphore, #tpu.memory_space<semaphore_mem>>
        %dma_start3A_1068 = tpu.memref_squeeze %dma_start3A_1067 : memref<1x!tpu.dma_semaphore, #tpu.memory_space<semaphore_mem>> -> memref<!tpu.dma_semaphore, #tpu.memory_space<semaphore_mem>>
        tpu.enqueue_indirect_dma source(%dma_start3A_1066 : memref<20000x64xbf16, #tpu.memory_space<hbm>>) target(%dma_start3A_1060 : memref<125x64xbf16, #tpu.memory_space<vmem>>) offsets(%dma_start3A_1063 : memref<125xi32, #tpu.memory_space<vmem>>) semaphore(%dma_start3A_1068 : memref<!tpu.dma_semaphore, #tpu.memory_space<semaphore_mem>>)
      } else {
      }
    }
    %scan3A_751 = arith.constant 40 : i32
    %dma_wait3A_752 = arith.constant 0 : i32
    %dma_wait3A_753 = arith.constant 156 : i32
    %dma_wait3A_754 = arith.constant 0 : i32
    %dma_wait3A_755 = arith.constant 0 : i32
    %dma_wait3A_756 = arith.constant 0 : i32
    %dma_wait3A_757 = tpu.memref_slice %arg9[%dma_wait3A_752, %dma_wait3A_755, %dma_wait3A_756] : memref<4x125x64xbf16, #tpu.memory_space<vmem>> -> memref<1x125x64xbf16, #tpu.memory_space<vmem>>
    %dma_wait3A_758 = tpu.memref_squeeze %dma_wait3A_757 : memref<1x125x64xbf16, #tpu.memory_space<vmem>> -> memref<125x64xbf16, #tpu.memory_space<vmem>>
    %dma_wait3A_759 = arith.constant 0 : i32
    %dma_wait3A_760 = tpu.memref_slice %arg8[%dma_wait3A_753, %dma_wait3A_759] : memref<160x125xi32, #tpu.memory_space<vmem>> -> memref<1x125xi32, #tpu.memory_space<vmem>>
    %dma_wait3A_761 = tpu.memref_squeeze %dma_wait3A_760 : memref<1x125xi32, #tpu.memory_space<vmem>> -> memref<125xi32, #tpu.memory_space<vmem>>
    %dma_wait3A_762 = arith.constant 0 : i32
    %dma_wait3A_763 = arith.constant 0 : i32
    %dma_wait3A_764 = tpu.memref_slice %arg13[%dma_wait3A_762, %dma_wait3A_763] : memref<10240x64xbf16, #tpu.memory_space<vmem_shared>> -> memref<10240x64xbf16, #tpu.memory_space<vmem_shared>>
    %dma_wait3A_765 = tpu.memref_slice %arg16[%dma_wait3A_754] : memref<4x!tpu.dma_semaphore, #tpu.memory_space<semaphore_mem>> -> memref<1x!tpu.dma_semaphore, #tpu.memory_space<semaphore_mem>>
    %dma_wait3A_766 = tpu.memref_squeeze %dma_wait3A_765 : memref<1x!tpu.dma_semaphore, #tpu.memory_space<semaphore_mem>> -> memref<!tpu.dma_semaphore, #tpu.memory_space<semaphore_mem>>
    tpu.wait_indirect_dma semaphore(%dma_wait3A_766 : memref<!tpu.dma_semaphore, #tpu.memory_space<semaphore_mem>>) src(%dma_wait3A_758 : memref<125x64xbf16, #tpu.memory_space<vmem>>) dst(%dma_wait3A_764 : memref<10240x64xbf16, #tpu.memory_space<vmem_shared>>)
    %eq3A = arith.constant 0 : i32
    %eq3A_767 = arith.cmpi eq, %arg0, %eq3A : i32
    %convert_element_type3A = arith.extui %eq3A_767 : i1 to i32
    %cond3A = arith.constant 0 : i32
    %cond3A_768 = arith.cmpi ne, %convert_element_type3A, %cond3A : i32
    scf.if %cond3A_768 {
      %dma_wait3A_835 = arith.constant 156 : i32
      %dma_wait3A_836 = arith.constant 0 : i32
      %dma_wait3A_837 = arith.constant 0 : i32
      %dma_wait3A_838 = tpu.memref_slice %arg8[%dma_wait3A_835, %dma_wait3A_837] : memref<160x125xi32, #tpu.memory_space<vmem>> -> memref<1x125xi32, #tpu.memory_space<vmem>>
      %dma_wait3A_839 = tpu.memref_squeeze %dma_wait3A_838 : memref<1x125xi32, #tpu.memory_space<vmem>> -> memref<125xi32, #tpu.memory_space<vmem>>
      %dma_wait3A_840 = arith.constant 0 : i32
      %dma_wait3A_841 = arith.constant 0 : i32
      %dma_wait3A_842 = tpu.memref_slice %arg14[%dma_wait3A_840, %dma_wait3A_841] : memref<10240x16xf32, #tpu.memory_space<vmem_shared>> -> memref<10240x16xf32, #tpu.memory_space<vmem_shared>>
      %dma_wait3A_843 = tpu.memref_slice %arg17[%dma_wait3A_836] : memref<4x!tpu.dma_semaphore, #tpu.memory_space<semaphore_mem>> -> memref<1x!tpu.dma_semaphore, #tpu.memory_space<semaphore_mem>>
      %dma_wait3A_844 = tpu.memref_squeeze %dma_wait3A_843 : memref<1x!tpu.dma_semaphore, #tpu.memory_space<semaphore_mem>> -> memref<!tpu.dma_semaphore, #tpu.memory_space<semaphore_mem>>
      tpu.wait_indirect_dma semaphore(%dma_wait3A_844 : memref<!tpu.dma_semaphore, #tpu.memory_space<semaphore_mem>>) src(%arg10 : memref<125x16xf32, #tpu.memory_space<vmem>>) dst(%dma_wait3A_842 : memref<10240x16xf32, #tpu.memory_space<vmem_shared>>)
    } else {
    }
    %dma_wait3A_769 = arith.constant 1 : i32
    %dma_wait3A_770 = arith.constant 157 : i32
    %dma_wait3A_771 = arith.constant 1 : i32
    %dma_wait3A_772 = arith.constant 0 : i32
    %dma_wait3A_773 = arith.constant 0 : i32
    %dma_wait3A_774 = tpu.memref_slice %arg9[%dma_wait3A_769, %dma_wait3A_772, %dma_wait3A_773] : memref<4x125x64xbf16, #tpu.memory_space<vmem>> -> memref<1x125x64xbf16, #tpu.memory_space<vmem>>
    %dma_wait3A_775 = tpu.memref_squeeze %dma_wait3A_774 : memref<1x125x64xbf16, #tpu.memory_space<vmem>> -> memref<125x64xbf16, #tpu.memory_space<vmem>>
    %dma_wait3A_776 = arith.constant 0 : i32
    %dma_wait3A_777 = tpu.memref_slice %arg8[%dma_wait3A_770, %dma_wait3A_776] : memref<160x125xi32, #tpu.memory_space<vmem>> -> memref<1x125xi32, #tpu.memory_space<vmem>>
    %dma_wait3A_778 = tpu.memref_squeeze %dma_wait3A_777 : memref<1x125xi32, #tpu.memory_space<vmem>> -> memref<125xi32, #tpu.memory_space<vmem>>
    %dma_wait3A_779 = arith.constant 0 : i32
    %dma_wait3A_780 = arith.constant 0 : i32
    %dma_wait3A_781 = tpu.memref_slice %arg13[%dma_wait3A_779, %dma_wait3A_780] : memref<10240x64xbf16, #tpu.memory_space<vmem_shared>> -> memref<10240x64xbf16, #tpu.memory_space<vmem_shared>>
    %dma_wait3A_782 = tpu.memref_slice %arg16[%dma_wait3A_771] : memref<4x!tpu.dma_semaphore, #tpu.memory_space<semaphore_mem>> -> memref<1x!tpu.dma_semaphore, #tpu.memory_space<semaphore_mem>>
    %dma_wait3A_783 = tpu.memref_squeeze %dma_wait3A_782 : memref<1x!tpu.dma_semaphore, #tpu.memory_space<semaphore_mem>> -> memref<!tpu.dma_semaphore, #tpu.memory_space<semaphore_mem>>
    tpu.wait_indirect_dma semaphore(%dma_wait3A_783 : memref<!tpu.dma_semaphore, #tpu.memory_space<semaphore_mem>>) src(%dma_wait3A_775 : memref<125x64xbf16, #tpu.memory_space<vmem>>) dst(%dma_wait3A_781 : memref<10240x64xbf16, #tpu.memory_space<vmem_shared>>)
    %eq3A_784 = arith.constant 1 : i32
    %eq3A_785 = arith.cmpi eq, %arg0, %eq3A_784 : i32
    %convert_element_type3A_786 = arith.extui %eq3A_785 : i1 to i32
    %cond3A_787 = arith.constant 0 : i32
    %cond3A_788 = arith.cmpi ne, %convert_element_type3A_786, %cond3A_787 : i32
    scf.if %cond3A_788 {
      %dma_wait3A_835 = arith.constant 157 : i32
      %dma_wait3A_836 = arith.constant 1 : i32
      %dma_wait3A_837 = arith.constant 0 : i32
      %dma_wait3A_838 = tpu.memref_slice %arg8[%dma_wait3A_835, %dma_wait3A_837] : memref<160x125xi32, #tpu.memory_space<vmem>> -> memref<1x125xi32, #tpu.memory_space<vmem>>
      %dma_wait3A_839 = tpu.memref_squeeze %dma_wait3A_838 : memref<1x125xi32, #tpu.memory_space<vmem>> -> memref<125xi32, #tpu.memory_space<vmem>>
      %dma_wait3A_840 = arith.constant 0 : i32
      %dma_wait3A_841 = arith.constant 0 : i32
      %dma_wait3A_842 = tpu.memref_slice %arg14[%dma_wait3A_840, %dma_wait3A_841] : memref<10240x16xf32, #tpu.memory_space<vmem_shared>> -> memref<10240x16xf32, #tpu.memory_space<vmem_shared>>
      %dma_wait3A_843 = tpu.memref_slice %arg17[%dma_wait3A_836] : memref<4x!tpu.dma_semaphore, #tpu.memory_space<semaphore_mem>> -> memref<1x!tpu.dma_semaphore, #tpu.memory_space<semaphore_mem>>
      %dma_wait3A_844 = tpu.memref_squeeze %dma_wait3A_843 : memref<1x!tpu.dma_semaphore, #tpu.memory_space<semaphore_mem>> -> memref<!tpu.dma_semaphore, #tpu.memory_space<semaphore_mem>>
      tpu.wait_indirect_dma semaphore(%dma_wait3A_844 : memref<!tpu.dma_semaphore, #tpu.memory_space<semaphore_mem>>) src(%arg10 : memref<125x16xf32, #tpu.memory_space<vmem>>) dst(%dma_wait3A_842 : memref<10240x16xf32, #tpu.memory_space<vmem_shared>>)
    } else {
    }
    %dma_wait3A_789 = arith.constant 2 : i32
    %dma_wait3A_790 = arith.constant 158 : i32
    %dma_wait3A_791 = arith.constant 2 : i32
    %dma_wait3A_792 = arith.constant 0 : i32
    %dma_wait3A_793 = arith.constant 0 : i32
    %dma_wait3A_794 = tpu.memref_slice %arg9[%dma_wait3A_789, %dma_wait3A_792, %dma_wait3A_793] : memref<4x125x64xbf16, #tpu.memory_space<vmem>> -> memref<1x125x64xbf16, #tpu.memory_space<vmem>>
    %dma_wait3A_795 = tpu.memref_squeeze %dma_wait3A_794 : memref<1x125x64xbf16, #tpu.memory_space<vmem>> -> memref<125x64xbf16, #tpu.memory_space<vmem>>
    %dma_wait3A_796 = arith.constant 0 : i32
    %dma_wait3A_797 = tpu.memref_slice %arg8[%dma_wait3A_790, %dma_wait3A_796] : memref<160x125xi32, #tpu.memory_space<vmem>> -> memref<1x125xi32, #tpu.memory_space<vmem>>
    %dma_wait3A_798 = tpu.memref_squeeze %dma_wait3A_797 : memref<1x125xi32, #tpu.memory_space<vmem>> -> memref<125xi32, #tpu.memory_space<vmem>>
    %dma_wait3A_799 = arith.constant 0 : i32
    %dma_wait3A_800 = arith.constant 0 : i32
    %dma_wait3A_801 = tpu.memref_slice %arg13[%dma_wait3A_799, %dma_wait3A_800] : memref<10240x64xbf16, #tpu.memory_space<vmem_shared>> -> memref<10240x64xbf16, #tpu.memory_space<vmem_shared>>
    %dma_wait3A_802 = tpu.memref_slice %arg16[%dma_wait3A_791] : memref<4x!tpu.dma_semaphore, #tpu.memory_space<semaphore_mem>> -> memref<1x!tpu.dma_semaphore, #tpu.memory_space<semaphore_mem>>
    %dma_wait3A_803 = tpu.memref_squeeze %dma_wait3A_802 : memref<1x!tpu.dma_semaphore, #tpu.memory_space<semaphore_mem>> -> memref<!tpu.dma_semaphore, #tpu.memory_space<semaphore_mem>>
    tpu.wait_indirect_dma semaphore(%dma_wait3A_803 : memref<!tpu.dma_semaphore, #tpu.memory_space<semaphore_mem>>) src(%dma_wait3A_795 : memref<125x64xbf16, #tpu.memory_space<vmem>>) dst(%dma_wait3A_801 : memref<10240x64xbf16, #tpu.memory_space<vmem_shared>>)
    %eq3A_804 = arith.constant 0 : i32
    %eq3A_805 = arith.cmpi eq, %arg0, %eq3A_804 : i32
    %convert_element_type3A_806 = arith.extui %eq3A_805 : i1 to i32
    %cond3A_807 = arith.constant 0 : i32
    %cond3A_808 = arith.cmpi ne, %convert_element_type3A_806, %cond3A_807 : i32
    scf.if %cond3A_808 {
      %dma_wait3A_835 = arith.constant 158 : i32
      %dma_wait3A_836 = arith.constant 2 : i32
      %dma_wait3A_837 = arith.constant 0 : i32
      %dma_wait3A_838 = tpu.memref_slice %arg8[%dma_wait3A_835, %dma_wait3A_837] : memref<160x125xi32, #tpu.memory_space<vmem>> -> memref<1x125xi32, #tpu.memory_space<vmem>>
      %dma_wait3A_839 = tpu.memref_squeeze %dma_wait3A_838 : memref<1x125xi32, #tpu.memory_space<vmem>> -> memref<125xi32, #tpu.memory_space<vmem>>
      %dma_wait3A_840 = arith.constant 0 : i32
      %dma_wait3A_841 = arith.constant 0 : i32
      %dma_wait3A_842 = tpu.memref_slice %arg14[%dma_wait3A_840, %dma_wait3A_841] : memref<10240x16xf32, #tpu.memory_space<vmem_shared>> -> memref<10240x16xf32, #tpu.memory_space<vmem_shared>>
      %dma_wait3A_843 = tpu.memref_slice %arg17[%dma_wait3A_836] : memref<4x!tpu.dma_semaphore, #tpu.memory_space<semaphore_mem>> -> memref<1x!tpu.dma_semaphore, #tpu.memory_space<semaphore_mem>>
      %dma_wait3A_844 = tpu.memref_squeeze %dma_wait3A_843 : memref<1x!tpu.dma_semaphore, #tpu.memory_space<semaphore_mem>> -> memref<!tpu.dma_semaphore, #tpu.memory_space<semaphore_mem>>
      tpu.wait_indirect_dma semaphore(%dma_wait3A_844 : memref<!tpu.dma_semaphore, #tpu.memory_space<semaphore_mem>>) src(%arg10 : memref<125x16xf32, #tpu.memory_space<vmem>>) dst(%dma_wait3A_842 : memref<10240x16xf32, #tpu.memory_space<vmem_shared>>)
    } else {
    }
    %dma_wait3A_809 = arith.constant 3 : i32
    %dma_wait3A_810 = arith.constant 159 : i32
    %dma_wait3A_811 = arith.constant 3 : i32
    %dma_wait3A_812 = arith.constant 0 : i32
    %dma_wait3A_813 = arith.constant 0 : i32
    %dma_wait3A_814 = tpu.memref_slice %arg9[%dma_wait3A_809, %dma_wait3A_812, %dma_wait3A_813] : memref<4x125x64xbf16, #tpu.memory_space<vmem>> -> memref<1x125x64xbf16, #tpu.memory_space<vmem>>
    %dma_wait3A_815 = tpu.memref_squeeze %dma_wait3A_814 : memref<1x125x64xbf16, #tpu.memory_space<vmem>> -> memref<125x64xbf16, #tpu.memory_space<vmem>>
    %dma_wait3A_816 = arith.constant 0 : i32
    %dma_wait3A_817 = tpu.memref_slice %arg8[%dma_wait3A_810, %dma_wait3A_816] : memref<160x125xi32, #tpu.memory_space<vmem>> -> memref<1x125xi32, #tpu.memory_space<vmem>>
    %dma_wait3A_818 = tpu.memref_squeeze %dma_wait3A_817 : memref<1x125xi32, #tpu.memory_space<vmem>> -> memref<125xi32, #tpu.memory_space<vmem>>
    %dma_wait3A_819 = arith.constant 0 : i32
    %dma_wait3A_820 = arith.constant 0 : i32
    %dma_wait3A_821 = tpu.memref_slice %arg13[%dma_wait3A_819, %dma_wait3A_820] : memref<10240x64xbf16, #tpu.memory_space<vmem_shared>> -> memref<10240x64xbf16, #tpu.memory_space<vmem_shared>>
    %dma_wait3A_822 = tpu.memref_slice %arg16[%dma_wait3A_811] : memref<4x!tpu.dma_semaphore, #tpu.memory_space<semaphore_mem>> -> memref<1x!tpu.dma_semaphore, #tpu.memory_space<semaphore_mem>>
    %dma_wait3A_823 = tpu.memref_squeeze %dma_wait3A_822 : memref<1x!tpu.dma_semaphore, #tpu.memory_space<semaphore_mem>> -> memref<!tpu.dma_semaphore, #tpu.memory_space<semaphore_mem>>
    tpu.wait_indirect_dma semaphore(%dma_wait3A_823 : memref<!tpu.dma_semaphore, #tpu.memory_space<semaphore_mem>>) src(%dma_wait3A_815 : memref<125x64xbf16, #tpu.memory_space<vmem>>) dst(%dma_wait3A_821 : memref<10240x64xbf16, #tpu.memory_space<vmem_shared>>)
    %eq3A_824 = arith.constant 1 : i32
    %eq3A_825 = arith.cmpi eq, %arg0, %eq3A_824 : i32
    %convert_element_type3A_826 = arith.extui %eq3A_825 : i1 to i32
    %cond3A_827 = arith.constant 0 : i32
    %cond3A_828 = arith.cmpi ne, %convert_element_type3A_826, %cond3A_827 : i32
    scf.if %cond3A_828 {
      %dma_wait3A_835 = arith.constant 159 : i32
      %dma_wait3A_836 = arith.constant 3 : i32
      %dma_wait3A_837 = arith.constant 0 : i32
      %dma_wait3A_838 = tpu.memref_slice %arg8[%dma_wait3A_835, %dma_wait3A_837] : memref<160x125xi32, #tpu.memory_space<vmem>> -> memref<1x125xi32, #tpu.memory_space<vmem>>
      %dma_wait3A_839 = tpu.memref_squeeze %dma_wait3A_838 : memref<1x125xi32, #tpu.memory_space<vmem>> -> memref<125xi32, #tpu.memory_space<vmem>>
      %dma_wait3A_840 = arith.constant 0 : i32
      %dma_wait3A_841 = arith.constant 0 : i32
      %dma_wait3A_842 = tpu.memref_slice %arg14[%dma_wait3A_840, %dma_wait3A_841] : memref<10240x16xf32, #tpu.memory_space<vmem_shared>> -> memref<10240x16xf32, #tpu.memory_space<vmem_shared>>
      %dma_wait3A_843 = tpu.memref_slice %arg17[%dma_wait3A_836] : memref<4x!tpu.dma_semaphore, #tpu.memory_space<semaphore_mem>> -> memref<1x!tpu.dma_semaphore, #tpu.memory_space<semaphore_mem>>
      %dma_wait3A_844 = tpu.memref_squeeze %dma_wait3A_843 : memref<1x!tpu.dma_semaphore, #tpu.memory_space<semaphore_mem>> -> memref<!tpu.dma_semaphore, #tpu.memory_space<semaphore_mem>>
      tpu.wait_indirect_dma semaphore(%dma_wait3A_844 : memref<!tpu.dma_semaphore, #tpu.memory_space<semaphore_mem>>) src(%arg10 : memref<125x16xf32, #tpu.memory_space<vmem>>) dst(%dma_wait3A_842 : memref<10240x16xf32, #tpu.memory_space<vmem_shared>>)
    } else {
    }
    %barrier3A_829 = arith.constant 0 : index
    tpu.barrier barrier_id(%barrier3A_829)
    %mul3A_830 = arith.constant 10240 : i32
    %mul3A_831 = arith.muli %arg0, %mul3A_830 : i32
    %mul3A_832 = arith.constant 640 : i32
    %mul3A_833 = arith.muli %arg1, %mul3A_832 : i32
    %add3A_834 = arith.addi %mul3A_831, %mul3A_833 : i32
    "tpu.region"() ({
      %run_scoped3A = tpu.sem_alloc : memref<!tpu.dma_semaphore, #tpu.memory_space<semaphore_mem>>
      %dma_start3A_835 = arith.constant 0 : i32
      %dma_start3A_836 = tpu.memref_slice %arg5[%add3A_834, %dma_start3A_835] : memref<20480x64xbf16, #tpu.memory_space<hbm>> -> memref<640x64xbf16, #tpu.memory_space<hbm>>
      %dma_start3A_837 = arith.constant 0 : i32
      %dma_start3A_838 = tpu.memref_slice %arg13[%mul3A_39, %dma_start3A_837] : memref<10240x64xbf16, #tpu.memory_space<vmem_shared>> -> memref<640x64xbf16, #tpu.memory_space<vmem_shared>>
      tpu.enqueue_dma source(%dma_start3A_838 : memref<640x64xbf16, #tpu.memory_space<vmem_shared>>) target(%dma_start3A_836 : memref<640x64xbf16, #tpu.memory_space<hbm>>) target_semaphore(%run_scoped3A : memref<!tpu.dma_semaphore, #tpu.memory_space<semaphore_mem>>)
      %dma_wait3A_839 = arith.constant 0 : i32
      %dma_wait3A_840 = tpu.memref_slice %arg5[%add3A_834, %dma_wait3A_839] : memref<20480x64xbf16, #tpu.memory_space<hbm>> -> memref<640x64xbf16, #tpu.memory_space<hbm>>
      %dma_wait3A_841 = arith.constant 0 : i32
      %dma_wait3A_842 = tpu.memref_slice %arg13[%mul3A_39, %dma_wait3A_841] : memref<10240x64xbf16, #tpu.memory_space<vmem_shared>> -> memref<640x64xbf16, #tpu.memory_space<vmem_shared>>
      tpu.wait_dma2 semaphore(%run_scoped3A : memref<!tpu.dma_semaphore, #tpu.memory_space<semaphore_mem>>) src(%dma_wait3A_842 : memref<640x64xbf16, #tpu.memory_space<vmem_shared>>) dst(%dma_wait3A_840 : memref<640x64xbf16, #tpu.memory_space<hbm>>)
      tpu.yield
    }) : () -> ()
    "tpu.region"() ({
      %run_scoped3A = tpu.sem_alloc : memref<!tpu.dma_semaphore, #tpu.memory_space<semaphore_mem>>
      %dma_start3A_835 = arith.constant 0 : i32
      %dma_start3A_836 = tpu.memref_slice %arg6[%add3A_834, %dma_start3A_835] : memref<20480x16xf32, #tpu.memory_space<hbm>> -> memref<640x16xf32, #tpu.memory_space<hbm>>
      %dma_start3A_837 = arith.constant 0 : i32
      %dma_start3A_838 = tpu.memref_slice %arg14[%mul3A_39, %dma_start3A_837] : memref<10240x16xf32, #tpu.memory_space<vmem_shared>> -> memref<640x16xf32, #tpu.memory_space<vmem_shared>>
      tpu.enqueue_dma source(%dma_start3A_838 : memref<640x16xf32, #tpu.memory_space<vmem_shared>>) target(%dma_start3A_836 : memref<640x16xf32, #tpu.memory_space<hbm>>) target_semaphore(%run_scoped3A : memref<!tpu.dma_semaphore, #tpu.memory_space<semaphore_mem>>)
      %dma_wait3A_839 = arith.constant 0 : i32
      %dma_wait3A_840 = tpu.memref_slice %arg6[%add3A_834, %dma_wait3A_839] : memref<20480x16xf32, #tpu.memory_space<hbm>> -> memref<640x16xf32, #tpu.memory_space<hbm>>
      %dma_wait3A_841 = arith.constant 0 : i32
      %dma_wait3A_842 = tpu.memref_slice %arg14[%mul3A_39, %dma_wait3A_841] : memref<10240x16xf32, #tpu.memory_space<vmem_shared>> -> memref<640x16xf32, #tpu.memory_space<vmem_shared>>
      tpu.wait_dma2 semaphore(%run_scoped3A : memref<!tpu.dma_semaphore, #tpu.memory_space<semaphore_mem>>) src(%dma_wait3A_842 : memref<640x16xf32, #tpu.memory_space<vmem_shared>>) dst(%dma_wait3A_840 : memref<640x16xf32, #tpu.memory_space<hbm>>)
      tpu.yield
    }) : () -> ()
    return
  }
}

#map = affine_map<(d0, d1) -> (0, 0)>
#map1 = affine_map<(d0, d1) -> (0, 0, 0)>
module attributes {stable_mosaic.version = 14 : i64} {
  func.func @_sc_body(%arg0: i32, %arg1: i32, %arg2: memref<20000x64xbf16, #tpu.memory_space<hbm>>, %arg3: memref<32x160x125xi32, #tpu.memory_space<hbm>>, %arg4: memref<16x160x125xi32, #tpu.memory_space<hbm>>, %arg5: memref<20480x64xbf16, #tpu.memory_space<hbm>>, %arg6: memref<20480x16xf32, #tpu.memory_space<hbm>>, %arg7: memref<160x125xi32, #tpu.memory_space<vmem>>, %arg8: memref<160x125xi32, #tpu.memory_space<vmem>>, %arg9: memref<4x125x64xbf16, #tpu.memory_space<vmem>>, %arg10: memref<125x16xf32, #tpu.memory_space<vmem>>, %arg11: memref<32x64xbf16, #tpu.memory_space<vmem>>, %arg12: memref<32x16xf32, #tpu.memory_space<vmem>>, %arg13: memref<10240x64xbf16, #tpu.memory_space<vmem_shared>>, %arg14: memref<10240x16xf32, #tpu.memory_space<vmem_shared>>, %arg15: memref<4x!tpu.dma_semaphore, #tpu.memory_space<semaphore_mem>>, %arg16: memref<4x!tpu.dma_semaphore, #tpu.memory_space<semaphore_mem>>, %arg17: memref<4x!tpu.dma_semaphore, #tpu.memory_space<semaphore_mem>>) attributes {dimension_semantics = [#tpu.dimension_semantics<core_parallel>, #tpu.dimension_semantics<subcore_parallel>], iteration_bounds = array<i64: 2, 16>, scalar_prefetch = 0 : i64, scratch_operands = 11 : i64, tpu.core_type = #tpu.core_type<sc_vector_subcore>, window_params = [{transform_indices = #map}, {transform_indices = #map1}, {transform_indices = #map1}, {transform_indices = #map}, {transform_indices = #map}]} {
    %mul3A = arith.constant 16 : i32
    %mul3A_0 = arith.muli %arg0, %mul3A : i32
    %add3A = arith.addi %mul3A_0, %arg1 : i32
    %dma_start3A = arith.constant 0 : i32
    %dma_start3A_1 = arith.constant 0 : i32
    %dma_start3A_2 = arith.constant 0 : i32
    %dma_start3A_3 = tpu.memref_slice %arg3[%add3A, %dma_start3A_1, %dma_start3A_2] : memref<32x160x125xi32, #tpu.memory_space<hbm>> -> memref<1x160x125xi32, #tpu.memory_space<hbm>>
    %dma_start3A_4 = tpu.memref_squeeze %dma_start3A_3 : memref<1x160x125xi32, #tpu.memory_space<hbm>> -> memref<160x125xi32, #tpu.memory_space<hbm>>
    %dma_start3A_5 = tpu.memref_slice %arg15[%dma_start3A] : memref<4x!tpu.dma_semaphore, #tpu.memory_space<semaphore_mem>> -> memref<1x!tpu.dma_semaphore, #tpu.memory_space<semaphore_mem>>
    %dma_start3A_6 = tpu.memref_squeeze %dma_start3A_5 : memref<1x!tpu.dma_semaphore, #tpu.memory_space<semaphore_mem>> -> memref<!tpu.dma_semaphore, #tpu.memory_space<semaphore_mem>>
    %dma_start3A_7 = arith.constant 0 : i32
    %dma_start3A_8 = arith.constant 0 : i32
    %dma_start3A_9 = tpu.memref_slice %arg3[%add3A, %dma_start3A_7, %dma_start3A_8] : memref<32x160x125xi32, #tpu.memory_space<hbm>> -> memref<1x160x125xi32, #tpu.memory_space<hbm>>
    %dma_start3A_10 = tpu.memref_squeeze %dma_start3A_9 : memref<1x160x125xi32, #tpu.memory_space<hbm>> -> memref<160x125xi32, #tpu.memory_space<hbm>>
    tpu.enqueue_dma source(%dma_start3A_10 : memref<160x125xi32, #tpu.memory_space<hbm>>) target(%arg7 : memref<160x125xi32, #tpu.memory_space<vmem>>) target_semaphore(%dma_start3A_6 : memref<!tpu.dma_semaphore, #tpu.memory_space<semaphore_mem>>)
    %dma_start3A_11 = arith.constant 1 : i32
    %dma_start3A_12 = arith.constant 0 : i32
    %dma_start3A_13 = arith.constant 0 : i32
    %dma_start3A_14 = tpu.memref_slice %arg4[%arg1, %dma_start3A_12, %dma_start3A_13] : memref<16x160x125xi32, #tpu.memory_space<hbm>> -> memref<1x160x125xi32, #tpu.memory_space<hbm>>
    %dma_start3A_15 = tpu.memref_squeeze %dma_start3A_14 : memref<1x160x125xi32, #tpu.memory_space<hbm>> -> memref<160x125xi32, #tpu.memory_space<hbm>>
    %dma_start3A_16 = tpu.memref_slice %arg15[%dma_start3A_11] : memref<4x!tpu.dma_semaphore, #tpu.memory_space<semaphore_mem>> -> memref<1x!tpu.dma_semaphore, #tpu.memory_space<semaphore_mem>>
    %dma_start3A_17 = tpu.memref_squeeze %dma_start3A_16 : memref<1x!tpu.dma_semaphore, #tpu.memory_space<semaphore_mem>> -> memref<!tpu.dma_semaphore, #tpu.memory_space<semaphore_mem>>
    %dma_start3A_18 = arith.constant 0 : i32
    %dma_start3A_19 = arith.constant 0 : i32
    %dma_start3A_20 = tpu.memref_slice %arg4[%arg1, %dma_start3A_18, %dma_start3A_19] : memref<16x160x125xi32, #tpu.memory_space<hbm>> -> memref<1x160x125xi32, #tpu.memory_space<hbm>>
    %dma_start3A_21 = tpu.memref_squeeze %dma_start3A_20 : memref<1x160x125xi32, #tpu.memory_space<hbm>> -> memref<160x125xi32, #tpu.memory_space<hbm>>
    tpu.enqueue_dma source(%dma_start3A_21 : memref<160x125xi32, #tpu.memory_space<hbm>>) target(%arg8 : memref<160x125xi32, #tpu.memory_space<vmem>>) target_semaphore(%dma_start3A_17 : memref<!tpu.dma_semaphore, #tpu.memory_space<semaphore_mem>>)
    %broadcast_in_dim3A = arith.constant 0.000000e+00 : bf16
    %broadcast_in_dim3A_22 = vector.broadcast %broadcast_in_dim3A : bf16 to vector<32xbf16>
    %broadcast_in_dim3A_23 = arith.constant 0.000000e+00 : f32
    %broadcast_in_dim3A_24 = vector.broadcast %broadcast_in_dim3A_23 : f32 to vector<16xf32>
    %broadcast_in_dim3A_25 = arith.constant 1.000000e+00 : f32
    %broadcast_in_dim3A_26 = vector.broadcast %broadcast_in_dim3A_25 : f32 to vector<16xf32>
    %scan3A = arith.constant 0 : i32
    %scan3A_27 = arith.constant 0 : i32
    %scan3A_28 = arith.constant 32 : i32
    %scan3A_29 = arith.addi %scan3A_27, %scan3A_28 : i32
    %scan3A_30 = arith.constant 1 : i32
    scf.for %scan3A_835 = %scan3A_27 to %scan3A_29 step %scan3A_30  : i32 {
      %swap3A = arith.index_cast %scan3A_835 : i32 to index
      %swap3A_836 = arith.constant 0 : index
      %swap3A_837 = tpu.vector_load %arg11[%swap3A, %swap3A_836] {strides = array<i32>} : memref<32x64xbf16, #tpu.memory_space<vmem>>, vector<1x32xbf16>,
      %swap3A_838 = vector.shape_cast %swap3A_837 : vector<1x32xbf16> to vector<32xbf16>
      %swap3A_839 = vector.shape_cast %broadcast_in_dim3A_22 : vector<32xbf16> to vector<1x32xbf16>
      tpu.vector_store %arg11[%swap3A, %swap3A_836], %swap3A_839 {strides = array<i32>} : memref<32x64xbf16, #tpu.memory_space<vmem>>, vector<1x32xbf16>,
      %swap3A_840 = arith.index_cast %scan3A_835 : i32 to index
      %swap3A_841 = arith.constant 32 : index
      %swap3A_842 = tpu.vector_load %arg11[%swap3A_840, %swap3A_841] {strides = array<i32>} : memref<32x64xbf16, #tpu.memory_space<vmem>>, vector<1x32xbf16>,
      %swap3A_843 = vector.shape_cast %swap3A_842 : vector<1x32xbf16> to vector<32xbf16>
      %swap3A_844 = vector.shape_cast %broadcast_in_dim3A_22 : vector<32xbf16> to vector<1x32xbf16>
      tpu.vector_store %arg11[%swap3A_840, %swap3A_841], %swap3A_844 {strides = array<i32>} : memref<32x64xbf16, #tpu.memory_space<vmem>>, vector<1x32xbf16>,
      %swap3A_845 = arith.index_cast %scan3A_835 : i32 to index
      %swap3A_846 = arith.constant 0 : index
      %swap3A_847 = tpu.vector_load %arg12[%swap3A_845, %swap3A_846] {strides = array<i32>} : memref<32x16xf32, #tpu.memory_space<vmem>>, vector<1x16xf32>,
      %swap3A_848 = vector.shape_cast %swap3A_847 : vector<1x16xf32> to vector<16xf32>
      %swap3A_849 = vector.shape_cast %broadcast_in_dim3A_24 : vector<16xf32> to vector<1x16xf32>
      tpu.vector_store %arg12[%swap3A_845, %swap3A_846], %swap3A_849 {strides = array<i32>} : memref<32x16xf32, #tpu.memory_space<vmem>>, vector<1x16xf32>,
    }
    %scan3A_31 = arith.constant 32 : i32
    %scan3A_32 = arith.constant 0 : i32
    %scan3A_33 = arith.constant 0 : i32
    %scan3A_34 = arith.constant 125 : i32
    %scan3A_35 = arith.addi %scan3A_33, %scan3A_34 : i32
    %scan3A_36 = arith.constant 1 : i32
    scf.for %scan3A_835 = %scan3A_33 to %scan3A_35 step %scan3A_36  : i32 {
      %swap3A = arith.index_cast %scan3A_835 : i32 to index
      %swap3A_836 = arith.constant 0 : index
      %swap3A_837 = tpu.vector_load %arg10[%swap3A, %swap3A_836] {strides = array<i32>} : memref<125x16xf32, #tpu.memory_space<vmem>>, vector<1x16xf32>,
      %swap3A_838 = vector.shape_cast %swap3A_837 : vector<1x16xf32> to vector<16xf32>
      %swap3A_839 = vector.shape_cast %broadcast_in_dim3A_26 : vector<16xf32> to vector<1x16xf32>
      tpu.vector_store %arg10[%swap3A, %swap3A_836], %swap3A_839 {strides = array<i32>} : memref<125x16xf32, #tpu.memory_space<vmem>>, vector<1x16xf32>,
    }
    %scan3A_37 = arith.constant 125 : i32
    %mul3A_38 = arith.constant 640 : i32
    %mul3A_39 = arith.muli %arg1, %mul3A_38 : i32
    %add3A_40 = arith.constant 0 : i32
    %add3A_41 = arith.addi %mul3A_39, %add3A_40 : i32
    %dma_start3A_42 = arith.constant 0 : i32
    %dma_start3A_43 = arith.constant 0 : i32
    %dma_start3A_44 = tpu.memref_slice %arg13[%add3A_41, %dma_start3A_43] : memref<10240x64xbf16, #tpu.memory_space<vmem_shared>> -> memref<32x64xbf16, #tpu.memory_space<vmem_shared>>
    %dma_start3A_45 = tpu.memref_slice %arg16[%dma_start3A_42] : memref<4x!tpu.dma_semaphore, #tpu.memory_space<semaphore_mem>> -> memref<1x!tpu.dma_semaphore, #tpu.memory_space<semaphore_mem>>
    %dma_start3A_46 = tpu.memref_squeeze %dma_start3A_45 : memref<1x!tpu.dma_semaphore, #tpu.memory_space<semaphore_mem>> -> memref<!tpu.dma_semaphore, #tpu.memory_space<semaphore_mem>>
    %dma_start3A_47 = arith.constant 0 : i32
    %dma_start3A_48 = tpu.memref_slice %arg13[%add3A_41, %dma_start3A_47] : memref<10240x64xbf16, #tpu.memory_space<vmem_shared>> -> memref<32x64xbf16, #tpu.memory_space<vmem_shared>>
    tpu.enqueue_dma source(%arg11 : memref<32x64xbf16, #tpu.memory_space<vmem>>) target(%dma_start3A_48 : memref<32x64xbf16, #tpu.memory_space<vmem_shared>>) target_semaphore(%dma_start3A_46 : memref<!tpu.dma_semaphore, #tpu.memory_space<semaphore_mem>>)
    %add3A_49 = arith.constant 0 : i32
    %add3A_50 = arith.addi %mul3A_39, %add3A_49 : i32
    %dma_start3A_51 = arith.constant 0 : i32
    %dma_start3A_52 = arith.constant 0 : i32
    %dma_start3A_53 = tpu.memref_slice %arg14[%add3A_50, %dma_start3A_52] : memref<10240x16xf32, #tpu.memory_space<vmem_shared>> -> memref<32x16xf32, #tpu.memory_space<vmem_shared>>
    %dma_start3A_54 = tpu.memref_slice %arg16[%dma_start3A_51] : memref<4x!tpu.dma_semaphore, #tpu.memory_space<semaphore_mem>> -> memref<1x!tpu.dma_semaphore, #tpu.memory_space<semaphore_mem>>
    %dma_start3A_55 = tpu.memref_squeeze %dma_start3A_54 : memref<1x!tpu.dma_semaphore, #tpu.memory_space<semaphore_mem>> -> memref<!tpu.dma_semaphore, #tpu.memory_space<semaphore_mem>>
    %dma_start3A_56 = arith.constant 0 : i32
    %dma_start3A_57 = tpu.memref_slice %arg14[%add3A_50, %dma_start3A_56] : memref<10240x16xf32, #tpu.memory_space<vmem_shared>> -> memref<32x16xf32, #tpu.memory_space<vmem_shared>>
    tpu.enqueue_dma source(%arg12 : memref<32x16xf32, #tpu.memory_space<vmem>>) target(%dma_start3A_57 : memref<32x16xf32, #tpu.memory_space<vmem_shared>>) target_semaphore(%dma_start3A_55 : memref<!tpu.dma_semaphore, #tpu.memory_space<semaphore_mem>>)
    %add3A_58 = arith.constant 32 : i32
    %add3A_59 = arith.addi %mul3A_39, %add3A_58 : i32
    %dma_start3A_60 = arith.constant 1 : i32
    %dma_start3A_61 = arith.constant 0 : i32
    %dma_start3A_62 = tpu.memref_slice %arg13[%add3A_59, %dma_start3A_61] : memref<10240x64xbf16, #tpu.memory_space<vmem_shared>> -> memref<32x64xbf16, #tpu.memory_space<vmem_shared>>
    %dma_start3A_63 = tpu.memref_slice %arg16[%dma_start3A_60] : memref<4x!tpu.dma_semaphore, #tpu.memory_space<semaphore_mem>> -> memref<1x!tpu.dma_semaphore, #tpu.memory_space<semaphore_mem>>
    %dma_start3A_64 = tpu.memref_squeeze %dma_start3A_63 : memref<1x!tpu.dma_semaphore, #tpu.memory_space<semaphore_mem>> -> memref<!tpu.dma_semaphore, #tpu.memory_space<semaphore_mem>>
    %dma_start3A_65 = arith.constant 0 : i32
    %dma_start3A_66 = tpu.memref_slice %arg13[%add3A_59, %dma_start3A_65] : memref<10240x64xbf16, #tpu.memory_space<vmem_shared>> -> memref<32x64xbf16, #tpu.memory_space<vmem_shared>>
    tpu.enqueue_dma source(%arg11 : memref<32x64xbf16, #tpu.memory_space<vmem>>) target(%dma_start3A_66 : memref<32x64xbf16, #tpu.memory_space<vmem_shared>>) target_semaphore(%dma_start3A_64 : memref<!tpu.dma_semaphore, #tpu.memory_space<semaphore_mem>>)
    %add3A_67 = arith.constant 32 : i32
    %add3A_68 = arith.addi %mul3A_39, %add3A_67 : i32
    %dma_start3A_69 = arith.constant 1 : i32
    %dma_start3A_70 = arith.constant 0 : i32
    %dma_start3A_71 = tpu.memref_slice %arg14[%add3A_68, %dma_start3A_70] : memref<10240x16xf32, #tpu.memory_space<vmem_shared>> -> memref<32x16xf32, #tpu.memory_space<vmem_shared>>
    %dma_start3A_72 = tpu.memref_slice %arg16[%dma_start3A_69] : memref<4x!tpu.dma_semaphore, #tpu.memory_space<semaphore_mem>> -> memref<1x!tpu.dma_semaphore, #tpu.memory_space<semaphore_mem>>
    %dma_start3A_73 = tpu.memref_squeeze %dma_start3A_72 : memref<1x!tpu.dma_semaphore, #tpu.memory_space<semaphore_mem>> -> memref<!tpu.dma_semaphore, #tpu.memory_space<semaphore_mem>>
    %dma_start3A_74 = arith.constant 0 : i32
    %dma_start3A_75 = tpu.memref_slice %arg14[%add3A_68, %dma_start3A_74] : memref<10240x16xf32, #tpu.memory_space<vmem_shared>> -> memref<32x16xf32, #tpu.memory_space<vmem_shared>>
    tpu.enqueue_dma source(%arg12 : memref<32x16xf32, #tpu.memory_space<vmem>>) target(%dma_start3A_75 : memref<32x16xf32, #tpu.memory_space<vmem_shared>>) target_semaphore(%dma_start3A_73 : memref<!tpu.dma_semaphore, #tpu.memory_space<semaphore_mem>>)
    %add3A_76 = arith.constant 64 : i32
    %add3A_77 = arith.addi %mul3A_39, %add3A_76 : i32
    %dma_start3A_78 = arith.constant 2 : i32
    %dma_start3A_79 = arith.constant 0 : i32
    %dma_start3A_80 = tpu.memref_slice %arg13[%add3A_77, %dma_start3A_79] : memref<10240x64xbf16, #tpu.memory_space<vmem_shared>> -> memref<32x64xbf16, #tpu.memory_space<vmem_shared>>
    %dma_start3A_81 = tpu.memref_slice %arg16[%dma_start3A_78] : memref<4x!tpu.dma_semaphore, #tpu.memory_space<semaphore_mem>> -> memref<1x!tpu.dma_semaphore, #tpu.memory_space<semaphore_mem>>
    %dma_start3A_82 = tpu.memref_squeeze %dma_start3A_81 : memref<1x!tpu.dma_semaphore, #tpu.memory_space<semaphore_mem>> -> memref<!tpu.dma_semaphore, #tpu.memory_space<semaphore_mem>>
    %dma_start3A_83 = arith.constant 0 : i32
    %dma_start3A_84 = tpu.memref_slice %arg13[%add3A_77, %dma_start3A_83] : memref<10240x64xbf16, #tpu.memory_space<vmem_shared>> -> memref<32x64xbf16, #tpu.memory_space<vmem_shared>>
    tpu.enqueue_dma source(%arg11 : memref<32x64xbf16, #tpu.memory_space<vmem>>) target(%dma_start3A_84 : memref<32x64xbf16, #tpu.memory_space<vmem_shared>>) target_semaphore(%dma_start3A_82 : memref<!tpu.dma_semaphore, #tpu.memory_space<semaphore_mem>>)
    %add3A_85 = arith.constant 64 : i32
    %add3A_86 = arith.addi %mul3A_39, %add3A_85 : i32
    %dma_start3A_87 = arith.constant 2 : i32
    %dma_start3A_88 = arith.constant 0 : i32
    %dma_start3A_89 = tpu.memref_slice %arg14[%add3A_86, %dma_start3A_88] : memref<10240x16xf32, #tpu.memory_space<vmem_shared>> -> memref<32x16xf32, #tpu.memory_space<vmem_shared>>
    %dma_start3A_90 = tpu.memref_slice %arg16[%dma_start3A_87] : memref<4x!tpu.dma_semaphore, #tpu.memory_space<semaphore_mem>> -> memref<1x!tpu.dma_semaphore, #tpu.memory_space<semaphore_mem>>
    %dma_start3A_91 = tpu.memref_squeeze %dma_start3A_90 : memref<1x!tpu.dma_semaphore, #tpu.memory_space<semaphore_mem>> -> memref<!tpu.dma_semaphore, #tpu.memory_space<semaphore_mem>>
    %dma_start3A_92 = arith.constant 0 : i32
    %dma_start3A_93 = tpu.memref_slice %arg14[%add3A_86, %dma_start3A_92] : memref<10240x16xf32, #tpu.memory_space<vmem_shared>> -> memref<32x16xf32, #tpu.memory_space<vmem_shared>>
    tpu.enqueue_dma source(%arg12 : memref<32x16xf32, #tpu.memory_space<vmem>>) target(%dma_start3A_93 : memref<32x16xf32, #tpu.memory_space<vmem_shared>>) target_semaphore(%dma_start3A_91 : memref<!tpu.dma_semaphore, #tpu.memory_space<semaphore_mem>>)
    %add3A_94 = arith.constant 96 : i32
    %add3A_95 = arith.addi %mul3A_39, %add3A_94 : i32
    %dma_start3A_96 = arith.constant 3 : i32
    %dma_start3A_97 = arith.constant 0 : i32
    %dma_start3A_98 = tpu.memref_slice %arg13[%add3A_95, %dma_start3A_97] : memref<10240x64xbf16, #tpu.memory_space<vmem_shared>> -> memref<32x64xbf16, #tpu.memory_space<vmem_shared>>
    %dma_start3A_99 = tpu.memref_slice %arg16[%dma_start3A_96] : memref<4x!tpu.dma_semaphore, #tpu.memory_space<semaphore_mem>> -> memref<1x!tpu.dma_semaphore, #tpu.memory_space<semaphore_mem>>
    %dma_start3A_100 = tpu.memref_squeeze %dma_start3A_99 : memref<1x!tpu.dma_semaphore, #tpu.memory_space<semaphore_mem>> -> memref<!tpu.dma_semaphore, #tpu.memory_space<semaphore_mem>>
    %dma_start3A_101 = arith.constant 0 : i32
    %dma_start3A_102 = tpu.memref_slice %arg13[%add3A_95, %dma_start3A_101] : memref<10240x64xbf16, #tpu.memory_space<vmem_shared>> -> memref<32x64xbf16, #tpu.memory_space<vmem_shared>>
    tpu.enqueue_dma source(%arg11 : memref<32x64xbf16, #tpu.memory_space<vmem>>) target(%dma_start3A_102 : memref<32x64xbf16, #tpu.memory_space<vmem_shared>>) target_semaphore(%dma_start3A_100 : memref<!tpu.dma_semaphore, #tpu.memory_space<semaphore_mem>>)
    %add3A_103 = arith.constant 96 : i32
    %add3A_104 = arith.addi %mul3A_39, %add3A_103 : i32
    %dma_start3A_105 = arith.constant 3 : i32
    %dma_start3A_106 = arith.constant 0 : i32
    %dma_start3A_107 = tpu.memref_slice %arg14[%add3A_104, %dma_start3A_106] : memref<10240x16xf32, #tpu.memory_space<vmem_shared>> -> memref<32x16xf32, #tpu.memory_space<vmem_shared>>
    %dma_start3A_108 = tpu.memref_slice %arg16[%dma_start3A_105] : memref<4x!tpu.dma_semaphore, #tpu.memory_space<semaphore_mem>> -> memref<1x!tpu.dma_semaphore, #tpu.memory_space<semaphore_mem>>
    %dma_start3A_109 = tpu.memref_squeeze %dma_start3A_108 : memref<1x!tpu.dma_semaphore, #tpu.memory_space<semaphore_mem>> -> memref<!tpu.dma_semaphore, #tpu.memory_space<semaphore_mem>>
    %dma_start3A_110 = arith.constant 0 : i32
    %dma_start3A_111 = tpu.memref_slice %arg14[%add3A_104, %dma_start3A_110] : memref<10240x16xf32, #tpu.memory_space<vmem_shared>> -> memref<32x16xf32, #tpu.memory_space<vmem_shared>>
    tpu.enqueue_dma source(%arg12 : memref<32x16xf32, #tpu.memory_space<vmem>>) target(%dma_start3A_111 : memref<32x16xf32, #tpu.memory_space<vmem_shared>>) target_semaphore(%dma_start3A_109 : memref<!tpu.dma_semaphore, #tpu.memory_space<semaphore_mem>>)
    %add3A_112 = arith.constant 128 : i32
    %add3A_113 = arith.addi %mul3A_39, %add3A_112 : i32
    %dma_start3A_114 = arith.constant 0 : i32
    %dma_start3A_115 = arith.constant 0 : i32
    %dma_start3A_116 = tpu.memref_slice %arg13[%add3A_113, %dma_start3A_115] : memref<10240x64xbf16, #tpu.memory_space<vmem_shared>> -> memref<32x64xbf16, #tpu.memory_space<vmem_shared>>
    %dma_start3A_117 = tpu.memref_slice %arg16[%dma_start3A_114] : memref<4x!tpu.dma_semaphore, #tpu.memory_space<semaphore_mem>> -> memref<1x!tpu.dma_semaphore, #tpu.memory_space<semaphore_mem>>
    %dma_start3A_118 = tpu.memref_squeeze %dma_start3A_117 : memref<1x!tpu.dma_semaphore, #tpu.memory_space<semaphore_mem>> -> memref<!tpu.dma_semaphore, #tpu.memory_space<semaphore_mem>>
    %dma_start3A_119 = arith.constant 0 : i32
    %dma_start3A_120 = tpu.memref_slice %arg13[%add3A_113, %dma_start3A_119] : memref<10240x64xbf16, #tpu.memory_space<vmem_shared>> -> memref<32x64xbf16, #tpu.memory_space<vmem_shared>>
    tpu.enqueue_dma source(%arg11 : memref<32x64xbf16, #tpu.memory_space<vmem>>) target(%dma_start3A_120 : memref<32x64xbf16, #tpu.memory_space<vmem_shared>>) target_semaphore(%dma_start3A_118 : memref<!tpu.dma_semaphore, #tpu.memory_space<semaphore_mem>>)
    %add3A_121 = arith.constant 128 : i32
    %add3A_122 = arith.addi %mul3A_39, %add3A_121 : i32
    %dma_start3A_123 = arith.constant 0 : i32
    %dma_start3A_124 = arith.constant 0 : i32
    %dma_start3A_125 = tpu.memref_slice %arg14[%add3A_122, %dma_start3A_124] : memref<10240x16xf32, #tpu.memory_space<vmem_shared>> -> memref<32x16xf32, #tpu.memory_space<vmem_shared>>
    %dma_start3A_126 = tpu.memref_slice %arg16[%dma_start3A_123] : memref<4x!tpu.dma_semaphore, #tpu.memory_space<semaphore_mem>> -> memref<1x!tpu.dma_semaphore, #tpu.memory_space<semaphore_mem>>
    %dma_start3A_127 = tpu.memref_squeeze %dma_start3A_126 : memref<1x!tpu.dma_semaphore, #tpu.memory_space<semaphore_mem>> -> memref<!tpu.dma_semaphore, #tpu.memory_space<semaphore_mem>>
    %dma_start3A_128 = arith.constant 0 : i32
    %dma_start3A_129 = tpu.memref_slice %arg14[%add3A_122, %dma_start3A_128] : memref<10240x16xf32, #tpu.memory_space<vmem_shared>> -> memref<32x16xf32, #tpu.memory_space<vmem_shared>>
    tpu.enqueue_dma source(%arg12 : memref<32x16xf32, #tpu.memory_space<vmem>>) target(%dma_start3A_129 : memref<32x16xf32, #tpu.memory_space<vmem_shared>>) target_semaphore(%dma_start3A_127 : memref<!tpu.dma_semaphore, #tpu.memory_space<semaphore_mem>>)
    %add3A_130 = arith.constant 160 : i32
    %add3A_131 = arith.addi %mul3A_39, %add3A_130 : i32
    %dma_start3A_132 = arith.constant 1 : i32
    %dma_start3A_133 = arith.constant 0 : i32
    %dma_start3A_134 = tpu.memref_slice %arg13[%add3A_131, %dma_start3A_133] : memref<10240x64xbf16, #tpu.memory_space<vmem_shared>> -> memref<32x64xbf16, #tpu.memory_space<vmem_shared>>
    %dma_start3A_135 = tpu.memref_slice %arg16[%dma_start3A_132] : memref<4x!tpu.dma_semaphore, #tpu.memory_space<semaphore_mem>> -> memref<1x!tpu.dma_semaphore, #tpu.memory_space<semaphore_mem>>
    %dma_start3A_136 = tpu.memref_squeeze %dma_start3A_135 : memref<1x!tpu.dma_semaphore, #tpu.memory_space<semaphore_mem>> -> memref<!tpu.dma_semaphore, #tpu.memory_space<semaphore_mem>>
    %dma_start3A_137 = arith.constant 0 : i32
    %dma_start3A_138 = tpu.memref_slice %arg13[%add3A_131, %dma_start3A_137] : memref<10240x64xbf16, #tpu.memory_space<vmem_shared>> -> memref<32x64xbf16, #tpu.memory_space<vmem_shared>>
    tpu.enqueue_dma source(%arg11 : memref<32x64xbf16, #tpu.memory_space<vmem>>) target(%dma_start3A_138 : memref<32x64xbf16, #tpu.memory_space<vmem_shared>>) target_semaphore(%dma_start3A_136 : memref<!tpu.dma_semaphore, #tpu.memory_space<semaphore_mem>>)
    %add3A_139 = arith.constant 160 : i32
    %add3A_140 = arith.addi %mul3A_39, %add3A_139 : i32
    %dma_start3A_141 = arith.constant 1 : i32
    %dma_start3A_142 = arith.constant 0 : i32
    %dma_start3A_143 = tpu.memref_slice %arg14[%add3A_140, %dma_start3A_142] : memref<10240x16xf32, #tpu.memory_space<vmem_shared>> -> memref<32x16xf32, #tpu.memory_space<vmem_shared>>
    %dma_start3A_144 = tpu.memref_slice %arg16[%dma_start3A_141] : memref<4x!tpu.dma_semaphore, #tpu.memory_space<semaphore_mem>> -> memref<1x!tpu.dma_semaphore, #tpu.memory_space<semaphore_mem>>
    %dma_start3A_145 = tpu.memref_squeeze %dma_start3A_144 : memref<1x!tpu.dma_semaphore, #tpu.memory_space<semaphore_mem>> -> memref<!tpu.dma_semaphore, #tpu.memory_space<semaphore_mem>>
    %dma_start3A_146 = arith.constant 0 : i32
    %dma_start3A_147 = tpu.memref_slice %arg14[%add3A_140, %dma_start3A_146] : memref<10240x16xf32, #tpu.memory_space<vmem_shared>> -> memref<32x16xf32, #tpu.memory_space<vmem_shared>>
    tpu.enqueue_dma source(%arg12 : memref<32x16xf32, #tpu.memory_space<vmem>>) target(%dma_start3A_147 : memref<32x16xf32, #tpu.memory_space<vmem_shared>>) target_semaphore(%dma_start3A_145 : memref<!tpu.dma_semaphore, #tpu.memory_space<semaphore_mem>>)
    %add3A_148 = arith.constant 192 : i32
    %add3A_149 = arith.addi %mul3A_39, %add3A_148 : i32
    %dma_start3A_150 = arith.constant 2 : i32
    %dma_start3A_151 = arith.constant 0 : i32
    %dma_start3A_152 = tpu.memref_slice %arg13[%add3A_149, %dma_start3A_151] : memref<10240x64xbf16, #tpu.memory_space<vmem_shared>> -> memref<32x64xbf16, #tpu.memory_space<vmem_shared>>
    %dma_start3A_153 = tpu.memref_slice %arg16[%dma_start3A_150] : memref<4x!tpu.dma_semaphore, #tpu.memory_space<semaphore_mem>> -> memref<1x!tpu.dma_semaphore, #tpu.memory_space<semaphore_mem>>
    %dma_start3A_154 = tpu.memref_squeeze %dma_start3A_153 : memref<1x!tpu.dma_semaphore, #tpu.memory_space<semaphore_mem>> -> memref<!tpu.dma_semaphore, #tpu.memory_space<semaphore_mem>>
    %dma_start3A_155 = arith.constant 0 : i32
    %dma_start3A_156 = tpu.memref_slice %arg13[%add3A_149, %dma_start3A_155] : memref<10240x64xbf16, #tpu.memory_space<vmem_shared>> -> memref<32x64xbf16, #tpu.memory_space<vmem_shared>>
    tpu.enqueue_dma source(%arg11 : memref<32x64xbf16, #tpu.memory_space<vmem>>) target(%dma_start3A_156 : memref<32x64xbf16, #tpu.memory_space<vmem_shared>>) target_semaphore(%dma_start3A_154 : memref<!tpu.dma_semaphore, #tpu.memory_space<semaphore_mem>>)
    %add3A_157 = arith.constant 192 : i32
    %add3A_158 = arith.addi %mul3A_39, %add3A_157 : i32
    %dma_start3A_159 = arith.constant 2 : i32
    %dma_start3A_160 = arith.constant 0 : i32
    %dma_start3A_161 = tpu.memref_slice %arg14[%add3A_158, %dma_start3A_160] : memref<10240x16xf32, #tpu.memory_space<vmem_shared>> -> memref<32x16xf32, #tpu.memory_space<vmem_shared>>
    %dma_start3A_162 = tpu.memref_slice %arg16[%dma_start3A_159] : memref<4x!tpu.dma_semaphore, #tpu.memory_space<semaphore_mem>> -> memref<1x!tpu.dma_semaphore, #tpu.memory_space<semaphore_mem>>
    %dma_start3A_163 = tpu.memref_squeeze %dma_start3A_162 : memref<1x!tpu.dma_semaphore, #tpu.memory_space<semaphore_mem>> -> memref<!tpu.dma_semaphore, #tpu.memory_space<semaphore_mem>>
    %dma_start3A_164 = arith.constant 0 : i32
    %dma_start3A_165 = tpu.memref_slice %arg14[%add3A_158, %dma_start3A_164] : memref<10240x16xf32, #tpu.memory_space<vmem_shared>> -> memref<32x16xf32, #tpu.memory_space<vmem_shared>>
    tpu.enqueue_dma source(%arg12 : memref<32x16xf32, #tpu.memory_space<vmem>>) target(%dma_start3A_165 : memref<32x16xf32, #tpu.memory_space<vmem_shared>>) target_semaphore(%dma_start3A_163 : memref<!tpu.dma_semaphore, #tpu.memory_space<semaphore_mem>>)
    %add3A_166 = arith.constant 224 : i32
    %add3A_167 = arith.addi %mul3A_39, %add3A_166 : i32
    %dma_start3A_168 = arith.constant 3 : i32
    %dma_start3A_169 = arith.constant 0 : i32
    %dma_start3A_170 = tpu.memref_slice %arg13[%add3A_167, %dma_start3A_169] : memref<10240x64xbf16, #tpu.memory_space<vmem_shared>> -> memref<32x64xbf16, #tpu.memory_space<vmem_shared>>
    %dma_start3A_171 = tpu.memref_slice %arg16[%dma_start3A_168] : memref<4x!tpu.dma_semaphore, #tpu.memory_space<semaphore_mem>> -> memref<1x!tpu.dma_semaphore, #tpu.memory_space<semaphore_mem>>
    %dma_start3A_172 = tpu.memref_squeeze %dma_start3A_171 : memref<1x!tpu.dma_semaphore, #tpu.memory_space<semaphore_mem>> -> memref<!tpu.dma_semaphore, #tpu.memory_space<semaphore_mem>>
    %dma_start3A_173 = arith.constant 0 : i32
    %dma_start3A_174 = tpu.memref_slice %arg13[%add3A_167, %dma_start3A_173] : memref<10240x64xbf16, #tpu.memory_space<vmem_shared>> -> memref<32x64xbf16, #tpu.memory_space<vmem_shared>>
    tpu.enqueue_dma source(%arg11 : memref<32x64xbf16, #tpu.memory_space<vmem>>) target(%dma_start3A_174 : memref<32x64xbf16, #tpu.memory_space<vmem_shared>>) target_semaphore(%dma_start3A_172 : memref<!tpu.dma_semaphore, #tpu.memory_space<semaphore_mem>>)
    %add3A_175 = arith.constant 224 : i32
    %add3A_176 = arith.addi %mul3A_39, %add3A_175 : i32
    %dma_start3A_177 = arith.constant 3 : i32
    %dma_start3A_178 = arith.constant 0 : i32
    %dma_start3A_179 = tpu.memref_slice %arg14[%add3A_176, %dma_start3A_178] : memref<10240x16xf32, #tpu.memory_space<vmem_shared>> -> memref<32x16xf32, #tpu.memory_space<vmem_shared>>
    %dma_start3A_180 = tpu.memref_slice %arg16[%dma_start3A_177] : memref<4x!tpu.dma_semaphore, #tpu.memory_space<semaphore_mem>> -> memref<1x!tpu.dma_semaphore, #tpu.memory_space<semaphore_mem>>
    %dma_start3A_181 = tpu.memref_squeeze %dma_start3A_180 : memref<1x!tpu.dma_semaphore, #tpu.memory_space<semaphore_mem>> -> memref<!tpu.dma_semaphore, #tpu.memory_space<semaphore_mem>>
    %dma_start3A_182 = arith.constant 0 : i32
    %dma_start3A_183 = tpu.memref_slice %arg14[%add3A_176, %dma_start3A_182] : memref<10240x16xf32, #tpu.memory_space<vmem_shared>> -> memref<32x16xf32, #tpu.memory_space<vmem_shared>>
    tpu.enqueue_dma source(%arg12 : memref<32x16xf32, #tpu.memory_space<vmem>>) target(%dma_start3A_183 : memref<32x16xf32, #tpu.memory_space<vmem_shared>>) target_semaphore(%dma_start3A_181 : memref<!tpu.dma_semaphore, #tpu.memory_space<semaphore_mem>>)
    %add3A_184 = arith.constant 256 : i32
    %add3A_185 = arith.addi %mul3A_39, %add3A_184 : i32
    %dma_start3A_186 = arith.constant 0 : i32
    %dma_start3A_187 = arith.constant 0 : i32
    %dma_start3A_188 = tpu.memref_slice %arg13[%add3A_185, %dma_start3A_187] : memref<10240x64xbf16, #tpu.memory_space<vmem_shared>> -> memref<32x64xbf16, #tpu.memory_space<vmem_shared>>
    %dma_start3A_189 = tpu.memref_slice %arg16[%dma_start3A_186] : memref<4x!tpu.dma_semaphore, #tpu.memory_space<semaphore_mem>> -> memref<1x!tpu.dma_semaphore, #tpu.memory_space<semaphore_mem>>
    %dma_start3A_190 = tpu.memref_squeeze %dma_start3A_189 : memref<1x!tpu.dma_semaphore, #tpu.memory_space<semaphore_mem>> -> memref<!tpu.dma_semaphore, #tpu.memory_space<semaphore_mem>>
    %dma_start3A_191 = arith.constant 0 : i32
    %dma_start3A_192 = tpu.memref_slice %arg13[%add3A_185, %dma_start3A_191] : memref<10240x64xbf16, #tpu.memory_space<vmem_shared>> -> memref<32x64xbf16, #tpu.memory_space<vmem_shared>>
    tpu.enqueue_dma source(%arg11 : memref<32x64xbf16, #tpu.memory_space<vmem>>) target(%dma_start3A_192 : memref<32x64xbf16, #tpu.memory_space<vmem_shared>>) target_semaphore(%dma_start3A_190 : memref<!tpu.dma_semaphore, #tpu.memory_space<semaphore_mem>>)
    %add3A_193 = arith.constant 256 : i32
    %add3A_194 = arith.addi %mul3A_39, %add3A_193 : i32
    %dma_start3A_195 = arith.constant 0 : i32
    %dma_start3A_196 = arith.constant 0 : i32
    %dma_start3A_197 = tpu.memref_slice %arg14[%add3A_194, %dma_start3A_196] : memref<10240x16xf32, #tpu.memory_space<vmem_shared>> -> memref<32x16xf32, #tpu.memory_space<vmem_shared>>
    %dma_start3A_198 = tpu.memref_slice %arg16[%dma_start3A_195] : memref<4x!tpu.dma_semaphore, #tpu.memory_space<semaphore_mem>> -> memref<1x!tpu.dma_semaphore, #tpu.memory_space<semaphore_mem>>
    %dma_start3A_199 = tpu.memref_squeeze %dma_start3A_198 : memref<1x!tpu.dma_semaphore, #tpu.memory_space<semaphore_mem>> -> memref<!tpu.dma_semaphore, #tpu.memory_space<semaphore_mem>>
    %dma_start3A_200 = arith.constant 0 : i32
    %dma_start3A_201 = tpu.memref_slice %arg14[%add3A_194, %dma_start3A_200] : memref<10240x16xf32, #tpu.memory_space<vmem_shared>> -> memref<32x16xf32, #tpu.memory_space<vmem_shared>>
    tpu.enqueue_dma source(%arg12 : memref<32x16xf32, #tpu.memory_space<vmem>>) target(%dma_start3A_201 : memref<32x16xf32, #tpu.memory_space<vmem_shared>>) target_semaphore(%dma_start3A_199 : memref<!tpu.dma_semaphore, #tpu.memory_space<semaphore_mem>>)
    %add3A_202 = arith.constant 288 : i32
    %add3A_203 = arith.addi %mul3A_39, %add3A_202 : i32
    %dma_start3A_204 = arith.constant 1 : i32
    %dma_start3A_205 = arith.constant 0 : i32
    %dma_start3A_206 = tpu.memref_slice %arg13[%add3A_203, %dma_start3A_205] : memref<10240x64xbf16, #tpu.memory_space<vmem_shared>> -> memref<32x64xbf16, #tpu.memory_space<vmem_shared>>
    %dma_start3A_207 = tpu.memref_slice %arg16[%dma_start3A_204] : memref<4x!tpu.dma_semaphore, #tpu.memory_space<semaphore_mem>> -> memref<1x!tpu.dma_semaphore, #tpu.memory_space<semaphore_mem>>
    %dma_start3A_208 = tpu.memref_squeeze %dma_start3A_207 : memref<1x!tpu.dma_semaphore, #tpu.memory_space<semaphore_mem>> -> memref<!tpu.dma_semaphore, #tpu.memory_space<semaphore_mem>>
    %dma_start3A_209 = arith.constant 0 : i32
    %dma_start3A_210 = tpu.memref_slice %arg13[%add3A_203, %dma_start3A_209] : memref<10240x64xbf16, #tpu.memory_space<vmem_shared>> -> memref<32x64xbf16, #tpu.memory_space<vmem_shared>>
    tpu.enqueue_dma source(%arg11 : memref<32x64xbf16, #tpu.memory_space<vmem>>) target(%dma_start3A_210 : memref<32x64xbf16, #tpu.memory_space<vmem_shared>>) target_semaphore(%dma_start3A_208 : memref<!tpu.dma_semaphore, #tpu.memory_space<semaphore_mem>>)
    %add3A_211 = arith.constant 288 : i32
    %add3A_212 = arith.addi %mul3A_39, %add3A_211 : i32
    %dma_start3A_213 = arith.constant 1 : i32
    %dma_start3A_214 = arith.constant 0 : i32
    %dma_start3A_215 = tpu.memref_slice %arg14[%add3A_212, %dma_start3A_214] : memref<10240x16xf32, #tpu.memory_space<vmem_shared>> -> memref<32x16xf32, #tpu.memory_space<vmem_shared>>
    %dma_start3A_216 = tpu.memref_slice %arg16[%dma_start3A_213] : memref<4x!tpu.dma_semaphore, #tpu.memory_space<semaphore_mem>> -> memref<1x!tpu.dma_semaphore, #tpu.memory_space<semaphore_mem>>
    %dma_start3A_217 = tpu.memref_squeeze %dma_start3A_216 : memref<1x!tpu.dma_semaphore, #tpu.memory_space<semaphore_mem>> -> memref<!tpu.dma_semaphore, #tpu.memory_space<semaphore_mem>>
    %dma_start3A_218 = arith.constant 0 : i32
    %dma_start3A_219 = tpu.memref_slice %arg14[%add3A_212, %dma_start3A_218] : memref<10240x16xf32, #tpu.memory_space<vmem_shared>> -> memref<32x16xf32, #tpu.memory_space<vmem_shared>>
    tpu.enqueue_dma source(%arg12 : memref<32x16xf32, #tpu.memory_space<vmem>>) target(%dma_start3A_219 : memref<32x16xf32, #tpu.memory_space<vmem_shared>>) target_semaphore(%dma_start3A_217 : memref<!tpu.dma_semaphore, #tpu.memory_space<semaphore_mem>>)
    %add3A_220 = arith.constant 320 : i32
    %add3A_221 = arith.addi %mul3A_39, %add3A_220 : i32
    %dma_start3A_222 = arith.constant 2 : i32
    %dma_start3A_223 = arith.constant 0 : i32
    %dma_start3A_224 = tpu.memref_slice %arg13[%add3A_221, %dma_start3A_223] : memref<10240x64xbf16, #tpu.memory_space<vmem_shared>> -> memref<32x64xbf16, #tpu.memory_space<vmem_shared>>
    %dma_start3A_225 = tpu.memref_slice %arg16[%dma_start3A_222] : memref<4x!tpu.dma_semaphore, #tpu.memory_space<semaphore_mem>> -> memref<1x!tpu.dma_semaphore, #tpu.memory_space<semaphore_mem>>
    %dma_start3A_226 = tpu.memref_squeeze %dma_start3A_225 : memref<1x!tpu.dma_semaphore, #tpu.memory_space<semaphore_mem>> -> memref<!tpu.dma_semaphore, #tpu.memory_space<semaphore_mem>>
    %dma_start3A_227 = arith.constant 0 : i32
    %dma_start3A_228 = tpu.memref_slice %arg13[%add3A_221, %dma_start3A_227] : memref<10240x64xbf16, #tpu.memory_space<vmem_shared>> -> memref<32x64xbf16, #tpu.memory_space<vmem_shared>>
    tpu.enqueue_dma source(%arg11 : memref<32x64xbf16, #tpu.memory_space<vmem>>) target(%dma_start3A_228 : memref<32x64xbf16, #tpu.memory_space<vmem_shared>>) target_semaphore(%dma_start3A_226 : memref<!tpu.dma_semaphore, #tpu.memory_space<semaphore_mem>>)
    %add3A_229 = arith.constant 320 : i32
    %add3A_230 = arith.addi %mul3A_39, %add3A_229 : i32
    %dma_start3A_231 = arith.constant 2 : i32
    %dma_start3A_232 = arith.constant 0 : i32
    %dma_start3A_233 = tpu.memref_slice %arg14[%add3A_230, %dma_start3A_232] : memref<10240x16xf32, #tpu.memory_space<vmem_shared>> -> memref<32x16xf32, #tpu.memory_space<vmem_shared>>
    %dma_start3A_234 = tpu.memref_slice %arg16[%dma_start3A_231] : memref<4x!tpu.dma_semaphore, #tpu.memory_space<semaphore_mem>> -> memref<1x!tpu.dma_semaphore, #tpu.memory_space<semaphore_mem>>
    %dma_start3A_235 = tpu.memref_squeeze %dma_start3A_234 : memref<1x!tpu.dma_semaphore, #tpu.memory_space<semaphore_mem>> -> memref<!tpu.dma_semaphore, #tpu.memory_space<semaphore_mem>>
    %dma_start3A_236 = arith.constant 0 : i32
    %dma_start3A_237 = tpu.memref_slice %arg14[%add3A_230, %dma_start3A_236] : memref<10240x16xf32, #tpu.memory_space<vmem_shared>> -> memref<32x16xf32, #tpu.memory_space<vmem_shared>>
    tpu.enqueue_dma source(%arg12 : memref<32x16xf32, #tpu.memory_space<vmem>>) target(%dma_start3A_237 : memref<32x16xf32, #tpu.memory_space<vmem_shared>>) target_semaphore(%dma_start3A_235 : memref<!tpu.dma_semaphore, #tpu.memory_space<semaphore_mem>>)
    %add3A_238 = arith.constant 352 : i32
    %add3A_239 = arith.addi %mul3A_39, %add3A_238 : i32
    %dma_start3A_240 = arith.constant 3 : i32
    %dma_start3A_241 = arith.constant 0 : i32
    %dma_start3A_242 = tpu.memref_slice %arg13[%add3A_239, %dma_start3A_241] : memref<10240x64xbf16, #tpu.memory_space<vmem_shared>> -> memref<32x64xbf16, #tpu.memory_space<vmem_shared>>
    %dma_start3A_243 = tpu.memref_slice %arg16[%dma_start3A_240] : memref<4x!tpu.dma_semaphore, #tpu.memory_space<semaphore_mem>> -> memref<1x!tpu.dma_semaphore, #tpu.memory_space<semaphore_mem>>
    %dma_start3A_244 = tpu.memref_squeeze %dma_start3A_243 : memref<1x!tpu.dma_semaphore, #tpu.memory_space<semaphore_mem>> -> memref<!tpu.dma_semaphore, #tpu.memory_space<semaphore_mem>>
    %dma_start3A_245 = arith.constant 0 : i32
    %dma_start3A_246 = tpu.memref_slice %arg13[%add3A_239, %dma_start3A_245] : memref<10240x64xbf16, #tpu.memory_space<vmem_shared>> -> memref<32x64xbf16, #tpu.memory_space<vmem_shared>>
    tpu.enqueue_dma source(%arg11 : memref<32x64xbf16, #tpu.memory_space<vmem>>) target(%dma_start3A_246 : memref<32x64xbf16, #tpu.memory_space<vmem_shared>>) target_semaphore(%dma_start3A_244 : memref<!tpu.dma_semaphore, #tpu.memory_space<semaphore_mem>>)
    %add3A_247 = arith.constant 352 : i32
    %add3A_248 = arith.addi %mul3A_39, %add3A_247 : i32
    %dma_start3A_249 = arith.constant 3 : i32
    %dma_start3A_250 = arith.constant 0 : i32
    %dma_start3A_251 = tpu.memref_slice %arg14[%add3A_248, %dma_start3A_250] : memref<10240x16xf32, #tpu.memory_space<vmem_shared>> -> memref<32x16xf32, #tpu.memory_space<vmem_shared>>
    %dma_start3A_252 = tpu.memref_slice %arg16[%dma_start3A_249] : memref<4x!tpu.dma_semaphore, #tpu.memory_space<semaphore_mem>> -> memref<1x!tpu.dma_semaphore, #tpu.memory_space<semaphore_mem>>
    %dma_start3A_253 = tpu.memref_squeeze %dma_start3A_252 : memref<1x!tpu.dma_semaphore, #tpu.memory_space<semaphore_mem>> -> memref<!tpu.dma_semaphore, #tpu.memory_space<semaphore_mem>>
    %dma_start3A_254 = arith.constant 0 : i32
    %dma_start3A_255 = tpu.memref_slice %arg14[%add3A_248, %dma_start3A_254] : memref<10240x16xf32, #tpu.memory_space<vmem_shared>> -> memref<32x16xf32, #tpu.memory_space<vmem_shared>>
    tpu.enqueue_dma source(%arg12 : memref<32x16xf32, #tpu.memory_space<vmem>>) target(%dma_start3A_255 : memref<32x16xf32, #tpu.memory_space<vmem_shared>>) target_semaphore(%dma_start3A_253 : memref<!tpu.dma_semaphore, #tpu.memory_space<semaphore_mem>>)
    %add3A_256 = arith.constant 384 : i32
    %add3A_257 = arith.addi %mul3A_39, %add3A_256 : i32
    %dma_start3A_258 = arith.constant 0 : i32
    %dma_start3A_259 = arith.constant 0 : i32
    %dma_start3A_260 = tpu.memref_slice %arg13[%add3A_257, %dma_start3A_259] : memref<10240x64xbf16, #tpu.memory_space<vmem_shared>> -> memref<32x64xbf16, #tpu.memory_space<vmem_shared>>
    %dma_start3A_261 = tpu.memref_slice %arg16[%dma_start3A_258] : memref<4x!tpu.dma_semaphore, #tpu.memory_space<semaphore_mem>> -> memref<1x!tpu.dma_semaphore, #tpu.memory_space<semaphore_mem>>
    %dma_start3A_262 = tpu.memref_squeeze %dma_start3A_261 : memref<1x!tpu.dma_semaphore, #tpu.memory_space<semaphore_mem>> -> memref<!tpu.dma_semaphore, #tpu.memory_space<semaphore_mem>>
    %dma_start3A_263 = arith.constant 0 : i32
    %dma_start3A_264 = tpu.memref_slice %arg13[%add3A_257, %dma_start3A_263] : memref<10240x64xbf16, #tpu.memory_space<vmem_shared>> -> memref<32x64xbf16, #tpu.memory_space<vmem_shared>>
    tpu.enqueue_dma source(%arg11 : memref<32x64xbf16, #tpu.memory_space<vmem>>) target(%dma_start3A_264 : memref<32x64xbf16, #tpu.memory_space<vmem_shared>>) target_semaphore(%dma_start3A_262 : memref<!tpu.dma_semaphore, #tpu.memory_space<semaphore_mem>>)
    %add3A_265 = arith.constant 384 : i32
    %add3A_266 = arith.addi %mul3A_39, %add3A_265 : i32
    %dma_start3A_267 = arith.constant 0 : i32
    %dma_start3A_268 = arith.constant 0 : i32
    %dma_start3A_269 = tpu.memref_slice %arg14[%add3A_266, %dma_start3A_268] : memref<10240x16xf32, #tpu.memory_space<vmem_shared>> -> memref<32x16xf32, #tpu.memory_space<vmem_shared>>
    %dma_start3A_270 = tpu.memref_slice %arg16[%dma_start3A_267] : memref<4x!tpu.dma_semaphore, #tpu.memory_space<semaphore_mem>> -> memref<1x!tpu.dma_semaphore, #tpu.memory_space<semaphore_mem>>
    %dma_start3A_271 = tpu.memref_squeeze %dma_start3A_270 : memref<1x!tpu.dma_semaphore, #tpu.memory_space<semaphore_mem>> -> memref<!tpu.dma_semaphore, #tpu.memory_space<semaphore_mem>>
    %dma_start3A_272 = arith.constant 0 : i32
    %dma_start3A_273 = tpu.memref_slice %arg14[%add3A_266, %dma_start3A_272] : memref<10240x16xf32, #tpu.memory_space<vmem_shared>> -> memref<32x16xf32, #tpu.memory_space<vmem_shared>>
    tpu.enqueue_dma source(%arg12 : memref<32x16xf32, #tpu.memory_space<vmem>>) target(%dma_start3A_273 : memref<32x16xf32, #tpu.memory_space<vmem_shared>>) target_semaphore(%dma_start3A_271 : memref<!tpu.dma_semaphore, #tpu.memory_space<semaphore_mem>>)
    %add3A_274 = arith.constant 416 : i32
    %add3A_275 = arith.addi %mul3A_39, %add3A_274 : i32
    %dma_start3A_276 = arith.constant 1 : i32
    %dma_start3A_277 = arith.constant 0 : i32
    %dma_start3A_278 = tpu.memref_slice %arg13[%add3A_275, %dma_start3A_277] : memref<10240x64xbf16, #tpu.memory_space<vmem_shared>> -> memref<32x64xbf16, #tpu.memory_space<vmem_shared>>
    %dma_start3A_279 = tpu.memref_slice %arg16[%dma_start3A_276] : memref<4x!tpu.dma_semaphore, #tpu.memory_space<semaphore_mem>> -> memref<1x!tpu.dma_semaphore, #tpu.memory_space<semaphore_mem>>
    %dma_start3A_280 = tpu.memref_squeeze %dma_start3A_279 : memref<1x!tpu.dma_semaphore, #tpu.memory_space<semaphore_mem>> -> memref<!tpu.dma_semaphore, #tpu.memory_space<semaphore_mem>>
    %dma_start3A_281 = arith.constant 0 : i32
    %dma_start3A_282 = tpu.memref_slice %arg13[%add3A_275, %dma_start3A_281] : memref<10240x64xbf16, #tpu.memory_space<vmem_shared>> -> memref<32x64xbf16, #tpu.memory_space<vmem_shared>>
    tpu.enqueue_dma source(%arg11 : memref<32x64xbf16, #tpu.memory_space<vmem>>) target(%dma_start3A_282 : memref<32x64xbf16, #tpu.memory_space<vmem_shared>>) target_semaphore(%dma_start3A_280 : memref<!tpu.dma_semaphore, #tpu.memory_space<semaphore_mem>>)
    %add3A_283 = arith.constant 416 : i32
    %add3A_284 = arith.addi %mul3A_39, %add3A_283 : i32
    %dma_start3A_285 = arith.constant 1 : i32
    %dma_start3A_286 = arith.constant 0 : i32
    %dma_start3A_287 = tpu.memref_slice %arg14[%add3A_284, %dma_start3A_286] : memref<10240x16xf32, #tpu.memory_space<vmem_shared>> -> memref<32x16xf32, #tpu.memory_space<vmem_shared>>
    %dma_start3A_288 = tpu.memref_slice %arg16[%dma_start3A_285] : memref<4x!tpu.dma_semaphore, #tpu.memory_space<semaphore_mem>> -> memref<1x!tpu.dma_semaphore, #tpu.memory_space<semaphore_mem>>
    %dma_start3A_289 = tpu.memref_squeeze %dma_start3A_288 : memref<1x!tpu.dma_semaphore, #tpu.memory_space<semaphore_mem>> -> memref<!tpu.dma_semaphore, #tpu.memory_space<semaphore_mem>>
    %dma_start3A_290 = arith.constant 0 : i32
    %dma_start3A_291 = tpu.memref_slice %arg14[%add3A_284, %dma_start3A_290] : memref<10240x16xf32, #tpu.memory_space<vmem_shared>> -> memref<32x16xf32, #tpu.memory_space<vmem_shared>>
    tpu.enqueue_dma source(%arg12 : memref<32x16xf32, #tpu.memory_space<vmem>>) target(%dma_start3A_291 : memref<32x16xf32, #tpu.memory_space<vmem_shared>>) target_semaphore(%dma_start3A_289 : memref<!tpu.dma_semaphore, #tpu.memory_space<semaphore_mem>>)
    %add3A_292 = arith.constant 448 : i32
    %add3A_293 = arith.addi %mul3A_39, %add3A_292 : i32
    %dma_start3A_294 = arith.constant 2 : i32
    %dma_start3A_295 = arith.constant 0 : i32
    %dma_start3A_296 = tpu.memref_slice %arg13[%add3A_293, %dma_start3A_295] : memref<10240x64xbf16, #tpu.memory_space<vmem_shared>> -> memref<32x64xbf16, #tpu.memory_space<vmem_shared>>
    %dma_start3A_297 = tpu.memref_slice %arg16[%dma_start3A_294] : memref<4x!tpu.dma_semaphore, #tpu.memory_space<semaphore_mem>> -> memref<1x!tpu.dma_semaphore, #tpu.memory_space<semaphore_mem>>
    %dma_start3A_298 = tpu.memref_squeeze %dma_start3A_297 : memref<1x!tpu.dma_semaphore, #tpu.memory_space<semaphore_mem>> -> memref<!tpu.dma_semaphore, #tpu.memory_space<semaphore_mem>>
    %dma_start3A_299 = arith.constant 0 : i32
    %dma_start3A_300 = tpu.memref_slice %arg13[%add3A_293, %dma_start3A_299] : memref<10240x64xbf16, #tpu.memory_space<vmem_shared>> -> memref<32x64xbf16, #tpu.memory_space<vmem_shared>>
    tpu.enqueue_dma source(%arg11 : memref<32x64xbf16, #tpu.memory_space<vmem>>) target(%dma_start3A_300 : memref<32x64xbf16, #tpu.memory_space<vmem_shared>>) target_semaphore(%dma_start3A_298 : memref<!tpu.dma_semaphore, #tpu.memory_space<semaphore_mem>>)
    %add3A_301 = arith.constant 448 : i32
    %add3A_302 = arith.addi %mul3A_39, %add3A_301 : i32
    %dma_start3A_303 = arith.constant 2 : i32
    %dma_start3A_304 = arith.constant 0 : i32
    %dma_start3A_305 = tpu.memref_slice %arg14[%add3A_302, %dma_start3A_304] : memref<10240x16xf32, #tpu.memory_space<vmem_shared>> -> memref<32x16xf32, #tpu.memory_space<vmem_shared>>
    %dma_start3A_306 = tpu.memref_slice %arg16[%dma_start3A_303] : memref<4x!tpu.dma_semaphore, #tpu.memory_space<semaphore_mem>> -> memref<1x!tpu.dma_semaphore, #tpu.memory_space<semaphore_mem>>
    %dma_start3A_307 = tpu.memref_squeeze %dma_start3A_306 : memref<1x!tpu.dma_semaphore, #tpu.memory_space<semaphore_mem>> -> memref<!tpu.dma_semaphore, #tpu.memory_space<semaphore_mem>>
    %dma_start3A_308 = arith.constant 0 : i32
    %dma_start3A_309 = tpu.memref_slice %arg14[%add3A_302, %dma_start3A_308] : memref<10240x16xf32, #tpu.memory_space<vmem_shared>> -> memref<32x16xf32, #tpu.memory_space<vmem_shared>>
    tpu.enqueue_dma source(%arg12 : memref<32x16xf32, #tpu.memory_space<vmem>>) target(%dma_start3A_309 : memref<32x16xf32, #tpu.memory_space<vmem_shared>>) target_semaphore(%dma_start3A_307 : memref<!tpu.dma_semaphore, #tpu.memory_space<semaphore_mem>>)
    %add3A_310 = arith.constant 480 : i32
    %add3A_311 = arith.addi %mul3A_39, %add3A_310 : i32
    %dma_start3A_312 = arith.constant 3 : i32
    %dma_start3A_313 = arith.constant 0 : i32
    %dma_start3A_314 = tpu.memref_slice %arg13[%add3A_311, %dma_start3A_313] : memref<10240x64xbf16, #tpu.memory_space<vmem_shared>> -> memref<32x64xbf16, #tpu.memory_space<vmem_shared>>
    %dma_start3A_315 = tpu.memref_slice %arg16[%dma_start3A_312] : memref<4x!tpu.dma_semaphore, #tpu.memory_space<semaphore_mem>> -> memref<1x!tpu.dma_semaphore, #tpu.memory_space<semaphore_mem>>
    %dma_start3A_316 = tpu.memref_squeeze %dma_start3A_315 : memref<1x!tpu.dma_semaphore, #tpu.memory_space<semaphore_mem>> -> memref<!tpu.dma_semaphore, #tpu.memory_space<semaphore_mem>>
    %dma_start3A_317 = arith.constant 0 : i32
    %dma_start3A_318 = tpu.memref_slice %arg13[%add3A_311, %dma_start3A_317] : memref<10240x64xbf16, #tpu.memory_space<vmem_shared>> -> memref<32x64xbf16, #tpu.memory_space<vmem_shared>>
    tpu.enqueue_dma source(%arg11 : memref<32x64xbf16, #tpu.memory_space<vmem>>) target(%dma_start3A_318 : memref<32x64xbf16, #tpu.memory_space<vmem_shared>>) target_semaphore(%dma_start3A_316 : memref<!tpu.dma_semaphore, #tpu.memory_space<semaphore_mem>>)
    %add3A_319 = arith.constant 480 : i32
    %add3A_320 = arith.addi %mul3A_39, %add3A_319 : i32
    %dma_start3A_321 = arith.constant 3 : i32
    %dma_start3A_322 = arith.constant 0 : i32
    %dma_start3A_323 = tpu.memref_slice %arg14[%add3A_320, %dma_start3A_322] : memref<10240x16xf32, #tpu.memory_space<vmem_shared>> -> memref<32x16xf32, #tpu.memory_space<vmem_shared>>
    %dma_start3A_324 = tpu.memref_slice %arg16[%dma_start3A_321] : memref<4x!tpu.dma_semaphore, #tpu.memory_space<semaphore_mem>> -> memref<1x!tpu.dma_semaphore, #tpu.memory_space<semaphore_mem>>
    %dma_start3A_325 = tpu.memref_squeeze %dma_start3A_324 : memref<1x!tpu.dma_semaphore, #tpu.memory_space<semaphore_mem>> -> memref<!tpu.dma_semaphore, #tpu.memory_space<semaphore_mem>>
    %dma_start3A_326 = arith.constant 0 : i32
    %dma_start3A_327 = tpu.memref_slice %arg14[%add3A_320, %dma_start3A_326] : memref<10240x16xf32, #tpu.memory_space<vmem_shared>> -> memref<32x16xf32, #tpu.memory_space<vmem_shared>>
    tpu.enqueue_dma source(%arg12 : memref<32x16xf32, #tpu.memory_space<vmem>>) target(%dma_start3A_327 : memref<32x16xf32, #tpu.memory_space<vmem_shared>>) target_semaphore(%dma_start3A_325 : memref<!tpu.dma_semaphore, #tpu.memory_space<semaphore_mem>>)
    %add3A_328 = arith.constant 512 : i32
    %add3A_329 = arith.addi %mul3A_39, %add3A_328 : i32
    %dma_start3A_330 = arith.constant 0 : i32
    %dma_start3A_331 = arith.constant 0 : i32
    %dma_start3A_332 = tpu.memref_slice %arg13[%add3A_329, %dma_start3A_331] : memref<10240x64xbf16, #tpu.memory_space<vmem_shared>> -> memref<32x64xbf16, #tpu.memory_space<vmem_shared>>
    %dma_start3A_333 = tpu.memref_slice %arg16[%dma_start3A_330] : memref<4x!tpu.dma_semaphore, #tpu.memory_space<semaphore_mem>> -> memref<1x!tpu.dma_semaphore, #tpu.memory_space<semaphore_mem>>
    %dma_start3A_334 = tpu.memref_squeeze %dma_start3A_333 : memref<1x!tpu.dma_semaphore, #tpu.memory_space<semaphore_mem>> -> memref<!tpu.dma_semaphore, #tpu.memory_space<semaphore_mem>>
    %dma_start3A_335 = arith.constant 0 : i32
    %dma_start3A_336 = tpu.memref_slice %arg13[%add3A_329, %dma_start3A_335] : memref<10240x64xbf16, #tpu.memory_space<vmem_shared>> -> memref<32x64xbf16, #tpu.memory_space<vmem_shared>>
    tpu.enqueue_dma source(%arg11 : memref<32x64xbf16, #tpu.memory_space<vmem>>) target(%dma_start3A_336 : memref<32x64xbf16, #tpu.memory_space<vmem_shared>>) target_semaphore(%dma_start3A_334 : memref<!tpu.dma_semaphore, #tpu.memory_space<semaphore_mem>>)
    %add3A_337 = arith.constant 512 : i32
    %add3A_338 = arith.addi %mul3A_39, %add3A_337 : i32
    %dma_start3A_339 = arith.constant 0 : i32
    %dma_start3A_340 = arith.constant 0 : i32
    %dma_start3A_341 = tpu.memref_slice %arg14[%add3A_338, %dma_start3A_340] : memref<10240x16xf32, #tpu.memory_space<vmem_shared>> -> memref<32x16xf32, #tpu.memory_space<vmem_shared>>
    %dma_start3A_342 = tpu.memref_slice %arg16[%dma_start3A_339] : memref<4x!tpu.dma_semaphore, #tpu.memory_space<semaphore_mem>> -> memref<1x!tpu.dma_semaphore, #tpu.memory_space<semaphore_mem>>
    %dma_start3A_343 = tpu.memref_squeeze %dma_start3A_342 : memref<1x!tpu.dma_semaphore, #tpu.memory_space<semaphore_mem>> -> memref<!tpu.dma_semaphore, #tpu.memory_space<semaphore_mem>>
    %dma_start3A_344 = arith.constant 0 : i32
    %dma_start3A_345 = tpu.memref_slice %arg14[%add3A_338, %dma_start3A_344] : memref<10240x16xf32, #tpu.memory_space<vmem_shared>> -> memref<32x16xf32, #tpu.memory_space<vmem_shared>>
    tpu.enqueue_dma source(%arg12 : memref<32x16xf32, #tpu.memory_space<vmem>>) target(%dma_start3A_345 : memref<32x16xf32, #tpu.memory_space<vmem_shared>>) target_semaphore(%dma_start3A_343 : memref<!tpu.dma_semaphore, #tpu.memory_space<semaphore_mem>>)
    %add3A_346 = arith.constant 544 : i32
    %add3A_347 = arith.addi %mul3A_39, %add3A_346 : i32
    %dma_start3A_348 = arith.constant 1 : i32
    %dma_start3A_349 = arith.constant 0 : i32
    %dma_start3A_350 = tpu.memref_slice %arg13[%add3A_347, %dma_start3A_349] : memref<10240x64xbf16, #tpu.memory_space<vmem_shared>> -> memref<32x64xbf16, #tpu.memory_space<vmem_shared>>
    %dma_start3A_351 = tpu.memref_slice %arg16[%dma_start3A_348] : memref<4x!tpu.dma_semaphore, #tpu.memory_space<semaphore_mem>> -> memref<1x!tpu.dma_semaphore, #tpu.memory_space<semaphore_mem>>
    %dma_start3A_352 = tpu.memref_squeeze %dma_start3A_351 : memref<1x!tpu.dma_semaphore, #tpu.memory_space<semaphore_mem>> -> memref<!tpu.dma_semaphore, #tpu.memory_space<semaphore_mem>>
    %dma_start3A_353 = arith.constant 0 : i32
    %dma_start3A_354 = tpu.memref_slice %arg13[%add3A_347, %dma_start3A_353] : memref<10240x64xbf16, #tpu.memory_space<vmem_shared>> -> memref<32x64xbf16, #tpu.memory_space<vmem_shared>>
    tpu.enqueue_dma source(%arg11 : memref<32x64xbf16, #tpu.memory_space<vmem>>) target(%dma_start3A_354 : memref<32x64xbf16, #tpu.memory_space<vmem_shared>>) target_semaphore(%dma_start3A_352 : memref<!tpu.dma_semaphore, #tpu.memory_space<semaphore_mem>>)
    %add3A_355 = arith.constant 544 : i32
    %add3A_356 = arith.addi %mul3A_39, %add3A_355 : i32
    %dma_start3A_357 = arith.constant 1 : i32
    %dma_start3A_358 = arith.constant 0 : i32
    %dma_start3A_359 = tpu.memref_slice %arg14[%add3A_356, %dma_start3A_358] : memref<10240x16xf32, #tpu.memory_space<vmem_shared>> -> memref<32x16xf32, #tpu.memory_space<vmem_shared>>
    %dma_start3A_360 = tpu.memref_slice %arg16[%dma_start3A_357] : memref<4x!tpu.dma_semaphore, #tpu.memory_space<semaphore_mem>> -> memref<1x!tpu.dma_semaphore, #tpu.memory_space<semaphore_mem>>
    %dma_start3A_361 = tpu.memref_squeeze %dma_start3A_360 : memref<1x!tpu.dma_semaphore, #tpu.memory_space<semaphore_mem>> -> memref<!tpu.dma_semaphore, #tpu.memory_space<semaphore_mem>>
    %dma_start3A_362 = arith.constant 0 : i32
    %dma_start3A_363 = tpu.memref_slice %arg14[%add3A_356, %dma_start3A_362] : memref<10240x16xf32, #tpu.memory_space<vmem_shared>> -> memref<32x16xf32, #tpu.memory_space<vmem_shared>>
    tpu.enqueue_dma source(%arg12 : memref<32x16xf32, #tpu.memory_space<vmem>>) target(%dma_start3A_363 : memref<32x16xf32, #tpu.memory_space<vmem_shared>>) target_semaphore(%dma_start3A_361 : memref<!tpu.dma_semaphore, #tpu.memory_space<semaphore_mem>>)
    %add3A_364 = arith.constant 576 : i32
    %add3A_365 = arith.addi %mul3A_39, %add3A_364 : i32
    %dma_start3A_366 = arith.constant 2 : i32
    %dma_start3A_367 = arith.constant 0 : i32
    %dma_start3A_368 = tpu.memref_slice %arg13[%add3A_365, %dma_start3A_367] : memref<10240x64xbf16, #tpu.memory_space<vmem_shared>> -> memref<32x64xbf16, #tpu.memory_space<vmem_shared>>
    %dma_start3A_369 = tpu.memref_slice %arg16[%dma_start3A_366] : memref<4x!tpu.dma_semaphore, #tpu.memory_space<semaphore_mem>> -> memref<1x!tpu.dma_semaphore, #tpu.memory_space<semaphore_mem>>
    %dma_start3A_370 = tpu.memref_squeeze %dma_start3A_369 : memref<1x!tpu.dma_semaphore, #tpu.memory_space<semaphore_mem>> -> memref<!tpu.dma_semaphore, #tpu.memory_space<semaphore_mem>>
    %dma_start3A_371 = arith.constant 0 : i32
    %dma_start3A_372 = tpu.memref_slice %arg13[%add3A_365, %dma_start3A_371] : memref<10240x64xbf16, #tpu.memory_space<vmem_shared>> -> memref<32x64xbf16, #tpu.memory_space<vmem_shared>>
    tpu.enqueue_dma source(%arg11 : memref<32x64xbf16, #tpu.memory_space<vmem>>) target(%dma_start3A_372 : memref<32x64xbf16, #tpu.memory_space<vmem_shared>>) target_semaphore(%dma_start3A_370 : memref<!tpu.dma_semaphore, #tpu.memory_space<semaphore_mem>>)
    %add3A_373 = arith.constant 576 : i32
    %add3A_374 = arith.addi %mul3A_39, %add3A_373 : i32
    %dma_start3A_375 = arith.constant 2 : i32
    %dma_start3A_376 = arith.constant 0 : i32
    %dma_start3A_377 = tpu.memref_slice %arg14[%add3A_374, %dma_start3A_376] : memref<10240x16xf32, #tpu.memory_space<vmem_shared>> -> memref<32x16xf32, #tpu.memory_space<vmem_shared>>
    %dma_start3A_378 = tpu.memref_slice %arg16[%dma_start3A_375] : memref<4x!tpu.dma_semaphore, #tpu.memory_space<semaphore_mem>> -> memref<1x!tpu.dma_semaphore, #tpu.memory_space<semaphore_mem>>
    %dma_start3A_379 = tpu.memref_squeeze %dma_start3A_378 : memref<1x!tpu.dma_semaphore, #tpu.memory_space<semaphore_mem>> -> memref<!tpu.dma_semaphore, #tpu.memory_space<semaphore_mem>>
    %dma_start3A_380 = arith.constant 0 : i32
    %dma_start3A_381 = tpu.memref_slice %arg14[%add3A_374, %dma_start3A_380] : memref<10240x16xf32, #tpu.memory_space<vmem_shared>> -> memref<32x16xf32, #tpu.memory_space<vmem_shared>>
    tpu.enqueue_dma source(%arg12 : memref<32x16xf32, #tpu.memory_space<vmem>>) target(%dma_start3A_381 : memref<32x16xf32, #tpu.memory_space<vmem_shared>>) target_semaphore(%dma_start3A_379 : memref<!tpu.dma_semaphore, #tpu.memory_space<semaphore_mem>>)
    %add3A_382 = arith.constant 608 : i32
    %add3A_383 = arith.addi %mul3A_39, %add3A_382 : i32
    %dma_start3A_384 = arith.constant 3 : i32
    %dma_start3A_385 = arith.constant 0 : i32
    %dma_start3A_386 = tpu.memref_slice %arg13[%add3A_383, %dma_start3A_385] : memref<10240x64xbf16, #tpu.memory_space<vmem_shared>> -> memref<32x64xbf16, #tpu.memory_space<vmem_shared>>
    %dma_start3A_387 = tpu.memref_slice %arg16[%dma_start3A_384] : memref<4x!tpu.dma_semaphore, #tpu.memory_space<semaphore_mem>> -> memref<1x!tpu.dma_semaphore, #tpu.memory_space<semaphore_mem>>
    %dma_start3A_388 = tpu.memref_squeeze %dma_start3A_387 : memref<1x!tpu.dma_semaphore, #tpu.memory_space<semaphore_mem>> -> memref<!tpu.dma_semaphore, #tpu.memory_space<semaphore_mem>>
    %dma_start3A_389 = arith.constant 0 : i32
    %dma_start3A_390 = tpu.memref_slice %arg13[%add3A_383, %dma_start3A_389] : memref<10240x64xbf16, #tpu.memory_space<vmem_shared>> -> memref<32x64xbf16, #tpu.memory_space<vmem_shared>>
    tpu.enqueue_dma source(%arg11 : memref<32x64xbf16, #tpu.memory_space<vmem>>) target(%dma_start3A_390 : memref<32x64xbf16, #tpu.memory_space<vmem_shared>>) target_semaphore(%dma_start3A_388 : memref<!tpu.dma_semaphore, #tpu.memory_space<semaphore_mem>>)
    %add3A_391 = arith.constant 608 : i32
    %add3A_392 = arith.addi %mul3A_39, %add3A_391 : i32
    %dma_start3A_393 = arith.constant 3 : i32
    %dma_start3A_394 = arith.constant 0 : i32
    %dma_start3A_395 = tpu.memref_slice %arg14[%add3A_392, %dma_start3A_394] : memref<10240x16xf32, #tpu.memory_space<vmem_shared>> -> memref<32x16xf32, #tpu.memory_space<vmem_shared>>
    %dma_start3A_396 = tpu.memref_slice %arg16[%dma_start3A_393] : memref<4x!tpu.dma_semaphore, #tpu.memory_space<semaphore_mem>> -> memref<1x!tpu.dma_semaphore, #tpu.memory_space<semaphore_mem>>
    %dma_start3A_397 = tpu.memref_squeeze %dma_start3A_396 : memref<1x!tpu.dma_semaphore, #tpu.memory_space<semaphore_mem>> -> memref<!tpu.dma_semaphore, #tpu.memory_space<semaphore_mem>>
    %dma_start3A_398 = arith.constant 0 : i32
    %dma_start3A_399 = tpu.memref_slice %arg14[%add3A_392, %dma_start3A_398] : memref<10240x16xf32, #tpu.memory_space<vmem_shared>> -> memref<32x16xf32, #tpu.memory_space<vmem_shared>>
    tpu.enqueue_dma source(%arg12 : memref<32x16xf32, #tpu.memory_space<vmem>>) target(%dma_start3A_399 : memref<32x16xf32, #tpu.memory_space<vmem_shared>>) target_semaphore(%dma_start3A_397 : memref<!tpu.dma_semaphore, #tpu.memory_space<semaphore_mem>>)
    %dma_wait3A = arith.constant 0 : i32
    %dma_wait3A_400 = arith.constant 0 : i32
    %dma_wait3A_401 = tpu.memref_slice %arg13[%add3A_41, %dma_wait3A_400] : memref<10240x64xbf16, #tpu.memory_space<vmem_shared>> -> memref<32x64xbf16, #tpu.memory_space<vmem_shared>>
    %dma_wait3A_402 = tpu.memref_slice %arg16[%dma_wait3A] : memref<4x!tpu.dma_semaphore, #tpu.memory_space<semaphore_mem>> -> memref<1x!tpu.dma_semaphore, #tpu.memory_space<semaphore_mem>>
    %dma_wait3A_403 = tpu.memref_squeeze %dma_wait3A_402 : memref<1x!tpu.dma_semaphore, #tpu.memory_space<semaphore_mem>> -> memref<!tpu.dma_semaphore, #tpu.memory_space<semaphore_mem>>
    %dma_wait3A_404 = arith.constant 0 : i32
    %dma_wait3A_405 = tpu.memref_slice %arg13[%add3A_41, %dma_wait3A_404] : memref<10240x64xbf16, #tpu.memory_space<vmem_shared>> -> memref<32x64xbf16, #tpu.memory_space<vmem_shared>>
    tpu.wait_dma2 semaphore(%dma_wait3A_403 : memref<!tpu.dma_semaphore, #tpu.memory_space<semaphore_mem>>) src(%arg11 : memref<32x64xbf16, #tpu.memory_space<vmem>>) dst(%dma_wait3A_405 : memref<32x64xbf16, #tpu.memory_space<vmem_shared>>)
    %dma_wait3A_406 = arith.constant 0 : i32
    %dma_wait3A_407 = arith.constant 0 : i32
    %dma_wait3A_408 = tpu.memref_slice %arg14[%add3A_50, %dma_wait3A_407] : memref<10240x16xf32, #tpu.memory_space<vmem_shared>> -> memref<32x16xf32, #tpu.memory_space<vmem_shared>>
    %dma_wait3A_409 = tpu.memref_slice %arg16[%dma_wait3A_406] : memref<4x!tpu.dma_semaphore, #tpu.memory_space<semaphore_mem>> -> memref<1x!tpu.dma_semaphore, #tpu.memory_space<semaphore_mem>>
    %dma_wait3A_410 = tpu.memref_squeeze %dma_wait3A_409 : memref<1x!tpu.dma_semaphore, #tpu.memory_space<semaphore_mem>> -> memref<!tpu.dma_semaphore, #tpu.memory_space<semaphore_mem>>
    %dma_wait3A_411 = arith.constant 0 : i32
    %dma_wait3A_412 = tpu.memref_slice %arg14[%add3A_50, %dma_wait3A_411] : memref<10240x16xf32, #tpu.memory_space<vmem_shared>> -> memref<32x16xf32, #tpu.memory_space<vmem_shared>>
    tpu.wait_dma2 semaphore(%dma_wait3A_410 : memref<!tpu.dma_semaphore, #tpu.memory_space<semaphore_mem>>) src(%arg12 : memref<32x16xf32, #tpu.memory_space<vmem>>) dst(%dma_wait3A_412 : memref<32x16xf32, #tpu.memory_space<vmem_shared>>)
    %dma_wait3A_413 = arith.constant 1 : i32
    %dma_wait3A_414 = arith.constant 0 : i32
    %dma_wait3A_415 = tpu.memref_slice %arg13[%add3A_59, %dma_wait3A_414] : memref<10240x64xbf16, #tpu.memory_space<vmem_shared>> -> memref<32x64xbf16, #tpu.memory_space<vmem_shared>>
    %dma_wait3A_416 = tpu.memref_slice %arg16[%dma_wait3A_413] : memref<4x!tpu.dma_semaphore, #tpu.memory_space<semaphore_mem>> -> memref<1x!tpu.dma_semaphore, #tpu.memory_space<semaphore_mem>>
    %dma_wait3A_417 = tpu.memref_squeeze %dma_wait3A_416 : memref<1x!tpu.dma_semaphore, #tpu.memory_space<semaphore_mem>> -> memref<!tpu.dma_semaphore, #tpu.memory_space<semaphore_mem>>
    %dma_wait3A_418 = arith.constant 0 : i32
    %dma_wait3A_419 = tpu.memref_slice %arg13[%add3A_59, %dma_wait3A_418] : memref<10240x64xbf16, #tpu.memory_space<vmem_shared>> -> memref<32x64xbf16, #tpu.memory_space<vmem_shared>>
    tpu.wait_dma2 semaphore(%dma_wait3A_417 : memref<!tpu.dma_semaphore, #tpu.memory_space<semaphore_mem>>) src(%arg11 : memref<32x64xbf16, #tpu.memory_space<vmem>>) dst(%dma_wait3A_419 : memref<32x64xbf16, #tpu.memory_space<vmem_shared>>)
    %dma_wait3A_420 = arith.constant 1 : i32
    %dma_wait3A_421 = arith.constant 0 : i32
    %dma_wait3A_422 = tpu.memref_slice %arg14[%add3A_68, %dma_wait3A_421] : memref<10240x16xf32, #tpu.memory_space<vmem_shared>> -> memref<32x16xf32, #tpu.memory_space<vmem_shared>>
    %dma_wait3A_423 = tpu.memref_slice %arg16[%dma_wait3A_420] : memref<4x!tpu.dma_semaphore, #tpu.memory_space<semaphore_mem>> -> memref<1x!tpu.dma_semaphore, #tpu.memory_space<semaphore_mem>>
    %dma_wait3A_424 = tpu.memref_squeeze %dma_wait3A_423 : memref<1x!tpu.dma_semaphore, #tpu.memory_space<semaphore_mem>> -> memref<!tpu.dma_semaphore, #tpu.memory_space<semaphore_mem>>
    %dma_wait3A_425 = arith.constant 0 : i32
    %dma_wait3A_426 = tpu.memref_slice %arg14[%add3A_68, %dma_wait3A_425] : memref<10240x16xf32, #tpu.memory_space<vmem_shared>> -> memref<32x16xf32, #tpu.memory_space<vmem_shared>>
    tpu.wait_dma2 semaphore(%dma_wait3A_424 : memref<!tpu.dma_semaphore, #tpu.memory_space<semaphore_mem>>) src(%arg12 : memref<32x16xf32, #tpu.memory_space<vmem>>) dst(%dma_wait3A_426 : memref<32x16xf32, #tpu.memory_space<vmem_shared>>)
    %dma_wait3A_427 = arith.constant 2 : i32
    %dma_wait3A_428 = arith.constant 0 : i32
    %dma_wait3A_429 = tpu.memref_slice %arg13[%add3A_77, %dma_wait3A_428] : memref<10240x64xbf16, #tpu.memory_space<vmem_shared>> -> memref<32x64xbf16, #tpu.memory_space<vmem_shared>>
    %dma_wait3A_430 = tpu.memref_slice %arg16[%dma_wait3A_427] : memref<4x!tpu.dma_semaphore, #tpu.memory_space<semaphore_mem>> -> memref<1x!tpu.dma_semaphore, #tpu.memory_space<semaphore_mem>>
    %dma_wait3A_431 = tpu.memref_squeeze %dma_wait3A_430 : memref<1x!tpu.dma_semaphore, #tpu.memory_space<semaphore_mem>> -> memref<!tpu.dma_semaphore, #tpu.memory_space<semaphore_mem>>
    %dma_wait3A_432 = arith.constant 0 : i32
    %dma_wait3A_433 = tpu.memref_slice %arg13[%add3A_77, %dma_wait3A_432] : memref<10240x64xbf16, #tpu.memory_space<vmem_shared>> -> memref<32x64xbf16, #tpu.memory_space<vmem_shared>>
    tpu.wait_dma2 semaphore(%dma_wait3A_431 : memref<!tpu.dma_semaphore, #tpu.memory_space<semaphore_mem>>) src(%arg11 : memref<32x64xbf16, #tpu.memory_space<vmem>>) dst(%dma_wait3A_433 : memref<32x64xbf16, #tpu.memory_space<vmem_shared>>)
    %dma_wait3A_434 = arith.constant 2 : i32
    %dma_wait3A_435 = arith.constant 0 : i32
    %dma_wait3A_436 = tpu.memref_slice %arg14[%add3A_86, %dma_wait3A_435] : memref<10240x16xf32, #tpu.memory_space<vmem_shared>> -> memref<32x16xf32, #tpu.memory_space<vmem_shared>>
    %dma_wait3A_437 = tpu.memref_slice %arg16[%dma_wait3A_434] : memref<4x!tpu.dma_semaphore, #tpu.memory_space<semaphore_mem>> -> memref<1x!tpu.dma_semaphore, #tpu.memory_space<semaphore_mem>>
    %dma_wait3A_438 = tpu.memref_squeeze %dma_wait3A_437 : memref<1x!tpu.dma_semaphore, #tpu.memory_space<semaphore_mem>> -> memref<!tpu.dma_semaphore, #tpu.memory_space<semaphore_mem>>
    %dma_wait3A_439 = arith.constant 0 : i32
    %dma_wait3A_440 = tpu.memref_slice %arg14[%add3A_86, %dma_wait3A_439] : memref<10240x16xf32, #tpu.memory_space<vmem_shared>> -> memref<32x16xf32, #tpu.memory_space<vmem_shared>>
    tpu.wait_dma2 semaphore(%dma_wait3A_438 : memref<!tpu.dma_semaphore, #tpu.memory_space<semaphore_mem>>) src(%arg12 : memref<32x16xf32, #tpu.memory_space<vmem>>) dst(%dma_wait3A_440 : memref<32x16xf32, #tpu.memory_space<vmem_shared>>)
    %dma_wait3A_441 = arith.constant 3 : i32
    %dma_wait3A_442 = arith.constant 0 : i32
    %dma_wait3A_443 = tpu.memref_slice %arg13[%add3A_95, %dma_wait3A_442] : memref<10240x64xbf16, #tpu.memory_space<vmem_shared>> -> memref<32x64xbf16, #tpu.memory_space<vmem_shared>>
    %dma_wait3A_444 = tpu.memref_slice %arg16[%dma_wait3A_441] : memref<4x!tpu.dma_semaphore, #tpu.memory_space<semaphore_mem>> -> memref<1x!tpu.dma_semaphore, #tpu.memory_space<semaphore_mem>>
    %dma_wait3A_445 = tpu.memref_squeeze %dma_wait3A_444 : memref<1x!tpu.dma_semaphore, #tpu.memory_space<semaphore_mem>> -> memref<!tpu.dma_semaphore, #tpu.memory_space<semaphore_mem>>
    %dma_wait3A_446 = arith.constant 0 : i32
    %dma_wait3A_447 = tpu.memref_slice %arg13[%add3A_95, %dma_wait3A_446] : memref<10240x64xbf16, #tpu.memory_space<vmem_shared>> -> memref<32x64xbf16, #tpu.memory_space<vmem_shared>>
    tpu.wait_dma2 semaphore(%dma_wait3A_445 : memref<!tpu.dma_semaphore, #tpu.memory_space<semaphore_mem>>) src(%arg11 : memref<32x64xbf16, #tpu.memory_space<vmem>>) dst(%dma_wait3A_447 : memref<32x64xbf16, #tpu.memory_space<vmem_shared>>)
    %dma_wait3A_448 = arith.constant 3 : i32
    %dma_wait3A_449 = arith.constant 0 : i32
    %dma_wait3A_450 = tpu.memref_slice %arg14[%add3A_104, %dma_wait3A_449] : memref<10240x16xf32, #tpu.memory_space<vmem_shared>> -> memref<32x16xf32, #tpu.memory_space<vmem_shared>>
    %dma_wait3A_451 = tpu.memref_slice %arg16[%dma_wait3A_448] : memref<4x!tpu.dma_semaphore, #tpu.memory_space<semaphore_mem>> -> memref<1x!tpu.dma_semaphore, #tpu.memory_space<semaphore_mem>>
    %dma_wait3A_452 = tpu.memref_squeeze %dma_wait3A_451 : memref<1x!tpu.dma_semaphore, #tpu.memory_space<semaphore_mem>> -> memref<!tpu.dma_semaphore, #tpu.memory_space<semaphore_mem>>
    %dma_wait3A_453 = arith.constant 0 : i32
    %dma_wait3A_454 = tpu.memref_slice %arg14[%add3A_104, %dma_wait3A_453] : memref<10240x16xf32, #tpu.memory_space<vmem_shared>> -> memref<32x16xf32, #tpu.memory_space<vmem_shared>>
    tpu.wait_dma2 semaphore(%dma_wait3A_452 : memref<!tpu.dma_semaphore, #tpu.memory_space<semaphore_mem>>) src(%arg12 : memref<32x16xf32, #tpu.memory_space<vmem>>) dst(%dma_wait3A_454 : memref<32x16xf32, #tpu.memory_space<vmem_shared>>)
    %dma_wait3A_455 = arith.constant 0 : i32
    %dma_wait3A_456 = arith.constant 0 : i32
    %dma_wait3A_457 = tpu.memref_slice %arg13[%add3A_113, %dma_wait3A_456] : memref<10240x64xbf16, #tpu.memory_space<vmem_shared>> -> memref<32x64xbf16, #tpu.memory_space<vmem_shared>>
    %dma_wait3A_458 = tpu.memref_slice %arg16[%dma_wait3A_455] : memref<4x!tpu.dma_semaphore, #tpu.memory_space<semaphore_mem>> -> memref<1x!tpu.dma_semaphore, #tpu.memory_space<semaphore_mem>>
    %dma_wait3A_459 = tpu.memref_squeeze %dma_wait3A_458 : memref<1x!tpu.dma_semaphore, #tpu.memory_space<semaphore_mem>> -> memref<!tpu.dma_semaphore, #tpu.memory_space<semaphore_mem>>
    %dma_wait3A_460 = arith.constant 0 : i32
    %dma_wait3A_461 = tpu.memref_slice %arg13[%add3A_113, %dma_wait3A_460] : memref<10240x64xbf16, #tpu.memory_space<vmem_shared>> -> memref<32x64xbf16, #tpu.memory_space<vmem_shared>>
    tpu.wait_dma2 semaphore(%dma_wait3A_459 : memref<!tpu.dma_semaphore, #tpu.memory_space<semaphore_mem>>) src(%arg11 : memref<32x64xbf16, #tpu.memory_space<vmem>>) dst(%dma_wait3A_461 : memref<32x64xbf16, #tpu.memory_space<vmem_shared>>)
    %dma_wait3A_462 = arith.constant 0 : i32
    %dma_wait3A_463 = arith.constant 0 : i32
    %dma_wait3A_464 = tpu.memref_slice %arg14[%add3A_122, %dma_wait3A_463] : memref<10240x16xf32, #tpu.memory_space<vmem_shared>> -> memref<32x16xf32, #tpu.memory_space<vmem_shared>>
    %dma_wait3A_465 = tpu.memref_slice %arg16[%dma_wait3A_462] : memref<4x!tpu.dma_semaphore, #tpu.memory_space<semaphore_mem>> -> memref<1x!tpu.dma_semaphore, #tpu.memory_space<semaphore_mem>>
    %dma_wait3A_466 = tpu.memref_squeeze %dma_wait3A_465 : memref<1x!tpu.dma_semaphore, #tpu.memory_space<semaphore_mem>> -> memref<!tpu.dma_semaphore, #tpu.memory_space<semaphore_mem>>
    %dma_wait3A_467 = arith.constant 0 : i32
    %dma_wait3A_468 = tpu.memref_slice %arg14[%add3A_122, %dma_wait3A_467] : memref<10240x16xf32, #tpu.memory_space<vmem_shared>> -> memref<32x16xf32, #tpu.memory_space<vmem_shared>>
    tpu.wait_dma2 semaphore(%dma_wait3A_466 : memref<!tpu.dma_semaphore, #tpu.memory_space<semaphore_mem>>) src(%arg12 : memref<32x16xf32, #tpu.memory_space<vmem>>) dst(%dma_wait3A_468 : memref<32x16xf32, #tpu.memory_space<vmem_shared>>)
    %dma_wait3A_469 = arith.constant 1 : i32
    %dma_wait3A_470 = arith.constant 0 : i32
    %dma_wait3A_471 = tpu.memref_slice %arg13[%add3A_131, %dma_wait3A_470] : memref<10240x64xbf16, #tpu.memory_space<vmem_shared>> -> memref<32x64xbf16, #tpu.memory_space<vmem_shared>>
    %dma_wait3A_472 = tpu.memref_slice %arg16[%dma_wait3A_469] : memref<4x!tpu.dma_semaphore, #tpu.memory_space<semaphore_mem>> -> memref<1x!tpu.dma_semaphore, #tpu.memory_space<semaphore_mem>>
    %dma_wait3A_473 = tpu.memref_squeeze %dma_wait3A_472 : memref<1x!tpu.dma_semaphore, #tpu.memory_space<semaphore_mem>> -> memref<!tpu.dma_semaphore, #tpu.memory_space<semaphore_mem>>
    %dma_wait3A_474 = arith.constant 0 : i32
    %dma_wait3A_475 = tpu.memref_slice %arg13[%add3A_131, %dma_wait3A_474] : memref<10240x64xbf16, #tpu.memory_space<vmem_shared>> -> memref<32x64xbf16, #tpu.memory_space<vmem_shared>>
    tpu.wait_dma2 semaphore(%dma_wait3A_473 : memref<!tpu.dma_semaphore, #tpu.memory_space<semaphore_mem>>) src(%arg11 : memref<32x64xbf16, #tpu.memory_space<vmem>>) dst(%dma_wait3A_475 : memref<32x64xbf16, #tpu.memory_space<vmem_shared>>)
    %dma_wait3A_476 = arith.constant 1 : i32
    %dma_wait3A_477 = arith.constant 0 : i32
    %dma_wait3A_478 = tpu.memref_slice %arg14[%add3A_140, %dma_wait3A_477] : memref<10240x16xf32, #tpu.memory_space<vmem_shared>> -> memref<32x16xf32, #tpu.memory_space<vmem_shared>>
    %dma_wait3A_479 = tpu.memref_slice %arg16[%dma_wait3A_476] : memref<4x!tpu.dma_semaphore, #tpu.memory_space<semaphore_mem>> -> memref<1x!tpu.dma_semaphore, #tpu.memory_space<semaphore_mem>>
    %dma_wait3A_480 = tpu.memref_squeeze %dma_wait3A_479 : memref<1x!tpu.dma_semaphore, #tpu.memory_space<semaphore_mem>> -> memref<!tpu.dma_semaphore, #tpu.memory_space<semaphore_mem>>
    %dma_wait3A_481 = arith.constant 0 : i32
    %dma_wait3A_482 = tpu.memref_slice %arg14[%add3A_140, %dma_wait3A_481] : memref<10240x16xf32, #tpu.memory_space<vmem_shared>> -> memref<32x16xf32, #tpu.memory_space<vmem_shared>>
    tpu.wait_dma2 semaphore(%dma_wait3A_480 : memref<!tpu.dma_semaphore, #tpu.memory_space<semaphore_mem>>) src(%arg12 : memref<32x16xf32, #tpu.memory_space<vmem>>) dst(%dma_wait3A_482 : memref<32x16xf32, #tpu.memory_space<vmem_shared>>)
    %dma_wait3A_483 = arith.constant 2 : i32
    %dma_wait3A_484 = arith.constant 0 : i32
    %dma_wait3A_485 = tpu.memref_slice %arg13[%add3A_149, %dma_wait3A_484] : memref<10240x64xbf16, #tpu.memory_space<vmem_shared>> -> memref<32x64xbf16, #tpu.memory_space<vmem_shared>>
    %dma_wait3A_486 = tpu.memref_slice %arg16[%dma_wait3A_483] : memref<4x!tpu.dma_semaphore, #tpu.memory_space<semaphore_mem>> -> memref<1x!tpu.dma_semaphore, #tpu.memory_space<semaphore_mem>>
    %dma_wait3A_487 = tpu.memref_squeeze %dma_wait3A_486 : memref<1x!tpu.dma_semaphore, #tpu.memory_space<semaphore_mem>> -> memref<!tpu.dma_semaphore, #tpu.memory_space<semaphore_mem>>
    %dma_wait3A_488 = arith.constant 0 : i32
    %dma_wait3A_489 = tpu.memref_slice %arg13[%add3A_149, %dma_wait3A_488] : memref<10240x64xbf16, #tpu.memory_space<vmem_shared>> -> memref<32x64xbf16, #tpu.memory_space<vmem_shared>>
    tpu.wait_dma2 semaphore(%dma_wait3A_487 : memref<!tpu.dma_semaphore, #tpu.memory_space<semaphore_mem>>) src(%arg11 : memref<32x64xbf16, #tpu.memory_space<vmem>>) dst(%dma_wait3A_489 : memref<32x64xbf16, #tpu.memory_space<vmem_shared>>)
    %dma_wait3A_490 = arith.constant 2 : i32
    %dma_wait3A_491 = arith.constant 0 : i32
    %dma_wait3A_492 = tpu.memref_slice %arg14[%add3A_158, %dma_wait3A_491] : memref<10240x16xf32, #tpu.memory_space<vmem_shared>> -> memref<32x16xf32, #tpu.memory_space<vmem_shared>>
    %dma_wait3A_493 = tpu.memref_slice %arg16[%dma_wait3A_490] : memref<4x!tpu.dma_semaphore, #tpu.memory_space<semaphore_mem>> -> memref<1x!tpu.dma_semaphore, #tpu.memory_space<semaphore_mem>>
    %dma_wait3A_494 = tpu.memref_squeeze %dma_wait3A_493 : memref<1x!tpu.dma_semaphore, #tpu.memory_space<semaphore_mem>> -> memref<!tpu.dma_semaphore, #tpu.memory_space<semaphore_mem>>
    %dma_wait3A_495 = arith.constant 0 : i32
    %dma_wait3A_496 = tpu.memref_slice %arg14[%add3A_158, %dma_wait3A_495] : memref<10240x16xf32, #tpu.memory_space<vmem_shared>> -> memref<32x16xf32, #tpu.memory_space<vmem_shared>>
    tpu.wait_dma2 semaphore(%dma_wait3A_494 : memref<!tpu.dma_semaphore, #tpu.memory_space<semaphore_mem>>) src(%arg12 : memref<32x16xf32, #tpu.memory_space<vmem>>) dst(%dma_wait3A_496 : memref<32x16xf32, #tpu.memory_space<vmem_shared>>)
    %dma_wait3A_497 = arith.constant 3 : i32
    %dma_wait3A_498 = arith.constant 0 : i32
    %dma_wait3A_499 = tpu.memref_slice %arg13[%add3A_167, %dma_wait3A_498] : memref<10240x64xbf16, #tpu.memory_space<vmem_shared>> -> memref<32x64xbf16, #tpu.memory_space<vmem_shared>>
    %dma_wait3A_500 = tpu.memref_slice %arg16[%dma_wait3A_497] : memref<4x!tpu.dma_semaphore, #tpu.memory_space<semaphore_mem>> -> memref<1x!tpu.dma_semaphore, #tpu.memory_space<semaphore_mem>>
    %dma_wait3A_501 = tpu.memref_squeeze %dma_wait3A_500 : memref<1x!tpu.dma_semaphore, #tpu.memory_space<semaphore_mem>> -> memref<!tpu.dma_semaphore, #tpu.memory_space<semaphore_mem>>
    %dma_wait3A_502 = arith.constant 0 : i32
    %dma_wait3A_503 = tpu.memref_slice %arg13[%add3A_167, %dma_wait3A_502] : memref<10240x64xbf16, #tpu.memory_space<vmem_shared>> -> memref<32x64xbf16, #tpu.memory_space<vmem_shared>>
    tpu.wait_dma2 semaphore(%dma_wait3A_501 : memref<!tpu.dma_semaphore, #tpu.memory_space<semaphore_mem>>) src(%arg11 : memref<32x64xbf16, #tpu.memory_space<vmem>>) dst(%dma_wait3A_503 : memref<32x64xbf16, #tpu.memory_space<vmem_shared>>)
    %dma_wait3A_504 = arith.constant 3 : i32
    %dma_wait3A_505 = arith.constant 0 : i32
    %dma_wait3A_506 = tpu.memref_slice %arg14[%add3A_176, %dma_wait3A_505] : memref<10240x16xf32, #tpu.memory_space<vmem_shared>> -> memref<32x16xf32, #tpu.memory_space<vmem_shared>>
    %dma_wait3A_507 = tpu.memref_slice %arg16[%dma_wait3A_504] : memref<4x!tpu.dma_semaphore, #tpu.memory_space<semaphore_mem>> -> memref<1x!tpu.dma_semaphore, #tpu.memory_space<semaphore_mem>>
    %dma_wait3A_508 = tpu.memref_squeeze %dma_wait3A_507 : memref<1x!tpu.dma_semaphore, #tpu.memory_space<semaphore_mem>> -> memref<!tpu.dma_semaphore, #tpu.memory_space<semaphore_mem>>
    %dma_wait3A_509 = arith.constant 0 : i32
    %dma_wait3A_510 = tpu.memref_slice %arg14[%add3A_176, %dma_wait3A_509] : memref<10240x16xf32, #tpu.memory_space<vmem_shared>> -> memref<32x16xf32, #tpu.memory_space<vmem_shared>>
    tpu.wait_dma2 semaphore(%dma_wait3A_508 : memref<!tpu.dma_semaphore, #tpu.memory_space<semaphore_mem>>) src(%arg12 : memref<32x16xf32, #tpu.memory_space<vmem>>) dst(%dma_wait3A_510 : memref<32x16xf32, #tpu.memory_space<vmem_shared>>)
    %dma_wait3A_511 = arith.constant 0 : i32
    %dma_wait3A_512 = arith.constant 0 : i32
    %dma_wait3A_513 = tpu.memref_slice %arg13[%add3A_185, %dma_wait3A_512] : memref<10240x64xbf16, #tpu.memory_space<vmem_shared>> -> memref<32x64xbf16, #tpu.memory_space<vmem_shared>>
    %dma_wait3A_514 = tpu.memref_slice %arg16[%dma_wait3A_511] : memref<4x!tpu.dma_semaphore, #tpu.memory_space<semaphore_mem>> -> memref<1x!tpu.dma_semaphore, #tpu.memory_space<semaphore_mem>>
    %dma_wait3A_515 = tpu.memref_squeeze %dma_wait3A_514 : memref<1x!tpu.dma_semaphore, #tpu.memory_space<semaphore_mem>> -> memref<!tpu.dma_semaphore, #tpu.memory_space<semaphore_mem>>
    %dma_wait3A_516 = arith.constant 0 : i32
    %dma_wait3A_517 = tpu.memref_slice %arg13[%add3A_185, %dma_wait3A_516] : memref<10240x64xbf16, #tpu.memory_space<vmem_shared>> -> memref<32x64xbf16, #tpu.memory_space<vmem_shared>>
    tpu.wait_dma2 semaphore(%dma_wait3A_515 : memref<!tpu.dma_semaphore, #tpu.memory_space<semaphore_mem>>) src(%arg11 : memref<32x64xbf16, #tpu.memory_space<vmem>>) dst(%dma_wait3A_517 : memref<32x64xbf16, #tpu.memory_space<vmem_shared>>)
    %dma_wait3A_518 = arith.constant 0 : i32
    %dma_wait3A_519 = arith.constant 0 : i32
    %dma_wait3A_520 = tpu.memref_slice %arg14[%add3A_194, %dma_wait3A_519] : memref<10240x16xf32, #tpu.memory_space<vmem_shared>> -> memref<32x16xf32, #tpu.memory_space<vmem_shared>>
    %dma_wait3A_521 = tpu.memref_slice %arg16[%dma_wait3A_518] : memref<4x!tpu.dma_semaphore, #tpu.memory_space<semaphore_mem>> -> memref<1x!tpu.dma_semaphore, #tpu.memory_space<semaphore_mem>>
    %dma_wait3A_522 = tpu.memref_squeeze %dma_wait3A_521 : memref<1x!tpu.dma_semaphore, #tpu.memory_space<semaphore_mem>> -> memref<!tpu.dma_semaphore, #tpu.memory_space<semaphore_mem>>
    %dma_wait3A_523 = arith.constant 0 : i32
    %dma_wait3A_524 = tpu.memref_slice %arg14[%add3A_194, %dma_wait3A_523] : memref<10240x16xf32, #tpu.memory_space<vmem_shared>> -> memref<32x16xf32, #tpu.memory_space<vmem_shared>>
    tpu.wait_dma2 semaphore(%dma_wait3A_522 : memref<!tpu.dma_semaphore, #tpu.memory_space<semaphore_mem>>) src(%arg12 : memref<32x16xf32, #tpu.memory_space<vmem>>) dst(%dma_wait3A_524 : memref<32x16xf32, #tpu.memory_space<vmem_shared>>)
    %dma_wait3A_525 = arith.constant 1 : i32
    %dma_wait3A_526 = arith.constant 0 : i32
    %dma_wait3A_527 = tpu.memref_slice %arg13[%add3A_203, %dma_wait3A_526] : memref<10240x64xbf16, #tpu.memory_space<vmem_shared>> -> memref<32x64xbf16, #tpu.memory_space<vmem_shared>>
    %dma_wait3A_528 = tpu.memref_slice %arg16[%dma_wait3A_525] : memref<4x!tpu.dma_semaphore, #tpu.memory_space<semaphore_mem>> -> memref<1x!tpu.dma_semaphore, #tpu.memory_space<semaphore_mem>>
    %dma_wait3A_529 = tpu.memref_squeeze %dma_wait3A_528 : memref<1x!tpu.dma_semaphore, #tpu.memory_space<semaphore_mem>> -> memref<!tpu.dma_semaphore, #tpu.memory_space<semaphore_mem>>
    %dma_wait3A_530 = arith.constant 0 : i32
    %dma_wait3A_531 = tpu.memref_slice %arg13[%add3A_203, %dma_wait3A_530] : memref<10240x64xbf16, #tpu.memory_space<vmem_shared>> -> memref<32x64xbf16, #tpu.memory_space<vmem_shared>>
    tpu.wait_dma2 semaphore(%dma_wait3A_529 : memref<!tpu.dma_semaphore, #tpu.memory_space<semaphore_mem>>) src(%arg11 : memref<32x64xbf16, #tpu.memory_space<vmem>>) dst(%dma_wait3A_531 : memref<32x64xbf16, #tpu.memory_space<vmem_shared>>)
    %dma_wait3A_532 = arith.constant 1 : i32
    %dma_wait3A_533 = arith.constant 0 : i32
    %dma_wait3A_534 = tpu.memref_slice %arg14[%add3A_212, %dma_wait3A_533] : memref<10240x16xf32, #tpu.memory_space<vmem_shared>> -> memref<32x16xf32, #tpu.memory_space<vmem_shared>>
    %dma_wait3A_535 = tpu.memref_slice %arg16[%dma_wait3A_532] : memref<4x!tpu.dma_semaphore, #tpu.memory_space<semaphore_mem>> -> memref<1x!tpu.dma_semaphore, #tpu.memory_space<semaphore_mem>>
    %dma_wait3A_536 = tpu.memref_squeeze %dma_wait3A_535 : memref<1x!tpu.dma_semaphore, #tpu.memory_space<semaphore_mem>> -> memref<!tpu.dma_semaphore, #tpu.memory_space<semaphore_mem>>
    %dma_wait3A_537 = arith.constant 0 : i32
    %dma_wait3A_538 = tpu.memref_slice %arg14[%add3A_212, %dma_wait3A_537] : memref<10240x16xf32, #tpu.memory_space<vmem_shared>> -> memref<32x16xf32, #tpu.memory_space<vmem_shared>>
    tpu.wait_dma2 semaphore(%dma_wait3A_536 : memref<!tpu.dma_semaphore, #tpu.memory_space<semaphore_mem>>) src(%arg12 : memref<32x16xf32, #tpu.memory_space<vmem>>) dst(%dma_wait3A_538 : memref<32x16xf32, #tpu.memory_space<vmem_shared>>)
    %dma_wait3A_539 = arith.constant 2 : i32
    %dma_wait3A_540 = arith.constant 0 : i32
    %dma_wait3A_541 = tpu.memref_slice %arg13[%add3A_221, %dma_wait3A_540] : memref<10240x64xbf16, #tpu.memory_space<vmem_shared>> -> memref<32x64xbf16, #tpu.memory_space<vmem_shared>>
    %dma_wait3A_542 = tpu.memref_slice %arg16[%dma_wait3A_539] : memref<4x!tpu.dma_semaphore, #tpu.memory_space<semaphore_mem>> -> memref<1x!tpu.dma_semaphore, #tpu.memory_space<semaphore_mem>>
    %dma_wait3A_543 = tpu.memref_squeeze %dma_wait3A_542 : memref<1x!tpu.dma_semaphore, #tpu.memory_space<semaphore_mem>> -> memref<!tpu.dma_semaphore, #tpu.memory_space<semaphore_mem>>
    %dma_wait3A_544 = arith.constant 0 : i32
    %dma_wait3A_545 = tpu.memref_slice %arg13[%add3A_221, %dma_wait3A_544] : memref<10240x64xbf16, #tpu.memory_space<vmem_shared>> -> memref<32x64xbf16, #tpu.memory_space<vmem_shared>>
    tpu.wait_dma2 semaphore(%dma_wait3A_543 : memref<!tpu.dma_semaphore, #tpu.memory_space<semaphore_mem>>) src(%arg11 : memref<32x64xbf16, #tpu.memory_space<vmem>>) dst(%dma_wait3A_545 : memref<32x64xbf16, #tpu.memory_space<vmem_shared>>)
    %dma_wait3A_546 = arith.constant 2 : i32
    %dma_wait3A_547 = arith.constant 0 : i32
    %dma_wait3A_548 = tpu.memref_slice %arg14[%add3A_230, %dma_wait3A_547] : memref<10240x16xf32, #tpu.memory_space<vmem_shared>> -> memref<32x16xf32, #tpu.memory_space<vmem_shared>>
    %dma_wait3A_549 = tpu.memref_slice %arg16[%dma_wait3A_546] : memref<4x!tpu.dma_semaphore, #tpu.memory_space<semaphore_mem>> -> memref<1x!tpu.dma_semaphore, #tpu.memory_space<semaphore_mem>>
    %dma_wait3A_550 = tpu.memref_squeeze %dma_wait3A_549 : memref<1x!tpu.dma_semaphore, #tpu.memory_space<semaphore_mem>> -> memref<!tpu.dma_semaphore, #tpu.memory_space<semaphore_mem>>
    %dma_wait3A_551 = arith.constant 0 : i32
    %dma_wait3A_552 = tpu.memref_slice %arg14[%add3A_230, %dma_wait3A_551] : memref<10240x16xf32, #tpu.memory_space<vmem_shared>> -> memref<32x16xf32, #tpu.memory_space<vmem_shared>>
    tpu.wait_dma2 semaphore(%dma_wait3A_550 : memref<!tpu.dma_semaphore, #tpu.memory_space<semaphore_mem>>) src(%arg12 : memref<32x16xf32, #tpu.memory_space<vmem>>) dst(%dma_wait3A_552 : memref<32x16xf32, #tpu.memory_space<vmem_shared>>)
    %dma_wait3A_553 = arith.constant 3 : i32
    %dma_wait3A_554 = arith.constant 0 : i32
    %dma_wait3A_555 = tpu.memref_slice %arg13[%add3A_239, %dma_wait3A_554] : memref<10240x64xbf16, #tpu.memory_space<vmem_shared>> -> memref<32x64xbf16, #tpu.memory_space<vmem_shared>>
    %dma_wait3A_556 = tpu.memref_slice %arg16[%dma_wait3A_553] : memref<4x!tpu.dma_semaphore, #tpu.memory_space<semaphore_mem>> -> memref<1x!tpu.dma_semaphore, #tpu.memory_space<semaphore_mem>>
    %dma_wait3A_557 = tpu.memref_squeeze %dma_wait3A_556 : memref<1x!tpu.dma_semaphore, #tpu.memory_space<semaphore_mem>> -> memref<!tpu.dma_semaphore, #tpu.memory_space<semaphore_mem>>
    %dma_wait3A_558 = arith.constant 0 : i32
    %dma_wait3A_559 = tpu.memref_slice %arg13[%add3A_239, %dma_wait3A_558] : memref<10240x64xbf16, #tpu.memory_space<vmem_shared>> -> memref<32x64xbf16, #tpu.memory_space<vmem_shared>>
    tpu.wait_dma2 semaphore(%dma_wait3A_557 : memref<!tpu.dma_semaphore, #tpu.memory_space<semaphore_mem>>) src(%arg11 : memref<32x64xbf16, #tpu.memory_space<vmem>>) dst(%dma_wait3A_559 : memref<32x64xbf16, #tpu.memory_space<vmem_shared>>)
    %dma_wait3A_560 = arith.constant 3 : i32
    %dma_wait3A_561 = arith.constant 0 : i32
    %dma_wait3A_562 = tpu.memref_slice %arg14[%add3A_248, %dma_wait3A_561] : memref<10240x16xf32, #tpu.memory_space<vmem_shared>> -> memref<32x16xf32, #tpu.memory_space<vmem_shared>>
    %dma_wait3A_563 = tpu.memref_slice %arg16[%dma_wait3A_560] : memref<4x!tpu.dma_semaphore, #tpu.memory_space<semaphore_mem>> -> memref<1x!tpu.dma_semaphore, #tpu.memory_space<semaphore_mem>>
    %dma_wait3A_564 = tpu.memref_squeeze %dma_wait3A_563 : memref<1x!tpu.dma_semaphore, #tpu.memory_space<semaphore_mem>> -> memref<!tpu.dma_semaphore, #tpu.memory_space<semaphore_mem>>
    %dma_wait3A_565 = arith.constant 0 : i32
    %dma_wait3A_566 = tpu.memref_slice %arg14[%add3A_248, %dma_wait3A_565] : memref<10240x16xf32, #tpu.memory_space<vmem_shared>> -> memref<32x16xf32, #tpu.memory_space<vmem_shared>>
    tpu.wait_dma2 semaphore(%dma_wait3A_564 : memref<!tpu.dma_semaphore, #tpu.memory_space<semaphore_mem>>) src(%arg12 : memref<32x16xf32, #tpu.memory_space<vmem>>) dst(%dma_wait3A_566 : memref<32x16xf32, #tpu.memory_space<vmem_shared>>)
    %dma_wait3A_567 = arith.constant 0 : i32
    %dma_wait3A_568 = arith.constant 0 : i32
    %dma_wait3A_569 = tpu.memref_slice %arg13[%add3A_257, %dma_wait3A_568] : memref<10240x64xbf16, #tpu.memory_space<vmem_shared>> -> memref<32x64xbf16, #tpu.memory_space<vmem_shared>>
    %dma_wait3A_570 = tpu.memref_slice %arg16[%dma_wait3A_567] : memref<4x!tpu.dma_semaphore, #tpu.memory_space<semaphore_mem>> -> memref<1x!tpu.dma_semaphore, #tpu.memory_space<semaphore_mem>>
    %dma_wait3A_571 = tpu.memref_squeeze %dma_wait3A_570 : memref<1x!tpu.dma_semaphore, #tpu.memory_space<semaphore_mem>> -> memref<!tpu.dma_semaphore, #tpu.memory_space<semaphore_mem>>
    %dma_wait3A_572 = arith.constant 0 : i32
    %dma_wait3A_573 = tpu.memref_slice %arg13[%add3A_257, %dma_wait3A_572] : memref<10240x64xbf16, #tpu.memory_space<vmem_shared>> -> memref<32x64xbf16, #tpu.memory_space<vmem_shared>>
    tpu.wait_dma2 semaphore(%dma_wait3A_571 : memref<!tpu.dma_semaphore, #tpu.memory_space<semaphore_mem>>) src(%arg11 : memref<32x64xbf16, #tpu.memory_space<vmem>>) dst(%dma_wait3A_573 : memref<32x64xbf16, #tpu.memory_space<vmem_shared>>)
    %dma_wait3A_574 = arith.constant 0 : i32
    %dma_wait3A_575 = arith.constant 0 : i32
    %dma_wait3A_576 = tpu.memref_slice %arg14[%add3A_266, %dma_wait3A_575] : memref<10240x16xf32, #tpu.memory_space<vmem_shared>> -> memref<32x16xf32, #tpu.memory_space<vmem_shared>>
    %dma_wait3A_577 = tpu.memref_slice %arg16[%dma_wait3A_574] : memref<4x!tpu.dma_semaphore, #tpu.memory_space<semaphore_mem>> -> memref<1x!tpu.dma_semaphore, #tpu.memory_space<semaphore_mem>>
    %dma_wait3A_578 = tpu.memref_squeeze %dma_wait3A_577 : memref<1x!tpu.dma_semaphore, #tpu.memory_space<semaphore_mem>> -> memref<!tpu.dma_semaphore, #tpu.memory_space<semaphore_mem>>
    %dma_wait3A_579 = arith.constant 0 : i32
    %dma_wait3A_580 = tpu.memref_slice %arg14[%add3A_266, %dma_wait3A_579] : memref<10240x16xf32, #tpu.memory_space<vmem_shared>> -> memref<32x16xf32, #tpu.memory_space<vmem_shared>>
    tpu.wait_dma2 semaphore(%dma_wait3A_578 : memref<!tpu.dma_semaphore, #tpu.memory_space<semaphore_mem>>) src(%arg12 : memref<32x16xf32, #tpu.memory_space<vmem>>) dst(%dma_wait3A_580 : memref<32x16xf32, #tpu.memory_space<vmem_shared>>)
    %dma_wait3A_581 = arith.constant 1 : i32
    %dma_wait3A_582 = arith.constant 0 : i32
    %dma_wait3A_583 = tpu.memref_slice %arg13[%add3A_275, %dma_wait3A_582] : memref<10240x64xbf16, #tpu.memory_space<vmem_shared>> -> memref<32x64xbf16, #tpu.memory_space<vmem_shared>>
    %dma_wait3A_584 = tpu.memref_slice %arg16[%dma_wait3A_581] : memref<4x!tpu.dma_semaphore, #tpu.memory_space<semaphore_mem>> -> memref<1x!tpu.dma_semaphore, #tpu.memory_space<semaphore_mem>>
    %dma_wait3A_585 = tpu.memref_squeeze %dma_wait3A_584 : memref<1x!tpu.dma_semaphore, #tpu.memory_space<semaphore_mem>> -> memref<!tpu.dma_semaphore, #tpu.memory_space<semaphore_mem>>
    %dma_wait3A_586 = arith.constant 0 : i32
    %dma_wait3A_587 = tpu.memref_slice %arg13[%add3A_275, %dma_wait3A_586] : memref<10240x64xbf16, #tpu.memory_space<vmem_shared>> -> memref<32x64xbf16, #tpu.memory_space<vmem_shared>>
    tpu.wait_dma2 semaphore(%dma_wait3A_585 : memref<!tpu.dma_semaphore, #tpu.memory_space<semaphore_mem>>) src(%arg11 : memref<32x64xbf16, #tpu.memory_space<vmem>>) dst(%dma_wait3A_587 : memref<32x64xbf16, #tpu.memory_space<vmem_shared>>)
    %dma_wait3A_588 = arith.constant 1 : i32
    %dma_wait3A_589 = arith.constant 0 : i32
    %dma_wait3A_590 = tpu.memref_slice %arg14[%add3A_284, %dma_wait3A_589] : memref<10240x16xf32, #tpu.memory_space<vmem_shared>> -> memref<32x16xf32, #tpu.memory_space<vmem_shared>>
    %dma_wait3A_591 = tpu.memref_slice %arg16[%dma_wait3A_588] : memref<4x!tpu.dma_semaphore, #tpu.memory_space<semaphore_mem>> -> memref<1x!tpu.dma_semaphore, #tpu.memory_space<semaphore_mem>>
    %dma_wait3A_592 = tpu.memref_squeeze %dma_wait3A_591 : memref<1x!tpu.dma_semaphore, #tpu.memory_space<semaphore_mem>> -> memref<!tpu.dma_semaphore, #tpu.memory_space<semaphore_mem>>
    %dma_wait3A_593 = arith.constant 0 : i32
    %dma_wait3A_594 = tpu.memref_slice %arg14[%add3A_284, %dma_wait3A_593] : memref<10240x16xf32, #tpu.memory_space<vmem_shared>> -> memref<32x16xf32, #tpu.memory_space<vmem_shared>>
    tpu.wait_dma2 semaphore(%dma_wait3A_592 : memref<!tpu.dma_semaphore, #tpu.memory_space<semaphore_mem>>) src(%arg12 : memref<32x16xf32, #tpu.memory_space<vmem>>) dst(%dma_wait3A_594 : memref<32x16xf32, #tpu.memory_space<vmem_shared>>)
    %dma_wait3A_595 = arith.constant 2 : i32
    %dma_wait3A_596 = arith.constant 0 : i32
    %dma_wait3A_597 = tpu.memref_slice %arg13[%add3A_293, %dma_wait3A_596] : memref<10240x64xbf16, #tpu.memory_space<vmem_shared>> -> memref<32x64xbf16, #tpu.memory_space<vmem_shared>>
    %dma_wait3A_598 = tpu.memref_slice %arg16[%dma_wait3A_595] : memref<4x!tpu.dma_semaphore, #tpu.memory_space<semaphore_mem>> -> memref<1x!tpu.dma_semaphore, #tpu.memory_space<semaphore_mem>>
    %dma_wait3A_599 = tpu.memref_squeeze %dma_wait3A_598 : memref<1x!tpu.dma_semaphore, #tpu.memory_space<semaphore_mem>> -> memref<!tpu.dma_semaphore, #tpu.memory_space<semaphore_mem>>
    %dma_wait3A_600 = arith.constant 0 : i32
    %dma_wait3A_601 = tpu.memref_slice %arg13[%add3A_293, %dma_wait3A_600] : memref<10240x64xbf16, #tpu.memory_space<vmem_shared>> -> memref<32x64xbf16, #tpu.memory_space<vmem_shared>>
    tpu.wait_dma2 semaphore(%dma_wait3A_599 : memref<!tpu.dma_semaphore, #tpu.memory_space<semaphore_mem>>) src(%arg11 : memref<32x64xbf16, #tpu.memory_space<vmem>>) dst(%dma_wait3A_601 : memref<32x64xbf16, #tpu.memory_space<vmem_shared>>)
    %dma_wait3A_602 = arith.constant 2 : i32
    %dma_wait3A_603 = arith.constant 0 : i32
    %dma_wait3A_604 = tpu.memref_slice %arg14[%add3A_302, %dma_wait3A_603] : memref<10240x16xf32, #tpu.memory_space<vmem_shared>> -> memref<32x16xf32, #tpu.memory_space<vmem_shared>>
    %dma_wait3A_605 = tpu.memref_slice %arg16[%dma_wait3A_602] : memref<4x!tpu.dma_semaphore, #tpu.memory_space<semaphore_mem>> -> memref<1x!tpu.dma_semaphore, #tpu.memory_space<semaphore_mem>>
    %dma_wait3A_606 = tpu.memref_squeeze %dma_wait3A_605 : memref<1x!tpu.dma_semaphore, #tpu.memory_space<semaphore_mem>> -> memref<!tpu.dma_semaphore, #tpu.memory_space<semaphore_mem>>
    %dma_wait3A_607 = arith.constant 0 : i32
    %dma_wait3A_608 = tpu.memref_slice %arg14[%add3A_302, %dma_wait3A_607] : memref<10240x16xf32, #tpu.memory_space<vmem_shared>> -> memref<32x16xf32, #tpu.memory_space<vmem_shared>>
    tpu.wait_dma2 semaphore(%dma_wait3A_606 : memref<!tpu.dma_semaphore, #tpu.memory_space<semaphore_mem>>) src(%arg12 : memref<32x16xf32, #tpu.memory_space<vmem>>) dst(%dma_wait3A_608 : memref<32x16xf32, #tpu.memory_space<vmem_shared>>)
    %dma_wait3A_609 = arith.constant 3 : i32
    %dma_wait3A_610 = arith.constant 0 : i32
    %dma_wait3A_611 = tpu.memref_slice %arg13[%add3A_311, %dma_wait3A_610] : memref<10240x64xbf16, #tpu.memory_space<vmem_shared>> -> memref<32x64xbf16, #tpu.memory_space<vmem_shared>>
    %dma_wait3A_612 = tpu.memref_slice %arg16[%dma_wait3A_609] : memref<4x!tpu.dma_semaphore, #tpu.memory_space<semaphore_mem>> -> memref<1x!tpu.dma_semaphore, #tpu.memory_space<semaphore_mem>>
    %dma_wait3A_613 = tpu.memref_squeeze %dma_wait3A_612 : memref<1x!tpu.dma_semaphore, #tpu.memory_space<semaphore_mem>> -> memref<!tpu.dma_semaphore, #tpu.memory_space<semaphore_mem>>
    %dma_wait3A_614 = arith.constant 0 : i32
    %dma_wait3A_615 = tpu.memref_slice %arg13[%add3A_311, %dma_wait3A_614] : memref<10240x64xbf16, #tpu.memory_space<vmem_shared>> -> memref<32x64xbf16, #tpu.memory_space<vmem_shared>>
    tpu.wait_dma2 semaphore(%dma_wait3A_613 : memref<!tpu.dma_semaphore, #tpu.memory_space<semaphore_mem>>) src(%arg11 : memref<32x64xbf16, #tpu.memory_space<vmem>>) dst(%dma_wait3A_615 : memref<32x64xbf16, #tpu.memory_space<vmem_shared>>)
    %dma_wait3A_616 = arith.constant 3 : i32
    %dma_wait3A_617 = arith.constant 0 : i32
    %dma_wait3A_618 = tpu.memref_slice %arg14[%add3A_320, %dma_wait3A_617] : memref<10240x16xf32, #tpu.memory_space<vmem_shared>> -> memref<32x16xf32, #tpu.memory_space<vmem_shared>>
    %dma_wait3A_619 = tpu.memref_slice %arg16[%dma_wait3A_616] : memref<4x!tpu.dma_semaphore, #tpu.memory_space<semaphore_mem>> -> memref<1x!tpu.dma_semaphore, #tpu.memory_space<semaphore_mem>>
    %dma_wait3A_620 = tpu.memref_squeeze %dma_wait3A_619 : memref<1x!tpu.dma_semaphore, #tpu.memory_space<semaphore_mem>> -> memref<!tpu.dma_semaphore, #tpu.memory_space<semaphore_mem>>
    %dma_wait3A_621 = arith.constant 0 : i32
    %dma_wait3A_622 = tpu.memref_slice %arg14[%add3A_320, %dma_wait3A_621] : memref<10240x16xf32, #tpu.memory_space<vmem_shared>> -> memref<32x16xf32, #tpu.memory_space<vmem_shared>>
    tpu.wait_dma2 semaphore(%dma_wait3A_620 : memref<!tpu.dma_semaphore, #tpu.memory_space<semaphore_mem>>) src(%arg12 : memref<32x16xf32, #tpu.memory_space<vmem>>) dst(%dma_wait3A_622 : memref<32x16xf32, #tpu.memory_space<vmem_shared>>)
    %dma_wait3A_623 = arith.constant 0 : i32
    %dma_wait3A_624 = arith.constant 0 : i32
    %dma_wait3A_625 = tpu.memref_slice %arg13[%add3A_329, %dma_wait3A_624] : memref<10240x64xbf16, #tpu.memory_space<vmem_shared>> -> memref<32x64xbf16, #tpu.memory_space<vmem_shared>>
    %dma_wait3A_626 = tpu.memref_slice %arg16[%dma_wait3A_623] : memref<4x!tpu.dma_semaphore, #tpu.memory_space<semaphore_mem>> -> memref<1x!tpu.dma_semaphore, #tpu.memory_space<semaphore_mem>>
    %dma_wait3A_627 = tpu.memref_squeeze %dma_wait3A_626 : memref<1x!tpu.dma_semaphore, #tpu.memory_space<semaphore_mem>> -> memref<!tpu.dma_semaphore, #tpu.memory_space<semaphore_mem>>
    %dma_wait3A_628 = arith.constant 0 : i32
    %dma_wait3A_629 = tpu.memref_slice %arg13[%add3A_329, %dma_wait3A_628] : memref<10240x64xbf16, #tpu.memory_space<vmem_shared>> -> memref<32x64xbf16, #tpu.memory_space<vmem_shared>>
    tpu.wait_dma2 semaphore(%dma_wait3A_627 : memref<!tpu.dma_semaphore, #tpu.memory_space<semaphore_mem>>) src(%arg11 : memref<32x64xbf16, #tpu.memory_space<vmem>>) dst(%dma_wait3A_629 : memref<32x64xbf16, #tpu.memory_space<vmem_shared>>)
    %dma_wait3A_630 = arith.constant 0 : i32
    %dma_wait3A_631 = arith.constant 0 : i32
    %dma_wait3A_632 = tpu.memref_slice %arg14[%add3A_338, %dma_wait3A_631] : memref<10240x16xf32, #tpu.memory_space<vmem_shared>> -> memref<32x16xf32, #tpu.memory_space<vmem_shared>>
    %dma_wait3A_633 = tpu.memref_slice %arg16[%dma_wait3A_630] : memref<4x!tpu.dma_semaphore, #tpu.memory_space<semaphore_mem>> -> memref<1x!tpu.dma_semaphore, #tpu.memory_space<semaphore_mem>>
    %dma_wait3A_634 = tpu.memref_squeeze %dma_wait3A_633 : memref<1x!tpu.dma_semaphore, #tpu.memory_space<semaphore_mem>> -> memref<!tpu.dma_semaphore, #tpu.memory_space<semaphore_mem>>
    %dma_wait3A_635 = arith.constant 0 : i32
    %dma_wait3A_636 = tpu.memref_slice %arg14[%add3A_338, %dma_wait3A_635] : memref<10240x16xf32, #tpu.memory_space<vmem_shared>> -> memref<32x16xf32, #tpu.memory_space<vmem_shared>>
    tpu.wait_dma2 semaphore(%dma_wait3A_634 : memref<!tpu.dma_semaphore, #tpu.memory_space<semaphore_mem>>) src(%arg12 : memref<32x16xf32, #tpu.memory_space<vmem>>) dst(%dma_wait3A_636 : memref<32x16xf32, #tpu.memory_space<vmem_shared>>)
    %dma_wait3A_637 = arith.constant 1 : i32
    %dma_wait3A_638 = arith.constant 0 : i32
    %dma_wait3A_639 = tpu.memref_slice %arg13[%add3A_347, %dma_wait3A_638] : memref<10240x64xbf16, #tpu.memory_space<vmem_shared>> -> memref<32x64xbf16, #tpu.memory_space<vmem_shared>>
    %dma_wait3A_640 = tpu.memref_slice %arg16[%dma_wait3A_637] : memref<4x!tpu.dma_semaphore, #tpu.memory_space<semaphore_mem>> -> memref<1x!tpu.dma_semaphore, #tpu.memory_space<semaphore_mem>>
    %dma_wait3A_641 = tpu.memref_squeeze %dma_wait3A_640 : memref<1x!tpu.dma_semaphore, #tpu.memory_space<semaphore_mem>> -> memref<!tpu.dma_semaphore, #tpu.memory_space<semaphore_mem>>
    %dma_wait3A_642 = arith.constant 0 : i32
    %dma_wait3A_643 = tpu.memref_slice %arg13[%add3A_347, %dma_wait3A_642] : memref<10240x64xbf16, #tpu.memory_space<vmem_shared>> -> memref<32x64xbf16, #tpu.memory_space<vmem_shared>>
    tpu.wait_dma2 semaphore(%dma_wait3A_641 : memref<!tpu.dma_semaphore, #tpu.memory_space<semaphore_mem>>) src(%arg11 : memref<32x64xbf16, #tpu.memory_space<vmem>>) dst(%dma_wait3A_643 : memref<32x64xbf16, #tpu.memory_space<vmem_shared>>)
    %dma_wait3A_644 = arith.constant 1 : i32
    %dma_wait3A_645 = arith.constant 0 : i32
    %dma_wait3A_646 = tpu.memref_slice %arg14[%add3A_356, %dma_wait3A_645] : memref<10240x16xf32, #tpu.memory_space<vmem_shared>> -> memref<32x16xf32, #tpu.memory_space<vmem_shared>>
    %dma_wait3A_647 = tpu.memref_slice %arg16[%dma_wait3A_644] : memref<4x!tpu.dma_semaphore, #tpu.memory_space<semaphore_mem>> -> memref<1x!tpu.dma_semaphore, #tpu.memory_space<semaphore_mem>>
    %dma_wait3A_648 = tpu.memref_squeeze %dma_wait3A_647 : memref<1x!tpu.dma_semaphore, #tpu.memory_space<semaphore_mem>> -> memref<!tpu.dma_semaphore, #tpu.memory_space<semaphore_mem>>
    %dma_wait3A_649 = arith.constant 0 : i32
    %dma_wait3A_650 = tpu.memref_slice %arg14[%add3A_356, %dma_wait3A_649] : memref<10240x16xf32, #tpu.memory_space<vmem_shared>> -> memref<32x16xf32, #tpu.memory_space<vmem_shared>>
    tpu.wait_dma2 semaphore(%dma_wait3A_648 : memref<!tpu.dma_semaphore, #tpu.memory_space<semaphore_mem>>) src(%arg12 : memref<32x16xf32, #tpu.memory_space<vmem>>) dst(%dma_wait3A_650 : memref<32x16xf32, #tpu.memory_space<vmem_shared>>)
    %dma_wait3A_651 = arith.constant 2 : i32
    %dma_wait3A_652 = arith.constant 0 : i32
    %dma_wait3A_653 = tpu.memref_slice %arg13[%add3A_365, %dma_wait3A_652] : memref<10240x64xbf16, #tpu.memory_space<vmem_shared>> -> memref<32x64xbf16, #tpu.memory_space<vmem_shared>>
    %dma_wait3A_654 = tpu.memref_slice %arg16[%dma_wait3A_651] : memref<4x!tpu.dma_semaphore, #tpu.memory_space<semaphore_mem>> -> memref<1x!tpu.dma_semaphore, #tpu.memory_space<semaphore_mem>>
    %dma_wait3A_655 = tpu.memref_squeeze %dma_wait3A_654 : memref<1x!tpu.dma_semaphore, #tpu.memory_space<semaphore_mem>> -> memref<!tpu.dma_semaphore, #tpu.memory_space<semaphore_mem>>
    %dma_wait3A_656 = arith.constant 0 : i32
    %dma_wait3A_657 = tpu.memref_slice %arg13[%add3A_365, %dma_wait3A_656] : memref<10240x64xbf16, #tpu.memory_space<vmem_shared>> -> memref<32x64xbf16, #tpu.memory_space<vmem_shared>>
    tpu.wait_dma2 semaphore(%dma_wait3A_655 : memref<!tpu.dma_semaphore, #tpu.memory_space<semaphore_mem>>) src(%arg11 : memref<32x64xbf16, #tpu.memory_space<vmem>>) dst(%dma_wait3A_657 : memref<32x64xbf16, #tpu.memory_space<vmem_shared>>)
    %dma_wait3A_658 = arith.constant 2 : i32
    %dma_wait3A_659 = arith.constant 0 : i32
    %dma_wait3A_660 = tpu.memref_slice %arg14[%add3A_374, %dma_wait3A_659] : memref<10240x16xf32, #tpu.memory_space<vmem_shared>> -> memref<32x16xf32, #tpu.memory_space<vmem_shared>>
    %dma_wait3A_661 = tpu.memref_slice %arg16[%dma_wait3A_658] : memref<4x!tpu.dma_semaphore, #tpu.memory_space<semaphore_mem>> -> memref<1x!tpu.dma_semaphore, #tpu.memory_space<semaphore_mem>>
    %dma_wait3A_662 = tpu.memref_squeeze %dma_wait3A_661 : memref<1x!tpu.dma_semaphore, #tpu.memory_space<semaphore_mem>> -> memref<!tpu.dma_semaphore, #tpu.memory_space<semaphore_mem>>
    %dma_wait3A_663 = arith.constant 0 : i32
    %dma_wait3A_664 = tpu.memref_slice %arg14[%add3A_374, %dma_wait3A_663] : memref<10240x16xf32, #tpu.memory_space<vmem_shared>> -> memref<32x16xf32, #tpu.memory_space<vmem_shared>>
    tpu.wait_dma2 semaphore(%dma_wait3A_662 : memref<!tpu.dma_semaphore, #tpu.memory_space<semaphore_mem>>) src(%arg12 : memref<32x16xf32, #tpu.memory_space<vmem>>) dst(%dma_wait3A_664 : memref<32x16xf32, #tpu.memory_space<vmem_shared>>)
    %dma_wait3A_665 = arith.constant 3 : i32
    %dma_wait3A_666 = arith.constant 0 : i32
    %dma_wait3A_667 = tpu.memref_slice %arg13[%add3A_383, %dma_wait3A_666] : memref<10240x64xbf16, #tpu.memory_space<vmem_shared>> -> memref<32x64xbf16, #tpu.memory_space<vmem_shared>>
    %dma_wait3A_668 = tpu.memref_slice %arg16[%dma_wait3A_665] : memref<4x!tpu.dma_semaphore, #tpu.memory_space<semaphore_mem>> -> memref<1x!tpu.dma_semaphore, #tpu.memory_space<semaphore_mem>>
    %dma_wait3A_669 = tpu.memref_squeeze %dma_wait3A_668 : memref<1x!tpu.dma_semaphore, #tpu.memory_space<semaphore_mem>> -> memref<!tpu.dma_semaphore, #tpu.memory_space<semaphore_mem>>
    %dma_wait3A_670 = arith.constant 0 : i32
    %dma_wait3A_671 = tpu.memref_slice %arg13[%add3A_383, %dma_wait3A_670] : memref<10240x64xbf16, #tpu.memory_space<vmem_shared>> -> memref<32x64xbf16, #tpu.memory_space<vmem_shared>>
    tpu.wait_dma2 semaphore(%dma_wait3A_669 : memref<!tpu.dma_semaphore, #tpu.memory_space<semaphore_mem>>) src(%arg11 : memref<32x64xbf16, #tpu.memory_space<vmem>>) dst(%dma_wait3A_671 : memref<32x64xbf16, #tpu.memory_space<vmem_shared>>)
    %dma_wait3A_672 = arith.constant 3 : i32
    %dma_wait3A_673 = arith.constant 0 : i32
    %dma_wait3A_674 = tpu.memref_slice %arg14[%add3A_392, %dma_wait3A_673] : memref<10240x16xf32, #tpu.memory_space<vmem_shared>> -> memref<32x16xf32, #tpu.memory_space<vmem_shared>>
    %dma_wait3A_675 = tpu.memref_slice %arg16[%dma_wait3A_672] : memref<4x!tpu.dma_semaphore, #tpu.memory_space<semaphore_mem>> -> memref<1x!tpu.dma_semaphore, #tpu.memory_space<semaphore_mem>>
    %dma_wait3A_676 = tpu.memref_squeeze %dma_wait3A_675 : memref<1x!tpu.dma_semaphore, #tpu.memory_space<semaphore_mem>> -> memref<!tpu.dma_semaphore, #tpu.memory_space<semaphore_mem>>
    %dma_wait3A_677 = arith.constant 0 : i32
    %dma_wait3A_678 = tpu.memref_slice %arg14[%add3A_392, %dma_wait3A_677] : memref<10240x16xf32, #tpu.memory_space<vmem_shared>> -> memref<32x16xf32, #tpu.memory_space<vmem_shared>>
    tpu.wait_dma2 semaphore(%dma_wait3A_676 : memref<!tpu.dma_semaphore, #tpu.memory_space<semaphore_mem>>) src(%arg12 : memref<32x16xf32, #tpu.memory_space<vmem>>) dst(%dma_wait3A_678 : memref<32x16xf32, #tpu.memory_space<vmem_shared>>)
    %dma_wait3A_679 = arith.constant 0 : i32
    %dma_wait3A_680 = arith.constant 0 : i32
    %dma_wait3A_681 = arith.constant 0 : i32
    %dma_wait3A_682 = tpu.memref_slice %arg3[%add3A, %dma_wait3A_680, %dma_wait3A_681] : memref<32x160x125xi32, #tpu.memory_space<hbm>> -> memref<1x160x125xi32, #tpu.memory_space<hbm>>
    %dma_wait3A_683 = tpu.memref_squeeze %dma_wait3A_682 : memref<1x160x125xi32, #tpu.memory_space<hbm>> -> memref<160x125xi32, #tpu.memory_space<hbm>>
    %dma_wait3A_684 = tpu.memref_slice %arg15[%dma_wait3A_679] : memref<4x!tpu.dma_semaphore, #tpu.memory_space<semaphore_mem>> -> memref<1x!tpu.dma_semaphore, #tpu.memory_space<semaphore_mem>>
    %dma_wait3A_685 = tpu.memref_squeeze %dma_wait3A_684 : memref<1x!tpu.dma_semaphore, #tpu.memory_space<semaphore_mem>> -> memref<!tpu.dma_semaphore, #tpu.memory_space<semaphore_mem>>
    %dma_wait3A_686 = arith.constant 0 : i32
    %dma_wait3A_687 = arith.constant 0 : i32
    %dma_wait3A_688 = tpu.memref_slice %arg3[%add3A, %dma_wait3A_686, %dma_wait3A_687] : memref<32x160x125xi32, #tpu.memory_space<hbm>> -> memref<1x160x125xi32, #tpu.memory_space<hbm>>
    %dma_wait3A_689 = tpu.memref_squeeze %dma_wait3A_688 : memref<1x160x125xi32, #tpu.memory_space<hbm>> -> memref<160x125xi32, #tpu.memory_space<hbm>>
    tpu.wait_dma2 semaphore(%dma_wait3A_685 : memref<!tpu.dma_semaphore, #tpu.memory_space<semaphore_mem>>) src(%dma_wait3A_689 : memref<160x125xi32, #tpu.memory_space<hbm>>) dst(%arg7 : memref<160x125xi32, #tpu.memory_space<vmem>>)
    %dma_wait3A_690 = arith.constant 1 : i32
    %dma_wait3A_691 = arith.constant 0 : i32
    %dma_wait3A_692 = arith.constant 0 : i32
    %dma_wait3A_693 = tpu.memref_slice %arg4[%arg1, %dma_wait3A_691, %dma_wait3A_692] : memref<16x160x125xi32, #tpu.memory_space<hbm>> -> memref<1x160x125xi32, #tpu.memory_space<hbm>>
    %dma_wait3A_694 = tpu.memref_squeeze %dma_wait3A_693 : memref<1x160x125xi32, #tpu.memory_space<hbm>> -> memref<160x125xi32, #tpu.memory_space<hbm>>
    %dma_wait3A_695 = tpu.memref_slice %arg15[%dma_wait3A_690] : memref<4x!tpu.dma_semaphore, #tpu.memory_space<semaphore_mem>> -> memref<1x!tpu.dma_semaphore, #tpu.memory_space<semaphore_mem>>
    %dma_wait3A_696 = tpu.memref_squeeze %dma_wait3A_695 : memref<1x!tpu.dma_semaphore, #tpu.memory_space<semaphore_mem>> -> memref<!tpu.dma_semaphore, #tpu.memory_space<semaphore_mem>>
    %dma_wait3A_697 = arith.constant 0 : i32
    %dma_wait3A_698 = arith.constant 0 : i32
    %dma_wait3A_699 = tpu.memref_slice %arg4[%arg1, %dma_wait3A_697, %dma_wait3A_698] : memref<16x160x125xi32, #tpu.memory_space<hbm>> -> memref<1x160x125xi32, #tpu.memory_space<hbm>>
    %dma_wait3A_700 = tpu.memref_squeeze %dma_wait3A_699 : memref<1x160x125xi32, #tpu.memory_space<hbm>> -> memref<160x125xi32, #tpu.memory_space<hbm>>
    tpu.wait_dma2 semaphore(%dma_wait3A_696 : memref<!tpu.dma_semaphore, #tpu.memory_space<semaphore_mem>>) src(%dma_wait3A_700 : memref<160x125xi32, #tpu.memory_space<hbm>>) dst(%arg8 : memref<160x125xi32, #tpu.memory_space<vmem>>)
    %barrier3A = arith.constant 0 : index
    tpu.barrier barrier_id(%barrier3A)
    %dma_start3A_701 = arith.constant 0 : i32
    %dma_start3A_702 = arith.constant 0 : i32
    %dma_start3A_703 = arith.constant 0 : i32
    %dma_start3A_704 = arith.constant 0 : i32
    %dma_start3A_705 = arith.constant 0 : i32
    %dma_start3A_706 = tpu.memref_slice %arg9[%dma_start3A_702, %dma_start3A_704, %dma_start3A_705] : memref<4x125x64xbf16, #tpu.memory_space<vmem>> -> memref<1x125x64xbf16, #tpu.memory_space<vmem>>
    %dma_start3A_707 = tpu.memref_squeeze %dma_start3A_706 : memref<1x125x64xbf16, #tpu.memory_space<vmem>> -> memref<125x64xbf16, #tpu.memory_space<vmem>>
    %dma_start3A_708 = arith.constant 0 : i32
    %dma_start3A_709 = tpu.memref_slice %arg7[%dma_start3A_701, %dma_start3A_708] : memref<160x125xi32, #tpu.memory_space<vmem>> -> memref<1x125xi32, #tpu.memory_space<vmem>>
    %dma_start3A_710 = tpu.memref_squeeze %dma_start3A_709 : memref<1x125xi32, #tpu.memory_space<vmem>> -> memref<125xi32, #tpu.memory_space<vmem>>
    %dma_start3A_711 = arith.constant 0 : i32
    %dma_start3A_712 = arith.constant 0 : i32
    %dma_start3A_713 = tpu.memref_slice %arg2[%dma_start3A_711, %dma_start3A_712] : memref<20000x64xbf16, #tpu.memory_space<hbm>> -> memref<20000x64xbf16, #tpu.memory_space<hbm>>
    %dma_start3A_714 = tpu.memref_slice %arg15[%dma_start3A_703] : memref<4x!tpu.dma_semaphore, #tpu.memory_space<semaphore_mem>> -> memref<1x!tpu.dma_semaphore, #tpu.memory_space<semaphore_mem>>
    %dma_start3A_715 = tpu.memref_squeeze %dma_start3A_714 : memref<1x!tpu.dma_semaphore, #tpu.memory_space<semaphore_mem>> -> memref<!tpu.dma_semaphore, #tpu.memory_space<semaphore_mem>>
    tpu.enqueue_indirect_dma source(%dma_start3A_713 : memref<20000x64xbf16, #tpu.memory_space<hbm>>) target(%dma_start3A_707 : memref<125x64xbf16, #tpu.memory_space<vmem>>) offsets(%dma_start3A_710 : memref<125xi32, #tpu.memory_space<vmem>>) semaphore(%dma_start3A_715 : memref<!tpu.dma_semaphore, #tpu.memory_space<semaphore_mem>>)
    %dma_start3A_716 = arith.constant 1 : i32
    %dma_start3A_717 = arith.constant 1 : i32
    %dma_start3A_718 = arith.constant 1 : i32
    %dma_start3A_719 = arith.constant 0 : i32
    %dma_start3A_720 = arith.constant 0 : i32
    %dma_start3A_721 = tpu.memref_slice %arg9[%dma_start3A_717, %dma_start3A_719, %dma_start3A_720] : memref<4x125x64xbf16, #tpu.memory_space<vmem>> -> memref<1x125x64xbf16, #tpu.memory_space<vmem>>
    %dma_start3A_722 = tpu.memref_squeeze %dma_start3A_721 : memref<1x125x64xbf16, #tpu.memory_space<vmem>> -> memref<125x64xbf16, #tpu.memory_space<vmem>>
    %dma_start3A_723 = arith.constant 0 : i32
    %dma_start3A_724 = tpu.memref_slice %arg7[%dma_start3A_716, %dma_start3A_723] : memref<160x125xi32, #tpu.memory_space<vmem>> -> memref<1x125xi32, #tpu.memory_space<vmem>>
    %dma_start3A_725 = tpu.memref_squeeze %dma_start3A_724 : memref<1x125xi32, #tpu.memory_space<vmem>> -> memref<125xi32, #tpu.memory_space<vmem>>
    %dma_start3A_726 = arith.constant 0 : i32
    %dma_start3A_727 = arith.constant 0 : i32
    %dma_start3A_728 = tpu.memref_slice %arg2[%dma_start3A_726, %dma_start3A_727] : memref<20000x64xbf16, #tpu.memory_space<hbm>> -> memref<20000x64xbf16, #tpu.memory_space<hbm>>
    %dma_start3A_729 = tpu.memref_slice %arg15[%dma_start3A_718] : memref<4x!tpu.dma_semaphore, #tpu.memory_space<semaphore_mem>> -> memref<1x!tpu.dma_semaphore, #tpu.memory_space<semaphore_mem>>
    %dma_start3A_730 = tpu.memref_squeeze %dma_start3A_729 : memref<1x!tpu.dma_semaphore, #tpu.memory_space<semaphore_mem>> -> memref<!tpu.dma_semaphore, #tpu.memory_space<semaphore_mem>>
    tpu.enqueue_indirect_dma source(%dma_start3A_728 : memref<20000x64xbf16, #tpu.memory_space<hbm>>) target(%dma_start3A_722 : memref<125x64xbf16, #tpu.memory_space<vmem>>) offsets(%dma_start3A_725 : memref<125xi32, #tpu.memory_space<vmem>>) semaphore(%dma_start3A_730 : memref<!tpu.dma_semaphore, #tpu.memory_space<semaphore_mem>>)
    %dma_start3A_731 = arith.constant 2 : i32
    %dma_start3A_732 = arith.constant 2 : i32
    %dma_start3A_733 = arith.constant 2 : i32
    %dma_start3A_734 = arith.constant 0 : i32
    %dma_start3A_735 = arith.constant 0 : i32
    %dma_start3A_736 = tpu.memref_slice %arg9[%dma_start3A_732, %dma_start3A_734, %dma_start3A_735] : memref<4x125x64xbf16, #tpu.memory_space<vmem>> -> memref<1x125x64xbf16, #tpu.memory_space<vmem>>
    %dma_start3A_737 = tpu.memref_squeeze %dma_start3A_736 : memref<1x125x64xbf16, #tpu.memory_space<vmem>> -> memref<125x64xbf16, #tpu.memory_space<vmem>>
    %dma_start3A_738 = arith.constant 0 : i32
    %dma_start3A_739 = tpu.memref_slice %arg7[%dma_start3A_731, %dma_start3A_738] : memref<160x125xi32, #tpu.memory_space<vmem>> -> memref<1x125xi32, #tpu.memory_space<vmem>>
    %dma_start3A_740 = tpu.memref_squeeze %dma_start3A_739 : memref<1x125xi32, #tpu.memory_space<vmem>> -> memref<125xi32, #tpu.memory_space<vmem>>
    %dma_start3A_741 = arith.constant 0 : i32
    %dma_start3A_742 = arith.constant 0 : i32
    %dma_start3A_743 = tpu.memref_slice %arg2[%dma_start3A_741, %dma_start3A_742] : memref<20000x64xbf16, #tpu.memory_space<hbm>> -> memref<20000x64xbf16, #tpu.memory_space<hbm>>
    %dma_start3A_744 = tpu.memref_slice %arg15[%dma_start3A_733] : memref<4x!tpu.dma_semaphore, #tpu.memory_space<semaphore_mem>> -> memref<1x!tpu.dma_semaphore, #tpu.memory_space<semaphore_mem>>
    %dma_start3A_745 = tpu.memref_squeeze %dma_start3A_744 : memref<1x!tpu.dma_semaphore, #tpu.memory_space<semaphore_mem>> -> memref<!tpu.dma_semaphore, #tpu.memory_space<semaphore_mem>>
    tpu.enqueue_indirect_dma source(%dma_start3A_743 : memref<20000x64xbf16, #tpu.memory_space<hbm>>) target(%dma_start3A_737 : memref<125x64xbf16, #tpu.memory_space<vmem>>) offsets(%dma_start3A_740 : memref<125xi32, #tpu.memory_space<vmem>>) semaphore(%dma_start3A_745 : memref<!tpu.dma_semaphore, #tpu.memory_space<semaphore_mem>>)
    %scan3A_746 = arith.constant 0 : i32
    %scan3A_747 = arith.constant 0 : i32
    %scan3A_748 = arith.constant 40 : i32
    %scan3A_749 = arith.addi %scan3A_747, %scan3A_748 : i32
    %scan3A_750 = arith.constant 1 : i32
    scf.for %scan3A_835 = %scan3A_747 to %scan3A_749 step %scan3A_750  : i32 {
      %mul3A_836 = arith.constant 4 : i32
      %mul3A_837 = arith.muli %mul3A_836, %scan3A_835 : i32
      %add3A_838 = arith.constant 0 : i32
      %add3A_839 = arith.addi %mul3A_837, %add3A_838 : i32
      %dma_wait3A_840 = arith.constant 0 : i32
      %dma_wait3A_841 = arith.constant 0 : i32
      %dma_wait3A_842 = arith.constant 0 : i32
      %dma_wait3A_843 = arith.constant 0 : i32
      %dma_wait3A_844 = tpu.memref_slice %arg9[%dma_wait3A_840, %dma_wait3A_842, %dma_wait3A_843] : memref<4x125x64xbf16, #tpu.memory_space<vmem>> -> memref<1x125x64xbf16, #tpu.memory_space<vmem>>
      %dma_wait3A_845 = tpu.memref_squeeze %dma_wait3A_844 : memref<1x125x64xbf16, #tpu.memory_space<vmem>> -> memref<125x64xbf16, #tpu.memory_space<vmem>>
      %dma_wait3A_846 = arith.constant 0 : i32
      %dma_wait3A_847 = tpu.memref_slice %arg7[%add3A_839, %dma_wait3A_846] : memref<160x125xi32, #tpu.memory_space<vmem>> -> memref<1x125xi32, #tpu.memory_space<vmem>>
      %dma_wait3A_848 = tpu.memref_squeeze %dma_wait3A_847 : memref<1x125xi32, #tpu.memory_space<vmem>> -> memref<125xi32, #tpu.memory_space<vmem>>
      %dma_wait3A_849 = arith.constant 0 : i32
      %dma_wait3A_850 = arith.constant 0 : i32
      %dma_wait3A_851 = tpu.memref_slice %arg2[%dma_wait3A_849, %dma_wait3A_850] : memref<20000x64xbf16, #tpu.memory_space<hbm>> -> memref<20000x64xbf16, #tpu.memory_space<hbm>>
      %dma_wait3A_852 = tpu.memref_slice %arg15[%dma_wait3A_841] : memref<4x!tpu.dma_semaphore, #tpu.memory_space<semaphore_mem>> -> memref<1x!tpu.dma_semaphore, #tpu.memory_space<semaphore_mem>>
      %dma_wait3A_853 = tpu.memref_squeeze %dma_wait3A_852 : memref<1x!tpu.dma_semaphore, #tpu.memory_space<semaphore_mem>> -> memref<!tpu.dma_semaphore, #tpu.memory_space<semaphore_mem>>
      tpu.wait_indirect_dma semaphore(%dma_wait3A_853 : memref<!tpu.dma_semaphore, #tpu.memory_space<semaphore_mem>>) src(%dma_wait3A_851 : memref<20000x64xbf16, #tpu.memory_space<hbm>>) dst(%dma_wait3A_845 : memref<125x64xbf16, #tpu.memory_space<vmem>>)
      %dma_start3A_854 = arith.constant 0 : i32
      %dma_start3A_855 = arith.constant 0 : i32
      %dma_start3A_856 = arith.constant 0 : i32
      %dma_start3A_857 = arith.constant 0 : i32
      %dma_start3A_858 = tpu.memref_slice %arg9[%dma_start3A_854, %dma_start3A_856, %dma_start3A_857] : memref<4x125x64xbf16, #tpu.memory_space<vmem>> -> memref<1x125x64xbf16, #tpu.memory_space<vmem>>
      %dma_start3A_859 = tpu.memref_squeeze %dma_start3A_858 : memref<1x125x64xbf16, #tpu.memory_space<vmem>> -> memref<125x64xbf16, #tpu.memory_space<vmem>>
      %dma_start3A_860 = arith.constant 0 : i32
      %dma_start3A_861 = tpu.memref_slice %arg8[%add3A_839, %dma_start3A_860] : memref<160x125xi32, #tpu.memory_space<vmem>> -> memref<1x125xi32, #tpu.memory_space<vmem>>
      %dma_start3A_862 = tpu.memref_squeeze %dma_start3A_861 : memref<1x125xi32, #tpu.memory_space<vmem>> -> memref<125xi32, #tpu.memory_space<vmem>>
      %dma_start3A_863 = arith.constant 0 : i32
      %dma_start3A_864 = arith.constant 0 : i32
      %dma_start3A_865 = tpu.memref_slice %arg13[%dma_start3A_863, %dma_start3A_864] : memref<10240x64xbf16, #tpu.memory_space<vmem_shared>> -> memref<10240x64xbf16, #tpu.memory_space<vmem_shared>>
      %dma_start3A_866 = tpu.memref_slice %arg16[%dma_start3A_855] : memref<4x!tpu.dma_semaphore, #tpu.memory_space<semaphore_mem>> -> memref<1x!tpu.dma_semaphore, #tpu.memory_space<semaphore_mem>>
      %dma_start3A_867 = tpu.memref_squeeze %dma_start3A_866 : memref<1x!tpu.dma_semaphore, #tpu.memory_space<semaphore_mem>> -> memref<!tpu.dma_semaphore, #tpu.memory_space<semaphore_mem>>
      tpu.enqueue_indirect_dma source(%dma_start3A_859 : memref<125x64xbf16, #tpu.memory_space<vmem>>) target(%dma_start3A_865 : memref<10240x64xbf16, #tpu.memory_space<vmem_shared>>) offsets(%dma_start3A_862 : memref<125xi32, #tpu.memory_space<vmem>>) semaphore(%dma_start3A_867 : memref<!tpu.dma_semaphore, #tpu.memory_space<semaphore_mem>>) {add = true}
      %gt3A = arith.constant 0 : i32
      %gt3A_868 = arith.cmpi sgt, %scan3A_835, %gt3A : i32
      %convert_element_type3A_869 = arith.extui %gt3A_868 : i1 to i32
      %cond3A_870 = arith.constant 0 : i32
      %cond3A_871 = arith.cmpi ne, %convert_element_type3A_869, %cond3A_870 : i32
      scf.if %cond3A_871 {
        %sub3A = arith.constant 4 : i32
        %sub3A_1038 = arith.subi %add3A_839, %sub3A : i32
        %eq3A_1039 = arith.constant 0 : i32
        %eq3A_1040 = arith.cmpi eq, %arg0, %eq3A_1039 : i32
        %convert_element_type3A_1041 = arith.extui %eq3A_1040 : i1 to i32
        %cond3A_1042 = arith.constant 0 : i32
        %cond3A_1043 = arith.cmpi ne, %convert_element_type3A_1041, %cond3A_1042 : i32
        scf.if %cond3A_1043 {
          %dma_wait3A_1044 = arith.constant 0 : i32
          %dma_wait3A_1045 = arith.constant 0 : i32
          %dma_wait3A_1046 = tpu.memref_slice %arg8[%sub3A_1038, %dma_wait3A_1045] : memref<160x125xi32, #tpu.memory_space<vmem>> -> memref<1x125xi32, #tpu.memory_space<vmem>>
          %dma_wait3A_1047 = tpu.memref_squeeze %dma_wait3A_1046 : memref<1x125xi32, #tpu.memory_space<vmem>> -> memref<125xi32, #tpu.memory_space<vmem>>
          %dma_wait3A_1048 = arith.constant 0 : i32
          %dma_wait3A_1049 = arith.constant 0 : i32
          %dma_wait3A_1050 = tpu.memref_slice %arg14[%dma_wait3A_1048, %dma_wait3A_1049] : memref<10240x16xf32, #tpu.memory_space<vmem_shared>> -> memref<10240x16xf32, #tpu.memory_space<vmem_shared>>
          %dma_wait3A_1051 = tpu.memref_slice %arg17[%dma_wait3A_1044] : memref<4x!tpu.dma_semaphore, #tpu.memory_space<semaphore_mem>> -> memref<1x!tpu.dma_semaphore, #tpu.memory_space<semaphore_mem>>
          %dma_wait3A_1052 = tpu.memref_squeeze %dma_wait3A_1051 : memref<1x!tpu.dma_semaphore, #tpu.memory_space<semaphore_mem>> -> memref<!tpu.dma_semaphore, #tpu.memory_space<semaphore_mem>>
          tpu.wait_indirect_dma semaphore(%dma_wait3A_1052 : memref<!tpu.dma_semaphore, #tpu.memory_space<semaphore_mem>>) src(%arg10 : memref<125x16xf32, #tpu.memory_space<vmem>>) dst(%dma_wait3A_1050 : memref<10240x16xf32, #tpu.memory_space<vmem_shared>>)
        } else {
        }
      } else {
      }
      %eq3A_872 = arith.constant 0 : i32
      %eq3A_873 = arith.cmpi eq, %arg0, %eq3A_872 : i32
      %convert_element_type3A_874 = arith.extui %eq3A_873 : i1 to i32
      %cond3A_875 = arith.constant 0 : i32
      %cond3A_876 = arith.cmpi ne, %convert_element_type3A_874, %cond3A_875 : i32
      scf.if %cond3A_876 {
        %dma_start3A_1038 = arith.constant 0 : i32
        %dma_start3A_1039 = arith.constant 0 : i32
        %dma_start3A_1040 = tpu.memref_slice %arg8[%add3A_839, %dma_start3A_1039] : memref<160x125xi32, #tpu.memory_space<vmem>> -> memref<1x125xi32, #tpu.memory_space<vmem>>
        %dma_start3A_1041 = tpu.memref_squeeze %dma_start3A_1040 : memref<1x125xi32, #tpu.memory_space<vmem>> -> memref<125xi32, #tpu.memory_space<vmem>>
        %dma_start3A_1042 = arith.constant 0 : i32
        %dma_start3A_1043 = arith.constant 0 : i32
        %dma_start3A_1044 = tpu.memref_slice %arg14[%dma_start3A_1042, %dma_start3A_1043] : memref<10240x16xf32, #tpu.memory_space<vmem_shared>> -> memref<10240x16xf32, #tpu.memory_space<vmem_shared>>
        %dma_start3A_1045 = tpu.memref_slice %arg17[%dma_start3A_1038] : memref<4x!tpu.dma_semaphore, #tpu.memory_space<semaphore_mem>> -> memref<1x!tpu.dma_semaphore, #tpu.memory_space<semaphore_mem>>
        %dma_start3A_1046 = tpu.memref_squeeze %dma_start3A_1045 : memref<1x!tpu.dma_semaphore, #tpu.memory_space<semaphore_mem>> -> memref<!tpu.dma_semaphore, #tpu.memory_space<semaphore_mem>>
        tpu.enqueue_indirect_dma source(%arg10 : memref<125x16xf32, #tpu.memory_space<vmem>>) target(%dma_start3A_1044 : memref<10240x16xf32, #tpu.memory_space<vmem_shared>>) offsets(%dma_start3A_1041 : memref<125xi32, #tpu.memory_space<vmem>>) semaphore(%dma_start3A_1046 : memref<!tpu.dma_semaphore, #tpu.memory_space<semaphore_mem>>) {add = true}
      } else {
      }
      %gt3A_877 = arith.constant 0 : i32
      %gt3A_878 = arith.cmpi sgt, %scan3A_835, %gt3A_877 : i32
      %convert_element_type3A_879 = arith.extui %gt3A_878 : i1 to i32
      %cond3A_880 = arith.constant 0 : i32
      %cond3A_881 = arith.cmpi ne, %convert_element_type3A_879, %cond3A_880 : i32
      scf.if %cond3A_881 {
        %sub3A = arith.constant 1 : i32
        %sub3A_1038 = arith.subi %add3A_839, %sub3A : i32
        %dma_wait3A_1039 = arith.constant 3 : i32
        %dma_wait3A_1040 = arith.constant 3 : i32
        %dma_wait3A_1041 = arith.constant 0 : i32
        %dma_wait3A_1042 = arith.constant 0 : i32
        %dma_wait3A_1043 = tpu.memref_slice %arg9[%dma_wait3A_1039, %dma_wait3A_1041, %dma_wait3A_1042] : memref<4x125x64xbf16, #tpu.memory_space<vmem>> -> memref<1x125x64xbf16, #tpu.memory_space<vmem>>
        %dma_wait3A_1044 = tpu.memref_squeeze %dma_wait3A_1043 : memref<1x125x64xbf16, #tpu.memory_space<vmem>> -> memref<125x64xbf16, #tpu.memory_space<vmem>>
        %dma_wait3A_1045 = arith.constant 0 : i32
        %dma_wait3A_1046 = tpu.memref_slice %arg8[%sub3A_1038, %dma_wait3A_1045] : memref<160x125xi32, #tpu.memory_space<vmem>> -> memref<1x125xi32, #tpu.memory_space<vmem>>
        %dma_wait3A_1047 = tpu.memref_squeeze %dma_wait3A_1046 : memref<1x125xi32, #tpu.memory_space<vmem>> -> memref<125xi32, #tpu.memory_space<vmem>>
        %dma_wait3A_1048 = arith.constant 0 : i32
        %dma_wait3A_1049 = arith.constant 0 : i32
        %dma_wait3A_1050 = tpu.memref_slice %arg13[%dma_wait3A_1048, %dma_wait3A_1049] : memref<10240x64xbf16, #tpu.memory_space<vmem_shared>> -> memref<10240x64xbf16, #tpu.memory_space<vmem_shared>>
        %dma_wait3A_1051 = tpu.memref_slice %arg16[%dma_wait3A_1040] : memref<4x!tpu.dma_semaphore, #tpu.memory_space<semaphore_mem>> -> memref<1x!tpu.dma_semaphore, #tpu.memory_space<semaphore_mem>>
        %dma_wait3A_1052 = tpu.memref_squeeze %dma_wait3A_1051 : memref<1x!tpu.dma_semaphore, #tpu.memory_space<semaphore_mem>> -> memref<!tpu.dma_semaphore, #tpu.memory_space<semaphore_mem>>
        tpu.wait_indirect_dma semaphore(%dma_wait3A_1052 : memref<!tpu.dma_semaphore, #tpu.memory_space<semaphore_mem>>) src(%dma_wait3A_1044 : memref<125x64xbf16, #tpu.memory_space<vmem>>) dst(%dma_wait3A_1050 : memref<10240x64xbf16, #tpu.memory_space<vmem_shared>>)
      } else {
      }
      %add3A_882 = arith.constant 3 : i32
      %add3A_883 = arith.addi %add3A_839, %add3A_882 : i32
      %dma_start3A_884 = arith.constant 3 : i32
      %dma_start3A_885 = arith.constant 3 : i32
      %dma_start3A_886 = arith.constant 0 : i32
      %dma_start3A_887 = arith.constant 0 : i32
      %dma_start3A_888 = tpu.memref_slice %arg9[%dma_start3A_884, %dma_start3A_886, %dma_start3A_887] : memref<4x125x64xbf16, #tpu.memory_space<vmem>> -> memref<1x125x64xbf16, #tpu.memory_space<vmem>>
      %dma_start3A_889 = tpu.memref_squeeze %dma_start3A_888 : memref<1x125x64xbf16, #tpu.memory_space<vmem>> -> memref<125x64xbf16, #tpu.memory_space<vmem>>
      %dma_start3A_890 = arith.constant 0 : i32
      %dma_start3A_891 = tpu.memref_slice %arg7[%add3A_883, %dma_start3A_890] : memref<160x125xi32, #tpu.memory_space<vmem>> -> memref<1x125xi32, #tpu.memory_space<vmem>>
      %dma_start3A_892 = tpu.memref_squeeze %dma_start3A_891 : memref<1x125xi32, #tpu.memory_space<vmem>> -> memref<125xi32, #tpu.memory_space<vmem>>
      %dma_start3A_893 = arith.constant 0 : i32
      %dma_start3A_894 = arith.constant 0 : i32
      %dma_start3A_895 = tpu.memref_slice %arg2[%dma_start3A_893, %dma_start3A_894] : memref<20000x64xbf16, #tpu.memory_space<hbm>> -> memref<20000x64xbf16, #tpu.memory_space<hbm>>
      %dma_start3A_896 = tpu.memref_slice %arg15[%dma_start3A_885] : memref<4x!tpu.dma_semaphore, #tpu.memory_space<semaphore_mem>> -> memref<1x!tpu.dma_semaphore, #tpu.memory_space<semaphore_mem>>
      %dma_start3A_897 = tpu.memref_squeeze %dma_start3A_896 : memref<1x!tpu.dma_semaphore, #tpu.memory_space<semaphore_mem>> -> memref<!tpu.dma_semaphore, #tpu.memory_space<semaphore_mem>>
      tpu.enqueue_indirect_dma source(%dma_start3A_895 : memref<20000x64xbf16, #tpu.memory_space<hbm>>) target(%dma_start3A_889 : memref<125x64xbf16, #tpu.memory_space<vmem>>) offsets(%dma_start3A_892 : memref<125xi32, #tpu.memory_space<vmem>>) semaphore(%dma_start3A_897 : memref<!tpu.dma_semaphore, #tpu.memory_space<semaphore_mem>>)
      %mul3A_898 = arith.constant 4 : i32
      %mul3A_899 = arith.muli %mul3A_898, %scan3A_835 : i32
      %add3A_900 = arith.constant 1 : i32
      %add3A_901 = arith.addi %mul3A_899, %add3A_900 : i32
      %dma_wait3A_902 = arith.constant 1 : i32
      %dma_wait3A_903 = arith.constant 1 : i32
      %dma_wait3A_904 = arith.constant 0 : i32
      %dma_wait3A_905 = arith.constant 0 : i32
      %dma_wait3A_906 = tpu.memref_slice %arg9[%dma_wait3A_902, %dma_wait3A_904, %dma_wait3A_905] : memref<4x125x64xbf16, #tpu.memory_space<vmem>> -> memref<1x125x64xbf16, #tpu.memory_space<vmem>>
      %dma_wait3A_907 = tpu.memref_squeeze %dma_wait3A_906 : memref<1x125x64xbf16, #tpu.memory_space<vmem>> -> memref<125x64xbf16, #tpu.memory_space<vmem>>
      %dma_wait3A_908 = arith.constant 0 : i32
      %dma_wait3A_909 = tpu.memref_slice %arg7[%add3A_901, %dma_wait3A_908] : memref<160x125xi32, #tpu.memory_space<vmem>> -> memref<1x125xi32, #tpu.memory_space<vmem>>
      %dma_wait3A_910 = tpu.memref_squeeze %dma_wait3A_909 : memref<1x125xi32, #tpu.memory_space<vmem>> -> memref<125xi32, #tpu.memory_space<vmem>>
      %dma_wait3A_911 = arith.constant 0 : i32
      %dma_wait3A_912 = arith.constant 0 : i32
      %dma_wait3A_913 = tpu.memref_slice %arg2[%dma_wait3A_911, %dma_wait3A_912] : memref<20000x64xbf16, #tpu.memory_space<hbm>> -> memref<20000x64xbf16, #tpu.memory_space<hbm>>
      %dma_wait3A_914 = tpu.memref_slice %arg15[%dma_wait3A_903] : memref<4x!tpu.dma_semaphore, #tpu.memory_space<semaphore_mem>> -> memref<1x!tpu.dma_semaphore, #tpu.memory_space<semaphore_mem>>
      %dma_wait3A_915 = tpu.memref_squeeze %dma_wait3A_914 : memref<1x!tpu.dma_semaphore, #tpu.memory_space<semaphore_mem>> -> memref<!tpu.dma_semaphore, #tpu.memory_space<semaphore_mem>>
      tpu.wait_indirect_dma semaphore(%dma_wait3A_915 : memref<!tpu.dma_semaphore, #tpu.memory_space<semaphore_mem>>) src(%dma_wait3A_913 : memref<20000x64xbf16, #tpu.memory_space<hbm>>) dst(%dma_wait3A_907 : memref<125x64xbf16, #tpu.memory_space<vmem>>)
      %dma_start3A_916 = arith.constant 1 : i32
      %dma_start3A_917 = arith.constant 1 : i32
      %dma_start3A_918 = arith.constant 0 : i32
      %dma_start3A_919 = arith.constant 0 : i32
      %dma_start3A_920 = tpu.memref_slice %arg9[%dma_start3A_916, %dma_start3A_918, %dma_start3A_919] : memref<4x125x64xbf16, #tpu.memory_space<vmem>> -> memref<1x125x64xbf16, #tpu.memory_space<vmem>>
      %dma_start3A_921 = tpu.memref_squeeze %dma_start3A_920 : memref<1x125x64xbf16, #tpu.memory_space<vmem>> -> memref<125x64xbf16, #tpu.memory_space<vmem>>
      %dma_start3A_922 = arith.constant 0 : i32
      %dma_start3A_923 = tpu.memref_slice %arg8[%add3A_901, %dma_start3A_922] : memref<160x125xi32, #tpu.memory_space<vmem>> -> memref<1x125xi32, #tpu.memory_space<vmem>>
      %dma_start3A_924 = tpu.memref_squeeze %dma_start3A_923 : memref<1x125xi32, #tpu.memory_space<vmem>> -> memref<125xi32, #tpu.memory_space<vmem>>
      %dma_start3A_925 = arith.constant 0 : i32
      %dma_start3A_926 = arith.constant 0 : i32
      %dma_start3A_927 = tpu.memref_slice %arg13[%dma_start3A_925, %dma_start3A_926] : memref<10240x64xbf16, #tpu.memory_space<vmem_shared>> -> memref<10240x64xbf16, #tpu.memory_space<vmem_shared>>
      %dma_start3A_928 = tpu.memref_slice %arg16[%dma_start3A_917] : memref<4x!tpu.dma_semaphore, #tpu.memory_space<semaphore_mem>> -> memref<1x!tpu.dma_semaphore, #tpu.memory_space<semaphore_mem>>
      %dma_start3A_929 = tpu.memref_squeeze %dma_start3A_928 : memref<1x!tpu.dma_semaphore, #tpu.memory_space<semaphore_mem>> -> memref<!tpu.dma_semaphore, #tpu.memory_space<semaphore_mem>>
      tpu.enqueue_indirect_dma source(%dma_start3A_921 : memref<125x64xbf16, #tpu.memory_space<vmem>>) target(%dma_start3A_927 : memref<10240x64xbf16, #tpu.memory_space<vmem_shared>>) offsets(%dma_start3A_924 : memref<125xi32, #tpu.memory_space<vmem>>) semaphore(%dma_start3A_929 : memref<!tpu.dma_semaphore, #tpu.memory_space<semaphore_mem>>) {add = true}
      %gt3A_930 = arith.constant 0 : i32
      %gt3A_931 = arith.cmpi sgt, %scan3A_835, %gt3A_930 : i32
      %convert_element_type3A_932 = arith.extui %gt3A_931 : i1 to i32
      %cond3A_933 = arith.constant 0 : i32
      %cond3A_934 = arith.cmpi ne, %convert_element_type3A_932, %cond3A_933 : i32
      scf.if %cond3A_934 {
        %sub3A = arith.constant 4 : i32
        %sub3A_1038 = arith.subi %add3A_901, %sub3A : i32
        %eq3A_1039 = arith.constant 1 : i32
        %eq3A_1040 = arith.cmpi eq, %arg0, %eq3A_1039 : i32
        %convert_element_type3A_1041 = arith.extui %eq3A_1040 : i1 to i32
        %cond3A_1042 = arith.constant 0 : i32
        %cond3A_1043 = arith.cmpi ne, %convert_element_type3A_1041, %cond3A_1042 : i32
        scf.if %cond3A_1043 {
          %dma_wait3A_1044 = arith.constant 1 : i32
          %dma_wait3A_1045 = arith.constant 0 : i32
          %dma_wait3A_1046 = tpu.memref_slice %arg8[%sub3A_1038, %dma_wait3A_1045] : memref<160x125xi32, #tpu.memory_space<vmem>> -> memref<1x125xi32, #tpu.memory_space<vmem>>
          %dma_wait3A_1047 = tpu.memref_squeeze %dma_wait3A_1046 : memref<1x125xi32, #tpu.memory_space<vmem>> -> memref<125xi32, #tpu.memory_space<vmem>>
          %dma_wait3A_1048 = arith.constant 0 : i32
          %dma_wait3A_1049 = arith.constant 0 : i32
          %dma_wait3A_1050 = tpu.memref_slice %arg14[%dma_wait3A_1048, %dma_wait3A_1049] : memref<10240x16xf32, #tpu.memory_space<vmem_shared>> -> memref<10240x16xf32, #tpu.memory_space<vmem_shared>>
          %dma_wait3A_1051 = tpu.memref_slice %arg17[%dma_wait3A_1044] : memref<4x!tpu.dma_semaphore, #tpu.memory_space<semaphore_mem>> -> memref<1x!tpu.dma_semaphore, #tpu.memory_space<semaphore_mem>>
          %dma_wait3A_1052 = tpu.memref_squeeze %dma_wait3A_1051 : memref<1x!tpu.dma_semaphore, #tpu.memory_space<semaphore_mem>> -> memref<!tpu.dma_semaphore, #tpu.memory_space<semaphore_mem>>
          tpu.wait_indirect_dma semaphore(%dma_wait3A_1052 : memref<!tpu.dma_semaphore, #tpu.memory_space<semaphore_mem>>) src(%arg10 : memref<125x16xf32, #tpu.memory_space<vmem>>) dst(%dma_wait3A_1050 : memref<10240x16xf32, #tpu.memory_space<vmem_shared>>)
        } else {
        }
      } else {
      }
      %eq3A_935 = arith.constant 1 : i32
      %eq3A_936 = arith.cmpi eq, %arg0, %eq3A_935 : i32
      %convert_element_type3A_937 = arith.extui %eq3A_936 : i1 to i32
      %cond3A_938 = arith.constant 0 : i32
      %cond3A_939 = arith.cmpi ne, %convert_element_type3A_937, %cond3A_938 : i32
      scf.if %cond3A_939 {
        %dma_start3A_1038 = arith.constant 1 : i32
        %dma_start3A_1039 = arith.constant 0 : i32
        %dma_start3A_1040 = tpu.memref_slice %arg8[%add3A_901, %dma_start3A_1039] : memref<160x125xi32, #tpu.memory_space<vmem>> -> memref<1x125xi32, #tpu.memory_space<vmem>>
        %dma_start3A_1041 = tpu.memref_squeeze %dma_start3A_1040 : memref<1x125xi32, #tpu.memory_space<vmem>> -> memref<125xi32, #tpu.memory_space<vmem>>
        %dma_start3A_1042 = arith.constant 0 : i32
        %dma_start3A_1043 = arith.constant 0 : i32
        %dma_start3A_1044 = tpu.memref_slice %arg14[%dma_start3A_1042, %dma_start3A_1043] : memref<10240x16xf32, #tpu.memory_space<vmem_shared>> -> memref<10240x16xf32, #tpu.memory_space<vmem_shared>>
        %dma_start3A_1045 = tpu.memref_slice %arg17[%dma_start3A_1038] : memref<4x!tpu.dma_semaphore, #tpu.memory_space<semaphore_mem>> -> memref<1x!tpu.dma_semaphore, #tpu.memory_space<semaphore_mem>>
        %dma_start3A_1046 = tpu.memref_squeeze %dma_start3A_1045 : memref<1x!tpu.dma_semaphore, #tpu.memory_space<semaphore_mem>> -> memref<!tpu.dma_semaphore, #tpu.memory_space<semaphore_mem>>
        tpu.enqueue_indirect_dma source(%arg10 : memref<125x16xf32, #tpu.memory_space<vmem>>) target(%dma_start3A_1044 : memref<10240x16xf32, #tpu.memory_space<vmem_shared>>) offsets(%dma_start3A_1041 : memref<125xi32, #tpu.memory_space<vmem>>) semaphore(%dma_start3A_1046 : memref<!tpu.dma_semaphore, #tpu.memory_space<semaphore_mem>>) {add = true}
      } else {
      }
      %lt3A = arith.constant 39 : i32
      %lt3A_940 = arith.cmpi slt, %scan3A_835, %lt3A : i32
      %convert_element_type3A_941 = arith.extui %lt3A_940 : i1 to i32
      %cond3A_942 = arith.constant 0 : i32
      %cond3A_943 = arith.cmpi ne, %convert_element_type3A_941, %cond3A_942 : i32
      scf.if %cond3A_943 {
        %sub3A = arith.constant 1 : i32
        %sub3A_1038 = arith.subi %add3A_901, %sub3A : i32
        %dma_wait3A_1039 = arith.constant 0 : i32
        %dma_wait3A_1040 = arith.constant 0 : i32
        %dma_wait3A_1041 = arith.constant 0 : i32
        %dma_wait3A_1042 = arith.constant 0 : i32
        %dma_wait3A_1043 = tpu.memref_slice %arg9[%dma_wait3A_1039, %dma_wait3A_1041, %dma_wait3A_1042] : memref<4x125x64xbf16, #tpu.memory_space<vmem>> -> memref<1x125x64xbf16, #tpu.memory_space<vmem>>
        %dma_wait3A_1044 = tpu.memref_squeeze %dma_wait3A_1043 : memref<1x125x64xbf16, #tpu.memory_space<vmem>> -> memref<125x64xbf16, #tpu.memory_space<vmem>>
        %dma_wait3A_1045 = arith.constant 0 : i32
        %dma_wait3A_1046 = tpu.memref_slice %arg8[%sub3A_1038, %dma_wait3A_1045] : memref<160x125xi32, #tpu.memory_space<vmem>> -> memref<1x125xi32, #tpu.memory_space<vmem>>
        %dma_wait3A_1047 = tpu.memref_squeeze %dma_wait3A_1046 : memref<1x125xi32, #tpu.memory_space<vmem>> -> memref<125xi32, #tpu.memory_space<vmem>>
        %dma_wait3A_1048 = arith.constant 0 : i32
        %dma_wait3A_1049 = arith.constant 0 : i32
        %dma_wait3A_1050 = tpu.memref_slice %arg13[%dma_wait3A_1048, %dma_wait3A_1049] : memref<10240x64xbf16, #tpu.memory_space<vmem_shared>> -> memref<10240x64xbf16, #tpu.memory_space<vmem_shared>>
        %dma_wait3A_1051 = tpu.memref_slice %arg16[%dma_wait3A_1040] : memref<4x!tpu.dma_semaphore, #tpu.memory_space<semaphore_mem>> -> memref<1x!tpu.dma_semaphore, #tpu.memory_space<semaphore_mem>>
        %dma_wait3A_1052 = tpu.memref_squeeze %dma_wait3A_1051 : memref<1x!tpu.dma_semaphore, #tpu.memory_space<semaphore_mem>> -> memref<!tpu.dma_semaphore, #tpu.memory_space<semaphore_mem>>
        tpu.wait_indirect_dma semaphore(%dma_wait3A_1052 : memref<!tpu.dma_semaphore, #tpu.memory_space<semaphore_mem>>) src(%dma_wait3A_1044 : memref<125x64xbf16, #tpu.memory_space<vmem>>) dst(%dma_wait3A_1050 : memref<10240x64xbf16, #tpu.memory_space<vmem_shared>>)
        %add3A_1053 = arith.constant 3 : i32
        %add3A_1054 = arith.addi %add3A_901, %add3A_1053 : i32
        %dma_start3A_1055 = arith.constant 0 : i32
        %dma_start3A_1056 = arith.constant 0 : i32
        %dma_start3A_1057 = arith.constant 0 : i32
        %dma_start3A_1058 = arith.constant 0 : i32
        %dma_start3A_1059 = tpu.memref_slice %arg9[%dma_start3A_1055, %dma_start3A_1057, %dma_start3A_1058] : memref<4x125x64xbf16, #tpu.memory_space<vmem>> -> memref<1x125x64xbf16, #tpu.memory_space<vmem>>
        %dma_start3A_1060 = tpu.memref_squeeze %dma_start3A_1059 : memref<1x125x64xbf16, #tpu.memory_space<vmem>> -> memref<125x64xbf16, #tpu.memory_space<vmem>>
        %dma_start3A_1061 = arith.constant 0 : i32
        %dma_start3A_1062 = tpu.memref_slice %arg7[%add3A_1054, %dma_start3A_1061] : memref<160x125xi32, #tpu.memory_space<vmem>> -> memref<1x125xi32, #tpu.memory_space<vmem>>
        %dma_start3A_1063 = tpu.memref_squeeze %dma_start3A_1062 : memref<1x125xi32, #tpu.memory_space<vmem>> -> memref<125xi32, #tpu.memory_space<vmem>>
        %dma_start3A_1064 = arith.constant 0 : i32
        %dma_start3A_1065 = arith.constant 0 : i32
        %dma_start3A_1066 = tpu.memref_slice %arg2[%dma_start3A_1064, %dma_start3A_1065] : memref<20000x64xbf16, #tpu.memory_space<hbm>> -> memref<20000x64xbf16, #tpu.memory_space<hbm>>
        %dma_start3A_1067 = tpu.memref_slice %arg15[%dma_start3A_1056] : memref<4x!tpu.dma_semaphore, #tpu.memory_space<semaphore_mem>> -> memref<1x!tpu.dma_semaphore, #tpu.memory_space<semaphore_mem>>
        %dma_start3A_1068 = tpu.memref_squeeze %dma_start3A_1067 : memref<1x!tpu.dma_semaphore, #tpu.memory_space<semaphore_mem>> -> memref<!tpu.dma_semaphore, #tpu.memory_space<semaphore_mem>>
        tpu.enqueue_indirect_dma source(%dma_start3A_1066 : memref<20000x64xbf16, #tpu.memory_space<hbm>>) target(%dma_start3A_1060 : memref<125x64xbf16, #tpu.memory_space<vmem>>) offsets(%dma_start3A_1063 : memref<125xi32, #tpu.memory_space<vmem>>) semaphore(%dma_start3A_1068 : memref<!tpu.dma_semaphore, #tpu.memory_space<semaphore_mem>>)
      } else {
      }
      %mul3A_944 = arith.constant 4 : i32
      %mul3A_945 = arith.muli %mul3A_944, %scan3A_835 : i32
      %add3A_946 = arith.constant 2 : i32
      %add3A_947 = arith.addi %mul3A_945, %add3A_946 : i32
      %dma_wait3A_948 = arith.constant 2 : i32
      %dma_wait3A_949 = arith.constant 2 : i32
      %dma_wait3A_950 = arith.constant 0 : i32
      %dma_wait3A_951 = arith.constant 0 : i32
      %dma_wait3A_952 = tpu.memref_slice %arg9[%dma_wait3A_948, %dma_wait3A_950, %dma_wait3A_951] : memref<4x125x64xbf16, #tpu.memory_space<vmem>> -> memref<1x125x64xbf16, #tpu.memory_space<vmem>>
      %dma_wait3A_953 = tpu.memref_squeeze %dma_wait3A_952 : memref<1x125x64xbf16, #tpu.memory_space<vmem>> -> memref<125x64xbf16, #tpu.memory_space<vmem>>
      %dma_wait3A_954 = arith.constant 0 : i32
      %dma_wait3A_955 = tpu.memref_slice %arg7[%add3A_947, %dma_wait3A_954] : memref<160x125xi32, #tpu.memory_space<vmem>> -> memref<1x125xi32, #tpu.memory_space<vmem>>
      %dma_wait3A_956 = tpu.memref_squeeze %dma_wait3A_955 : memref<1x125xi32, #tpu.memory_space<vmem>> -> memref<125xi32, #tpu.memory_space<vmem>>
      %dma_wait3A_957 = arith.constant 0 : i32
      %dma_wait3A_958 = arith.constant 0 : i32
      %dma_wait3A_959 = tpu.memref_slice %arg2[%dma_wait3A_957, %dma_wait3A_958] : memref<20000x64xbf16, #tpu.memory_space<hbm>> -> memref<20000x64xbf16, #tpu.memory_space<hbm>>
      %dma_wait3A_960 = tpu.memref_slice %arg15[%dma_wait3A_949] : memref<4x!tpu.dma_semaphore, #tpu.memory_space<semaphore_mem>> -> memref<1x!tpu.dma_semaphore, #tpu.memory_space<semaphore_mem>>
      %dma_wait3A_961 = tpu.memref_squeeze %dma_wait3A_960 : memref<1x!tpu.dma_semaphore, #tpu.memory_space<semaphore_mem>> -> memref<!tpu.dma_semaphore, #tpu.memory_space<semaphore_mem>>
      tpu.wait_indirect_dma semaphore(%dma_wait3A_961 : memref<!tpu.dma_semaphore, #tpu.memory_space<semaphore_mem>>) src(%dma_wait3A_959 : memref<20000x64xbf16, #tpu.memory_space<hbm>>) dst(%dma_wait3A_953 : memref<125x64xbf16, #tpu.memory_space<vmem>>)
      %dma_start3A_962 = arith.constant 2 : i32
      %dma_start3A_963 = arith.constant 2 : i32
      %dma_start3A_964 = arith.constant 0 : i32
      %dma_start3A_965 = arith.constant 0 : i32
      %dma_start3A_966 = tpu.memref_slice %arg9[%dma_start3A_962, %dma_start3A_964, %dma_start3A_965] : memref<4x125x64xbf16, #tpu.memory_space<vmem>> -> memref<1x125x64xbf16, #tpu.memory_space<vmem>>
      %dma_start3A_967 = tpu.memref_squeeze %dma_start3A_966 : memref<1x125x64xbf16, #tpu.memory_space<vmem>> -> memref<125x64xbf16, #tpu.memory_space<vmem>>
      %dma_start3A_968 = arith.constant 0 : i32
      %dma_start3A_969 = tpu.memref_slice %arg8[%add3A_947, %dma_start3A_968] : memref<160x125xi32, #tpu.memory_space<vmem>> -> memref<1x125xi32, #tpu.memory_space<vmem>>
      %dma_start3A_970 = tpu.memref_squeeze %dma_start3A_969 : memref<1x125xi32, #tpu.memory_space<vmem>> -> memref<125xi32, #tpu.memory_space<vmem>>
      %dma_start3A_971 = arith.constant 0 : i32
      %dma_start3A_972 = arith.constant 0 : i32
      %dma_start3A_973 = tpu.memref_slice %arg13[%dma_start3A_971, %dma_start3A_972] : memref<10240x64xbf16, #tpu.memory_space<vmem_shared>> -> memref<10240x64xbf16, #tpu.memory_space<vmem_shared>>
      %dma_start3A_974 = tpu.memref_slice %arg16[%dma_start3A_963] : memref<4x!tpu.dma_semaphore, #tpu.memory_space<semaphore_mem>> -> memref<1x!tpu.dma_semaphore, #tpu.memory_space<semaphore_mem>>
      %dma_start3A_975 = tpu.memref_squeeze %dma_start3A_974 : memref<1x!tpu.dma_semaphore, #tpu.memory_space<semaphore_mem>> -> memref<!tpu.dma_semaphore, #tpu.memory_space<semaphore_mem>>
      tpu.enqueue_indirect_dma source(%dma_start3A_967 : memref<125x64xbf16, #tpu.memory_space<vmem>>) target(%dma_start3A_973 : memref<10240x64xbf16, #tpu.memory_space<vmem_shared>>) offsets(%dma_start3A_970 : memref<125xi32, #tpu.memory_space<vmem>>) semaphore(%dma_start3A_975 : memref<!tpu.dma_semaphore, #tpu.memory_space<semaphore_mem>>) {add = true}
      %gt3A_976 = arith.constant 0 : i32
      %gt3A_977 = arith.cmpi sgt, %scan3A_835, %gt3A_976 : i32
      %convert_element_type3A_978 = arith.extui %gt3A_977 : i1 to i32
      %cond3A_979 = arith.constant 0 : i32
      %cond3A_980 = arith.cmpi ne, %convert_element_type3A_978, %cond3A_979 : i32
      scf.if %cond3A_980 {
        %sub3A = arith.constant 4 : i32
        %sub3A_1038 = arith.subi %add3A_947, %sub3A : i32
        %eq3A_1039 = arith.constant 0 : i32
        %eq3A_1040 = arith.cmpi eq, %arg0, %eq3A_1039 : i32
        %convert_element_type3A_1041 = arith.extui %eq3A_1040 : i1 to i32
        %cond3A_1042 = arith.constant 0 : i32
        %cond3A_1043 = arith.cmpi ne, %convert_element_type3A_1041, %cond3A_1042 : i32
        scf.if %cond3A_1043 {
          %dma_wait3A_1044 = arith.constant 2 : i32
          %dma_wait3A_1045 = arith.constant 0 : i32
          %dma_wait3A_1046 = tpu.memref_slice %arg8[%sub3A_1038, %dma_wait3A_1045] : memref<160x125xi32, #tpu.memory_space<vmem>> -> memref<1x125xi32, #tpu.memory_space<vmem>>
          %dma_wait3A_1047 = tpu.memref_squeeze %dma_wait3A_1046 : memref<1x125xi32, #tpu.memory_space<vmem>> -> memref<125xi32, #tpu.memory_space<vmem>>
          %dma_wait3A_1048 = arith.constant 0 : i32
          %dma_wait3A_1049 = arith.constant 0 : i32
          %dma_wait3A_1050 = tpu.memref_slice %arg14[%dma_wait3A_1048, %dma_wait3A_1049] : memref<10240x16xf32, #tpu.memory_space<vmem_shared>> -> memref<10240x16xf32, #tpu.memory_space<vmem_shared>>
          %dma_wait3A_1051 = tpu.memref_slice %arg17[%dma_wait3A_1044] : memref<4x!tpu.dma_semaphore, #tpu.memory_space<semaphore_mem>> -> memref<1x!tpu.dma_semaphore, #tpu.memory_space<semaphore_mem>>
          %dma_wait3A_1052 = tpu.memref_squeeze %dma_wait3A_1051 : memref<1x!tpu.dma_semaphore, #tpu.memory_space<semaphore_mem>> -> memref<!tpu.dma_semaphore, #tpu.memory_space<semaphore_mem>>
          tpu.wait_indirect_dma semaphore(%dma_wait3A_1052 : memref<!tpu.dma_semaphore, #tpu.memory_space<semaphore_mem>>) src(%arg10 : memref<125x16xf32, #tpu.memory_space<vmem>>) dst(%dma_wait3A_1050 : memref<10240x16xf32, #tpu.memory_space<vmem_shared>>)
        } else {
        }
      } else {
      }
      %eq3A_981 = arith.constant 0 : i32
      %eq3A_982 = arith.cmpi eq, %arg0, %eq3A_981 : i32
      %convert_element_type3A_983 = arith.extui %eq3A_982 : i1 to i32
      %cond3A_984 = arith.constant 0 : i32
      %cond3A_985 = arith.cmpi ne, %convert_element_type3A_983, %cond3A_984 : i32
      scf.if %cond3A_985 {
        %dma_start3A_1038 = arith.constant 2 : i32
        %dma_start3A_1039 = arith.constant 0 : i32
        %dma_start3A_1040 = tpu.memref_slice %arg8[%add3A_947, %dma_start3A_1039] : memref<160x125xi32, #tpu.memory_space<vmem>> -> memref<1x125xi32, #tpu.memory_space<vmem>>
        %dma_start3A_1041 = tpu.memref_squeeze %dma_start3A_1040 : memref<1x125xi32, #tpu.memory_space<vmem>> -> memref<125xi32, #tpu.memory_space<vmem>>
        %dma_start3A_1042 = arith.constant 0 : i32
        %dma_start3A_1043 = arith.constant 0 : i32
        %dma_start3A_1044 = tpu.memref_slice %arg14[%dma_start3A_1042, %dma_start3A_1043] : memref<10240x16xf32, #tpu.memory_space<vmem_shared>> -> memref<10240x16xf32, #tpu.memory_space<vmem_shared>>
        %dma_start3A_1045 = tpu.memref_slice %arg17[%dma_start3A_1038] : memref<4x!tpu.dma_semaphore, #tpu.memory_space<semaphore_mem>> -> memref<1x!tpu.dma_semaphore, #tpu.memory_space<semaphore_mem>>
        %dma_start3A_1046 = tpu.memref_squeeze %dma_start3A_1045 : memref<1x!tpu.dma_semaphore, #tpu.memory_space<semaphore_mem>> -> memref<!tpu.dma_semaphore, #tpu.memory_space<semaphore_mem>>
        tpu.enqueue_indirect_dma source(%arg10 : memref<125x16xf32, #tpu.memory_space<vmem>>) target(%dma_start3A_1044 : memref<10240x16xf32, #tpu.memory_space<vmem_shared>>) offsets(%dma_start3A_1041 : memref<125xi32, #tpu.memory_space<vmem>>) semaphore(%dma_start3A_1046 : memref<!tpu.dma_semaphore, #tpu.memory_space<semaphore_mem>>) {add = true}
      } else {
      }
      %lt3A_986 = arith.constant 39 : i32
      %lt3A_987 = arith.cmpi slt, %scan3A_835, %lt3A_986 : i32
      %convert_element_type3A_988 = arith.extui %lt3A_987 : i1 to i32
      %cond3A_989 = arith.constant 0 : i32
      %cond3A_990 = arith.cmpi ne, %convert_element_type3A_988, %cond3A_989 : i32
      scf.if %cond3A_990 {
        %sub3A = arith.constant 1 : i32
        %sub3A_1038 = arith.subi %add3A_947, %sub3A : i32
        %dma_wait3A_1039 = arith.constant 1 : i32
        %dma_wait3A_1040 = arith.constant 1 : i32
        %dma_wait3A_1041 = arith.constant 0 : i32
        %dma_wait3A_1042 = arith.constant 0 : i32
        %dma_wait3A_1043 = tpu.memref_slice %arg9[%dma_wait3A_1039, %dma_wait3A_1041, %dma_wait3A_1042] : memref<4x125x64xbf16, #tpu.memory_space<vmem>> -> memref<1x125x64xbf16, #tpu.memory_space<vmem>>
        %dma_wait3A_1044 = tpu.memref_squeeze %dma_wait3A_1043 : memref<1x125x64xbf16, #tpu.memory_space<vmem>> -> memref<125x64xbf16, #tpu.memory_space<vmem>>
        %dma_wait3A_1045 = arith.constant 0 : i32
        %dma_wait3A_1046 = tpu.memref_slice %arg8[%sub3A_1038, %dma_wait3A_1045] : memref<160x125xi32, #tpu.memory_space<vmem>> -> memref<1x125xi32, #tpu.memory_space<vmem>>
        %dma_wait3A_1047 = tpu.memref_squeeze %dma_wait3A_1046 : memref<1x125xi32, #tpu.memory_space<vmem>> -> memref<125xi32, #tpu.memory_space<vmem>>
        %dma_wait3A_1048 = arith.constant 0 : i32
        %dma_wait3A_1049 = arith.constant 0 : i32
        %dma_wait3A_1050 = tpu.memref_slice %arg13[%dma_wait3A_1048, %dma_wait3A_1049] : memref<10240x64xbf16, #tpu.memory_space<vmem_shared>> -> memref<10240x64xbf16, #tpu.memory_space<vmem_shared>>
        %dma_wait3A_1051 = tpu.memref_slice %arg16[%dma_wait3A_1040] : memref<4x!tpu.dma_semaphore, #tpu.memory_space<semaphore_mem>> -> memref<1x!tpu.dma_semaphore, #tpu.memory_space<semaphore_mem>>
        %dma_wait3A_1052 = tpu.memref_squeeze %dma_wait3A_1051 : memref<1x!tpu.dma_semaphore, #tpu.memory_space<semaphore_mem>> -> memref<!tpu.dma_semaphore, #tpu.memory_space<semaphore_mem>>
        tpu.wait_indirect_dma semaphore(%dma_wait3A_1052 : memref<!tpu.dma_semaphore, #tpu.memory_space<semaphore_mem>>) src(%dma_wait3A_1044 : memref<125x64xbf16, #tpu.memory_space<vmem>>) dst(%dma_wait3A_1050 : memref<10240x64xbf16, #tpu.memory_space<vmem_shared>>)
        %add3A_1053 = arith.constant 3 : i32
        %add3A_1054 = arith.addi %add3A_947, %add3A_1053 : i32
        %dma_start3A_1055 = arith.constant 1 : i32
        %dma_start3A_1056 = arith.constant 1 : i32
        %dma_start3A_1057 = arith.constant 0 : i32
        %dma_start3A_1058 = arith.constant 0 : i32
        %dma_start3A_1059 = tpu.memref_slice %arg9[%dma_start3A_1055, %dma_start3A_1057, %dma_start3A_1058] : memref<4x125x64xbf16, #tpu.memory_space<vmem>> -> memref<1x125x64xbf16, #tpu.memory_space<vmem>>
        %dma_start3A_1060 = tpu.memref_squeeze %dma_start3A_1059 : memref<1x125x64xbf16, #tpu.memory_space<vmem>> -> memref<125x64xbf16, #tpu.memory_space<vmem>>
        %dma_start3A_1061 = arith.constant 0 : i32
        %dma_start3A_1062 = tpu.memref_slice %arg7[%add3A_1054, %dma_start3A_1061] : memref<160x125xi32, #tpu.memory_space<vmem>> -> memref<1x125xi32, #tpu.memory_space<vmem>>
        %dma_start3A_1063 = tpu.memref_squeeze %dma_start3A_1062 : memref<1x125xi32, #tpu.memory_space<vmem>> -> memref<125xi32, #tpu.memory_space<vmem>>
        %dma_start3A_1064 = arith.constant 0 : i32
        %dma_start3A_1065 = arith.constant 0 : i32
        %dma_start3A_1066 = tpu.memref_slice %arg2[%dma_start3A_1064, %dma_start3A_1065] : memref<20000x64xbf16, #tpu.memory_space<hbm>> -> memref<20000x64xbf16, #tpu.memory_space<hbm>>
        %dma_start3A_1067 = tpu.memref_slice %arg15[%dma_start3A_1056] : memref<4x!tpu.dma_semaphore, #tpu.memory_space<semaphore_mem>> -> memref<1x!tpu.dma_semaphore, #tpu.memory_space<semaphore_mem>>
        %dma_start3A_1068 = tpu.memref_squeeze %dma_start3A_1067 : memref<1x!tpu.dma_semaphore, #tpu.memory_space<semaphore_mem>> -> memref<!tpu.dma_semaphore, #tpu.memory_space<semaphore_mem>>
        tpu.enqueue_indirect_dma source(%dma_start3A_1066 : memref<20000x64xbf16, #tpu.memory_space<hbm>>) target(%dma_start3A_1060 : memref<125x64xbf16, #tpu.memory_space<vmem>>) offsets(%dma_start3A_1063 : memref<125xi32, #tpu.memory_space<vmem>>) semaphore(%dma_start3A_1068 : memref<!tpu.dma_semaphore, #tpu.memory_space<semaphore_mem>>)
      } else {
      }
      %mul3A_991 = arith.constant 4 : i32
      %mul3A_992 = arith.muli %mul3A_991, %scan3A_835 : i32
      %add3A_993 = arith.constant 3 : i32
      %add3A_994 = arith.addi %mul3A_992, %add3A_993 : i32
      %dma_wait3A_995 = arith.constant 3 : i32
      %dma_wait3A_996 = arith.constant 3 : i32
      %dma_wait3A_997 = arith.constant 0 : i32
      %dma_wait3A_998 = arith.constant 0 : i32
      %dma_wait3A_999 = tpu.memref_slice %arg9[%dma_wait3A_995, %dma_wait3A_997, %dma_wait3A_998] : memref<4x125x64xbf16, #tpu.memory_space<vmem>> -> memref<1x125x64xbf16, #tpu.memory_space<vmem>>
      %dma_wait3A_1000 = tpu.memref_squeeze %dma_wait3A_999 : memref<1x125x64xbf16, #tpu.memory_space<vmem>> -> memref<125x64xbf16, #tpu.memory_space<vmem>>
      %dma_wait3A_1001 = arith.constant 0 : i32
      %dma_wait3A_1002 = tpu.memref_slice %arg7[%add3A_994, %dma_wait3A_1001] : memref<160x125xi32, #tpu.memory_space<vmem>> -> memref<1x125xi32, #tpu.memory_space<vmem>>
      %dma_wait3A_1003 = tpu.memref_squeeze %dma_wait3A_1002 : memref<1x125xi32, #tpu.memory_space<vmem>> -> memref<125xi32, #tpu.memory_space<vmem>>
      %dma_wait3A_1004 = arith.constant 0 : i32
      %dma_wait3A_1005 = arith.constant 0 : i32
      %dma_wait3A_1006 = tpu.memref_slice %arg2[%dma_wait3A_1004, %dma_wait3A_1005] : memref<20000x64xbf16, #tpu.memory_space<hbm>> -> memref<20000x64xbf16, #tpu.memory_space<hbm>>
      %dma_wait3A_1007 = tpu.memref_slice %arg15[%dma_wait3A_996] : memref<4x!tpu.dma_semaphore, #tpu.memory_space<semaphore_mem>> -> memref<1x!tpu.dma_semaphore, #tpu.memory_space<semaphore_mem>>
      %dma_wait3A_1008 = tpu.memref_squeeze %dma_wait3A_1007 : memref<1x!tpu.dma_semaphore, #tpu.memory_space<semaphore_mem>> -> memref<!tpu.dma_semaphore, #tpu.memory_space<semaphore_mem>>
      tpu.wait_indirect_dma semaphore(%dma_wait3A_1008 : memref<!tpu.dma_semaphore, #tpu.memory_space<semaphore_mem>>) src(%dma_wait3A_1006 : memref<20000x64xbf16, #tpu.memory_space<hbm>>) dst(%dma_wait3A_1000 : memref<125x64xbf16, #tpu.memory_space<vmem>>)
      %dma_start3A_1009 = arith.constant 3 : i32
      %dma_start3A_1010 = arith.constant 3 : i32
      %dma_start3A_1011 = arith.constant 0 : i32
      %dma_start3A_1012 = arith.constant 0 : i32
      %dma_start3A_1013 = tpu.memref_slice %arg9[%dma_start3A_1009, %dma_start3A_1011, %dma_start3A_1012] : memref<4x125x64xbf16, #tpu.memory_space<vmem>> -> memref<1x125x64xbf16, #tpu.memory_space<vmem>>
      %dma_start3A_1014 = tpu.memref_squeeze %dma_start3A_1013 : memref<1x125x64xbf16, #tpu.memory_space<vmem>> -> memref<125x64xbf16, #tpu.memory_space<vmem>>
      %dma_start3A_1015 = arith.constant 0 : i32
      %dma_start3A_1016 = tpu.memref_slice %arg8[%add3A_994, %dma_start3A_1015] : memref<160x125xi32, #tpu.memory_space<vmem>> -> memref<1x125xi32, #tpu.memory_space<vmem>>
      %dma_start3A_1017 = tpu.memref_squeeze %dma_start3A_1016 : memref<1x125xi32, #tpu.memory_space<vmem>> -> memref<125xi32, #tpu.memory_space<vmem>>
      %dma_start3A_1018 = arith.constant 0 : i32
      %dma_start3A_1019 = arith.constant 0 : i32
      %dma_start3A_1020 = tpu.memref_slice %arg13[%dma_start3A_1018, %dma_start3A_1019] : memref<10240x64xbf16, #tpu.memory_space<vmem_shared>> -> memref<10240x64xbf16, #tpu.memory_space<vmem_shared>>
      %dma_start3A_1021 = tpu.memref_slice %arg16[%dma_start3A_1010] : memref<4x!tpu.dma_semaphore, #tpu.memory_space<semaphore_mem>> -> memref<1x!tpu.dma_semaphore, #tpu.memory_space<semaphore_mem>>
      %dma_start3A_1022 = tpu.memref_squeeze %dma_start3A_1021 : memref<1x!tpu.dma_semaphore, #tpu.memory_space<semaphore_mem>> -> memref<!tpu.dma_semaphore, #tpu.memory_space<semaphore_mem>>
      tpu.enqueue_indirect_dma source(%dma_start3A_1014 : memref<125x64xbf16, #tpu.memory_space<vmem>>) target(%dma_start3A_1020 : memref<10240x64xbf16, #tpu.memory_space<vmem_shared>>) offsets(%dma_start3A_1017 : memref<125xi32, #tpu.memory_space<vmem>>) semaphore(%dma_start3A_1022 : memref<!tpu.dma_semaphore, #tpu.memory_space<semaphore_mem>>) {add = true}
      %gt3A_1023 = arith.constant 0 : i32
      %gt3A_1024 = arith.cmpi sgt, %scan3A_835, %gt3A_1023 : i32
      %convert_element_type3A_1025 = arith.extui %gt3A_1024 : i1 to i32
      %cond3A_1026 = arith.constant 0 : i32
      %cond3A_1027 = arith.cmpi ne, %convert_element_type3A_1025, %cond3A_1026 : i32
      scf.if %cond3A_1027 {
        %sub3A = arith.constant 4 : i32
        %sub3A_1038 = arith.subi %add3A_994, %sub3A : i32
        %eq3A_1039 = arith.constant 1 : i32
        %eq3A_1040 = arith.cmpi eq, %arg0, %eq3A_1039 : i32
        %convert_element_type3A_1041 = arith.extui %eq3A_1040 : i1 to i32
        %cond3A_1042 = arith.constant 0 : i32
        %cond3A_1043 = arith.cmpi ne, %convert_element_type3A_1041, %cond3A_1042 : i32
        scf.if %cond3A_1043 {
          %dma_wait3A_1044 = arith.constant 3 : i32
          %dma_wait3A_1045 = arith.constant 0 : i32
          %dma_wait3A_1046 = tpu.memref_slice %arg8[%sub3A_1038, %dma_wait3A_1045] : memref<160x125xi32, #tpu.memory_space<vmem>> -> memref<1x125xi32, #tpu.memory_space<vmem>>
          %dma_wait3A_1047 = tpu.memref_squeeze %dma_wait3A_1046 : memref<1x125xi32, #tpu.memory_space<vmem>> -> memref<125xi32, #tpu.memory_space<vmem>>
          %dma_wait3A_1048 = arith.constant 0 : i32
          %dma_wait3A_1049 = arith.constant 0 : i32
          %dma_wait3A_1050 = tpu.memref_slice %arg14[%dma_wait3A_1048, %dma_wait3A_1049] : memref<10240x16xf32, #tpu.memory_space<vmem_shared>> -> memref<10240x16xf32, #tpu.memory_space<vmem_shared>>
          %dma_wait3A_1051 = tpu.memref_slice %arg17[%dma_wait3A_1044] : memref<4x!tpu.dma_semaphore, #tpu.memory_space<semaphore_mem>> -> memref<1x!tpu.dma_semaphore, #tpu.memory_space<semaphore_mem>>
          %dma_wait3A_1052 = tpu.memref_squeeze %dma_wait3A_1051 : memref<1x!tpu.dma_semaphore, #tpu.memory_space<semaphore_mem>> -> memref<!tpu.dma_semaphore, #tpu.memory_space<semaphore_mem>>
          tpu.wait_indirect_dma semaphore(%dma_wait3A_1052 : memref<!tpu.dma_semaphore, #tpu.memory_space<semaphore_mem>>) src(%arg10 : memref<125x16xf32, #tpu.memory_space<vmem>>) dst(%dma_wait3A_1050 : memref<10240x16xf32, #tpu.memory_space<vmem_shared>>)
        } else {
        }
      } else {
      }
      %eq3A_1028 = arith.constant 1 : i32
      %eq3A_1029 = arith.cmpi eq, %arg0, %eq3A_1028 : i32
      %convert_element_type3A_1030 = arith.extui %eq3A_1029 : i1 to i32
      %cond3A_1031 = arith.constant 0 : i32
      %cond3A_1032 = arith.cmpi ne, %convert_element_type3A_1030, %cond3A_1031 : i32
      scf.if %cond3A_1032 {
        %dma_start3A_1038 = arith.constant 3 : i32
        %dma_start3A_1039 = arith.constant 0 : i32
        %dma_start3A_1040 = tpu.memref_slice %arg8[%add3A_994, %dma_start3A_1039] : memref<160x125xi32, #tpu.memory_space<vmem>> -> memref<1x125xi32, #tpu.memory_space<vmem>>
        %dma_start3A_1041 = tpu.memref_squeeze %dma_start3A_1040 : memref<1x125xi32, #tpu.memory_space<vmem>> -> memref<125xi32, #tpu.memory_space<vmem>>
        %dma_start3A_1042 = arith.constant 0 : i32
        %dma_start3A_1043 = arith.constant 0 : i32
        %dma_start3A_1044 = tpu.memref_slice %arg14[%dma_start3A_1042, %dma_start3A_1043] : memref<10240x16xf32, #tpu.memory_space<vmem_shared>> -> memref<10240x16xf32, #tpu.memory_space<vmem_shared>>
        %dma_start3A_1045 = tpu.memref_slice %arg17[%dma_start3A_1038] : memref<4x!tpu.dma_semaphore, #tpu.memory_space<semaphore_mem>> -> memref<1x!tpu.dma_semaphore, #tpu.memory_space<semaphore_mem>>
        %dma_start3A_1046 = tpu.memref_squeeze %dma_start3A_1045 : memref<1x!tpu.dma_semaphore, #tpu.memory_space<semaphore_mem>> -> memref<!tpu.dma_semaphore, #tpu.memory_space<semaphore_mem>>
        tpu.enqueue_indirect_dma source(%arg10 : memref<125x16xf32, #tpu.memory_space<vmem>>) target(%dma_start3A_1044 : memref<10240x16xf32, #tpu.memory_space<vmem_shared>>) offsets(%dma_start3A_1041 : memref<125xi32, #tpu.memory_space<vmem>>) semaphore(%dma_start3A_1046 : memref<!tpu.dma_semaphore, #tpu.memory_space<semaphore_mem>>) {add = true}
      } else {
      }
      %lt3A_1033 = arith.constant 39 : i32
      %lt3A_1034 = arith.cmpi slt, %scan3A_835, %lt3A_1033 : i32
      %convert_element_type3A_1035 = arith.extui %lt3A_1034 : i1 to i32
      %cond3A_1036 = arith.constant 0 : i32
      %cond3A_1037 = arith.cmpi ne, %convert_element_type3A_1035, %cond3A_1036 : i32
      scf.if %cond3A_1037 {
        %sub3A = arith.constant 1 : i32
        %sub3A_1038 = arith.subi %add3A_994, %sub3A : i32
        %dma_wait3A_1039 = arith.constant 2 : i32
        %dma_wait3A_1040 = arith.constant 2 : i32
        %dma_wait3A_1041 = arith.constant 0 : i32
        %dma_wait3A_1042 = arith.constant 0 : i32
        %dma_wait3A_1043 = tpu.memref_slice %arg9[%dma_wait3A_1039, %dma_wait3A_1041, %dma_wait3A_1042] : memref<4x125x64xbf16, #tpu.memory_space<vmem>> -> memref<1x125x64xbf16, #tpu.memory_space<vmem>>
        %dma_wait3A_1044 = tpu.memref_squeeze %dma_wait3A_1043 : memref<1x125x64xbf16, #tpu.memory_space<vmem>> -> memref<125x64xbf16, #tpu.memory_space<vmem>>
        %dma_wait3A_1045 = arith.constant 0 : i32
        %dma_wait3A_1046 = tpu.memref_slice %arg8[%sub3A_1038, %dma_wait3A_1045] : memref<160x125xi32, #tpu.memory_space<vmem>> -> memref<1x125xi32, #tpu.memory_space<vmem>>
        %dma_wait3A_1047 = tpu.memref_squeeze %dma_wait3A_1046 : memref<1x125xi32, #tpu.memory_space<vmem>> -> memref<125xi32, #tpu.memory_space<vmem>>
        %dma_wait3A_1048 = arith.constant 0 : i32
        %dma_wait3A_1049 = arith.constant 0 : i32
        %dma_wait3A_1050 = tpu.memref_slice %arg13[%dma_wait3A_1048, %dma_wait3A_1049] : memref<10240x64xbf16, #tpu.memory_space<vmem_shared>> -> memref<10240x64xbf16, #tpu.memory_space<vmem_shared>>
        %dma_wait3A_1051 = tpu.memref_slice %arg16[%dma_wait3A_1040] : memref<4x!tpu.dma_semaphore, #tpu.memory_space<semaphore_mem>> -> memref<1x!tpu.dma_semaphore, #tpu.memory_space<semaphore_mem>>
        %dma_wait3A_1052 = tpu.memref_squeeze %dma_wait3A_1051 : memref<1x!tpu.dma_semaphore, #tpu.memory_space<semaphore_mem>> -> memref<!tpu.dma_semaphore, #tpu.memory_space<semaphore_mem>>
        tpu.wait_indirect_dma semaphore(%dma_wait3A_1052 : memref<!tpu.dma_semaphore, #tpu.memory_space<semaphore_mem>>) src(%dma_wait3A_1044 : memref<125x64xbf16, #tpu.memory_space<vmem>>) dst(%dma_wait3A_1050 : memref<10240x64xbf16, #tpu.memory_space<vmem_shared>>)
        %add3A_1053 = arith.constant 3 : i32
        %add3A_1054 = arith.addi %add3A_994, %add3A_1053 : i32
        %dma_start3A_1055 = arith.constant 2 : i32
        %dma_start3A_1056 = arith.constant 2 : i32
        %dma_start3A_1057 = arith.constant 0 : i32
        %dma_start3A_1058 = arith.constant 0 : i32
        %dma_start3A_1059 = tpu.memref_slice %arg9[%dma_start3A_1055, %dma_start3A_1057, %dma_start3A_1058] : memref<4x125x64xbf16, #tpu.memory_space<vmem>> -> memref<1x125x64xbf16, #tpu.memory_space<vmem>>
        %dma_start3A_1060 = tpu.memref_squeeze %dma_start3A_1059 : memref<1x125x64xbf16, #tpu.memory_space<vmem>> -> memref<125x64xbf16, #tpu.memory_space<vmem>>
        %dma_start3A_1061 = arith.constant 0 : i32
        %dma_start3A_1062 = tpu.memref_slice %arg7[%add3A_1054, %dma_start3A_1061] : memref<160x125xi32, #tpu.memory_space<vmem>> -> memref<1x125xi32, #tpu.memory_space<vmem>>
        %dma_start3A_1063 = tpu.memref_squeeze %dma_start3A_1062 : memref<1x125xi32, #tpu.memory_space<vmem>> -> memref<125xi32, #tpu.memory_space<vmem>>
        %dma_start3A_1064 = arith.constant 0 : i32
        %dma_start3A_1065 = arith.constant 0 : i32
        %dma_start3A_1066 = tpu.memref_slice %arg2[%dma_start3A_1064, %dma_start3A_1065] : memref<20000x64xbf16, #tpu.memory_space<hbm>> -> memref<20000x64xbf16, #tpu.memory_space<hbm>>
        %dma_start3A_1067 = tpu.memref_slice %arg15[%dma_start3A_1056] : memref<4x!tpu.dma_semaphore, #tpu.memory_space<semaphore_mem>> -> memref<1x!tpu.dma_semaphore, #tpu.memory_space<semaphore_mem>>
        %dma_start3A_1068 = tpu.memref_squeeze %dma_start3A_1067 : memref<1x!tpu.dma_semaphore, #tpu.memory_space<semaphore_mem>> -> memref<!tpu.dma_semaphore, #tpu.memory_space<semaphore_mem>>
        tpu.enqueue_indirect_dma source(%dma_start3A_1066 : memref<20000x64xbf16, #tpu.memory_space<hbm>>) target(%dma_start3A_1060 : memref<125x64xbf16, #tpu.memory_space<vmem>>) offsets(%dma_start3A_1063 : memref<125xi32, #tpu.memory_space<vmem>>) semaphore(%dma_start3A_1068 : memref<!tpu.dma_semaphore, #tpu.memory_space<semaphore_mem>>)
      } else {
      }
    }
    %scan3A_751 = arith.constant 40 : i32
    %dma_wait3A_752 = arith.constant 0 : i32
    %dma_wait3A_753 = arith.constant 156 : i32
    %dma_wait3A_754 = arith.constant 0 : i32
    %dma_wait3A_755 = arith.constant 0 : i32
    %dma_wait3A_756 = arith.constant 0 : i32
    %dma_wait3A_757 = tpu.memref_slice %arg9[%dma_wait3A_752, %dma_wait3A_755, %dma_wait3A_756] : memref<4x125x64xbf16, #tpu.memory_space<vmem>> -> memref<1x125x64xbf16, #tpu.memory_space<vmem>>
    %dma_wait3A_758 = tpu.memref_squeeze %dma_wait3A_757 : memref<1x125x64xbf16, #tpu.memory_space<vmem>> -> memref<125x64xbf16, #tpu.memory_space<vmem>>
    %dma_wait3A_759 = arith.constant 0 : i32
    %dma_wait3A_760 = tpu.memref_slice %arg8[%dma_wait3A_753, %dma_wait3A_759] : memref<160x125xi32, #tpu.memory_space<vmem>> -> memref<1x125xi32, #tpu.memory_space<vmem>>
    %dma_wait3A_761 = tpu.memref_squeeze %dma_wait3A_760 : memref<1x125xi32, #tpu.memory_space<vmem>> -> memref<125xi32, #tpu.memory_space<vmem>>
    %dma_wait3A_762 = arith.constant 0 : i32
    %dma_wait3A_763 = arith.constant 0 : i32
    %dma_wait3A_764 = tpu.memref_slice %arg13[%dma_wait3A_762, %dma_wait3A_763] : memref<10240x64xbf16, #tpu.memory_space<vmem_shared>> -> memref<10240x64xbf16, #tpu.memory_space<vmem_shared>>
    %dma_wait3A_765 = tpu.memref_slice %arg16[%dma_wait3A_754] : memref<4x!tpu.dma_semaphore, #tpu.memory_space<semaphore_mem>> -> memref<1x!tpu.dma_semaphore, #tpu.memory_space<semaphore_mem>>
    %dma_wait3A_766 = tpu.memref_squeeze %dma_wait3A_765 : memref<1x!tpu.dma_semaphore, #tpu.memory_space<semaphore_mem>> -> memref<!tpu.dma_semaphore, #tpu.memory_space<semaphore_mem>>
    tpu.wait_indirect_dma semaphore(%dma_wait3A_766 : memref<!tpu.dma_semaphore, #tpu.memory_space<semaphore_mem>>) src(%dma_wait3A_758 : memref<125x64xbf16, #tpu.memory_space<vmem>>) dst(%dma_wait3A_764 : memref<10240x64xbf16, #tpu.memory_space<vmem_shared>>)
    %eq3A = arith.constant 0 : i32
    %eq3A_767 = arith.cmpi eq, %arg0, %eq3A : i32
    %convert_element_type3A = arith.extui %eq3A_767 : i1 to i32
    %cond3A = arith.constant 0 : i32
    %cond3A_768 = arith.cmpi ne, %convert_element_type3A, %cond3A : i32
    scf.if %cond3A_768 {
      %dma_wait3A_835 = arith.constant 156 : i32
      %dma_wait3A_836 = arith.constant 0 : i32
      %dma_wait3A_837 = arith.constant 0 : i32
      %dma_wait3A_838 = tpu.memref_slice %arg8[%dma_wait3A_835, %dma_wait3A_837] : memref<160x125xi32, #tpu.memory_space<vmem>> -> memref<1x125xi32, #tpu.memory_space<vmem>>
      %dma_wait3A_839 = tpu.memref_squeeze %dma_wait3A_838 : memref<1x125xi32, #tpu.memory_space<vmem>> -> memref<125xi32, #tpu.memory_space<vmem>>
      %dma_wait3A_840 = arith.constant 0 : i32
      %dma_wait3A_841 = arith.constant 0 : i32
      %dma_wait3A_842 = tpu.memref_slice %arg14[%dma_wait3A_840, %dma_wait3A_841] : memref<10240x16xf32, #tpu.memory_space<vmem_shared>> -> memref<10240x16xf32, #tpu.memory_space<vmem_shared>>
      %dma_wait3A_843 = tpu.memref_slice %arg17[%dma_wait3A_836] : memref<4x!tpu.dma_semaphore, #tpu.memory_space<semaphore_mem>> -> memref<1x!tpu.dma_semaphore, #tpu.memory_space<semaphore_mem>>
      %dma_wait3A_844 = tpu.memref_squeeze %dma_wait3A_843 : memref<1x!tpu.dma_semaphore, #tpu.memory_space<semaphore_mem>> -> memref<!tpu.dma_semaphore, #tpu.memory_space<semaphore_mem>>
      tpu.wait_indirect_dma semaphore(%dma_wait3A_844 : memref<!tpu.dma_semaphore, #tpu.memory_space<semaphore_mem>>) src(%arg10 : memref<125x16xf32, #tpu.memory_space<vmem>>) dst(%dma_wait3A_842 : memref<10240x16xf32, #tpu.memory_space<vmem_shared>>)
    } else {
    }
    %dma_wait3A_769 = arith.constant 1 : i32
    %dma_wait3A_770 = arith.constant 157 : i32
    %dma_wait3A_771 = arith.constant 1 : i32
    %dma_wait3A_772 = arith.constant 0 : i32
    %dma_wait3A_773 = arith.constant 0 : i32
    %dma_wait3A_774 = tpu.memref_slice %arg9[%dma_wait3A_769, %dma_wait3A_772, %dma_wait3A_773] : memref<4x125x64xbf16, #tpu.memory_space<vmem>> -> memref<1x125x64xbf16, #tpu.memory_space<vmem>>
    %dma_wait3A_775 = tpu.memref_squeeze %dma_wait3A_774 : memref<1x125x64xbf16, #tpu.memory_space<vmem>> -> memref<125x64xbf16, #tpu.memory_space<vmem>>
    %dma_wait3A_776 = arith.constant 0 : i32
    %dma_wait3A_777 = tpu.memref_slice %arg8[%dma_wait3A_770, %dma_wait3A_776] : memref<160x125xi32, #tpu.memory_space<vmem>> -> memref<1x125xi32, #tpu.memory_space<vmem>>
    %dma_wait3A_778 = tpu.memref_squeeze %dma_wait3A_777 : memref<1x125xi32, #tpu.memory_space<vmem>> -> memref<125xi32, #tpu.memory_space<vmem>>
    %dma_wait3A_779 = arith.constant 0 : i32
    %dma_wait3A_780 = arith.constant 0 : i32
    %dma_wait3A_781 = tpu.memref_slice %arg13[%dma_wait3A_779, %dma_wait3A_780] : memref<10240x64xbf16, #tpu.memory_space<vmem_shared>> -> memref<10240x64xbf16, #tpu.memory_space<vmem_shared>>
    %dma_wait3A_782 = tpu.memref_slice %arg16[%dma_wait3A_771] : memref<4x!tpu.dma_semaphore, #tpu.memory_space<semaphore_mem>> -> memref<1x!tpu.dma_semaphore, #tpu.memory_space<semaphore_mem>>
    %dma_wait3A_783 = tpu.memref_squeeze %dma_wait3A_782 : memref<1x!tpu.dma_semaphore, #tpu.memory_space<semaphore_mem>> -> memref<!tpu.dma_semaphore, #tpu.memory_space<semaphore_mem>>
    tpu.wait_indirect_dma semaphore(%dma_wait3A_783 : memref<!tpu.dma_semaphore, #tpu.memory_space<semaphore_mem>>) src(%dma_wait3A_775 : memref<125x64xbf16, #tpu.memory_space<vmem>>) dst(%dma_wait3A_781 : memref<10240x64xbf16, #tpu.memory_space<vmem_shared>>)
    %eq3A_784 = arith.constant 1 : i32
    %eq3A_785 = arith.cmpi eq, %arg0, %eq3A_784 : i32
    %convert_element_type3A_786 = arith.extui %eq3A_785 : i1 to i32
    %cond3A_787 = arith.constant 0 : i32
    %cond3A_788 = arith.cmpi ne, %convert_element_type3A_786, %cond3A_787 : i32
    scf.if %cond3A_788 {
      %dma_wait3A_835 = arith.constant 157 : i32
      %dma_wait3A_836 = arith.constant 1 : i32
      %dma_wait3A_837 = arith.constant 0 : i32
      %dma_wait3A_838 = tpu.memref_slice %arg8[%dma_wait3A_835, %dma_wait3A_837] : memref<160x125xi32, #tpu.memory_space<vmem>> -> memref<1x125xi32, #tpu.memory_space<vmem>>
      %dma_wait3A_839 = tpu.memref_squeeze %dma_wait3A_838 : memref<1x125xi32, #tpu.memory_space<vmem>> -> memref<125xi32, #tpu.memory_space<vmem>>
      %dma_wait3A_840 = arith.constant 0 : i32
      %dma_wait3A_841 = arith.constant 0 : i32
      %dma_wait3A_842 = tpu.memref_slice %arg14[%dma_wait3A_840, %dma_wait3A_841] : memref<10240x16xf32, #tpu.memory_space<vmem_shared>> -> memref<10240x16xf32, #tpu.memory_space<vmem_shared>>
      %dma_wait3A_843 = tpu.memref_slice %arg17[%dma_wait3A_836] : memref<4x!tpu.dma_semaphore, #tpu.memory_space<semaphore_mem>> -> memref<1x!tpu.dma_semaphore, #tpu.memory_space<semaphore_mem>>
      %dma_wait3A_844 = tpu.memref_squeeze %dma_wait3A_843 : memref<1x!tpu.dma_semaphore, #tpu.memory_space<semaphore_mem>> -> memref<!tpu.dma_semaphore, #tpu.memory_space<semaphore_mem>>
      tpu.wait_indirect_dma semaphore(%dma_wait3A_844 : memref<!tpu.dma_semaphore, #tpu.memory_space<semaphore_mem>>) src(%arg10 : memref<125x16xf32, #tpu.memory_space<vmem>>) dst(%dma_wait3A_842 : memref<10240x16xf32, #tpu.memory_space<vmem_shared>>)
    } else {
    }
    %dma_wait3A_789 = arith.constant 2 : i32
    %dma_wait3A_790 = arith.constant 158 : i32
    %dma_wait3A_791 = arith.constant 2 : i32
    %dma_wait3A_792 = arith.constant 0 : i32
    %dma_wait3A_793 = arith.constant 0 : i32
    %dma_wait3A_794 = tpu.memref_slice %arg9[%dma_wait3A_789, %dma_wait3A_792, %dma_wait3A_793] : memref<4x125x64xbf16, #tpu.memory_space<vmem>> -> memref<1x125x64xbf16, #tpu.memory_space<vmem>>
    %dma_wait3A_795 = tpu.memref_squeeze %dma_wait3A_794 : memref<1x125x64xbf16, #tpu.memory_space<vmem>> -> memref<125x64xbf16, #tpu.memory_space<vmem>>
    %dma_wait3A_796 = arith.constant 0 : i32
    %dma_wait3A_797 = tpu.memref_slice %arg8[%dma_wait3A_790, %dma_wait3A_796] : memref<160x125xi32, #tpu.memory_space<vmem>> -> memref<1x125xi32, #tpu.memory_space<vmem>>
    %dma_wait3A_798 = tpu.memref_squeeze %dma_wait3A_797 : memref<1x125xi32, #tpu.memory_space<vmem>> -> memref<125xi32, #tpu.memory_space<vmem>>
    %dma_wait3A_799 = arith.constant 0 : i32
    %dma_wait3A_800 = arith.constant 0 : i32
    %dma_wait3A_801 = tpu.memref_slice %arg13[%dma_wait3A_799, %dma_wait3A_800] : memref<10240x64xbf16, #tpu.memory_space<vmem_shared>> -> memref<10240x64xbf16, #tpu.memory_space<vmem_shared>>
    %dma_wait3A_802 = tpu.memref_slice %arg16[%dma_wait3A_791] : memref<4x!tpu.dma_semaphore, #tpu.memory_space<semaphore_mem>> -> memref<1x!tpu.dma_semaphore, #tpu.memory_space<semaphore_mem>>
    %dma_wait3A_803 = tpu.memref_squeeze %dma_wait3A_802 : memref<1x!tpu.dma_semaphore, #tpu.memory_space<semaphore_mem>> -> memref<!tpu.dma_semaphore, #tpu.memory_space<semaphore_mem>>
    tpu.wait_indirect_dma semaphore(%dma_wait3A_803 : memref<!tpu.dma_semaphore, #tpu.memory_space<semaphore_mem>>) src(%dma_wait3A_795 : memref<125x64xbf16, #tpu.memory_space<vmem>>) dst(%dma_wait3A_801 : memref<10240x64xbf16, #tpu.memory_space<vmem_shared>>)
    %eq3A_804 = arith.constant 0 : i32
    %eq3A_805 = arith.cmpi eq, %arg0, %eq3A_804 : i32
    %convert_element_type3A_806 = arith.extui %eq3A_805 : i1 to i32
    %cond3A_807 = arith.constant 0 : i32
    %cond3A_808 = arith.cmpi ne, %convert_element_type3A_806, %cond3A_807 : i32
    scf.if %cond3A_808 {
      %dma_wait3A_835 = arith.constant 158 : i32
      %dma_wait3A_836 = arith.constant 2 : i32
      %dma_wait3A_837 = arith.constant 0 : i32
      %dma_wait3A_838 = tpu.memref_slice %arg8[%dma_wait3A_835, %dma_wait3A_837] : memref<160x125xi32, #tpu.memory_space<vmem>> -> memref<1x125xi32, #tpu.memory_space<vmem>>
      %dma_wait3A_839 = tpu.memref_squeeze %dma_wait3A_838 : memref<1x125xi32, #tpu.memory_space<vmem>> -> memref<125xi32, #tpu.memory_space<vmem>>
      %dma_wait3A_840 = arith.constant 0 : i32
      %dma_wait3A_841 = arith.constant 0 : i32
      %dma_wait3A_842 = tpu.memref_slice %arg14[%dma_wait3A_840, %dma_wait3A_841] : memref<10240x16xf32, #tpu.memory_space<vmem_shared>> -> memref<10240x16xf32, #tpu.memory_space<vmem_shared>>
      %dma_wait3A_843 = tpu.memref_slice %arg17[%dma_wait3A_836] : memref<4x!tpu.dma_semaphore, #tpu.memory_space<semaphore_mem>> -> memref<1x!tpu.dma_semaphore, #tpu.memory_space<semaphore_mem>>
      %dma_wait3A_844 = tpu.memref_squeeze %dma_wait3A_843 : memref<1x!tpu.dma_semaphore, #tpu.memory_space<semaphore_mem>> -> memref<!tpu.dma_semaphore, #tpu.memory_space<semaphore_mem>>
      tpu.wait_indirect_dma semaphore(%dma_wait3A_844 : memref<!tpu.dma_semaphore, #tpu.memory_space<semaphore_mem>>) src(%arg10 : memref<125x16xf32, #tpu.memory_space<vmem>>) dst(%dma_wait3A_842 : memref<10240x16xf32, #tpu.memory_space<vmem_shared>>)
    } else {
    }
    %dma_wait3A_809 = arith.constant 3 : i32
    %dma_wait3A_810 = arith.constant 159 : i32
    %dma_wait3A_811 = arith.constant 3 : i32
    %dma_wait3A_812 = arith.constant 0 : i32
    %dma_wait3A_813 = arith.constant 0 : i32
    %dma_wait3A_814 = tpu.memref_slice %arg9[%dma_wait3A_809, %dma_wait3A_812, %dma_wait3A_813] : memref<4x125x64xbf16, #tpu.memory_space<vmem>> -> memref<1x125x64xbf16, #tpu.memory_space<vmem>>
    %dma_wait3A_815 = tpu.memref_squeeze %dma_wait3A_814 : memref<1x125x64xbf16, #tpu.memory_space<vmem>> -> memref<125x64xbf16, #tpu.memory_space<vmem>>
    %dma_wait3A_816 = arith.constant 0 : i32
    %dma_wait3A_817 = tpu.memref_slice %arg8[%dma_wait3A_810, %dma_wait3A_816] : memref<160x125xi32, #tpu.memory_space<vmem>> -> memref<1x125xi32, #tpu.memory_space<vmem>>
    %dma_wait3A_818 = tpu.memref_squeeze %dma_wait3A_817 : memref<1x125xi32, #tpu.memory_space<vmem>> -> memref<125xi32, #tpu.memory_space<vmem>>
    %dma_wait3A_819 = arith.constant 0 : i32
    %dma_wait3A_820 = arith.constant 0 : i32
    %dma_wait3A_821 = tpu.memref_slice %arg13[%dma_wait3A_819, %dma_wait3A_820] : memref<10240x64xbf16, #tpu.memory_space<vmem_shared>> -> memref<10240x64xbf16, #tpu.memory_space<vmem_shared>>
    %dma_wait3A_822 = tpu.memref_slice %arg16[%dma_wait3A_811] : memref<4x!tpu.dma_semaphore, #tpu.memory_space<semaphore_mem>> -> memref<1x!tpu.dma_semaphore, #tpu.memory_space<semaphore_mem>>
    %dma_wait3A_823 = tpu.memref_squeeze %dma_wait3A_822 : memref<1x!tpu.dma_semaphore, #tpu.memory_space<semaphore_mem>> -> memref<!tpu.dma_semaphore, #tpu.memory_space<semaphore_mem>>
    tpu.wait_indirect_dma semaphore(%dma_wait3A_823 : memref<!tpu.dma_semaphore, #tpu.memory_space<semaphore_mem>>) src(%dma_wait3A_815 : memref<125x64xbf16, #tpu.memory_space<vmem>>) dst(%dma_wait3A_821 : memref<10240x64xbf16, #tpu.memory_space<vmem_shared>>)
    %eq3A_824 = arith.constant 1 : i32
    %eq3A_825 = arith.cmpi eq, %arg0, %eq3A_824 : i32
    %convert_element_type3A_826 = arith.extui %eq3A_825 : i1 to i32
    %cond3A_827 = arith.constant 0 : i32
    %cond3A_828 = arith.cmpi ne, %convert_element_type3A_826, %cond3A_827 : i32
    scf.if %cond3A_828 {
      %dma_wait3A_835 = arith.constant 159 : i32
      %dma_wait3A_836 = arith.constant 3 : i32
      %dma_wait3A_837 = arith.constant 0 : i32
      %dma_wait3A_838 = tpu.memref_slice %arg8[%dma_wait3A_835, %dma_wait3A_837] : memref<160x125xi32, #tpu.memory_space<vmem>> -> memref<1x125xi32, #tpu.memory_space<vmem>>
      %dma_wait3A_839 = tpu.memref_squeeze %dma_wait3A_838 : memref<1x125xi32, #tpu.memory_space<vmem>> -> memref<125xi32, #tpu.memory_space<vmem>>
      %dma_wait3A_840 = arith.constant 0 : i32
      %dma_wait3A_841 = arith.constant 0 : i32
      %dma_wait3A_842 = tpu.memref_slice %arg14[%dma_wait3A_840, %dma_wait3A_841] : memref<10240x16xf32, #tpu.memory_space<vmem_shared>> -> memref<10240x16xf32, #tpu.memory_space<vmem_shared>>
      %dma_wait3A_843 = tpu.memref_slice %arg17[%dma_wait3A_836] : memref<4x!tpu.dma_semaphore, #tpu.memory_space<semaphore_mem>> -> memref<1x!tpu.dma_semaphore, #tpu.memory_space<semaphore_mem>>
      %dma_wait3A_844 = tpu.memref_squeeze %dma_wait3A_843 : memref<1x!tpu.dma_semaphore, #tpu.memory_space<semaphore_mem>> -> memref<!tpu.dma_semaphore, #tpu.memory_space<semaphore_mem>>
      tpu.wait_indirect_dma semaphore(%dma_wait3A_844 : memref<!tpu.dma_semaphore, #tpu.memory_space<semaphore_mem>>) src(%arg10 : memref<125x16xf32, #tpu.memory_space<vmem>>) dst(%dma_wait3A_842 : memref<10240x16xf32, #tpu.memory_space<vmem_shared>>)
    } else {
    }
    %barrier3A_829 = arith.constant 0 : index
    tpu.barrier barrier_id(%barrier3A_829)
    %mul3A_830 = arith.constant 10240 : i32
    %mul3A_831 = arith.muli %arg0, %mul3A_830 : i32
    %mul3A_832 = arith.constant 640 : i32
    %mul3A_833 = arith.muli %arg1, %mul3A_832 : i32
    %add3A_834 = arith.addi %mul3A_831, %mul3A_833 : i32
    "tpu.region"() ({
      %run_scoped3A = tpu.sem_alloc : memref<!tpu.dma_semaphore, #tpu.memory_space<semaphore_mem>>
      %dma_start3A_835 = arith.constant 0 : i32
      %dma_start3A_836 = tpu.memref_slice %arg5[%add3A_834, %dma_start3A_835] : memref<20480x64xbf16, #tpu.memory_space<hbm>> -> memref<640x64xbf16, #tpu.memory_space<hbm>>
      %dma_start3A_837 = arith.constant 0 : i32
      %dma_start3A_838 = tpu.memref_slice %arg13[%mul3A_39, %dma_start3A_837] : memref<10240x64xbf16, #tpu.memory_space<vmem_shared>> -> memref<640x64xbf16, #tpu.memory_space<vmem_shared>>
      tpu.enqueue_dma source(%dma_start3A_838 : memref<640x64xbf16, #tpu.memory_space<vmem_shared>>) target(%dma_start3A_836 : memref<640x64xbf16, #tpu.memory_space<hbm>>) target_semaphore(%run_scoped3A : memref<!tpu.dma_semaphore, #tpu.memory_space<semaphore_mem>>)
      %dma_wait3A_839 = arith.constant 0 : i32
      %dma_wait3A_840 = tpu.memref_slice %arg5[%add3A_834, %dma_wait3A_839] : memref<20480x64xbf16, #tpu.memory_space<hbm>> -> memref<640x64xbf16, #tpu.memory_space<hbm>>
      %dma_wait3A_841 = arith.constant 0 : i32
      %dma_wait3A_842 = tpu.memref_slice %arg13[%mul3A_39, %dma_wait3A_841] : memref<10240x64xbf16, #tpu.memory_space<vmem_shared>> -> memref<640x64xbf16, #tpu.memory_space<vmem_shared>>
      tpu.wait_dma2 semaphore(%run_scoped3A : memref<!tpu.dma_semaphore, #tpu.memory_space<semaphore_mem>>) src(%dma_wait3A_842 : memref<640x64xbf16, #tpu.memory_space<vmem_shared>>) dst(%dma_wait3A_840 : memref<640x64xbf16, #tpu.memory_space<hbm>>)
      tpu.yield
    }) : () -> ()
    "tpu.region"() ({
      %run_scoped3A = tpu.sem_alloc : memref<!tpu.dma_semaphore, #tpu.memory_space<semaphore_mem>>
      %dma_start3A_835 = arith.constant 0 : i32
      %dma_start3A_836 = tpu.memref_slice %arg6[%add3A_834, %dma_start3A_835] : memref<20480x16xf32, #tpu.memory_space<hbm>> -> memref<640x16xf32, #tpu.memory_space<hbm>>
      %dma_start3A_837 = arith.constant 0 : i32
      %dma_start3A_838 = tpu.memref_slice %arg14[%mul3A_39, %dma_start3A_837] : memref<10240x16xf32, #tpu.memory_space<vmem_shared>> -> memref<640x16xf32, #tpu.memory_space<vmem_shared>>
      tpu.enqueue_dma source(%dma_start3A_838 : memref<640x16xf32, #tpu.memory_space<vmem_shared>>) target(%dma_start3A_836 : memref<640x16xf32, #tpu.memory_space<hbm>>) target_semaphore(%run_scoped3A : memref<!tpu.dma_semaphore, #tpu.memory_space<semaphore_mem>>)
      %dma_wait3A_839 = arith.constant 0 : i32
      %dma_wait3A_840 = tpu.memref_slice %arg6[%add3A_834, %dma_wait3A_839] : memref<20480x16xf32, #tpu.memory_space<hbm>> -> memref<640x16xf32, #tpu.memory_space<hbm>>
      %dma_wait3A_841 = arith.constant 0 : i32
      %dma_wait3A_842 = tpu.memref_slice %arg14[%mul3A_39, %dma_wait3A_841] : memref<10240x16xf32, #tpu.memory_space<vmem_shared>> -> memref<640x16xf32, #tpu.memory_space<vmem_shared>>
      tpu.wait_dma2 semaphore(%run_scoped3A : memref<!tpu.dma_semaphore, #tpu.memory_space<semaphore_mem>>) src(%dma_wait3A_842 : memref<640x16xf32, #tpu.memory_space<vmem_shared>>) dst(%dma_wait3A_840 : memref<640x16xf32, #tpu.memory_space<hbm>>)
      tpu.yield
    }) : () -> ()
    return
  }
}

module attributes {stable_mosaic.version = 14 : i64} {
  func.func @_split_body(%arg0: i32, %arg1: memref<2000x128xf32, #tpu.memory_space<vmem>>, %arg2: memref<2x2000x64xbf16, #tpu.memory_space<vmem>>) attributes {dimension_semantics = [#tpu.dimension_semantics<arbitrary>], iteration_bounds = array<i64: 5>, scalar_prefetch = 0 : i64, scratch_operands = 0 : i64, tpu.core_type = #tpu.core_type<tc>, window_params = [{transform_indices = @transform_0, window_bounds = array<i64: 2000, 128>}, {transform_indices = @transform_1, window_bounds = array<i64: 2, 2000, 64>}]} {
    %get3A = arith.constant 0 : index
    %get3A_0 = arith.constant 0 : index
    %get3A_1 = vector.load %arg1[%get3A, %get3A_0] : memref<2000x128xf32, #tpu.memory_space<vmem>>, vector<2000x64xf32>
    %convert_element_type3A = arith.truncf %get3A_1 : vector<2000x64xf32> to vector<2000x64xbf16>
    %swap3A = arith.constant 0 : index
    %swap3A_2 = arith.constant 0 : index
    %swap3A_3 = arith.constant 0 : index
    %swap3A_4 = vector.load %arg2[%swap3A, %swap3A_2, %swap3A_3] : memref<2x2000x64xbf16, #tpu.memory_space<vmem>>, vector<1x2000x64xbf16>
    %swap3A_5 = vector.shape_cast %swap3A_4 : vector<1x2000x64xbf16> to vector<2000x64xbf16>
    %swap3A_6 = vector.shape_cast %convert_element_type3A : vector<2000x64xbf16> to vector<1x2000x64xbf16>
    tpu.vector_store %arg2[%swap3A, %swap3A_2, %swap3A_3], %swap3A_6 {strides = array<i32>} : memref<2x2000x64xbf16, #tpu.memory_space<vmem>>, vector<1x2000x64xbf16>,
    %get3A_7 = arith.constant 0 : index
    %get3A_8 = arith.constant 64 : index
    %get3A_9 = vector.load %arg1[%get3A_7, %get3A_8] : memref<2000x128xf32, #tpu.memory_space<vmem>>, vector<2000x64xf32>
    %convert_element_type3A_10 = arith.truncf %get3A_9 : vector<2000x64xf32> to vector<2000x64xbf16>
    %swap3A_11 = arith.constant 1 : index
    %swap3A_12 = arith.constant 0 : index
    %swap3A_13 = arith.constant 0 : index
    %swap3A_14 = vector.load %arg2[%swap3A_11, %swap3A_12, %swap3A_13] : memref<2x2000x64xbf16, #tpu.memory_space<vmem>>, vector<1x2000x64xbf16>
    %swap3A_15 = vector.shape_cast %swap3A_14 : vector<1x2000x64xbf16> to vector<2000x64xbf16>
    %swap3A_16 = vector.shape_cast %convert_element_type3A_10 : vector<2000x64xbf16> to vector<1x2000x64xbf16>
    tpu.vector_store %arg2[%swap3A_11, %swap3A_12, %swap3A_13], %swap3A_16 {strides = array<i32>} : memref<2x2000x64xbf16, #tpu.memory_space<vmem>>, vector<1x2000x64xbf16>,
    return
  }
  func.func @transform_0(%arg0: i32) -> (i32, i32) {
    %c0_i32 = arith.constant 0 : i32
    %c0_i32_0 = arith.constant 0 : i32
    return %arg0, %c0_i32 : i32, i32
  }
  func.func @transform_1(%arg0: i32) -> (i32, i32, i32) {
    %c0_i32 = arith.constant 0 : i32
    %c0_i32_0 = arith.constant 0 : i32
    %c0_i32_1 = arith.constant 0 : i32
    return %c0_i32, %arg0, %c0_i32_0 : i32, i32, i32
  }
}

module attributes {stable_mosaic.version = 14 : i64} {
  func.func @_self_body(%arg0: i32, %arg1: memref<2000x128xf32, #tpu.memory_space<vmem>>, %arg2: memref<128x128xf32, #tpu.memory_space<vmem>>, %arg3: memref<1x128xf32, #tpu.memory_space<vmem>>, %arg4: memref<2000x128xf32, #tpu.memory_space<vmem>>) attributes {dimension_semantics = [#tpu.dimension_semantics<arbitrary>], iteration_bounds = array<i64: 5>, scalar_prefetch = 0 : i64, scratch_operands = 0 : i64, tpu.core_type = #tpu.core_type<tc>, window_params = [{transform_indices = @transform_0, window_bounds = array<i64: 2000, 128>}, {pipeline_mode = #tpu.pipeline_mode<synchronous>, transform_indices = @transform_1, window_bounds = array<i64: 128, 128>}, {pipeline_mode = #tpu.pipeline_mode<synchronous>, transform_indices = @transform_2, window_bounds = array<i64: 1, 128>}, {transform_indices = @transform_3, window_bounds = array<i64: 2000, 128>}]} {
    %get3A = arith.constant 0 : index
    %get3A_0 = arith.constant 0 : index
    %get3A_1 = vector.load %arg1[%get3A, %get3A_0] : memref<2000x128xf32, #tpu.memory_space<vmem>>, vector<2000x128xf32>
    %get3A_2 = arith.constant 0 : index
    %get3A_3 = arith.constant 0 : index
    %get3A_4 = vector.load %arg2[%get3A_2, %get3A_3] : memref<128x128xf32, #tpu.memory_space<vmem>>, vector<128x128xf32>
    %dot_general3A = arith.constant dense<0.000000e+00> : vector<2000x128xf32>
    %dot_general3A_5 = tpu.matmul %get3A_1, %get3A_4, %dot_general3A {dimension_numbers = #tpu.dot_dimension_numbers<[1], [0], [0], [1], [0, 0, 1, 1], [], []>, transpose_lhs_hint = false} : vector<2000x128xf32>, vector<128x128xf32>, vector<2000x128xf32> -> vector<2000x128xf32>
    %get3A_6 = arith.constant 0 : index
    %get3A_7 = arith.constant 0 : index
    %get3A_8 = vector.load %arg3[%get3A_6, %get3A_7] : memref<1x128xf32, #tpu.memory_space<vmem>>, vector<1x128xf32>
    %add3A = vector.broadcast %get3A_8 : vector<1x128xf32> to vector<2000x128xf32>
    %add3A_9 = arith.addf %dot_general3A_5, %add3A : vector<2000x128xf32>
    %swap3A = arith.constant 0 : index
    %swap3A_10 = arith.constant 0 : index
    %swap3A_11 = vector.load %arg4[%swap3A, %swap3A_10] : memref<2000x128xf32, #tpu.memory_space<vmem>>, vector<2000x128xf32>
    tpu.vector_store %arg4[%swap3A, %swap3A_10], %add3A_9 {strides = array<i32>} : memref<2000x128xf32, #tpu.memory_space<vmem>>, vector<2000x128xf32>,
    return
  }
  func.func @transform_0(%arg0: i32) -> (i32, i32) {
    %c0_i32 = arith.constant 0 : i32
    %c0_i32_0 = arith.constant 0 : i32
    return %arg0, %c0_i32 : i32, i32
  }
  func.func @transform_1(%arg0: i32) -> (i32, i32) {
    %c0_i32 = arith.constant 0 : i32
    %c0_i32_0 = arith.constant 0 : i32
    %c0_i32_1 = arith.constant 0 : i32
    return %c0_i32, %c0_i32_0 : i32, i32
  }
  func.func @transform_2(%arg0: i32) -> (i32, i32) {
    %c0_i32 = arith.constant 0 : i32
    %c0_i32_0 = arith.constant 0 : i32
    %c0_i32_1 = arith.constant 0 : i32
    return %c0_i32, %c0_i32_0 : i32, i32
  }
  func.func @transform_3(%arg0: i32) -> (i32, i32) {
    %c0_i32 = arith.constant 0 : i32
    %c0_i32_0 = arith.constant 0 : i32
    return %arg0, %c0_i32 : i32, i32
  }
}

module attributes {stable_mosaic.version = 14 : i64} {
  func.func @body(%arg0: i32, %arg1: memref<2000x128xf32, #tpu.memory_space<vmem>>, %arg2: memref<1x2000x64xbf16, #tpu.memory_space<vmem>>, %arg3: memref<1x2000x64xbf16, #tpu.memory_space<vmem>>, %arg4: memref<1x2000x16xf32, #tpu.memory_space<vmem>>, %arg5: memref<1x2000x16xf32, #tpu.memory_space<vmem>>, %arg6: memref<128x128xf32, #tpu.memory_space<vmem>>, %arg7: memref<2000x128xf32, #tpu.memory_space<vmem>>, %arg8: memref<2x2000x64xbf16, #tpu.memory_space<vmem>>) attributes {dimension_semantics = [#tpu.dimension_semantics<arbitrary>], iteration_bounds = array<i64: 5>, scalar_prefetch = 0 : i64, scratch_operands = 0 : i64, tpu.core_type = #tpu.core_type<tc>, window_params = [{transform_indices = @transform_0, window_bounds = array<i64: 2000, 128>}, {transform_indices = @transform_1, window_bounds = array<i64: 1, 2000, 64>}, {transform_indices = @transform_2, window_bounds = array<i64: 1, 2000, 64>}, {transform_indices = @transform_3, window_bounds = array<i64: 1, 2000, 16>}, {transform_indices = @transform_4, window_bounds = array<i64: 1, 2000, 16>}, {pipeline_mode = #tpu.pipeline_mode<synchronous>, transform_indices = @transform_5, window_bounds = array<i64: 128, 128>}, {transform_indices = @transform_6, window_bounds = array<i64: 2000, 128>}, {transform_indices = @transform_7, window_bounds = array<i64: 2, 2000, 64>}]} {
    %get3A = arith.constant 0 : index
    %get3A_0 = arith.constant 0 : index
    %get3A_1 = arith.constant 0 : index
    %get3A_2 = vector.load %arg2[%get3A, %get3A_0, %get3A_1] : memref<1x2000x64xbf16, #tpu.memory_space<vmem>>, vector<1x2000x64xbf16>
    %get3A_3 = vector.shape_cast %get3A_2 : vector<1x2000x64xbf16> to vector<2000x64xbf16>
    %get3A_4 = arith.constant 0 : index
    %get3A_5 = arith.constant 0 : index
    %get3A_6 = arith.constant 0 : index
    %get3A_7 = vector.load %arg3[%get3A_4, %get3A_5, %get3A_6] : memref<1x2000x64xbf16, #tpu.memory_space<vmem>>, vector<1x2000x64xbf16>
    %get3A_8 = vector.shape_cast %get3A_7 : vector<1x2000x64xbf16> to vector<2000x64xbf16>
    %concatenate3A = tpu.concatenate %get3A_3, %get3A_8 in 1 : vector<2000x64xbf16>, vector<2000x64xbf16> -> vector<2000x128xbf16>
    %convert_element_type3A = arith.extf %concatenate3A : vector<2000x128xbf16> to vector<2000x128xf32>
    %get3A_9 = arith.constant 0 : index
    %get3A_10 = arith.constant 0 : index
    %get3A_11 = arith.constant 0 : index
    %get3A_12 = vector.load %arg4[%get3A_9, %get3A_10, %get3A_11] : memref<1x2000x16xf32, #tpu.memory_space<vmem>>, vector<1x2000x1xf32>
    %get3A_13 = vector.shape_cast %get3A_12 : vector<1x2000x1xf32> to vector<2000x1xf32>
    %get3A_14 = arith.constant 0 : index
    %get3A_15 = arith.constant 0 : index
    %get3A_16 = arith.constant 0 : index
    %get3A_17 = vector.load %arg5[%get3A_14, %get3A_15, %get3A_16] : memref<1x2000x16xf32, #tpu.memory_space<vmem>>, vector<1x2000x1xf32>
    %get3A_18 = vector.shape_cast %get3A_17 : vector<1x2000x1xf32> to vector<2000x1xf32>
    %add3A = arith.addf %get3A_13, %get3A_18 : vector<2000x1xf32>
    %max3A = arith.constant 1.000000e+00 : f32
    %max3A_19 = vector.broadcast %max3A : f32 to vector<2000x1xf32>
    %max3A_20 = arith.maximumf %add3A, %max3A_19 : vector<2000x1xf32>
    %div3A = vector.broadcast %max3A_20 : vector<2000x1xf32> to vector<2000x128xf32>
    %div3A_21 = arith.divf %convert_element_type3A, %div3A : vector<2000x128xf32>
    %get3A_22 = arith.constant 0 : index
    %get3A_23 = arith.constant 0 : index
    %get3A_24 = vector.load %arg1[%get3A_22, %get3A_23] : memref<2000x128xf32, #tpu.memory_space<vmem>>, vector<2000x128xf32>
    %get3A_25 = arith.constant 0 : index
    %get3A_26 = arith.constant 0 : index
    %get3A_27 = vector.load %arg6[%get3A_25, %get3A_26] : memref<128x128xf32, #tpu.memory_space<vmem>>, vector<128x128xf32>
    %dot_general3A = arith.constant dense<0.000000e+00> : vector<2000x128xf32>
    %dot_general3A_28 = tpu.matmul %div3A_21, %get3A_27, %dot_general3A {dimension_numbers = #tpu.dot_dimension_numbers<[1], [0], [0], [1], [0, 0, 1, 1], [], []>, transpose_lhs_hint = false} : vector<2000x128xf32>, vector<128x128xf32>, vector<2000x128xf32> -> vector<2000x128xf32>
    %add3A_29 = arith.addf %get3A_24, %dot_general3A_28 : vector<2000x128xf32>
    %max3A_30 = arith.constant 0.000000e+00 : f32
    %max3A_31 = vector.broadcast %max3A_30 : f32 to vector<2000x128xf32>
    %max3A_32 = arith.maximumf %add3A_29, %max3A_31 : vector<2000x128xf32>
    %slice3A = vector.extract_strided_slice %max3A_32 {offsets = [0, 0], sizes = [2000, 64], strides = [1, 1]} : vector<2000x128xf32> to vector<2000x64xf32>
    %convert_element_type3A_33 = arith.truncf %slice3A : vector<2000x64xf32> to vector<2000x64xbf16>
    %swap3A = arith.constant 0 : index
    %swap3A_34 = arith.constant 0 : index
    %swap3A_35 = arith.constant 0 : index
    %swap3A_36 = vector.load %arg8[%swap3A, %swap3A_34, %swap3A_35] : memref<2x2000x64xbf16, #tpu.memory_space<vmem>>, vector<1x2000x64xbf16>
    %swap3A_37 = vector.shape_cast %swap3A_36 : vector<1x2000x64xbf16> to vector<2000x64xbf16>
    %swap3A_38 = vector.shape_cast %convert_element_type3A_33 : vector<2000x64xbf16> to vector<1x2000x64xbf16>
    tpu.vector_store %arg8[%swap3A, %swap3A_34, %swap3A_35], %swap3A_38 {strides = array<i32>} : memref<2x2000x64xbf16, #tpu.memory_space<vmem>>, vector<1x2000x64xbf16>,
    %slice3A_39 = vector.extract_strided_slice %max3A_32 {offsets = [0, 64], sizes = [2000, 64], strides = [1, 1]} : vector<2000x128xf32> to vector<2000x64xf32>
    %convert_element_type3A_40 = arith.truncf %slice3A_39 : vector<2000x64xf32> to vector<2000x64xbf16>
    %swap3A_41 = arith.constant 1 : index
    %swap3A_42 = arith.constant 0 : index
    %swap3A_43 = arith.constant 0 : index
    %swap3A_44 = vector.load %arg8[%swap3A_41, %swap3A_42, %swap3A_43] : memref<2x2000x64xbf16, #tpu.memory_space<vmem>>, vector<1x2000x64xbf16>
    %swap3A_45 = vector.shape_cast %swap3A_44 : vector<1x2000x64xbf16> to vector<2000x64xbf16>
    %swap3A_46 = vector.shape_cast %convert_element_type3A_40 : vector<2000x64xbf16> to vector<1x2000x64xbf16>
    tpu.vector_store %arg8[%swap3A_41, %swap3A_42, %swap3A_43], %swap3A_46 {strides = array<i32>} : memref<2x2000x64xbf16, #tpu.memory_space<vmem>>, vector<1x2000x64xbf16>,
    %swap3A_47 = arith.constant 0 : index
    %swap3A_48 = arith.constant 0 : index
    %swap3A_49 = vector.load %arg7[%swap3A_47, %swap3A_48] : memref<2000x128xf32, #tpu.memory_space<vmem>>, vector<2000x128xf32>
    tpu.vector_store %arg7[%swap3A_47, %swap3A_48], %max3A_32 {strides = array<i32>} : memref<2000x128xf32, #tpu.memory_space<vmem>>, vector<2000x128xf32>,
    return
  }
  func.func @transform_0(%arg0: i32) -> (i32, i32) {
    %c0_i32 = arith.constant 0 : i32
    %c0_i32_0 = arith.constant 0 : i32
    return %arg0, %c0_i32 : i32, i32
  }
  func.func @transform_1(%arg0: i32) -> (i32, i32, i32) {
    %c0_i32 = arith.constant 0 : i32
    %c0_i32_0 = arith.constant 0 : i32
    %c0_i32_1 = arith.constant 0 : i32
    return %c0_i32, %arg0, %c0_i32_0 : i32, i32, i32
  }
  func.func @transform_2(%arg0: i32) -> (i32, i32, i32) {
    %c1_i32 = arith.constant 1 : i32
    %c0_i32 = arith.constant 0 : i32
    %c0_i32_0 = arith.constant 0 : i32
    return %c1_i32, %arg0, %c0_i32 : i32, i32, i32
  }
  func.func @transform_3(%arg0: i32) -> (i32, i32, i32) {
    %c0_i32 = arith.constant 0 : i32
    %c0_i32_0 = arith.constant 0 : i32
    %c0_i32_1 = arith.constant 0 : i32
    return %c0_i32, %arg0, %c0_i32_0 : i32, i32, i32
  }
  func.func @transform_4(%arg0: i32) -> (i32, i32, i32) {
    %c1_i32 = arith.constant 1 : i32
    %c0_i32 = arith.constant 0 : i32
    %c0_i32_0 = arith.constant 0 : i32
    return %c1_i32, %arg0, %c0_i32 : i32, i32, i32
  }
  func.func @transform_5(%arg0: i32) -> (i32, i32) {
    %c0_i32 = arith.constant 0 : i32
    %c0_i32_0 = arith.constant 0 : i32
    %c0_i32_1 = arith.constant 0 : i32
    return %c0_i32, %c0_i32_0 : i32, i32
  }
  func.func @transform_6(%arg0: i32) -> (i32, i32) {
    %c0_i32 = arith.constant 0 : i32
    %c0_i32_0 = arith.constant 0 : i32
    return %arg0, %c0_i32 : i32, i32
  }
  func.func @transform_7(%arg0: i32) -> (i32, i32, i32) {
    %c0_i32 = arith.constant 0 : i32
    %c0_i32_0 = arith.constant 0 : i32
    %c0_i32_1 = arith.constant 0 : i32
    return %c0_i32, %arg0, %c0_i32_0 : i32, i32, i32
  }
}

module attributes {stable_mosaic.version = 14 : i64} {
  func.func @body(%arg0: i32, %arg1: memref<2000x128xf32, #tpu.memory_space<vmem>>, %arg2: memref<1x2000x64xbf16, #tpu.memory_space<vmem>>, %arg3: memref<1x2000x64xbf16, #tpu.memory_space<vmem>>, %arg4: memref<1x2000x16xf32, #tpu.memory_space<vmem>>, %arg5: memref<1x2000x16xf32, #tpu.memory_space<vmem>>, %arg6: memref<128x128xf32, #tpu.memory_space<vmem>>, %arg7: memref<2000x128xf32, #tpu.memory_space<vmem>>) attributes {dimension_semantics = [#tpu.dimension_semantics<arbitrary>], iteration_bounds = array<i64: 5>, scalar_prefetch = 0 : i64, scratch_operands = 0 : i64, tpu.core_type = #tpu.core_type<tc>, window_params = [{transform_indices = @transform_0, window_bounds = array<i64: 2000, 128>}, {transform_indices = @transform_1, window_bounds = array<i64: 1, 2000, 64>}, {transform_indices = @transform_2, window_bounds = array<i64: 1, 2000, 64>}, {transform_indices = @transform_3, window_bounds = array<i64: 1, 2000, 16>}, {transform_indices = @transform_4, window_bounds = array<i64: 1, 2000, 16>}, {pipeline_mode = #tpu.pipeline_mode<synchronous>, transform_indices = @transform_5, window_bounds = array<i64: 128, 128>}, {transform_indices = @transform_6, window_bounds = array<i64: 2000, 128>}]} {
    %get3A = arith.constant 0 : index
    %get3A_0 = arith.constant 0 : index
    %get3A_1 = arith.constant 0 : index
    %get3A_2 = vector.load %arg2[%get3A, %get3A_0, %get3A_1] : memref<1x2000x64xbf16, #tpu.memory_space<vmem>>, vector<1x2000x64xbf16>
    %get3A_3 = vector.shape_cast %get3A_2 : vector<1x2000x64xbf16> to vector<2000x64xbf16>
    %get3A_4 = arith.constant 0 : index
    %get3A_5 = arith.constant 0 : index
    %get3A_6 = arith.constant 0 : index
    %get3A_7 = vector.load %arg3[%get3A_4, %get3A_5, %get3A_6] : memref<1x2000x64xbf16, #tpu.memory_space<vmem>>, vector<1x2000x64xbf16>
    %get3A_8 = vector.shape_cast %get3A_7 : vector<1x2000x64xbf16> to vector<2000x64xbf16>
    %concatenate3A = tpu.concatenate %get3A_3, %get3A_8 in 1 : vector<2000x64xbf16>, vector<2000x64xbf16> -> vector<2000x128xbf16>
    %convert_element_type3A = arith.extf %concatenate3A : vector<2000x128xbf16> to vector<2000x128xf32>
    %get3A_9 = arith.constant 0 : index
    %get3A_10 = arith.constant 0 : index
    %get3A_11 = arith.constant 0 : index
    %get3A_12 = vector.load %arg4[%get3A_9, %get3A_10, %get3A_11] : memref<1x2000x16xf32, #tpu.memory_space<vmem>>, vector<1x2000x1xf32>
    %get3A_13 = vector.shape_cast %get3A_12 : vector<1x2000x1xf32> to vector<2000x1xf32>
    %get3A_14 = arith.constant 0 : index
    %get3A_15 = arith.constant 0 : index
    %get3A_16 = arith.constant 0 : index
    %get3A_17 = vector.load %arg5[%get3A_14, %get3A_15, %get3A_16] : memref<1x2000x16xf32, #tpu.memory_space<vmem>>, vector<1x2000x1xf32>
    %get3A_18 = vector.shape_cast %get3A_17 : vector<1x2000x1xf32> to vector<2000x1xf32>
    %add3A = arith.addf %get3A_13, %get3A_18 : vector<2000x1xf32>
    %max3A = arith.constant 1.000000e+00 : f32
    %max3A_19 = vector.broadcast %max3A : f32 to vector<2000x1xf32>
    %max3A_20 = arith.maximumf %add3A, %max3A_19 : vector<2000x1xf32>
    %div3A = vector.broadcast %max3A_20 : vector<2000x1xf32> to vector<2000x128xf32>
    %div3A_21 = arith.divf %convert_element_type3A, %div3A : vector<2000x128xf32>
    %get3A_22 = arith.constant 0 : index
    %get3A_23 = arith.constant 0 : index
    %get3A_24 = vector.load %arg1[%get3A_22, %get3A_23] : memref<2000x128xf32, #tpu.memory_space<vmem>>, vector<2000x128xf32>
    %get3A_25 = arith.constant 0 : index
    %get3A_26 = arith.constant 0 : index
    %get3A_27 = vector.load %arg6[%get3A_25, %get3A_26] : memref<128x128xf32, #tpu.memory_space<vmem>>, vector<128x128xf32>
    %dot_general3A = arith.constant dense<0.000000e+00> : vector<2000x128xf32>
    %dot_general3A_28 = tpu.matmul %div3A_21, %get3A_27, %dot_general3A {dimension_numbers = #tpu.dot_dimension_numbers<[1], [0], [0], [1], [0, 0, 1, 1], [], []>, transpose_lhs_hint = false} : vector<2000x128xf32>, vector<128x128xf32>, vector<2000x128xf32> -> vector<2000x128xf32>
    %add3A_29 = arith.addf %get3A_24, %dot_general3A_28 : vector<2000x128xf32>
    %swap3A = arith.constant 0 : index
    %swap3A_30 = arith.constant 0 : index
    %swap3A_31 = vector.load %arg7[%swap3A, %swap3A_30] : memref<2000x128xf32, #tpu.memory_space<vmem>>, vector<2000x128xf32>
    tpu.vector_store %arg7[%swap3A, %swap3A_30], %add3A_29 {strides = array<i32>} : memref<2000x128xf32, #tpu.memory_space<vmem>>, vector<2000x128xf32>,
    return
  }
  func.func @transform_0(%arg0: i32) -> (i32, i32) {
    %c0_i32 = arith.constant 0 : i32
    %c0_i32_0 = arith.constant 0 : i32
    return %arg0, %c0_i32 : i32, i32
  }
  func.func @transform_1(%arg0: i32) -> (i32, i32, i32) {
    %c0_i32 = arith.constant 0 : i32
    %c0_i32_0 = arith.constant 0 : i32
    %c0_i32_1 = arith.constant 0 : i32
    return %c0_i32, %arg0, %c0_i32_0 : i32, i32, i32
  }
  func.func @transform_2(%arg0: i32) -> (i32, i32, i32) {
    %c1_i32 = arith.constant 1 : i32
    %c0_i32 = arith.constant 0 : i32
    %c0_i32_0 = arith.constant 0 : i32
    return %c1_i32, %arg0, %c0_i32 : i32, i32, i32
  }
  func.func @transform_3(%arg0: i32) -> (i32, i32, i32) {
    %c0_i32 = arith.constant 0 : i32
    %c0_i32_0 = arith.constant 0 : i32
    %c0_i32_1 = arith.constant 0 : i32
    return %c0_i32, %arg0, %c0_i32_0 : i32, i32, i32
  }
  func.func @transform_4(%arg0: i32) -> (i32, i32, i32) {
    %c1_i32 = arith.constant 1 : i32
    %c0_i32 = arith.constant 0 : i32
    %c0_i32_0 = arith.constant 0 : i32
    return %c1_i32, %arg0, %c0_i32 : i32, i32, i32
  }
  func.func @transform_5(%arg0: i32) -> (i32, i32) {
    %c0_i32 = arith.constant 0 : i32
    %c0_i32_0 = arith.constant 0 : i32
    %c0_i32_1 = arith.constant 0 : i32
    return %c0_i32, %c0_i32_0 : i32, i32
  }
  func.func @transform_6(%arg0: i32) -> (i32, i32) {
    %c0_i32 = arith.constant 0 : i32
    %c0_i32_0 = arith.constant 0 : i32
    return %arg0, %c0_i32 : i32, i32
  }
}

</mosaic_0001>

<sc_bundles>
// kernel: kernel.12.cloned.1.call-start
scs
__scs_entry_jumppad:
0x0: {  	(pc) =	sbr.rel $0x88, $3  }
0x1: {  	(tag) =	ssettag $0x0;
	lr =	simm.s32 $0x1  }
0x2: {  	[smem:$0x3F99] =	sst lr;
	_ =	strace $0xD0000000  }
0x3: {  	_ = 	snop  }
0x4: {  	_ = 	snop  }
0x5: {  	_ = 	snop  }
0x6: {  	_ = 	snop  }
0x7: {  	_ = 	snop  }
__scs_overlays_trampoline_lowered:
0x8: {  	[smem:$0x3FA8] =	sst s0  }
0x9: {  	[smem:$0x3FA9] =	sst s1  }
0xa: {  	[smem:$0x3FAA] =	sst s2  }
0xb: {  	[smem:$0x3FAB] =	sst s3  }
0xc: {  	[smem:$0x3FAC] =	sst s4  }
0xd: {  	[smem:$0x3FAD] =	sst s5  }
0xe: {  	[smem:$0x3FAE] =	sst s6  }
0xf: {  	[smem:$0x3FAF] =	sst s7  }
0x10: {  	[smem:$0x3FB0] =	sst s8  }
0x11: {  	[smem:$0x3FB1] =	sst s9;
	s0 =	simm.s32 @!p0 $0x0  }
0x12: {  	s1 =	sld [smem:$0x3F97];
	s0 =	simm.s32 @p0 $0x1  }
0x13: {  	[smem:$0x3FB2] =	sst s0;
	s0 =	simm.s32 @!p1 $0x0  }
0x14: {  	s2 =	sld [smem:$0x3F96];
	s0 =	simm.s32 @p1 $0x1  }
0x15: {  	[smem:$0x3FB3] =	sst s0;
	s0 =	simm.s32 @!p2 $0x0  }
0x16: {  	s3 =	sld [smem:$0x3FDB];
	s0 =	simm.s32 @p2 $0x1  }
0x17: {  	s4 =	simm.s32 $0x1BF5;
	[smem:$0x3FB5] =	sst s0  }
0x18: {  	s0 =	sld [smem:$0x3F98];
	_ =	swait.ge [sflag:s4], $0x0  }
0x19: {  	s7 =	sld [smem:$0x3F99]  }
0x1a: {  	s8 =	sadd.s32 $0xFFFFE003, lr  }
0x1b: {  	s9 =	sadd.s32 $0xFFFFFEF7, lr;
	s5 =	simm.s32 $0xFFFFFFFF;
	p2 =	slt.u32 s8, $0xFFFFF086  }
0x1c: {  	p1 =	slt.u32 s9, $0xF7A;
	s5 =	simm.s32 @!p2 $0x0  }
0x1d: {  	s5 =	simm.s32 @p1 $0x1;
	p0 =	seq.s32 s7, s2  }
0x1e: {  	s7 =	smul.u32 @!p0 $0xF7A, s2;
	p2 =	seq.s32 @!p0 s5, $0x0  }
0x1f: {  	s9 =	smul.u32 $0xF7A, s1;
	s8 =	simm.s32 @!p0 $0x1BF5;
	p2 =	por !p2, p0  }
0x20: {  	[sflag:s8] =	ssyncset.s32 @!p0 $0xFFFFF086;
	s6 =	sadd.s32 @!p0 s3, s7;
	s7 =	simm.s32 @!p0 $0x108  }
0x21: {  	s3 =	sadd.s32 s3, s9;
	s6 =	sadd.s32 @!p0 $0x88, s6;
	s7 =	simm.s32 @p2 $0x1082  }
0x22: {  	[simem:s7], [sflag:s8] =	dma.local @!p0 [hbm:s6], $0xF7A  }
0x23: {  	s9 =	sor.u32 $0xD0000000, s2;
	s6 =	simm.s32 $0x108;
	_ =	swait.ge @!p0 [sflag:s8], $0x0  }
0x24: {  	s3 =	sadd.s32 $0x88, s3;
	s6 =	simm.s32 @!p1 $0x1082;
	[sflag:s4] =	ssyncset.s32 $0xFFFFF086  }
0x25: {  	[simem:s6], [sflag:s4] =	dma.local [hbm:s3], $0xF7A  }
0x26: {  	[smem:$0x3F99] =	sst s1;
	(tag) =	ssettag s2;
	_ =	strace s9  }
0x27: {  	s1 =	sld [smem:$0x3FA9]  }
0x28: {  	s2 =	sld [smem:$0x3FAA]  }
0x29: {  	s4 =	sld [smem:$0x3FAC]  }
0x2a: {  	p0 =	seq.s32 s5, $0x0;
	s5 =	sld [smem:$0x3FAD]  }
0x2b: {  	s6 =	sld [smem:$0x3FAE]  }
0x2c: {  	s7 =	sld [smem:$0x3FAF]  }
0x2d: {  	s3 =	simm.s32 $0x108;
	s8 =	sld [smem:$0x3FB0]  }
0x2e: {  	s3 =	simm.s32 @!p0 $0x1082;
	s9 =	sld [smem:$0x3FB1]  }
0x2f: {  	lr =	sadd.s32 s0, s3;
	s0 =	sld [smem:$0x3FA8]  }
0x30: {  	s3 =	sld [smem:$0x3FAB]  }
0x31: {  	[smem:$0x3FB4] =	sst s10  }
0x32: {  	s10 =	sld [smem:$0x3FB2];
	_ =	sdelay $0x3  }
0x33: {  	p0 =	seq.s32 s10, $0x1;
	s10 =	sld [smem:$0x3FB4];
	_ =	sdelay $0x3  }
0x34: {  	[smem:$0x3FB4] =	sst s10  }
0x35: {  	s10 =	sld [smem:$0x3FB3];
	_ =	sdelay $0x3  }
0x36: {  	p1 =	seq.s32 s10, $0x1;
	s10 =	sld [smem:$0x3FB4];
	_ =	sdelay $0x3  }
0x37: {  	[smem:$0x3FB4] =	sst s10  }
0x38: {  	s10 =	sld [smem:$0x3FB5]  }
0x39: {  	_ = 	snop;
	(pc) =	sbr.ind lr, $3  }
0x3a: {  	_ = 	snop  }
0x3b: {  	_ = 	snop  }
0x3c: {  	p2 =	seq.s32 s10, $0x1;
	s10 =	sld [smem:$0x3FB4]  }
0x3d: {  	_ =	shalt  }
0x3e: {  	_ =	shalt  }
0x3f: {  	_ =	shalt  }
0x40: {  	_ =	shalt  }
0x41: {  	_ =	shalt  }
0x42: {  	_ =	shalt  }
0x43: {  	_ =	shalt  }
0x44: {  	_ =	shalt  }
0x45: {  	_ =	shalt  }
0x46: {  	_ =	shalt  }
0x47: {  	_ =	shalt  }
0x48: {  	_ =	shalt  }
0x49: {  	_ =	shalt  }
0x4a: {  	_ =	shalt  }
0x4b: {  	_ =	shalt  }
0x4c: {  	_ =	shalt  }
0x4d: {  	_ =	shalt  }
0x4e: {  	_ =	shalt  }
0x4f: {  	_ =	shalt  }
0x50: {  	_ =	shalt  }
0x51: {  	_ =	shalt  }
0x52: {  	_ =	shalt  }
0x53: {  	_ =	shalt  }
0x54: {  	_ =	shalt  }
0x55: {  	_ =	shalt  }
0x56: {  	_ =	shalt  }
0x57: {  	_ =	shalt  }
0x58: {  	_ =	shalt  }
0x59: {  	_ =	shalt  }
0x5a: {  	_ =	shalt  }
0x5b: {  	_ =	shalt  }
0x5c: {  	_ =	shalt  }
0x5d: {  	_ =	shalt  }
0x5e: {  	_ =	shalt  }
0x5f: {  	_ =	shalt  }
0x60: {  	_ =	shalt  }
0x61: {  	_ =	shalt  }
0x62: {  	_ =	shalt  }
0x63: {  	_ =	shalt  }
0x64: {  	_ =	shalt  }
0x65: {  	_ =	shalt  }
0x66: {  	_ =	shalt  }
0x67: {  	_ =	shalt  }
0x68: {  	_ =	shalt  }
0x69: {  	_ =	shalt  }
0x6a: {  	_ =	shalt  }
0x6b: {  	_ =	shalt  }
0x6c: {  	_ =	shalt  }
0x6d: {  	_ =	shalt  }
0x6e: {  	_ =	shalt  }
0x6f: {  	_ =	shalt  }
0x70: {  	_ =	shalt  }
0x71: {  	_ =	shalt  }
0x72: {  	_ =	shalt  }
0x73: {  	_ =	shalt  }
0x74: {  	_ =	shalt  }
0x75: {  	_ =	shalt  }
0x76: {  	_ =	shalt  }
0x77: {  	_ =	shalt  }
0x78: {  	_ =	shalt  }
0x79: {  	_ =	shalt  }
0x7a: {  	_ =	shalt  }
0x7b: {  	_ =	shalt  }
0x7c: {  	_ =	shalt  }
0x7d: {  	_ =	shalt  }
0x7e: {  	_ =	shalt  }
0x7f: {  	_ =	shalt  }
0x80: {  	_ =	shalt  }
0x81: {  	_ =	shalt  }
0x82: {  	_ =	shalt  }
0x83: {  	_ =	shalt  }
0x84: {  	_ =	shalt  }
0x85: {  	_ =	shalt  }
0x86: {  	_ =	shalt  }
0x87: {  	_ =	shalt  }
.Lfunc_end0:
.L_simem_size_0:
called_computation.1_lowered:
.L_overlay_start_0:
0x88: {  	s2 =	sld [smem:$0x3FD9]  }
0x89: {  	s3 =	sld [smem:$0x3FFE];
	_ =	sdelay $0x1  }
0x8a: {  	s1 =	srdreg.scid  }
0x8b: {  	s0 =	sand.u32 $0x1, s1  }
0x8c: {  	s17 =	sshll.u32 s0, $0xA;
	s2 =	sadd.s32 s3, s2  }
0x8d: {  	s2 =	sadd.s32 s2, s17  }
0x8e: {  	[smem:$0x3FC0] =	sst s2  }
0x8f: {  	_ = 	snop  }
0x90: {  	s2 =	sld [smem:$0x3FD0];
	(tm) =	ssettm $0x1  }
0x91: {  	s18 =	sld [smem:$0x3FFB];
	_ =	sdelay $0x3  }
0x92: {  	_ =	strace s18  }
0x93: {  	s3 =	sld [smem:$0x3FFC];
	_ =	sdelay $0x3  }
0x94: {  	_ =	strace s3  }
0x95: {  	s3 =	sld [smem:$0x3FFD];
	_ =	sdelay $0x3  }
0x96: {  	_ =	strace s3  }
0x97: {  	_ =	strace $0x8FFFFFFF  }
0x98: {  	s19 =	sld [smem:$0x3FDB];
	_ =	sdelay $0x1  }
0x99: {  	s4 =	simm.s32 $_scs_section_size  }
0x9a: {  	s5 =	simm.s32 $_size__tile_overlayer_lowered;
	s6 =	simm.s32 $_tile_overlayer_lowered  }
0x9b: {  	s22 =	simm.s32 $0x1BFF;
	s21 =	sshll.u32 s6, $0x1;
	s3 =	sadd.s32 s4, s19  }
0x9c: {  	s7 =	simm.s32 $0x0;
	s20 =	sshll.u32 s5, $0x1;
	s5 =	sadd.s32 s21, s3  }
0x9d: {  	[timem:s7], [sflag:s22] =	dma.local [hbm:s5], s20  }
0x9e: {  	_ =	swait.ge [sflag:s22], s20  }
0x9f: {  	s4 =	ssub.s32 $0x0, s20;
	[sflag:s22] =	ssyncset.done $0x0  }
0xa0: {  	[sflag:s22] =	ssyncadd.s32 s4;
	_ =	sdelay $0x1  }
0xa1: {  	s23 =	simm.s32 $0x1B8B  }
0xa2: {  	_ =	swait.ge [sflag:s23], $0x1  }
0xa3: {  	[sflag:s23] =	ssyncset.done $0x0  }
0xa4: {  	s25 =	simm.s32 $0x1B8E;
	s24 =	sld [smem:$0x3FFE];
	[sflag:s23] =	ssyncadd.s32 $0xFFFFFFFF  }
0xa5: {  	s26 =	simm.s32 $execute0_lowered;
	[smem:$0x3FD2] =	sst s25  }
0xa6: {  	s5 =	sshll.u32 s26, $0x1;
	_ =	strace $0x80000049;
	[dreg:$0x1] =	wrdreg $0xFFFFFFFF  }
0xa7: {  	s28 =	simm.s32 $_size_execute0_lowered;
	s3 =	sadd.s32 s3, s5;
	[dreg:$0x0] =	wrdreg $0x0  }
0xa8: {  	s5 =	sshll.u32 s28, $0x1;
	[dreg:$0x2] =	wrdreg s3  }
0xa9: {  	[dreg:$0x3] =	wrdreg s5  }
0xaa: {  	[dreg:$0x4] =	wrdreg $0xC0  }
0xab: {  	_ =	task [dreg:s7], $0x5FFFF  }
0xac: {  	[dreg:$0x1] =	wrdreg $0xFFFFFFFF  }
0xad: {  	[dreg:$0x0] =	wrdreg $0x60  }
0xae: {  	[dreg:$0x2] =	wrdreg s24  }
0xaf: {  	[dreg:$0x3] =	wrdreg s2  }
0xb0: {  	[dreg:$0x4] =	wrdreg $0xEC500  }
0xb1: {  	[dreg:$0x5] =	wrdreg $0x13C500  }
0xb2: {  	[dreg:$0x6] =	wrdreg $0x9  }
0xb3: {  	_ =	task.clear_ibuf [dreg:s7], $0x7FFFF;
	_ =	strace $0x90000049  }
0xb4: {  	s29 =	simm.s32 $0x9;
	_ =	strace $0x8000004B  }
0xb5: {  	_ =	swait.ge [sflag:s29], $0x1  }
0xb6: {  	[sflag:s29] =	ssyncadd.s32 $0xFFFFFFFF  }
0xb7: {  	_ =	strace $0x9000004B  }
0xb8: {  	_ =	sfence  }
0xb9: {  	s30 =	sld [smem:$0x0];
	_ =	sdelay $0x2  }
0xba: {  	s31 =	sshll.u32 s1, $0xD;
	s1 =	sshrl.u32 s1, $0x2  }
0xbb: {  	s3 =	sand.u32 $0x4000, s31;
	s1 =	sadd.s32 s1, s30  }
0xbc: {  	s0 =	sor.u32 s3, s0;
	s1 =	sshll.u32 s1, $0x11  }
0xbd: {  	s0 =	sor.u32 s1, s0  }
0xbe: {  	s0 =	sadd.s32 $0x8F2B, s0  }
0xbf: {  	[sflag:s0] =	ssyncadd.remote.s32 $0x1  }
0xc0: {  	_ =	sfence.sel $0xFFFF  }
0xc1: {  	[dreg:$0x0] =	wrdreg $0xFFFFFFFF;
	(pc) =	sbr.abs _section_cstart, $3  }
0xc2: {  	[dreg:$0x1] =	wrdreg $0xFFFFFFFF  }
0xc3: {  	_ =	task.clear_ibuf [dreg:s7], $0x2FFFF;
	_ =	strace $0x9FFFFFFF  }
0xc4: {  	(tm) =	ssettm $0x7FFFFFFF  }
0xc5: {  	_ =	shalt  }
tec
execute0_lowered:
.L_overlay_start_1:
0x0: {  	(tag) =	ssettag $0x1  }
0x1: {  	s4 =	rddreg [dreg:$0x0]  }
0x2: {  	s7 =	rddreg [dreg:$0x1]  }
0x3: {  	s2 =	rddreg [dreg:$0x2]  }
0x4: {  	s3 =	rddreg [dreg:$0x3]  }
0x5: {  	s14 =	stileid.u32;
	s0 =	srdreg.scid;
	s1 =	simm.s32 $0x0  }
0x6: {  	s28 =	simm.s32 $0x5;
	s10 =	sand.u32 $0x1, s0;
	s0 =	smul.u32 $0x280, s14  }
0x7: {  	s29 =	simm.s32 $0x6;
	s30 =	simm.s32 $0x7;
	s6 =	smul.u32 $0xA00, s14  }
0x8: {  	s31 =	simm.s32 $0x8;
	[smem:$0x7FF] =	sst s1;
	s12 =	smul.u32 $0x14000, s14  }
0x9: {  	s5 =	sadd.s32 $0x5CC00, s4;
	s15 =	smul.u32 $0x2800, s10;
	_ =	strace $0x8000004A  }
0xa: {  	s8 =	sshll.u32 s10, $0x4;
	s19 =	ssub.s32 $0x2, s10;
	p0 =	seq.s32 s10, $0x1  }
0xb: {  	p1 =	seq.s32 s10, $0x0;
	p2 =	sne.s32 s10, $0x0;
	s16 =	sor.u32 s14, s8  }
0xc: {  	s17 =	sadd.s32 s6, s4;
	s13 =	sshrl.u32 s19, $0x1;
	s14 =	smul.u32 $0xA000, s14  }
0xd: {  	s21 =	sshrl.u32 s12, $0x2;
	s23 =	sor.u32 $0x20, s0;
	s25 =	sor.u32 $0x40, s0  }
0xe: {  	s12 =	sor.u32 $0x60, s0;
	s9 =	sadd.s32 s0, s15;
	s11 =	smul.u32 $0xA00, s16  }
0xf: {  	s6 =	ssub.s32 s19, s13;
	s20 =	sadd.s32 $0x2C00, s17;
	s8 =	sadd.s32 s21, s2  }
0x10: {  	s24 =	sshll.u32 s23, $0x5;
	s26 =	sshll.u32 s25, $0x5;
	s13 =	sshll.u32 s12, $0x5  }
0x11: {  	s15 =	sshll.u32 s12, $0x4;
	s12 =	sadd.s32 $0x120, s0;
	s18 =	sshll.u32 s9, $0x2  }
0x12: {  	s9 =	sshll.u32 s9, $0x1;
	[dreg:$0x6] =	wrdreg s20;
	s22 =	sshrl.u32 s14, $0x2  }
0x13: {  	s14 =	sadd.s32 $0x80, s0;
	s1 =	sadd.s32 s18, s4;
	s4 =	sadd.s32 s9, s4  }
0x14: {  	s7 =	sadd.s32 s7, s11;
	s9 =	sadd.s32 s22, s3;
	s11 =	sadd.s32 s24, s2  }
0x15: {  	s16 =	sshll.u32 s14, $0x5;
	s18 =	sadd.s32 $0xA0, s0;
	s19 =	sshll.u32 s14, $0x4  }
0x16: {  	s22 =	sadd.s32 $0xC0, s0;
	s24 =	sadd.s32 $0xE0, s0;
	[dreg:$0x5] =	wrdreg s7  }
0x17: {  	s7 =	sshll.u32 s23, $0x4;
	[dreg:$0x7] =	wrdreg s11;
	s11 =	sshll.u32 s25, $0x4  }
0x18: {  	s17 =	sadd.s32 s16, s2;
	s20 =	sshll.u32 s18, $0x5;
	s23 =	sshll.u32 s22, $0x5  }
0x19: {  	s25 =	sshll.u32 s24, $0x5;
	s7 =	sadd.s32 s7, s3;
	[dreg:$0xd] =	wrdreg s17  }
0x1a: {  	s21 =	sadd.s32 s20, s2;
	s10 =	sadd.s32 s23, s2;
	[dreg:$0x8] =	wrdreg s7  }
0x1b: {  	s17 =	sadd.s32 $0x160, s0;
	s20 =	sadd.s32 $0x180, s0;
	[dreg:$0xf] =	wrdreg s21  }
0x1c: {  	s23 =	sadd.s32 $0x1A0, s0;
	s7 =	sadd.s32 s26, s2;
	[dreg:$0x11] =	wrdreg s10  }
0x1d: {  	s26 =	sadd.s32 $0x100, s0;
	s10 =	sadd.s32 s25, s2;
	[dreg:$0x9] =	wrdreg s7  }
0x1e: {  	s21 =	sshll.u32 s20, $0x5;
	s7 =	sadd.s32 s11, s3;
	[dreg:$0x13] =	wrdreg s10  }
0x1f: {  	s25 =	sadd.s32 $0x1C0, s0;
	[dreg:$0xa] =	wrdreg s7;
	s7 =	sadd.s32 s13, s2  }
0x20: {  	s11 =	sadd.s32 s19, s3;
	[dreg:$0xb] =	wrdreg s7;
	s7 =	sadd.s32 s15, s3  }
0x21: {  	s10 =	sshll.u32 s26, $0x5;
	[dreg:$0xc] =	wrdreg s7;
	s7 =	sshll.u32 s18, $0x4  }
0x22: {  	s19 =	sshll.u32 s17, $0x4;
	[dreg:$0xe] =	wrdreg s11;
	s7 =	sadd.s32 s7, s3  }
0x23: {  	s11 =	sshll.u32 s26, $0x4;
	[dreg:$0x10] =	wrdreg s7;
	s7 =	sshll.u32 s22, $0x4  }
0x24: {  	s13 =	sshll.u32 s12, $0x5;
	s26 =	sshll.u32 s25, $0x5;
	s7 =	sadd.s32 s7, s3  }
0x25: {  	s15 =	sadd.s32 $0x140, s0;
	[dreg:$0x12] =	wrdreg s7;
	s7 =	sshll.u32 s24, $0x4  }
0x26: {  	s16 =	sshll.u32 s15, $0x5;
	s18 =	sshll.u32 s17, $0x5;
	s7 =	sadd.s32 s7, s3  }
0x27: {  	s24 =	sshll.u32 s23, $0x5;
	[dreg:$0x14] =	wrdreg s7;
	s7 =	sadd.s32 s10, s2  }
0x28: {  	s10 =	sshll.u32 s12, $0x4;
	[dreg:$0x15] =	wrdreg s7;
	s7 =	sadd.s32 s11, s3  }
0x29: {  	s14 =	sadd.s32 s10, s3;
	s10 =	sadd.s32 s16, s2;
	[dreg:$0x16] =	wrdreg s7  }
0x2a: {  	s11 =	sadd.s32 $0x1E0, s0;
	s16 =	sadd.s32 $0x220, s0;
	[dreg:$0x18] =	wrdreg s14  }
0x2b: {  	s7 =	sadd.s32 s13, s2;
	[dreg:$0x19] =	wrdreg s10;
	s10 =	sshll.u32 s20, $0x4  }
0x2c: {  	s12 =	sshll.u32 s11, $0x5;
	s14 =	sadd.s32 $0x200, s0;
	s17 =	sshll.u32 s16, $0x5  }
0x2d: {  	[dreg:$0x17] =	wrdreg s7;
	s7 =	sshll.u32 s15, $0x4;
	s22 =	sadd.s32 s10, s3  }
0x2e: {  	s10 =	sadd.s32 s24, s2;
	s15 =	sshll.u32 s14, $0x5;
	[dreg:$0x1e] =	wrdreg s22  }
0x2f: {  	s24 =	sadd.s32 $0x7A600, s1;
	s1 =	simm.s32 $0x2;
	[dreg:$0x1f] =	wrdreg s10  }
0x30: {  	s7 =	sadd.s32 s7, s3;
	s10 =	sshll.u32 s25, $0x4;
	[smem:$0x7FB] =	sst s24  }
0x31: {  	s25 =	sadd.s32 $0x70600, s4;
	s4 =	simm.s32 $0x7D;
	[dreg:$0x1a] =	wrdreg s7  }
0x32: {  	s7 =	sadd.s32 s18, s2;
	s18 =	sshll.u32 s16, $0x4;
	[smem:$0x7FC] =	sst s25  }
0x33: {  	s25 =	simm.s32 $0xE650;
	[dreg:$0x1b] =	wrdreg s7;
	s7 =	sadd.s32 s19, s3  }
0x34: {  	s19 =	sadd.s32 $0x240, s0;
	s0 =	sadd.s32 $0x260, s0;
	[dreg:$0x1c] =	wrdreg s7  }
0x35: {  	s7 =	sadd.s32 s21, s2;
	s22 =	sshll.u32 s0, $0x5;
	s0 =	sshll.u32 s0, $0x4  }
0x36: {  	[dreg:$0x1d] =	wrdreg s7;
	s7 =	sshll.u32 s23, $0x4;
	s23 =	sadd.s32 s22, s2  }
0x37: {  	s16 =	simm.s32 $0x4;
	s0 =	sadd.s32 s0, s3;
	[smem:$0x7F9] =	sst s23  }
0x38: {  	s20 =	sshll.u32 s19, $0x5;
	s7 =	sadd.s32 s7, s3;
	[smem:$0x7FA] =	sst s0  }
0x39: {  	s21 =	sshll.u32 s19, $0x4;
	s0 =	simm.s32 $0x1;
	[smem:$0x7EE] =	sst s7  }
0x3a: {  	s7 =	sadd.s32 s26, s2;
	s26 =	smax.u32 s6, $0x1;
	s6 =	simm.s32 $0xA000  }
0x3b: {  	[smem:$0x7EF] =	sst s7;
	s7 =	sadd.s32 s10, s3;
	s10 =	sshll.u32 s11, $0x4  }
0x3c: {  	[smem:$0x7FD] =	sst s26;
	s26 =	simm.s32 $0xEA50;
	s11 =	simm.s32 $0x9  }
0x3d: {  	[smem:$0x7F0] =	sst s7;
	s7 =	sadd.s32 s12, s2;
	s13 =	sadd.s32 s10, s3  }
0x3e: {  	s10 =	sadd.s32 s15, s2;
	s12 =	simm.s32 $0xDE80;
	[smem:$0x7F1] =	sst s7  }
0x3f: {  	s15 =	simm.s32 $0xB;
	[smem:$0x7F2] =	sst s13;
	s7 =	sshll.u32 s14, $0x4  }
0x40: {  	[smem:$0x7F3] =	sst s10;
	s10 =	simm.s32 $0xBF40;
	s7 =	sadd.s32 s7, s3  }
.Ltmp0:
0x41: {  	[smem:$0x7F4] =	sst s7;
	s7 =	sadd.s32 s17, s2;
	(pc) =	sbr.rel .LBB2_1-.Ltmp0, $4  }
0x42: {  	s13 =	simm.s32 $0xCEE0;
	[smem:$0x7F5] =	sst s7;
	s7 =	sadd.s32 s18, s3  }
0x43: {  	s14 =	simm.s32 $0x3;
	[smem:$0x7F6] =	sst s7;
	s7 =	sadd.s32 s20, s2  }
0x44: {  	s17 =	simm.s32 $0xD;
	[smem:$0x7F7] =	sst s7;
	s7 =	sadd.s32 s21, s3  }
0x45: {  	v0 =	vimm.bf16 $0.0e+00;
	v1 =	vimm.f32 $0.0e+00;
	v2 =	vimm.f32 $1.000000000e+00;
	s18 =	simm.s32 $0x0;
	[smem:$0x7F8] =	sst s7;
	s7 =	simm.s32 $0xAFA0  }
.LBB2_16:
0x46: {  	_ =	swait.ge [sflag:s28], $0xFA0  }
0x47: {  	[sflag:s28] =	ssyncset.done $0x0  }
0x48: {  	s19 =	simm.s32 @p2 $0x6;
	[sflag:s28] =	ssyncadd.s32 $0xFFFFF060  }
0x49: {  	_ =	swait.ge @p2 [sflag:s19], $0xFA0  }
0x4a: {  	[sflag:s19] =	ssyncset.done @p2 $0x0  }
0x4b: {  	[sflag:s19] =	ssyncadd.s32 @p2 $0xFFFFF060;
	s19 =	simm.s32 @p2 $0xA  }
0x4c: {  	_ =	swait.ge @p2 [sflag:s19], $0x7D0  }
0x4d: {  	[sflag:s19] =	ssyncset.done @p2 $0x0  }
0x4e: {  	[sflag:s19] =	ssyncadd.s32 @p2 $0xFFFFF830;
	s19 =	simm.s32 @p2 $0x7  }
0x4f: {  	_ =	swait.ge @p2 [sflag:s19], $0xFA0  }
0x50: {  	[sflag:s19] =	ssyncset.done @p2 $0x0  }
0x51: {  	[sflag:s19] =	ssyncadd.s32 @p2 $0xFFFFF060;
	s19 =	simm.s32 @p2 $0x8  }
0x52: {  	_ =	swait.ge @p2 [sflag:s19], $0xFA0  }
0x53: {  	[sflag:s19] =	ssyncset.done @p2 $0x0  }
0x54: {  	[sflag:s19] =	ssyncadd.s32 @p2 $0xFFFFF060;
	s19 =	simm.s32 @p2 $0xC  }
0x55: {  	_ =	swait.ge @p2 [sflag:s19], $0x7D0  }
0x56: {  	[sflag:s19] =	ssyncset.done @p2 $0x0  }
0x57: {  	[sflag:s19] =	ssyncadd.s32 @p2 $0xFFFFF830;
	s19 =	simm.s32 @!p2 $0x9  }
0x58: {  	_ =	swait.ge @!p2 [sflag:s19], $0x7D0  }
0x59: {  	[sflag:s19] =	ssyncset.done @!p2 $0x0  }
0x5a: {  	[sflag:s19] =	ssyncadd.s32 @!p2 $0xFFFFF830;
	s19 =	simm.s32 @!p2 $0x6  }
0x5b: {  	_ =	swait.ge @!p2 [sflag:s19], $0xFA0  }
0x5c: {  	[sflag:s19] =	ssyncset.done @!p2 $0x0  }
0x5d: {  	[sflag:s19] =	ssyncadd.s32 @!p2 $0xFFFFF060;
	s19 =	simm.s32 @!p2 $0x7  }
0x5e: {  	_ =	swait.ge @!p2 [sflag:s19], $0xFA0  }
0x5f: {  	[sflag:s19] =	ssyncset.done @!p2 $0x0  }
0x60: {  	[sflag:s19] =	ssyncadd.s32 @!p2 $0xFFFFF060;
	s19 =	simm.s32 @!p2 $0xB  }
0x61: {  	_ =	swait.ge @!p2 [sflag:s19], $0x7D0  }
0x62: {  	[sflag:s19] =	ssyncset.done @!p2 $0x0  }
0x63: {  	[sflag:s19] =	ssyncadd.s32 @!p2 $0xFFFFF830;
	s19 =	simm.s32 @!p2 $0x8  }
0x64: {  	_ =	swait.ge @!p2 [sflag:s19], $0xFA0  }
0x65: {  	[sflag:s19] =	ssyncset.done @!p2 $0x0  }
0x66: {  	[sflag:s19] =	ssyncadd.s32 @!p2 $0xFFFFF060  }
0x67: {  	s21 =	stileid.u32;
	[bflag:$0x0] =	sbarrier.arrive $0xFFFF  }
0x68: {  	s19 =	sshll.u32 s21, $0x6;
	s21 =	sld [smem:$0x7FB];
	_ =	sdelay $0x1  }
0x69: {  	s20 =	sshrl.u32 s8, $0x3;
	s19 =	sor.u32 $0x1C0D, s19  }
0x6a: {  	[hbm:s21], [sflag:s19] =	dma.local [spmem:s20], $0xA00  }
0x6b: {  	_ =	swait.ge [sflag:s17], $0xA00  }
0x6c: {  	s23 =	sld [smem:$0x7FC]  }
0x6d: {  	[sflag:s17] =	ssyncset.done $0x0  }
0x6e: {  	s22 =	sshrl.u32 s9, $0x3;
	[sflag:s17] =	ssyncadd.s32 $0xFFFFF600  }
0x6f: {  	[hbm:s23], [sflag:s19] =	dma.local [spmem:s22], $0x500  }
0x70: {  	_ =	swait.ge [sflag:s17], $0x500  }
0x71: {  	s24 =	sld [smem:$0x7FD];
	_ =	sdelay $0x1  }
0x72: {  	s18 =	sadd.s32 $0x1, s18  }
0x73: {  	p3 =	sne.s32 s18, s24  }
.Ltmp1:
0x74: {  	_ = 	snop;
	(pc) =	sbr.rel @!p3 .LBB2_17-.Ltmp1, $3  }
0x75: {  	_ =	sdelay $0x1  }
0x76: {  	[sflag:s17] =	ssyncset.done $0x0  }
0x77: {  	[sflag:s17] =	ssyncadd.s32 $0xFFFFFB00  }
.LBB2_1:
0x78: {  	s19 =	simm.s32 $0x0;
	s20 =	rddreg [dreg:$0x5]  }
0x79: {  	[tilespmem:s19], [sflag:$0x1] =	stream.linear.gather [hbm4b:s20+s19], $0x5000, $0x38;
	[tilespmem:$0x16450] =	vst v63  }
0x7a: {  	s24 =	rddreg [dreg:$0x6];
	s21 =	simm.s32 $0x5000  }
0x7b: {  	[tilespmem:s21], [sflag:$0x2] =	stream.linear.gather [hbm4b:s24+s19], $0x5000, $0x38;
	[tilespmem:$0x16450] =	vst v63  }
0x7c: {  	s20 =	simm.s32 $0x0;
	s19 =	simm.s32 $0xE660  }
.LBB2_2:
0x7d: {  	p3 =	sne.s32 s20, $0x7C0  }
.Ltmp2:
0x7e: {  	_ = 	snop;
	(pc) =	sbr.rel @p3 .LBB2_2-.Ltmp2, $4  }
0x7f: {  	_ = 	snop  }
0x80: {  	[tilespmem:s19+$0xFFFFFFF0] =	vst v0  }
0x81: {  	[tilespmem:s19+$0x0] =	vst v0;
	s21 =	sshra.s32 s20, $0x2  }
0x82: {  	s19 =	sadd.s32 $0x20, s19;
	s20 =	sadd.s32 $0x40, s20;
	[tilespmem:s21+$0xEA50] =	vst v1  }
0x83: {  	s19 =	simm.s32 $0x40;
	s20 =	simm.s32 $0x0  }
.LBB2_4:
0x84: {  	p3 =	sne.s32 s19, $0x1F00;
	[tilespmem:s20+$0xDE80] =	vst v2;
	s20 =	smov.u32 s19;
	s19 =	sadd.s32 $0x40, s19  }
.Ltmp3:
0x85: {  	(pc) =	sbr.rel @p3 .LBB2_4-.Ltmp3, $2  }
0x86: {  	_ =	sdelay $0x2  }
0x87: {  	s20 =	sshra.s32 s20, $0x2  }
0x88: {  	[tilespmem:s20+$0xDE80] =	vst v2  }
0x89: {  	[spmem:s8] =	stream.linear.scatter [tilespmem:s25], [sflag:$0x5], $0x400, $0x38;
	[tilespmem:$0x16450] =	vst v63  }
0x8a: {  	s19 =	rddreg [dreg:$0x7]  }
0x8b: {  	[spmem:s9] =	stream.linear.scatter [tilespmem:s26], [sflag:$0x5], $0x200, $0x38;
	[tilespmem:$0x16450] =	vst v63  }
0x8c: {  	s21 =	rddreg [dreg:$0x8]  }
0x8d: {  	[spmem:s19] =	stream.linear.scatter [tilespmem:s25], [sflag:$0x6], $0x400, $0x38;
	[tilespmem:$0x16450] =	vst v63  }
0x8e: {  	s22 =	rddreg [dreg:$0x9]  }
0x8f: {  	[spmem:s21] =	stream.linear.scatter [tilespmem:s26], [sflag:$0x6], $0x200, $0x38;
	[tilespmem:$0x16450] =	vst v63  }
0x90: {  	s23 =	rddreg [dreg:$0xa]  }
0x91: {  	[spmem:s22] =	stream.linear.scatter [tilespmem:s25], [sflag:$0x7], $0x400, $0x38;
	[tilespmem:$0x16450] =	vst v63  }
0x92: {  	s24 =	rddreg [dreg:$0xb]  }
0x93: {  	[spmem:s23] =	stream.linear.scatter [tilespmem:s26], [sflag:$0x7], $0x200, $0x38;
	[tilespmem:$0x16450] =	vst v63  }
0x94: {  	s20 =	rddreg [dreg:$0xc]  }
0x95: {  	[spmem:s24] =	stream.linear.scatter [tilespmem:s25], [sflag:$0x8], $0x400, $0x38;
	[tilespmem:$0x16450] =	vst v63  }
0x96: {  	s21 =	rddreg [dreg:$0xd]  }
0x97: {  	[spmem:s20] =	stream.linear.scatter [tilespmem:s26], [sflag:$0x8], $0x200, $0x38;
	[tilespmem:$0x16450] =	vst v63  }
0x98: {  	s22 =	rddreg [dreg:$0xe]  }
0x99: {  	[spmem:s21] =	stream.linear.scatter [tilespmem:s25], [sflag:$0x5], $0x400, $0x38;
	[tilespmem:$0x16450] =	vst v63  }
0x9a: {  	s23 =	rddreg [dreg:$0xf]  }
0x9b: {  	[spmem:s22] =	stream.linear.scatter [tilespmem:s26], [sflag:$0x5], $0x200, $0x38;
	[tilespmem:$0x16450] =	vst v63  }
0x9c: {  	s24 =	rddreg [dreg:$0x10]  }
0x9d: {  	[spmem:s23] =	stream.linear.scatter [tilespmem:s25], [sflag:$0x6], $0x400, $0x38;
	[tilespmem:$0x16450] =	vst v63  }
0x9e: {  	s20 =	rddreg [dreg:$0x11]  }
0x9f: {  	[spmem:s24] =	stream.linear.scatter [tilespmem:s26], [sflag:$0x6], $0x200, $0x38;
	[tilespmem:$0x16450] =	vst v63  }
0xa0: {  	s21 =	rddreg [dreg:$0x12]  }
0xa1: {  	[spmem:s20] =	stream.linear.scatter [tilespmem:s25], [sflag:$0x7], $0x400, $0x38;
	[tilespmem:$0x16450] =	vst v63  }
0xa2: {  	s22 =	rddreg [dreg:$0x13]  }
0xa3: {  	[spmem:s21] =	stream.linear.scatter [tilespmem:s26], [sflag:$0x7], $0x200, $0x38;
	[tilespmem:$0x16450] =	vst v63  }
0xa4: {  	s23 =	rddreg [dreg:$0x14]  }
0xa5: {  	[spmem:s22] =	stream.linear.scatter [tilespmem:s25], [sflag:$0x8], $0x400, $0x38;
	[tilespmem:$0x16450] =	vst v63  }
0xa6: {  	s24 =	rddreg [dreg:$0x15]  }
0xa7: {  	[spmem:s23] =	stream.linear.scatter [tilespmem:s26], [sflag:$0x8], $0x200, $0x38;
	[tilespmem:$0x16450] =	vst v63  }
0xa8: {  	s20 =	rddreg [dreg:$0x16]  }
0xa9: {  	[spmem:s24] =	stream.linear.scatter [tilespmem:s25], [sflag:$0x5], $0x400, $0x38;
	[tilespmem:$0x16450] =	vst v63  }
0xaa: {  	s21 =	rddreg [dreg:$0x17]  }
0xab: {  	[spmem:s20] =	stream.linear.scatter [tilespmem:s26], [sflag:$0x5], $0x200, $0x38;
	[tilespmem:$0x16450] =	vst v63  }
0xac: {  	s22 =	rddreg [dreg:$0x18]  }
0xad: {  	[spmem:s21] =	stream.linear.scatter [tilespmem:s25], [sflag:$0x6], $0x400, $0x38;
	[tilespmem:$0x16450] =	vst v63  }
0xae: {  	s23 =	rddreg [dreg:$0x19]  }
0xaf: {  	[spmem:s22] =	stream.linear.scatter [tilespmem:s26], [sflag:$0x6], $0x200, $0x38;
	[tilespmem:$0x16450] =	vst v63  }
0xb0: {  	s24 =	rddreg [dreg:$0x1a]  }
0xb1: {  	[spmem:s23] =	stream.linear.scatter [tilespmem:s25], [sflag:$0x7], $0x400, $0x38;
	[tilespmem:$0x16450] =	vst v63  }
0xb2: {  	s20 =	rddreg [dreg:$0x1b]  }
0xb3: {  	[spmem:s24] =	stream.linear.scatter [tilespmem:s26], [sflag:$0x7], $0x200, $0x38;
	[tilespmem:$0x16450] =	vst v63  }
0xb4: {  	s21 =	rddreg [dreg:$0x1c]  }
0xb5: {  	[spmem:s20] =	stream.linear.scatter [tilespmem:s25], [sflag:$0x8], $0x400, $0x38;
	[tilespmem:$0x16450] =	vst v63  }
0xb6: {  	s22 =	rddreg [dreg:$0x1d]  }
0xb7: {  	[spmem:s21] =	stream.linear.scatter [tilespmem:s26], [sflag:$0x8], $0x200, $0x38;
	[tilespmem:$0x16450] =	vst v63  }
0xb8: {  	s23 =	rddreg [dreg:$0x1e]  }
0xb9: {  	[spmem:s22] =	stream.linear.scatter [tilespmem:s25], [sflag:$0x5], $0x400, $0x38;
	[tilespmem:$0x16450] =	vst v63  }
0xba: {  	s24 =	rddreg [dreg:$0x1f]  }
0xbb: {  	[spmem:s23] =	stream.linear.scatter [tilespmem:s26], [sflag:$0x5], $0x200, $0x38;
	[tilespmem:$0x16450] =	vst v63  }
0xbc: {  	s20 =	sld [smem:$0x7EE]  }
0xbd: {  	[spmem:s24] =	stream.linear.scatter [tilespmem:s25], [sflag:$0x6], $0x400, $0x38;
	[tilespmem:$0x16450] =	vst v63  }
0xbe: {  	s21 =	sld [smem:$0x7EF]  }
0xbf: {  	[spmem:s20] =	stream.linear.scatter [tilespmem:s26], [sflag:$0x6], $0x200, $0x38;
	[tilespmem:$0x16450] =	vst v63  }
0xc0: {  	s22 =	sld [smem:$0x7F0]  }
0xc1: {  	[spmem:s21] =	stream.linear.scatter [tilespmem:s25], [sflag:$0x7], $0x400, $0x38;
	[tilespmem:$0x16450] =	vst v63  }
0xc2: {  	s23 =	sld [smem:$0x7F1]  }
0xc3: {  	[spmem:s22] =	stream.linear.scatter [tilespmem:s26], [sflag:$0x7], $0x200, $0x38;
	[tilespmem:$0x16450] =	vst v63  }
0xc4: {  	s24 =	sld [smem:$0x7F2]  }
0xc5: {  	[spmem:s23] =	stream.linear.scatter [tilespmem:s25], [sflag:$0x8], $0x400, $0x38;
	[tilespmem:$0x16450] =	vst v63  }
0xc6: {  	s20 =	sld [smem:$0x7F3]  }
0xc7: {  	[spmem:s24] =	stream.linear.scatter [tilespmem:s26], [sflag:$0x8], $0x200, $0x38;
	[tilespmem:$0x16450] =	vst v63  }
0xc8: {  	s21 =	sld [smem:$0x7F4]  }
0xc9: {  	[spmem:s20] =	stream.linear.scatter [tilespmem:s25], [sflag:$0x5], $0x400, $0x38;
	[tilespmem:$0x16450] =	vst v63  }
0xca: {  	s22 =	sld [smem:$0x7F5]  }
0xcb: {  	[spmem:s21] =	stream.linear.scatter [tilespmem:s26], [sflag:$0x5], $0x200, $0x38;
	[tilespmem:$0x16450] =	vst v63  }
0xcc: {  	s23 =	sld [smem:$0x7F6]  }
0xcd: {  	[spmem:s22] =	stream.linear.scatter [tilespmem:s25], [sflag:$0x6], $0x400, $0x38;
	[tilespmem:$0x16450] =	vst v63  }
0xce: {  	s24 =	sld [smem:$0x7F7]  }
0xcf: {  	[spmem:s23] =	stream.linear.scatter [tilespmem:s26], [sflag:$0x6], $0x200, $0x38;
	[tilespmem:$0x16450] =	vst v63  }
0xd0: {  	s20 =	sld [smem:$0x7F8]  }
0xd1: {  	[spmem:s24] =	stream.linear.scatter [tilespmem:s25], [sflag:$0x7], $0x400, $0x38;
	[tilespmem:$0x16450] =	vst v63  }
0xd2: {  	s21 =	sld [smem:$0x7F9]  }
0xd3: {  	[spmem:s20] =	stream.linear.scatter [tilespmem:s26], [sflag:$0x7], $0x200, $0x38;
	[tilespmem:$0x16450] =	vst v63  }
0xd4: {  	s22 =	sld [smem:$0x7FA]  }
0xd5: {  	[spmem:s21] =	stream.linear.scatter [tilespmem:s25], [sflag:$0x8], $0x400, $0x38;
	[tilespmem:$0x16450] =	vst v63  }
0xd6: {  	_ = 	snop  }
0xd7: {  	[spmem:s22] =	stream.linear.scatter [tilespmem:s26], [sflag:$0x8], $0x200, $0x38;
	[tilespmem:$0x16450] =	vst v63  }
0xd8: {  	_ =	swait.ge [sflag:s28], $0x400  }
0xd9: {  	[sflag:s28] =	ssyncset.done $0x0  }
0xda: {  	[sflag:s28] =	ssyncadd.s32 $0xFFFFFC00  }
0xdb: {  	_ =	swait.ge [sflag:s28], $0x200  }
0xdc: {  	[sflag:s28] =	ssyncset.done $0x0  }
0xdd: {  	[sflag:s28] =	ssyncadd.s32 $0xFFFFFE00  }
0xde: {  	_ =	swait.ge [sflag:s29], $0x400  }
0xdf: {  	[sflag:s29] =	ssyncset.done $0x0  }
0xe0: {  	[sflag:s29] =	ssyncadd.s32 $0xFFFFFC00  }
0xe1: {  	_ =	swait.ge [sflag:s29], $0x200  }
0xe2: {  	[sflag:s29] =	ssyncset.done $0x0  }
0xe3: {  	[sflag:s29] =	ssyncadd.s32 $0xFFFFFE00  }
0xe4: {  	_ =	swait.ge [sflag:s30], $0x400  }
0xe5: {  	[sflag:s30] =	ssyncset.done $0x0  }
0xe6: {  	[sflag:s30] =	ssyncadd.s32 $0xFFFFFC00  }
0xe7: {  	_ =	swait.ge [sflag:s30], $0x200  }
0xe8: {  	[sflag:s30] =	ssyncset.done $0x0  }
0xe9: {  	[sflag:s30] =	ssyncadd.s32 $0xFFFFFE00  }
0xea: {  	_ =	swait.ge [sflag:s31], $0x400  }
0xeb: {  	[sflag:s31] =	ssyncset.done $0x0  }
0xec: {  	[sflag:s31] =	ssyncadd.s32 $0xFFFFFC00  }
0xed: {  	_ =	swait.ge [sflag:s31], $0x200  }
0xee: {  	[sflag:s31] =	ssyncset.done $0x0  }
0xef: {  	[sflag:s31] =	ssyncadd.s32 $0xFFFFFE00  }
0xf0: {  	_ =	swait.ge [sflag:s28], $0x400  }
0xf1: {  	[sflag:s28] =	ssyncset.done $0x0  }
0xf2: {  	[sflag:s28] =	ssyncadd.s32 $0xFFFFFC00  }
0xf3: {  	_ =	swait.ge [sflag:s28], $0x200  }
0xf4: {  	[sflag:s28] =	ssyncset.done $0x0  }
0xf5: {  	[sflag:s28] =	ssyncadd.s32 $0xFFFFFE00  }
0xf6: {  	_ =	swait.ge [sflag:s29], $0x400  }
0xf7: {  	[sflag:s29] =	ssyncset.done $0x0  }
0xf8: {  	[sflag:s29] =	ssyncadd.s32 $0xFFFFFC00  }
0xf9: {  	_ =	swait.ge [sflag:s29], $0x200  }
0xfa: {  	[sflag:s29] =	ssyncset.done $0x0  }
0xfb: {  	[sflag:s29] =	ssyncadd.s32 $0xFFFFFE00  }
0xfc: {  	_ =	swait.ge [sflag:s30], $0x400  }
0xfd: {  	[sflag:s30] =	ssyncset.done $0x0  }
0xfe: {  	[sflag:s30] =	ssyncadd.s32 $0xFFFFFC00  }
0xff: {  	_ =	swait.ge [sflag:s30], $0x200  }
0x100: {  	[sflag:s30] =	ssyncset.done $0x0  }
0x101: {  	[sflag:s30] =	ssyncadd.s32 $0xFFFFFE00  }
0x102: {  	_ =	swait.ge [sflag:s31], $0x400  }
0x103: {  	[sflag:s31] =	ssyncset.done $0x0  }
0x104: {  	[sflag:s31] =	ssyncadd.s32 $0xFFFFFC00  }
0x105: {  	_ =	swait.ge [sflag:s31], $0x200  }
0x106: {  	[sflag:s31] =	ssyncset.done $0x0  }
0x107: {  	[sflag:s31] =	ssyncadd.s32 $0xFFFFFE00  }
0x108: {  	_ =	swait.ge [sflag:s28], $0x400  }
0x109: {  	[sflag:s28] =	ssyncset.done $0x0  }
0x10a: {  	[sflag:s28] =	ssyncadd.s32 $0xFFFFFC00  }
0x10b: {  	_ =	swait.ge [sflag:s28], $0x200  }
0x10c: {  	[sflag:s28] =	ssyncset.done $0x0  }
0x10d: {  	[sflag:s28] =	ssyncadd.s32 $0xFFFFFE00  }
0x10e: {  	_ =	swait.ge [sflag:s29], $0x400  }
0x10f: {  	[sflag:s29] =	ssyncset.done $0x0  }
0x110: {  	[sflag:s29] =	ssyncadd.s32 $0xFFFFFC00  }
0x111: {  	_ =	swait.ge [sflag:s29], $0x200  }
0x112: {  	[sflag:s29] =	ssyncset.done $0x0  }
0x113: {  	[sflag:s29] =	ssyncadd.s32 $0xFFFFFE00  }
0x114: {  	_ =	swait.ge [sflag:s30], $0x400  }
0x115: {  	[sflag:s30] =	ssyncset.done $0x0  }
0x116: {  	[sflag:s30] =	ssyncadd.s32 $0xFFFFFC00  }
0x117: {  	_ =	swait.ge [sflag:s30], $0x200  }
0x118: {  	[sflag:s30] =	ssyncset.done $0x0  }
0x119: {  	[sflag:s30] =	ssyncadd.s32 $0xFFFFFE00  }
0x11a: {  	_ =	swait.ge [sflag:s31], $0x400  }
0x11b: {  	[sflag:s31] =	ssyncset.done $0x0  }
0x11c: {  	[sflag:s31] =	ssyncadd.s32 $0xFFFFFC00  }
0x11d: {  	_ =	swait.ge [sflag:s31], $0x200  }
0x11e: {  	[sflag:s31] =	ssyncset.done $0x0  }
0x11f: {  	[sflag:s31] =	ssyncadd.s32 $0xFFFFFE00  }
0x120: {  	_ =	swait.ge [sflag:s28], $0x400  }
0x121: {  	[sflag:s28] =	ssyncset.done $0x0  }
0x122: {  	[sflag:s28] =	ssyncadd.s32 $0xFFFFFC00  }
0x123: {  	_ =	swait.ge [sflag:s28], $0x200  }
0x124: {  	[sflag:s28] =	ssyncset.done $0x0  }
0x125: {  	[sflag:s28] =	ssyncadd.s32 $0xFFFFFE00  }
0x126: {  	_ =	swait.ge [sflag:s29], $0x400  }
0x127: {  	[sflag:s29] =	ssyncset.done $0x0  }
0x128: {  	[sflag:s29] =	ssyncadd.s32 $0xFFFFFC00  }
0x129: {  	_ =	swait.ge [sflag:s29], $0x200  }
0x12a: {  	[sflag:s29] =	ssyncset.done $0x0  }
0x12b: {  	[sflag:s29] =	ssyncadd.s32 $0xFFFFFE00  }
0x12c: {  	_ =	swait.ge [sflag:s30], $0x400  }
0x12d: {  	[sflag:s30] =	ssyncset.done $0x0  }
0x12e: {  	[sflag:s30] =	ssyncadd.s32 $0xFFFFFC00  }
0x12f: {  	_ =	swait.ge [sflag:s30], $0x200  }
0x130: {  	[sflag:s30] =	ssyncset.done $0x0  }
0x131: {  	[sflag:s30] =	ssyncadd.s32 $0xFFFFFE00  }
0x132: {  	_ =	swait.ge [sflag:s31], $0x400  }
0x133: {  	[sflag:s31] =	ssyncset.done $0x0  }
0x134: {  	[sflag:s31] =	ssyncadd.s32 $0xFFFFFC00  }
0x135: {  	_ =	swait.ge [sflag:s31], $0x200  }
0x136: {  	[sflag:s31] =	ssyncset.done $0x0  }
0x137: {  	[sflag:s31] =	ssyncadd.s32 $0xFFFFFE00  }
0x138: {  	_ =	swait.ge [sflag:s28], $0x400  }
0x139: {  	[sflag:s28] =	ssyncset.done $0x0  }
0x13a: {  	[sflag:s28] =	ssyncadd.s32 $0xFFFFFC00  }
0x13b: {  	_ =	swait.ge [sflag:s28], $0x200  }
0x13c: {  	[sflag:s28] =	ssyncset.done $0x0  }
0x13d: {  	[sflag:s28] =	ssyncadd.s32 $0xFFFFFE00  }
0x13e: {  	_ =	swait.ge [sflag:s29], $0x400  }
0x13f: {  	[sflag:s29] =	ssyncset.done $0x0  }
0x140: {  	[sflag:s29] =	ssyncadd.s32 $0xFFFFFC00  }
0x141: {  	_ =	swait.ge [sflag:s29], $0x200  }
0x142: {  	[sflag:s29] =	ssyncset.done $0x0  }
0x143: {  	[sflag:s29] =	ssyncadd.s32 $0xFFFFFE00  }
0x144: {  	_ =	swait.ge [sflag:s30], $0x400  }
0x145: {  	[sflag:s30] =	ssyncset.done $0x0  }
0x146: {  	[sflag:s30] =	ssyncadd.s32 $0xFFFFFC00  }
0x147: {  	_ =	swait.ge [sflag:s30], $0x200  }
0x148: {  	[sflag:s30] =	ssyncset.done $0x0  }
0x149: {  	[sflag:s30] =	ssyncadd.s32 $0xFFFFFE00  }
0x14a: {  	_ =	swait.ge [sflag:s31], $0x400  }
0x14b: {  	[sflag:s31] =	ssyncset.done $0x0  }
0x14c: {  	[sflag:s31] =	ssyncadd.s32 $0xFFFFFC00  }
0x14d: {  	_ =	swait.ge [sflag:s31], $0x200  }
0x14e: {  	[sflag:s31] =	ssyncset.done $0x0  }
0x14f: {  	[sflag:s31] =	ssyncadd.s32 $0xFFFFFE00  }
0x150: {  	_ =	swait.ge [sflag:s0], $0x5000  }
0x151: {  	[sflag:s0] =	ssyncset.done $0x0  }
0x152: {  	[sflag:s0] =	ssyncadd.s32 $0xFFFFB000  }
0x153: {  	_ =	swait.ge [sflag:s1], $0x5000  }
0x154: {  	[sflag:s1] =	ssyncset.done $0x0  }
0x155: {  	[sflag:s1] =	ssyncadd.s32 $0xFFFFB000  }
0x156: {  	s19 =	simm.s32 $0x0;
	[bflag:$0x0] =	sbarrier.arrive $0xFFFF  }
0x157: {  	[tilespmem:s6], [sflag:$0x1] =	stream.indirect.gather [hbm4b:s5+s4], $0x20, s19, s4, $0xb8;
	[tilespmem:$0x16450] =	vst v63  }
0x158: {  	s23 =	simm.s32 $0x80  }
0x159: {  	[tilespmem:s7], [sflag:$0x2] =	stream.indirect.gather [hbm4b:s5+s4], $0x20, s23, s4, $0xb8;
	[tilespmem:$0x16450] =	vst v63  }
0x15a: {  	s24 =	simm.s32 $0x100  }
0x15b: {  	[tilespmem:s10], [sflag:$0x3] =	stream.indirect.gather [hbm4b:s5+s4], $0x20, s24, s4, $0xb8;
	[tilespmem:$0x16450] =	vst v63  }
.LBB2_6:
0x15c: {  	p3 =	sne.s32 s19, $0x0  }
0x15d: {  	p4 =	por !p1, !p3  }
0x15e: {  	p4 =	por !p4, !p4  }
.Ltmp4:
0x15f: {  	_ = 	snop;
	(pc) =	sbr.rel @!p4 .LBB2_8-.Ltmp4, $4  }
0x160: {  	_ =	swait.ge [sflag:s0], $0xFA0  }
0x161: {  	s20 =	sshra.s32 s19, $0x2;
	[sflag:s0] =	ssyncset.done $0x0  }
0x162: {  	s21 =	sadd.s32 $0x5000, s20;
	[sflag:s0] =	ssyncadd.s32 $0xFFFFF060  }
0x163: {  	[spmem:s2] =	stream.indirect.scatter.add.bf16 [tilespmem:s6], [sflag:$0x5], $0x20, s21, s4, $0xb8;
	[tilespmem:$0x16450] =	vst v63  }
.Ltmp5:
0x164: {  	(pc) =	sbr.rel .LBB2_9-.Ltmp5, $4  }
0x165: {  	_ = 	snop  }
0x166: {  	_ =	swait.ge [sflag:s11], $0x7D0  }
0x167: {  	[sflag:s11] =	ssyncset.done $0x0  }
0x168: {  	[sflag:s11] =	ssyncadd.s32 $0xFFFFF830  }
.LBB2_8:
.Ltmp6:
0x169: {  	(pc) =	sbr.rel @p2 .LBB2_10-.Ltmp6, $1  }
0x16a: {  	_ =	sdelay $0x3  }
.LBB2_9:
0x16b: {  	[spmem:s3] =	stream.indirect.scatter.add.f32 [tilespmem:s12], [sflag:$0x9], $0x10, s21, s4, $0xb8;
	[tilespmem:$0x16450] =	vst v63  }
.LBB2_10:
0x16c: {  	p5 =	seq.s32 s19, $0x0  }
0x16d: {  	s21 =	simm.s32 @!p5 $0x8  }
0x16e: {  	_ =	swait.ge @!p5 [sflag:s21], $0xFA0  }
0x16f: {  	[sflag:s21] =	ssyncset.done @!p5 $0x0  }
0x170: {  	s24 =	sadd.s32 $0x180, s20;
	[sflag:s21] =	ssyncadd.s32 @!p5 $0xFFFFF060  }
0x171: {  	[tilespmem:s13], [sflag:$0x4] =	stream.indirect.gather [hbm4b:s5+s4], $0x20, s24, s4, $0xb8;
	[tilespmem:$0x16450] =	vst v63  }
0x172: {  	p3 =	por !p3, !p0;
	_ =	swait.ge [sflag:s1], $0xFA0  }
0x173: {  	p3 =	por !p3, !p3;
	[sflag:s1] =	ssyncset.done $0x0  }
0x174: {  	s22 =	simm.s32 @p3 $0xA;
	s21 =	sadd.s32 $0x5080, s20;
	[sflag:s1] =	ssyncadd.s32 $0xFFFFF060  }
0x175: {  	[spmem:s2] =	stream.indirect.scatter.add.bf16 [tilespmem:s7], [sflag:$0x6], $0x20, s21, s4, $0xb8;
	[tilespmem:$0x16450] =	vst v63  }
0x176: {  	_ =	swait.ge @p3 [sflag:s22], $0x7D0  }
0x177: {  	s23 =	simm.s32 @p0 $0xDE80;
	[sflag:s22] =	ssyncset.done @p3 $0x0  }
0x178: {  	p5 =	seq.s32 s19, $0x13800;
	[sflag:s22] =	ssyncadd.s32 @p3 $0xFFFFF830;
	s22 =	simm.s32 @p0 $0x7D  }
0x179: {  	[spmem:s3] =	stream.indirect.scatter.add.f32 @p0 [tilespmem:s23], [sflag:$0xA], $0x10, s21, s22, $0xb8;
	[tilespmem:$0x16450] =	vst v63  }
0x17a: {  	s21 =	simm.s32 @!p5 $0x5  }
0x17b: {  	_ =	swait.ge @!p5 [sflag:s21], $0xFA0  }
0x17c: {  	[sflag:s21] =	ssyncset.done @!p5 $0x0  }
0x17d: {  	[sflag:s21] =	ssyncadd.s32 @!p5 $0xFFFFF060;
	s21 =	sshra.s32 @!p5 s19, $0x2  }
0x17e: {  	s24 =	simm.s32 @!p5 $0xA000;
	s23 =	simm.s32 @!p5 $0x7D;
	s22 =	sadd.s32 @!p5 $0x200, s21  }
0x17f: {  	[tilespmem:s24], [sflag:$0x1] =	stream.indirect.gather @!p5 [hbm4b:s5+s23], $0x20, s22, s23, $0xb8;
	[tilespmem:$0x16450] =	vst v63  }
.Ltmp7:
0x180: {  	_ = 	snop;
	(pc) =	sbr.rel @!p4 .LBB2_12-.Ltmp7, $4  }
0x181: {  	_ =	swait.ge [sflag:s14], $0xFA0  }
0x182: {  	[sflag:s14] =	ssyncset.done $0x0  }
0x183: {  	s22 =	sadd.s32 $0x5100, s20;
	[sflag:s14] =	ssyncadd.s32 $0xFFFFF060  }
0x184: {  	[spmem:s2] =	stream.indirect.scatter.add.bf16 [tilespmem:s10], [sflag:$0x7], $0x20, s22, s4, $0xb8;
	[tilespmem:$0x16450] =	vst v63  }
.Ltmp8:
0x185: {  	(pc) =	sbr.rel .LBB2_13-.Ltmp8, $4  }
0x186: {  	_ = 	snop  }
0x187: {  	_ =	swait.ge [sflag:s15], $0x7D0  }
0x188: {  	[sflag:s15] =	ssyncset.done $0x0  }
0x189: {  	[sflag:s15] =	ssyncadd.s32 $0xFFFFF830  }
.LBB2_12:
.Ltmp9:
0x18a: {  	(pc) =	sbr.rel @p2 .LBB2_14-.Ltmp9, $1  }
0x18b: {  	_ =	sdelay $0x3  }
.LBB2_13:
0x18c: {  	[spmem:s3] =	stream.indirect.scatter.add.f32 [tilespmem:s12], [sflag:$0xB], $0x10, s22, s4, $0xb8;
	[tilespmem:$0x16450] =	vst v63  }
.LBB2_14:
0x18d: {  	s22 =	simm.s32 @!p5 $0x6  }
0x18e: {  	_ =	swait.ge @!p5 [sflag:s22], $0xFA0  }
0x18f: {  	s21 =	sadd.s32 @!p5 $0x280, s21;
	[sflag:s22] =	ssyncset.done @!p5 $0x0  }
0x190: {  	s23 =	simm.s32 @!p5 $0xAFA0;
	[sflag:s22] =	ssyncadd.s32 @!p5 $0xFFFFF060;
	s22 =	simm.s32 @!p5 $0x7D  }
0x191: {  	[tilespmem:s23], [sflag:$0x2] =	stream.indirect.gather @!p5 [hbm4b:s5+s22], $0x20, s21, s22, $0xb8;
	[tilespmem:$0x16450] =	vst v63  }
0x192: {  	_ =	swait.ge [sflag:s16], $0xFA0  }
0x193: {  	[sflag:s16] =	ssyncset.done $0x0  }
0x194: {  	s21 =	sadd.s32 $0x5180, s20;
	[sflag:s16] =	ssyncadd.s32 $0xFFFFF060  }
0x195: {  	[spmem:s2] =	stream.indirect.scatter.add.bf16 [tilespmem:s13], [sflag:$0x8], $0x20, s21, s4, $0xb8;
	[tilespmem:$0x16450] =	vst v63  }
.Ltmp10:
0x196: {  	s22 =	simm.s32 @p3 $0xC;
	(pc) =	sbr.rel @p5 .LBB2_16-.Ltmp10, $4  }
0x197: {  	_ =	swait.ge @p3 [sflag:s22], $0x7D0  }
0x198: {  	[sflag:s22] =	ssyncset.done @p3 $0x0  }
0x199: {  	s23 =	simm.s32 @p0 $0xDE80;
	[sflag:s22] =	ssyncadd.s32 @p3 $0xFFFFF830;
	s22 =	simm.s32 @p0 $0x7D  }
0x19a: {  	[spmem:s3] =	stream.indirect.scatter.add.f32 @p0 [tilespmem:s23], [sflag:$0xC], $0x10, s21, s22, $0xb8;
	[tilespmem:$0x16450] =	vst v63  }
.Ltmp11:
0x19b: {  	(pc) =	sbr.rel .LBB2_6-.Ltmp11, $4  }
0x19c: {  	_ =	swait.ge [sflag:s30], $0xFA0  }
0x19d: {  	[sflag:s30] =	ssyncset.done $0x0  }
0x19e: {  	s20 =	sadd.s32 $0x300, s20;
	s19 =	sadd.s32 $0x800, s19;
	[sflag:s30] =	ssyncadd.s32 $0xFFFFF060  }
0x19f: {  	[tilespmem:s10], [sflag:$0x3] =	stream.indirect.gather [hbm4b:s5+s4], $0x20, s20, s4, $0xb8;
	[tilespmem:$0x16450] =	vst v63  }
.LBB2_17:
0x1a0: {  	_ =	sfence.sel $0x180000  }
0x1a1: {  	[bflag:$0x0] =	sbarrier.arrive $0xFFFF  }
0x1a2: {  	_ =	strace $0x9000004A  }
0x1a3: {  	s0 =	stileid.u32;
	[bflag:$0x2] =	sbarrier.arrive $0xFFFF  }
0x1a4: {  	p0 =	sne.s32 s0, $0x0;
	s0 =	rddreg [dreg:$0x4]  }
0x1a5: {  	s0 =	sadd.s32 @!p0 $0x100000, s0  }
0x1a6: {  	[sflag:s0] =	ssyncadd.tile.s32 @!p0 $0x1;
	_ =	shalt  }
.Lfunc_end2:
_tile_overlayer_lowered:
.L_overlay_start_2:
0x1a7: {  	(tag) =	ssettag $0x2  }
0x1a8: {  	s0 =	rddreg [dreg:$0x0];
	s2 =	stileid.u32  }
0x1a9: {  	s1 =	rddreg [dreg:$0x1];
	p0 =	sne.s32 s2, $0x0  }
0x1aa: {  	s3 =	rddreg [dreg:$0x2];
	[bflag:$0x3] =	sbarrier.arrive $0xFFFF;
	s2 =	simm.s32 @!p0 $0x1C0D  }
0x1ab: {  	[timem:s3], [sflag:s2] =	dma.local @!p0 [hbm:s0], s1  }
0x1ac: {  	s0 =	simm.s32 @!p0 $0xD  }
0x1ad: {  	_ =	swait.ge @!p0 [sflag:s0], s1  }
0x1ae: {  	s1 =	ssub.s32 @!p0 $0x0, s1;
	[sflag:s0] =	ssyncset.done @!p0 $0x0  }
0x1af: {  	[sflag:s0] =	ssyncadd.s32 @!p0 s1  }
0x1b0: {  	[bflag:$0x3] =	sbarrier.arrive $0xFFFF  }
0x1b1: {  	_ =	shalt  }

// kernel: kernel.9.cloned.1.call-start
scs
__scs_entry_jumppad:
0x0: {  	(pc) =	sbr.rel $0x88, $3  }
0x1: {  	(tag) =	ssettag $0x0;
	lr =	simm.s32 $0x1  }
0x2: {  	[smem:$0x3F99] =	sst lr;
	_ =	strace $0xD0000000  }
0x3: {  	_ = 	snop  }
0x4: {  	_ = 	snop  }
0x5: {  	_ = 	snop  }
0x6: {  	_ = 	snop  }
0x7: {  	_ = 	snop  }
__scs_overlays_trampoline_lowered:
0x8: {  	[smem:$0x3FA8] =	sst s0  }
0x9: {  	[smem:$0x3FA9] =	sst s1  }
0xa: {  	[smem:$0x3FAA] =	sst s2  }
0xb: {  	[smem:$0x3FAB] =	sst s3  }
0xc: {  	[smem:$0x3FAC] =	sst s4  }
0xd: {  	[smem:$0x3FAD] =	sst s5  }
0xe: {  	[smem:$0x3FAE] =	sst s6  }
0xf: {  	[smem:$0x3FAF] =	sst s7  }
0x10: {  	[smem:$0x3FB0] =	sst s8  }
0x11: {  	[smem:$0x3FB1] =	sst s9;
	s0 =	simm.s32 @!p0 $0x0  }
0x12: {  	s1 =	sld [smem:$0x3F97];
	s0 =	simm.s32 @p0 $0x1  }
0x13: {  	[smem:$0x3FB2] =	sst s0;
	s0 =	simm.s32 @!p1 $0x0  }
0x14: {  	s2 =	sld [smem:$0x3F96];
	s0 =	simm.s32 @p1 $0x1  }
0x15: {  	[smem:$0x3FB3] =	sst s0;
	s0 =	simm.s32 @!p2 $0x0  }
0x16: {  	s3 =	sld [smem:$0x3FDB];
	s0 =	simm.s32 @p2 $0x1  }
0x17: {  	s4 =	simm.s32 $0x1BF5;
	[smem:$0x3FB5] =	sst s0  }
0x18: {  	s0 =	sld [smem:$0x3F98];
	_ =	swait.ge [sflag:s4], $0x0  }
0x19: {  	s7 =	sld [smem:$0x3F99]  }
0x1a: {  	s8 =	sadd.s32 $0xFFFFE003, lr  }
0x1b: {  	s9 =	sadd.s32 $0xFFFFFEF7, lr;
	s5 =	simm.s32 $0xFFFFFFFF;
	p2 =	slt.u32 s8, $0xFFFFF086  }
0x1c: {  	p1 =	slt.u32 s9, $0xF7A;
	s5 =	simm.s32 @!p2 $0x0  }
0x1d: {  	s5 =	simm.s32 @p1 $0x1;
	p0 =	seq.s32 s7, s2  }
0x1e: {  	s7 =	smul.u32 @!p0 $0xF7A, s2;
	p2 =	seq.s32 @!p0 s5, $0x0  }
0x1f: {  	s9 =	smul.u32 $0xF7A, s1;
	s8 =	simm.s32 @!p0 $0x1BF5;
	p2 =	por !p2, p0  }
0x20: {  	[sflag:s8] =	ssyncset.s32 @!p0 $0xFFFFF086;
	s6 =	sadd.s32 @!p0 s3, s7;
	s7 =	simm.s32 @!p0 $0x108  }
0x21: {  	s3 =	sadd.s32 s3, s9;
	s6 =	sadd.s32 @!p0 $0x88, s6;
	s7 =	simm.s32 @p2 $0x1082  }
0x22: {  	[simem:s7], [sflag:s8] =	dma.local @!p0 [hbm:s6], $0xF7A  }
0x23: {  	s9 =	sor.u32 $0xD0000000, s2;
	s6 =	simm.s32 $0x108;
	_ =	swait.ge @!p0 [sflag:s8], $0x0  }
0x24: {  	s3 =	sadd.s32 $0x88, s3;
	s6 =	simm.s32 @!p1 $0x1082;
	[sflag:s4] =	ssyncset.s32 $0xFFFFF086  }
0x25: {  	[simem:s6], [sflag:s4] =	dma.local [hbm:s3], $0xF7A  }
0x26: {  	[smem:$0x3F99] =	sst s1;
	(tag) =	ssettag s2;
	_ =	strace s9  }
0x27: {  	s1 =	sld [smem:$0x3FA9]  }
0x28: {  	s2 =	sld [smem:$0x3FAA]  }
0x29: {  	s4 =	sld [smem:$0x3FAC]  }
0x2a: {  	p0 =	seq.s32 s5, $0x0;
	s5 =	sld [smem:$0x3FAD]  }
0x2b: {  	s6 =	sld [smem:$0x3FAE]  }
0x2c: {  	s7 =	sld [smem:$0x3FAF]  }
0x2d: {  	s3 =	simm.s32 $0x108;
	s8 =	sld [smem:$0x3FB0]  }
0x2e: {  	s3 =	simm.s32 @!p0 $0x1082;
	s9 =	sld [smem:$0x3FB1]  }
0x2f: {  	lr =	sadd.s32 s0, s3;
	s0 =	sld [smem:$0x3FA8]  }
0x30: {  	s3 =	sld [smem:$0x3FAB]  }
0x31: {  	[smem:$0x3FB4] =	sst s10  }
0x32: {  	s10 =	sld [smem:$0x3FB2];
	_ =	sdelay $0x3  }
0x33: {  	p0 =	seq.s32 s10, $0x1;
	s10 =	sld [smem:$0x3FB4];
	_ =	sdelay $0x3  }
0x34: {  	[smem:$0x3FB4] =	sst s10  }
0x35: {  	s10 =	sld [smem:$0x3FB3];
	_ =	sdelay $0x3  }
0x36: {  	p1 =	seq.s32 s10, $0x1;
	s10 =	sld [smem:$0x3FB4];
	_ =	sdelay $0x3  }
0x37: {  	[smem:$0x3FB4] =	sst s10  }
0x38: {  	s10 =	sld [smem:$0x3FB5]  }
0x39: {  	_ = 	snop;
	(pc) =	sbr.ind lr, $3  }
0x3a: {  	_ = 	snop  }
0x3b: {  	_ = 	snop  }
0x3c: {  	p2 =	seq.s32 s10, $0x1;
	s10 =	sld [smem:$0x3FB4]  }
0x3d: {  	_ =	shalt  }
0x3e: {  	_ =	shalt  }
0x3f: {  	_ =	shalt  }
0x40: {  	_ =	shalt  }
0x41: {  	_ =	shalt  }
0x42: {  	_ =	shalt  }
0x43: {  	_ =	shalt  }
0x44: {  	_ =	shalt  }
0x45: {  	_ =	shalt  }
0x46: {  	_ =	shalt  }
0x47: {  	_ =	shalt  }
0x48: {  	_ =	shalt  }
0x49: {  	_ =	shalt  }
0x4a: {  	_ =	shalt  }
0x4b: {  	_ =	shalt  }
0x4c: {  	_ =	shalt  }
0x4d: {  	_ =	shalt  }
0x4e: {  	_ =	shalt  }
0x4f: {  	_ =	shalt  }
0x50: {  	_ =	shalt  }
0x51: {  	_ =	shalt  }
0x52: {  	_ =	shalt  }
0x53: {  	_ =	shalt  }
0x54: {  	_ =	shalt  }
0x55: {  	_ =	shalt  }
0x56: {  	_ =	shalt  }
0x57: {  	_ =	shalt  }
0x58: {  	_ =	shalt  }
0x59: {  	_ =	shalt  }
0x5a: {  	_ =	shalt  }
0x5b: {  	_ =	shalt  }
0x5c: {  	_ =	shalt  }
0x5d: {  	_ =	shalt  }
0x5e: {  	_ =	shalt  }
0x5f: {  	_ =	shalt  }
0x60: {  	_ =	shalt  }
0x61: {  	_ =	shalt  }
0x62: {  	_ =	shalt  }
0x63: {  	_ =	shalt  }
0x64: {  	_ =	shalt  }
0x65: {  	_ =	shalt  }
0x66: {  	_ =	shalt  }
0x67: {  	_ =	shalt  }
0x68: {  	_ =	shalt  }
0x69: {  	_ =	shalt  }
0x6a: {  	_ =	shalt  }
0x6b: {  	_ =	shalt  }
0x6c: {  	_ =	shalt  }
0x6d: {  	_ =	shalt  }
0x6e: {  	_ =	shalt  }
0x6f: {  	_ =	shalt  }
0x70: {  	_ =	shalt  }
0x71: {  	_ =	shalt  }
0x72: {  	_ =	shalt  }
0x73: {  	_ =	shalt  }
0x74: {  	_ =	shalt  }
0x75: {  	_ =	shalt  }
0x76: {  	_ =	shalt  }
0x77: {  	_ =	shalt  }
0x78: {  	_ =	shalt  }
0x79: {  	_ =	shalt  }
0x7a: {  	_ =	shalt  }
0x7b: {  	_ =	shalt  }
0x7c: {  	_ =	shalt  }
0x7d: {  	_ =	shalt  }
0x7e: {  	_ =	shalt  }
0x7f: {  	_ =	shalt  }
0x80: {  	_ =	shalt  }
0x81: {  	_ =	shalt  }
0x82: {  	_ =	shalt  }
0x83: {  	_ =	shalt  }
0x84: {  	_ =	shalt  }
0x85: {  	_ =	shalt  }
0x86: {  	_ =	shalt  }
0x87: {  	_ =	shalt  }
.Lfunc_end0:
.L_simem_size_0:
called_computation_lowered:
.L_overlay_start_0:
0x88: {  	s2 =	sld [smem:$0x3FD9]  }
0x89: {  	s3 =	sld [smem:$0x3FFE];
	_ =	sdelay $0x1  }
0x8a: {  	s1 =	srdreg.scid  }
0x8b: {  	s0 =	sand.u32 $0x1, s1  }
0x8c: {  	s17 =	sshll.u32 s0, $0xA;
	s2 =	sadd.s32 s3, s2  }
0x8d: {  	s2 =	sadd.s32 s2, s17  }
0x8e: {  	[smem:$0x3FC0] =	sst s2  }
0x8f: {  	_ = 	snop  }
0x90: {  	s2 =	sld [smem:$0x3FD0];
	(tm) =	ssettm $0x1  }
0x91: {  	s18 =	sld [smem:$0x3FFB];
	_ =	sdelay $0x3  }
0x92: {  	_ =	strace s18  }
0x93: {  	s3 =	sld [smem:$0x3FFC];
	_ =	sdelay $0x3  }
0x94: {  	_ =	strace s3  }
0x95: {  	s3 =	sld [smem:$0x3FFD];
	_ =	sdelay $0x3  }
0x96: {  	_ =	strace s3  }
0x97: {  	_ =	strace $0x8FFFFFFF  }
0x98: {  	s19 =	sld [smem:$0x3FDB];
	_ =	sdelay $0x1  }
0x99: {  	s4 =	simm.s32 $_scs_section_size  }
0x9a: {  	s5 =	simm.s32 $_size__tile_overlayer_lowered;
	s6 =	simm.s32 $_tile_overlayer_lowered  }
0x9b: {  	s22 =	simm.s32 $0x1BFF;
	s21 =	sshll.u32 s6, $0x1;
	s3 =	sadd.s32 s4, s19  }
0x9c: {  	s7 =	simm.s32 $0x0;
	s20 =	sshll.u32 s5, $0x1;
	s5 =	sadd.s32 s21, s3  }
0x9d: {  	[timem:s7], [sflag:s22] =	dma.local [hbm:s5], s20  }
0x9e: {  	_ =	swait.ge [sflag:s22], s20  }
0x9f: {  	s4 =	ssub.s32 $0x0, s20;
	[sflag:s22] =	ssyncset.done $0x0  }
0xa0: {  	[sflag:s22] =	ssyncadd.s32 s4;
	_ =	sdelay $0x1  }
0xa1: {  	s23 =	simm.s32 $0x1B8B  }
0xa2: {  	_ =	swait.ge [sflag:s23], $0x1  }
0xa3: {  	[sflag:s23] =	ssyncset.done $0x0  }
0xa4: {  	s25 =	simm.s32 $0x1B8E;
	s24 =	sld [smem:$0x3FFE];
	[sflag:s23] =	ssyncadd.s32 $0xFFFFFFFF  }
0xa5: {  	s26 =	simm.s32 $execute0_lowered;
	[smem:$0x3FD2] =	sst s25  }
0xa6: {  	s5 =	sshll.u32 s26, $0x1;
	_ =	strace $0x80000046;
	[dreg:$0x1] =	wrdreg $0xFFFFFFFF  }
0xa7: {  	s28 =	simm.s32 $_size_execute0_lowered;
	s3 =	sadd.s32 s3, s5;
	[dreg:$0x0] =	wrdreg $0x0  }
0xa8: {  	s5 =	sshll.u32 s28, $0x1;
	[dreg:$0x2] =	wrdreg s3  }
0xa9: {  	[dreg:$0x3] =	wrdreg s5  }
0xaa: {  	[dreg:$0x4] =	wrdreg $0xC0  }
0xab: {  	_ =	task [dreg:s7], $0x5FFFF  }
0xac: {  	[dreg:$0x1] =	wrdreg $0xFFFFFFFF  }
0xad: {  	[dreg:$0x0] =	wrdreg $0x60  }
0xae: {  	[dreg:$0x2] =	wrdreg s24  }
0xaf: {  	[dreg:$0x3] =	wrdreg s2  }
0xb0: {  	[dreg:$0x4] =	wrdreg $0xEC500  }
0xb1: {  	[dreg:$0x5] =	wrdreg $0x13C500  }
0xb2: {  	[dreg:$0x6] =	wrdreg $0x9  }
0xb3: {  	_ =	task.clear_ibuf [dreg:s7], $0x7FFFF;
	_ =	strace $0x90000046  }
0xb4: {  	s29 =	simm.s32 $0x9;
	_ =	strace $0x80000048  }
0xb5: {  	_ =	swait.ge [sflag:s29], $0x1  }
0xb6: {  	[sflag:s29] =	ssyncadd.s32 $0xFFFFFFFF  }
0xb7: {  	_ =	strace $0x90000048  }
0xb8: {  	_ =	sfence  }
0xb9: {  	s30 =	sld [smem:$0x0];
	_ =	sdelay $0x2  }
0xba: {  	s31 =	sshll.u32 s1, $0xD;
	s1 =	sshrl.u32 s1, $0x2  }
0xbb: {  	s3 =	sand.u32 $0x4000, s31;
	s1 =	sadd.s32 s1, s30  }
0xbc: {  	s0 =	sor.u32 s3, s0;
	s1 =	sshll.u32 s1, $0x11  }
0xbd: {  	s0 =	sor.u32 s1, s0  }
0xbe: {  	s0 =	sadd.s32 $0x8F2B, s0  }
0xbf: {  	[sflag:s0] =	ssyncadd.remote.s32 $0x1  }
0xc0: {  	_ =	sfence.sel $0xFFFF  }
0xc1: {  	[dreg:$0x0] =	wrdreg $0xFFFFFFFF;
	(pc) =	sbr.abs _section_cstart, $3  }
0xc2: {  	[dreg:$0x1] =	wrdreg $0xFFFFFFFF  }
0xc3: {  	_ =	task.clear_ibuf [dreg:s7], $0x2FFFF;
	_ =	strace $0x9FFFFFFF  }
0xc4: {  	(tm) =	ssettm $0x7FFFFFFF  }
0xc5: {  	_ =	shalt  }
tec
execute0_lowered:
.L_overlay_start_1:
0x0: {  	(tag) =	ssettag $0x1  }
0x1: {  	s4 =	rddreg [dreg:$0x0]  }
0x2: {  	s7 =	rddreg [dreg:$0x1]  }
0x3: {  	s2 =	rddreg [dreg:$0x2]  }
0x4: {  	s3 =	rddreg [dreg:$0x3]  }
0x5: {  	s14 =	stileid.u32;
	s0 =	srdreg.scid;
	s1 =	simm.s32 $0x0  }
0x6: {  	s28 =	simm.s32 $0x5;
	s10 =	sand.u32 $0x1, s0;
	s0 =	smul.u32 $0x280, s14  }
0x7: {  	s29 =	simm.s32 $0x6;
	s30 =	simm.s32 $0x7;
	s6 =	smul.u32 $0xA00, s14  }
0x8: {  	s31 =	simm.s32 $0x8;
	[smem:$0x7FF] =	sst s1;
	s12 =	smul.u32 $0x14000, s14  }
0x9: {  	s5 =	sadd.s32 $0xCC00, s4;
	s15 =	smul.u32 $0x2800, s10;
	_ =	strace $0x80000047  }
0xa: {  	s8 =	sshll.u32 s10, $0x4;
	s19 =	ssub.s32 $0x2, s10;
	p0 =	seq.s32 s10, $0x1  }
0xb: {  	p1 =	seq.s32 s10, $0x0;
	p2 =	sne.s32 s10, $0x0;
	s16 =	sor.u32 s14, s8  }
0xc: {  	s17 =	sadd.s32 s6, s4;
	s13 =	sshrl.u32 s19, $0x1;
	s14 =	smul.u32 $0xA000, s14  }
0xd: {  	s21 =	sshrl.u32 s12, $0x2;
	s23 =	sor.u32 $0x20, s0;
	s25 =	sor.u32 $0x40, s0  }
0xe: {  	s12 =	sor.u32 $0x60, s0;
	s9 =	sadd.s32 s0, s15;
	s11 =	smul.u32 $0xA00, s16  }
0xf: {  	s6 =	ssub.s32 s19, s13;
	s20 =	sadd.s32 $0x2C00, s17;
	s8 =	sadd.s32 s21, s2  }
0x10: {  	s24 =	sshll.u32 s23, $0x5;
	s26 =	sshll.u32 s25, $0x5;
	s13 =	sshll.u32 s12, $0x5  }
0x11: {  	s15 =	sshll.u32 s12, $0x4;
	s12 =	sadd.s32 $0x120, s0;
	s18 =	sshll.u32 s9, $0x2  }
0x12: {  	s9 =	sshll.u32 s9, $0x1;
	[dreg:$0x6] =	wrdreg s20;
	s22 =	sshrl.u32 s14, $0x2  }
0x13: {  	s14 =	sadd.s32 $0x80, s0;
	s1 =	sadd.s32 s18, s4;
	s4 =	sadd.s32 s9, s4  }
0x14: {  	s7 =	sadd.s32 s7, s11;
	s9 =	sadd.s32 s22, s3;
	s11 =	sadd.s32 s24, s2  }
0x15: {  	s16 =	sshll.u32 s14, $0x5;
	s18 =	sadd.s32 $0xA0, s0;
	s19 =	sshll.u32 s14, $0x4  }
0x16: {  	s22 =	sadd.s32 $0xC0, s0;
	s24 =	sadd.s32 $0xE0, s0;
	[dreg:$0x5] =	wrdreg s7  }
0x17: {  	s7 =	sshll.u32 s23, $0x4;
	[dreg:$0x7] =	wrdreg s11;
	s11 =	sshll.u32 s25, $0x4  }
0x18: {  	s17 =	sadd.s32 s16, s2;
	s20 =	sshll.u32 s18, $0x5;
	s23 =	sshll.u32 s22, $0x5  }
0x19: {  	s25 =	sshll.u32 s24, $0x5;
	s7 =	sadd.s32 s7, s3;
	[dreg:$0xd] =	wrdreg s17  }
0x1a: {  	s21 =	sadd.s32 s20, s2;
	s10 =	sadd.s32 s23, s2;
	[dreg:$0x8] =	wrdreg s7  }
0x1b: {  	s17 =	sadd.s32 $0x160, s0;
	s20 =	sadd.s32 $0x180, s0;
	[dreg:$0xf] =	wrdreg s21  }
0x1c: {  	s23 =	sadd.s32 $0x1A0, s0;
	s7 =	sadd.s32 s26, s2;
	[dreg:$0x11] =	wrdreg s10  }
0x1d: {  	s26 =	sadd.s32 $0x100, s0;
	s10 =	sadd.s32 s25, s2;
	[dreg:$0x9] =	wrdreg s7  }
0x1e: {  	s21 =	sshll.u32 s20, $0x5;
	s7 =	sadd.s32 s11, s3;
	[dreg:$0x13] =	wrdreg s10  }
0x1f: {  	s25 =	sadd.s32 $0x1C0, s0;
	[dreg:$0xa] =	wrdreg s7;
	s7 =	sadd.s32 s13, s2  }
0x20: {  	s11 =	sadd.s32 s19, s3;
	[dreg:$0xb] =	wrdreg s7;
	s7 =	sadd.s32 s15, s3  }
0x21: {  	s10 =	sshll.u32 s26, $0x5;
	[dreg:$0xc] =	wrdreg s7;
	s7 =	sshll.u32 s18, $0x4  }
0x22: {  	s19 =	sshll.u32 s17, $0x4;
	[dreg:$0xe] =	wrdreg s11;
	s7 =	sadd.s32 s7, s3  }
0x23: {  	s11 =	sshll.u32 s26, $0x4;
	[dreg:$0x10] =	wrdreg s7;
	s7 =	sshll.u32 s22, $0x4  }
0x24: {  	s13 =	sshll.u32 s12, $0x5;
	s26 =	sshll.u32 s25, $0x5;
	s7 =	sadd.s32 s7, s3  }
0x25: {  	s15 =	sadd.s32 $0x140, s0;
	[dreg:$0x12] =	wrdreg s7;
	s7 =	sshll.u32 s24, $0x4  }
0x26: {  	s16 =	sshll.u32 s15, $0x5;
	s18 =	sshll.u32 s17, $0x5;
	s7 =	sadd.s32 s7, s3  }
0x27: {  	s24 =	sshll.u32 s23, $0x5;
	[dreg:$0x14] =	wrdreg s7;
	s7 =	sadd.s32 s10, s2  }
0x28: {  	s10 =	sshll.u32 s12, $0x4;
	[dreg:$0x15] =	wrdreg s7;
	s7 =	sadd.s32 s11, s3  }
0x29: {  	s14 =	sadd.s32 s10, s3;
	s10 =	sadd.s32 s16, s2;
	[dreg:$0x16] =	wrdreg s7  }
0x2a: {  	s11 =	sadd.s32 $0x1E0, s0;
	s16 =	sadd.s32 $0x220, s0;
	[dreg:$0x18] =	wrdreg s14  }
0x2b: {  	s7 =	sadd.s32 s13, s2;
	[dreg:$0x19] =	wrdreg s10;
	s10 =	sshll.u32 s20, $0x4  }
0x2c: {  	s12 =	sshll.u32 s11, $0x5;
	s14 =	sadd.s32 $0x200, s0;
	s17 =	sshll.u32 s16, $0x5  }
0x2d: {  	[dreg:$0x17] =	wrdreg s7;
	s7 =	sshll.u32 s15, $0x4;
	s22 =	sadd.s32 s10, s3  }
0x2e: {  	s10 =	sadd.s32 s24, s2;
	s15 =	sshll.u32 s14, $0x5;
	[dreg:$0x1e] =	wrdreg s22  }
0x2f: {  	s24 =	sadd.s32 $0x20600, s1;
	s1 =	simm.s32 $0x2;
	[dreg:$0x1f] =	wrdreg s10  }
0x30: {  	s7 =	sadd.s32 s7, s3;
	s10 =	sshll.u32 s25, $0x4;
	[smem:$0x7FB] =	sst s24  }
0x31: {  	s25 =	sadd.s32 $0x34600, s4;
	s4 =	simm.s32 $0x7D;
	[dreg:$0x1a] =	wrdreg s7  }
0x32: {  	s7 =	sadd.s32 s18, s2;
	s18 =	sshll.u32 s16, $0x4;
	[smem:$0x7FC] =	sst s25  }
0x33: {  	s25 =	simm.s32 $0xE650;
	[dreg:$0x1b] =	wrdreg s7;
	s7 =	sadd.s32 s19, s3  }
0x34: {  	s19 =	sadd.s32 $0x240, s0;
	s0 =	sadd.s32 $0x260, s0;
	[dreg:$0x1c] =	wrdreg s7  }
0x35: {  	s7 =	sadd.s32 s21, s2;
	s22 =	sshll.u32 s0, $0x5;
	s0 =	sshll.u32 s0, $0x4  }
0x36: {  	[dreg:$0x1d] =	wrdreg s7;
	s7 =	sshll.u32 s23, $0x4;
	s23 =	sadd.s32 s22, s2  }
0x37: {  	s16 =	simm.s32 $0x4;
	s0 =	sadd.s32 s0, s3;
	[smem:$0x7F9] =	sst s23  }
0x38: {  	s20 =	sshll.u32 s19, $0x5;
	s7 =	sadd.s32 s7, s3;
	[smem:$0x7FA] =	sst s0  }
0x39: {  	s21 =	sshll.u32 s19, $0x4;
	s0 =	simm.s32 $0x1;
	[smem:$0x7EE] =	sst s7  }
0x3a: {  	s7 =	sadd.s32 s26, s2;
	s26 =	smax.u32 s6, $0x1;
	s6 =	simm.s32 $0xA000  }
0x3b: {  	[smem:$0x7EF] =	sst s7;
	s7 =	sadd.s32 s10, s3;
	s10 =	sshll.u32 s11, $0x4  }
0x3c: {  	[smem:$0x7FD] =	sst s26;
	s26 =	simm.s32 $0xEA50;
	s11 =	simm.s32 $0x9  }
0x3d: {  	[smem:$0x7F0] =	sst s7;
	s7 =	sadd.s32 s12, s2;
	s13 =	sadd.s32 s10, s3  }
0x3e: {  	s10 =	sadd.s32 s15, s2;
	s12 =	simm.s32 $0xDE80;
	[smem:$0x7F1] =	sst s7  }
0x3f: {  	s15 =	simm.s32 $0xB;
	[smem:$0x7F2] =	sst s13;
	s7 =	sshll.u32 s14, $0x4  }
0x40: {  	[smem:$0x7F3] =	sst s10;
	s10 =	simm.s32 $0xBF40;
	s7 =	sadd.s32 s7, s3  }
.Ltmp0:
0x41: {  	[smem:$0x7F4] =	sst s7;
	s7 =	sadd.s32 s17, s2;
	(pc) =	sbr.rel .LBB2_1-.Ltmp0, $4  }
0x42: {  	s13 =	simm.s32 $0xCEE0;
	[smem:$0x7F5] =	sst s7;
	s7 =	sadd.s32 s18, s3  }
0x43: {  	s14 =	simm.s32 $0x3;
	[smem:$0x7F6] =	sst s7;
	s7 =	sadd.s32 s20, s2  }
0x44: {  	s17 =	simm.s32 $0xD;
	[smem:$0x7F7] =	sst s7;
	s7 =	sadd.s32 s21, s3  }
0x45: {  	v0 =	vimm.bf16 $0.0e+00;
	v1 =	vimm.f32 $0.0e+00;
	v2 =	vimm.f32 $1.000000000e+00;
	s18 =	simm.s32 $0x0;
	[smem:$0x7F8] =	sst s7;
	s7 =	simm.s32 $0xAFA0  }
.LBB2_16:
0x46: {  	_ =	swait.ge [sflag:s28], $0xFA0  }
0x47: {  	[sflag:s28] =	ssyncset.done $0x0  }
0x48: {  	s19 =	simm.s32 @p2 $0x6;
	[sflag:s28] =	ssyncadd.s32 $0xFFFFF060  }
0x49: {  	_ =	swait.ge @p2 [sflag:s19], $0xFA0  }
0x4a: {  	[sflag:s19] =	ssyncset.done @p2 $0x0  }
0x4b: {  	[sflag:s19] =	ssyncadd.s32 @p2 $0xFFFFF060;
	s19 =	simm.s32 @p2 $0xA  }
0x4c: {  	_ =	swait.ge @p2 [sflag:s19], $0x7D0  }
0x4d: {  	[sflag:s19] =	ssyncset.done @p2 $0x0  }
0x4e: {  	[sflag:s19] =	ssyncadd.s32 @p2 $0xFFFFF830;
	s19 =	simm.s32 @p2 $0x7  }
0x4f: {  	_ =	swait.ge @p2 [sflag:s19], $0xFA0  }
0x50: {  	[sflag:s19] =	ssyncset.done @p2 $0x0  }
0x51: {  	[sflag:s19] =	ssyncadd.s32 @p2 $0xFFFFF060;
	s19 =	simm.s32 @p2 $0x8  }
0x52: {  	_ =	swait.ge @p2 [sflag:s19], $0xFA0  }
0x53: {  	[sflag:s19] =	ssyncset.done @p2 $0x0  }
0x54: {  	[sflag:s19] =	ssyncadd.s32 @p2 $0xFFFFF060;
	s19 =	simm.s32 @p2 $0xC  }
0x55: {  	_ =	swait.ge @p2 [sflag:s19], $0x7D0  }
0x56: {  	[sflag:s19] =	ssyncset.done @p2 $0x0  }
0x57: {  	[sflag:s19] =	ssyncadd.s32 @p2 $0xFFFFF830;
	s19 =	simm.s32 @!p2 $0x9  }
0x58: {  	_ =	swait.ge @!p2 [sflag:s19], $0x7D0  }
0x59: {  	[sflag:s19] =	ssyncset.done @!p2 $0x0  }
0x5a: {  	[sflag:s19] =	ssyncadd.s32 @!p2 $0xFFFFF830;
	s19 =	simm.s32 @!p2 $0x6  }
0x5b: {  	_ =	swait.ge @!p2 [sflag:s19], $0xFA0  }
0x5c: {  	[sflag:s19] =	ssyncset.done @!p2 $0x0  }
0x5d: {  	[sflag:s19] =	ssyncadd.s32 @!p2 $0xFFFFF060;
	s19 =	simm.s32 @!p2 $0x7  }
0x5e: {  	_ =	swait.ge @!p2 [sflag:s19], $0xFA0  }
0x5f: {  	[sflag:s19] =	ssyncset.done @!p2 $0x0  }
0x60: {  	[sflag:s19] =	ssyncadd.s32 @!p2 $0xFFFFF060;
	s19 =	simm.s32 @!p2 $0xB  }
0x61: {  	_ =	swait.ge @!p2 [sflag:s19], $0x7D0  }
0x62: {  	[sflag:s19] =	ssyncset.done @!p2 $0x0  }
0x63: {  	[sflag:s19] =	ssyncadd.s32 @!p2 $0xFFFFF830;
	s19 =	simm.s32 @!p2 $0x8  }
0x64: {  	_ =	swait.ge @!p2 [sflag:s19], $0xFA0  }
0x65: {  	[sflag:s19] =	ssyncset.done @!p2 $0x0  }
0x66: {  	[sflag:s19] =	ssyncadd.s32 @!p2 $0xFFFFF060  }
0x67: {  	s21 =	stileid.u32;
	[bflag:$0x0] =	sbarrier.arrive $0xFFFF  }
0x68: {  	s19 =	sshll.u32 s21, $0x6;
	s21 =	sld [smem:$0x7FB];
	_ =	sdelay $0x1  }
0x69: {  	s20 =	sshrl.u32 s8, $0x3;
	s19 =	sor.u32 $0x1C0D, s19  }
0x6a: {  	[hbm:s21], [sflag:s19] =	dma.local [spmem:s20], $0xA00  }
0x6b: {  	_ =	swait.ge [sflag:s17], $0xA00  }
0x6c: {  	s23 =	sld [smem:$0x7FC]  }
0x6d: {  	[sflag:s17] =	ssyncset.done $0x0  }
0x6e: {  	s22 =	sshrl.u32 s9, $0x3;
	[sflag:s17] =	ssyncadd.s32 $0xFFFFF600  }
0x6f: {  	[hbm:s23], [sflag:s19] =	dma.local [spmem:s22], $0x500  }
0x70: {  	_ =	swait.ge [sflag:s17], $0x500  }
0x71: {  	s24 =	sld [smem:$0x7FD];
	_ =	sdelay $0x1  }
0x72: {  	s18 =	sadd.s32 $0x1, s18  }
0x73: {  	p3 =	sne.s32 s18, s24  }
.Ltmp1:
0x74: {  	_ = 	snop;
	(pc) =	sbr.rel @!p3 .LBB2_17-.Ltmp1, $3  }
0x75: {  	_ =	sdelay $0x1  }
0x76: {  	[sflag:s17] =	ssyncset.done $0x0  }
0x77: {  	[sflag:s17] =	ssyncadd.s32 $0xFFFFFB00  }
.LBB2_1:
0x78: {  	s19 =	simm.s32 $0x0;
	s20 =	rddreg [dreg:$0x5]  }
0x79: {  	[tilespmem:s19], [sflag:$0x1] =	stream.linear.gather [hbm4b:s20+s19], $0x5000, $0x38;
	[tilespmem:$0x16450] =	vst v63  }
0x7a: {  	s24 =	rddreg [dreg:$0x6];
	s21 =	simm.s32 $0x5000  }
0x7b: {  	[tilespmem:s21], [sflag:$0x2] =	stream.linear.gather [hbm4b:s24+s19], $0x5000, $0x38;
	[tilespmem:$0x16450] =	vst v63  }
0x7c: {  	s20 =	simm.s32 $0x0;
	s19 =	simm.s32 $0xE660  }
.LBB2_2:
0x7d: {  	p3 =	sne.s32 s20, $0x7C0  }
.Ltmp2:
0x7e: {  	_ = 	snop;
	(pc) =	sbr.rel @p3 .LBB2_2-.Ltmp2, $4  }
0x7f: {  	_ = 	snop  }
0x80: {  	[tilespmem:s19+$0xFFFFFFF0] =	vst v0  }
0x81: {  	[tilespmem:s19+$0x0] =	vst v0;
	s21 =	sshra.s32 s20, $0x2  }
0x82: {  	s19 =	sadd.s32 $0x20, s19;
	s20 =	sadd.s32 $0x40, s20;
	[tilespmem:s21+$0xEA50] =	vst v1  }
0x83: {  	s19 =	simm.s32 $0x40;
	s20 =	simm.s32 $0x0  }
.LBB2_4:
0x84: {  	p3 =	sne.s32 s19, $0x1F00;
	[tilespmem:s20+$0xDE80] =	vst v2;
	s20 =	smov.u32 s19;
	s19 =	sadd.s32 $0x40, s19  }
.Ltmp3:
0x85: {  	(pc) =	sbr.rel @p3 .LBB2_4-.Ltmp3, $2  }
0x86: {  	_ =	sdelay $0x2  }
0x87: {  	s20 =	sshra.s32 s20, $0x2  }
0x88: {  	[tilespmem:s20+$0xDE80] =	vst v2  }
0x89: {  	[spmem:s8] =	stream.linear.scatter [tilespmem:s25], [sflag:$0x5], $0x400, $0x38;
	[tilespmem:$0x16450] =	vst v63  }
0x8a: {  	s19 =	rddreg [dreg:$0x7]  }
0x8b: {  	[spmem:s9] =	stream.linear.scatter [tilespmem:s26], [sflag:$0x5], $0x200, $0x38;
	[tilespmem:$0x16450] =	vst v63  }
0x8c: {  	s21 =	rddreg [dreg:$0x8]  }
0x8d: {  	[spmem:s19] =	stream.linear.scatter [tilespmem:s25], [sflag:$0x6], $0x400, $0x38;
	[tilespmem:$0x16450] =	vst v63  }
0x8e: {  	s22 =	rddreg [dreg:$0x9]  }
0x8f: {  	[spmem:s21] =	stream.linear.scatter [tilespmem:s26], [sflag:$0x6], $0x200, $0x38;
	[tilespmem:$0x16450] =	vst v63  }
0x90: {  	s23 =	rddreg [dreg:$0xa]  }
0x91: {  	[spmem:s22] =	stream.linear.scatter [tilespmem:s25], [sflag:$0x7], $0x400, $0x38;
	[tilespmem:$0x16450] =	vst v63  }
0x92: {  	s24 =	rddreg [dreg:$0xb]  }
0x93: {  	[spmem:s23] =	stream.linear.scatter [tilespmem:s26], [sflag:$0x7], $0x200, $0x38;
	[tilespmem:$0x16450] =	vst v63  }
0x94: {  	s20 =	rddreg [dreg:$0xc]  }
0x95: {  	[spmem:s24] =	stream.linear.scatter [tilespmem:s25], [sflag:$0x8], $0x400, $0x38;
	[tilespmem:$0x16450] =	vst v63  }
0x96: {  	s21 =	rddreg [dreg:$0xd]  }
0x97: {  	[spmem:s20] =	stream.linear.scatter [tilespmem:s26], [sflag:$0x8], $0x200, $0x38;
	[tilespmem:$0x16450] =	vst v63  }
0x98: {  	s22 =	rddreg [dreg:$0xe]  }
0x99: {  	[spmem:s21] =	stream.linear.scatter [tilespmem:s25], [sflag:$0x5], $0x400, $0x38;
	[tilespmem:$0x16450] =	vst v63  }
0x9a: {  	s23 =	rddreg [dreg:$0xf]  }
0x9b: {  	[spmem:s22] =	stream.linear.scatter [tilespmem:s26], [sflag:$0x5], $0x200, $0x38;
	[tilespmem:$0x16450] =	vst v63  }
0x9c: {  	s24 =	rddreg [dreg:$0x10]  }
0x9d: {  	[spmem:s23] =	stream.linear.scatter [tilespmem:s25], [sflag:$0x6], $0x400, $0x38;
	[tilespmem:$0x16450] =	vst v63  }
0x9e: {  	s20 =	rddreg [dreg:$0x11]  }
0x9f: {  	[spmem:s24] =	stream.linear.scatter [tilespmem:s26], [sflag:$0x6], $0x200, $0x38;
	[tilespmem:$0x16450] =	vst v63  }
0xa0: {  	s21 =	rddreg [dreg:$0x12]  }
0xa1: {  	[spmem:s20] =	stream.linear.scatter [tilespmem:s25], [sflag:$0x7], $0x400, $0x38;
	[tilespmem:$0x16450] =	vst v63  }
0xa2: {  	s22 =	rddreg [dreg:$0x13]  }
0xa3: {  	[spmem:s21] =	stream.linear.scatter [tilespmem:s26], [sflag:$0x7], $0x200, $0x38;
	[tilespmem:$0x16450] =	vst v63  }
0xa4: {  	s23 =	rddreg [dreg:$0x14]  }
0xa5: {  	[spmem:s22] =	stream.linear.scatter [tilespmem:s25], [sflag:$0x8], $0x400, $0x38;
	[tilespmem:$0x16450] =	vst v63  }
0xa6: {  	s24 =	rddreg [dreg:$0x15]  }
0xa7: {  	[spmem:s23] =	stream.linear.scatter [tilespmem:s26], [sflag:$0x8], $0x200, $0x38;
	[tilespmem:$0x16450] =	vst v63  }
0xa8: {  	s20 =	rddreg [dreg:$0x16]  }
0xa9: {  	[spmem:s24] =	stream.linear.scatter [tilespmem:s25], [sflag:$0x5], $0x400, $0x38;
	[tilespmem:$0x16450] =	vst v63  }
0xaa: {  	s21 =	rddreg [dreg:$0x17]  }
0xab: {  	[spmem:s20] =	stream.linear.scatter [tilespmem:s26], [sflag:$0x5], $0x200, $0x38;
	[tilespmem:$0x16450] =	vst v63  }
0xac: {  	s22 =	rddreg [dreg:$0x18]  }
0xad: {  	[spmem:s21] =	stream.linear.scatter [tilespmem:s25], [sflag:$0x6], $0x400, $0x38;
	[tilespmem:$0x16450] =	vst v63  }
0xae: {  	s23 =	rddreg [dreg:$0x19]  }
0xaf: {  	[spmem:s22] =	stream.linear.scatter [tilespmem:s26], [sflag:$0x6], $0x200, $0x38;
	[tilespmem:$0x16450] =	vst v63  }
0xb0: {  	s24 =	rddreg [dreg:$0x1a]  }
0xb1: {  	[spmem:s23] =	stream.linear.scatter [tilespmem:s25], [sflag:$0x7], $0x400, $0x38;
	[tilespmem:$0x16450] =	vst v63  }
0xb2: {  	s20 =	rddreg [dreg:$0x1b]  }
0xb3: {  	[spmem:s24] =	stream.linear.scatter [tilespmem:s26], [sflag:$0x7], $0x200, $0x38;
	[tilespmem:$0x16450] =	vst v63  }
0xb4: {  	s21 =	rddreg [dreg:$0x1c]  }
0xb5: {  	[spmem:s20] =	stream.linear.scatter [tilespmem:s25], [sflag:$0x8], $0x400, $0x38;
	[tilespmem:$0x16450] =	vst v63  }
0xb6: {  	s22 =	rddreg [dreg:$0x1d]  }
0xb7: {  	[spmem:s21] =	stream.linear.scatter [tilespmem:s26], [sflag:$0x8], $0x200, $0x38;
	[tilespmem:$0x16450] =	vst v63  }
0xb8: {  	s23 =	rddreg [dreg:$0x1e]  }
0xb9: {  	[spmem:s22] =	stream.linear.scatter [tilespmem:s25], [sflag:$0x5], $0x400, $0x38;
	[tilespmem:$0x16450] =	vst v63  }
0xba: {  	s24 =	rddreg [dreg:$0x1f]  }
0xbb: {  	[spmem:s23] =	stream.linear.scatter [tilespmem:s26], [sflag:$0x5], $0x200, $0x38;
	[tilespmem:$0x16450] =	vst v63  }
0xbc: {  	s20 =	sld [smem:$0x7EE]  }
0xbd: {  	[spmem:s24] =	stream.linear.scatter [tilespmem:s25], [sflag:$0x6], $0x400, $0x38;
	[tilespmem:$0x16450] =	vst v63  }
0xbe: {  	s21 =	sld [smem:$0x7EF]  }
0xbf: {  	[spmem:s20] =	stream.linear.scatter [tilespmem:s26], [sflag:$0x6], $0x200, $0x38;
	[tilespmem:$0x16450] =	vst v63  }
0xc0: {  	s22 =	sld [smem:$0x7F0]  }
0xc1: {  	[spmem:s21] =	stream.linear.scatter [tilespmem:s25], [sflag:$0x7], $0x400, $0x38;
	[tilespmem:$0x16450] =	vst v63  }
0xc2: {  	s23 =	sld [smem:$0x7F1]  }
0xc3: {  	[spmem:s22] =	stream.linear.scatter [tilespmem:s26], [sflag:$0x7], $0x200, $0x38;
	[tilespmem:$0x16450] =	vst v63  }
0xc4: {  	s24 =	sld [smem:$0x7F2]  }
0xc5: {  	[spmem:s23] =	stream.linear.scatter [tilespmem:s25], [sflag:$0x8], $0x400, $0x38;
	[tilespmem:$0x16450] =	vst v63  }
0xc6: {  	s20 =	sld [smem:$0x7F3]  }
0xc7: {  	[spmem:s24] =	stream.linear.scatter [tilespmem:s26], [sflag:$0x8], $0x200, $0x38;
	[tilespmem:$0x16450] =	vst v63  }
0xc8: {  	s21 =	sld [smem:$0x7F4]  }
0xc9: {  	[spmem:s20] =	stream.linear.scatter [tilespmem:s25], [sflag:$0x5], $0x400, $0x38;
	[tilespmem:$0x16450] =	vst v63  }
0xca: {  	s22 =	sld [smem:$0x7F5]  }
0xcb: {  	[spmem:s21] =	stream.linear.scatter [tilespmem:s26], [sflag:$0x5], $0x200, $0x38;
	[tilespmem:$0x16450] =	vst v63  }
0xcc: {  	s23 =	sld [smem:$0x7F6]  }
0xcd: {  	[spmem:s22] =	stream.linear.scatter [tilespmem:s25], [sflag:$0x6], $0x400, $0x38;
	[tilespmem:$0x16450] =	vst v63  }
0xce: {  	s24 =	sld [smem:$0x7F7]  }
0xcf: {  	[spmem:s23] =	stream.linear.scatter [tilespmem:s26], [sflag:$0x6], $0x200, $0x38;
	[tilespmem:$0x16450] =	vst v63  }
0xd0: {  	s20 =	sld [smem:$0x7F8]  }
0xd1: {  	[spmem:s24] =	stream.linear.scatter [tilespmem:s25], [sflag:$0x7], $0x400, $0x38;
	[tilespmem:$0x16450] =	vst v63  }
0xd2: {  	s21 =	sld [smem:$0x7F9]  }
0xd3: {  	[spmem:s20] =	stream.linear.scatter [tilespmem:s26], [sflag:$0x7], $0x200, $0x38;
	[tilespmem:$0x16450] =	vst v63  }
0xd4: {  	s22 =	sld [smem:$0x7FA]  }
0xd5: {  	[spmem:s21] =	stream.linear.scatter [tilespmem:s25], [sflag:$0x8], $0x400, $0x38;
	[tilespmem:$0x16450] =	vst v63  }
0xd6: {  	_ = 	snop  }
0xd7: {  	[spmem:s22] =	stream.linear.scatter [tilespmem:s26], [sflag:$0x8], $0x200, $0x38;
	[tilespmem:$0x16450] =	vst v63  }
0xd8: {  	_ =	swait.ge [sflag:s28], $0x400  }
0xd9: {  	[sflag:s28] =	ssyncset.done $0x0  }
0xda: {  	[sflag:s28] =	ssyncadd.s32 $0xFFFFFC00  }
0xdb: {  	_ =	swait.ge [sflag:s28], $0x200  }
0xdc: {  	[sflag:s28] =	ssyncset.done $0x0  }
0xdd: {  	[sflag:s28] =	ssyncadd.s32 $0xFFFFFE00  }
0xde: {  	_ =	swait.ge [sflag:s29], $0x400  }
0xdf: {  	[sflag:s29] =	ssyncset.done $0x0  }
0xe0: {  	[sflag:s29] =	ssyncadd.s32 $0xFFFFFC00  }
0xe1: {  	_ =	swait.ge [sflag:s29], $0x200  }
0xe2: {  	[sflag:s29] =	ssyncset.done $0x0  }
0xe3: {  	[sflag:s29] =	ssyncadd.s32 $0xFFFFFE00  }
0xe4: {  	_ =	swait.ge [sflag:s30], $0x400  }
0xe5: {  	[sflag:s30] =	ssyncset.done $0x0  }
0xe6: {  	[sflag:s30] =	ssyncadd.s32 $0xFFFFFC00  }
0xe7: {  	_ =	swait.ge [sflag:s30], $0x200  }
0xe8: {  	[sflag:s30] =	ssyncset.done $0x0  }
0xe9: {  	[sflag:s30] =	ssyncadd.s32 $0xFFFFFE00  }
0xea: {  	_ =	swait.ge [sflag:s31], $0x400  }
0xeb: {  	[sflag:s31] =	ssyncset.done $0x0  }
0xec: {  	[sflag:s31] =	ssyncadd.s32 $0xFFFFFC00  }
0xed: {  	_ =	swait.ge [sflag:s31], $0x200  }
0xee: {  	[sflag:s31] =	ssyncset.done $0x0  }
0xef: {  	[sflag:s31] =	ssyncadd.s32 $0xFFFFFE00  }
0xf0: {  	_ =	swait.ge [sflag:s28], $0x400  }
0xf1: {  	[sflag:s28] =	ssyncset.done $0x0  }
0xf2: {  	[sflag:s28] =	ssyncadd.s32 $0xFFFFFC00  }
0xf3: {  	_ =	swait.ge [sflag:s28], $0x200  }
0xf4: {  	[sflag:s28] =	ssyncset.done $0x0  }
0xf5: {  	[sflag:s28] =	ssyncadd.s32 $0xFFFFFE00  }
0xf6: {  	_ =	swait.ge [sflag:s29], $0x400  }
0xf7: {  	[sflag:s29] =	ssyncset.done $0x0  }
0xf8: {  	[sflag:s29] =	ssyncadd.s32 $0xFFFFFC00  }
0xf9: {  	_ =	swait.ge [sflag:s29], $0x200  }
0xfa: {  	[sflag:s29] =	ssyncset.done $0x0  }
0xfb: {  	[sflag:s29] =	ssyncadd.s32 $0xFFFFFE00  }
0xfc: {  	_ =	swait.ge [sflag:s30], $0x400  }
0xfd: {  	[sflag:s30] =	ssyncset.done $0x0  }
0xfe: {  	[sflag:s30] =	ssyncadd.s32 $0xFFFFFC00  }
0xff: {  	_ =	swait.ge [sflag:s30], $0x200  }
0x100: {  	[sflag:s30] =	ssyncset.done $0x0  }
0x101: {  	[sflag:s30] =	ssyncadd.s32 $0xFFFFFE00  }
0x102: {  	_ =	swait.ge [sflag:s31], $0x400  }
0x103: {  	[sflag:s31] =	ssyncset.done $0x0  }
0x104: {  	[sflag:s31] =	ssyncadd.s32 $0xFFFFFC00  }
0x105: {  	_ =	swait.ge [sflag:s31], $0x200  }
0x106: {  	[sflag:s31] =	ssyncset.done $0x0  }
0x107: {  	[sflag:s31] =	ssyncadd.s32 $0xFFFFFE00  }
0x108: {  	_ =	swait.ge [sflag:s28], $0x400  }
0x109: {  	[sflag:s28] =	ssyncset.done $0x0  }
0x10a: {  	[sflag:s28] =	ssyncadd.s32 $0xFFFFFC00  }
0x10b: {  	_ =	swait.ge [sflag:s28], $0x200  }
0x10c: {  	[sflag:s28] =	ssyncset.done $0x0  }
0x10d: {  	[sflag:s28] =	ssyncadd.s32 $0xFFFFFE00  }
0x10e: {  	_ =	swait.ge [sflag:s29], $0x400  }
0x10f: {  	[sflag:s29] =	ssyncset.done $0x0  }
0x110: {  	[sflag:s29] =	ssyncadd.s32 $0xFFFFFC00  }
0x111: {  	_ =	swait.ge [sflag:s29], $0x200  }
0x112: {  	[sflag:s29] =	ssyncset.done $0x0  }
0x113: {  	[sflag:s29] =	ssyncadd.s32 $0xFFFFFE00  }
0x114: {  	_ =	swait.ge [sflag:s30], $0x400  }
0x115: {  	[sflag:s30] =	ssyncset.done $0x0  }
0x116: {  	[sflag:s30] =	ssyncadd.s32 $0xFFFFFC00  }
0x117: {  	_ =	swait.ge [sflag:s30], $0x200  }
0x118: {  	[sflag:s30] =	ssyncset.done $0x0  }
0x119: {  	[sflag:s30] =	ssyncadd.s32 $0xFFFFFE00  }
0x11a: {  	_ =	swait.ge [sflag:s31], $0x400  }
0x11b: {  	[sflag:s31] =	ssyncset.done $0x0  }
0x11c: {  	[sflag:s31] =	ssyncadd.s32 $0xFFFFFC00  }
0x11d: {  	_ =	swait.ge [sflag:s31], $0x200  }
0x11e: {  	[sflag:s31] =	ssyncset.done $0x0  }
0x11f: {  	[sflag:s31] =	ssyncadd.s32 $0xFFFFFE00  }
0x120: {  	_ =	swait.ge [sflag:s28], $0x400  }
0x121: {  	[sflag:s28] =	ssyncset.done $0x0  }
0x122: {  	[sflag:s28] =	ssyncadd.s32 $0xFFFFFC00  }
0x123: {  	_ =	swait.ge [sflag:s28], $0x200  }
0x124: {  	[sflag:s28] =	ssyncset.done $0x0  }
0x125: {  	[sflag:s28] =	ssyncadd.s32 $0xFFFFFE00  }
0x126: {  	_ =	swait.ge [sflag:s29], $0x400  }
0x127: {  	[sflag:s29] =	ssyncset.done $0x0  }
0x128: {  	[sflag:s29] =	ssyncadd.s32 $0xFFFFFC00  }
0x129: {  	_ =	swait.ge [sflag:s29], $0x200  }
0x12a: {  	[sflag:s29] =	ssyncset.done $0x0  }
0x12b: {  	[sflag:s29] =	ssyncadd.s32 $0xFFFFFE00  }
0x12c: {  	_ =	swait.ge [sflag:s30], $0x400  }
0x12d: {  	[sflag:s30] =	ssyncset.done $0x0  }
0x12e: {  	[sflag:s30] =	ssyncadd.s32 $0xFFFFFC00  }
0x12f: {  	_ =	swait.ge [sflag:s30], $0x200  }
0x130: {  	[sflag:s30] =	ssyncset.done $0x0  }
0x131: {  	[sflag:s30] =	ssyncadd.s32 $0xFFFFFE00  }
0x132: {  	_ =	swait.ge [sflag:s31], $0x400  }
0x133: {  	[sflag:s31] =	ssyncset.done $0x0  }
0x134: {  	[sflag:s31] =	ssyncadd.s32 $0xFFFFFC00  }
0x135: {  	_ =	swait.ge [sflag:s31], $0x200  }
0x136: {  	[sflag:s31] =	ssyncset.done $0x0  }
0x137: {  	[sflag:s31] =	ssyncadd.s32 $0xFFFFFE00  }
0x138: {  	_ =	swait.ge [sflag:s28], $0x400  }
0x139: {  	[sflag:s28] =	ssyncset.done $0x0  }
0x13a: {  	[sflag:s28] =	ssyncadd.s32 $0xFFFFFC00  }
0x13b: {  	_ =	swait.ge [sflag:s28], $0x200  }
0x13c: {  	[sflag:s28] =	ssyncset.done $0x0  }
0x13d: {  	[sflag:s28] =	ssyncadd.s32 $0xFFFFFE00  }
0x13e: {  	_ =	swait.ge [sflag:s29], $0x400  }
0x13f: {  	[sflag:s29] =	ssyncset.done $0x0  }
0x140: {  	[sflag:s29] =	ssyncadd.s32 $0xFFFFFC00  }
0x141: {  	_ =	swait.ge [sflag:s29], $0x200  }
0x142: {  	[sflag:s29] =	ssyncset.done $0x0  }
0x143: {  	[sflag:s29] =	ssyncadd.s32 $0xFFFFFE00  }
0x144: {  	_ =	swait.ge [sflag:s30], $0x400  }
0x145: {  	[sflag:s30] =	ssyncset.done $0x0  }
0x146: {  	[sflag:s30] =	ssyncadd.s32 $0xFFFFFC00  }
0x147: {  	_ =	swait.ge [sflag:s30], $0x200  }
0x148: {  	[sflag:s30] =	ssyncset.done $0x0  }
0x149: {  	[sflag:s30] =	ssyncadd.s32 $0xFFFFFE00  }
0x14a: {  	_ =	swait.ge [sflag:s31], $0x400  }
0x14b: {  	[sflag:s31] =	ssyncset.done $0x0  }
0x14c: {  	[sflag:s31] =	ssyncadd.s32 $0xFFFFFC00  }
0x14d: {  	_ =	swait.ge [sflag:s31], $0x200  }
0x14e: {  	[sflag:s31] =	ssyncset.done $0x0  }
0x14f: {  	[sflag:s31] =	ssyncadd.s32 $0xFFFFFE00  }
0x150: {  	_ =	swait.ge [sflag:s0], $0x5000  }
0x151: {  	[sflag:s0] =	ssyncset.done $0x0  }
0x152: {  	[sflag:s0] =	ssyncadd.s32 $0xFFFFB000  }
0x153: {  	_ =	swait.ge [sflag:s1], $0x5000  }
0x154: {  	[sflag:s1] =	ssyncset.done $0x0  }
0x155: {  	[sflag:s1] =	ssyncadd.s32 $0xFFFFB000  }
0x156: {  	s19 =	simm.s32 $0x0;
	[bflag:$0x0] =	sbarrier.arrive $0xFFFF  }
0x157: {  	[tilespmem:s6], [sflag:$0x1] =	stream.indirect.gather [hbm4b:s5+s4], $0x20, s19, s4, $0xb8;
	[tilespmem:$0x16450] =	vst v63  }
0x158: {  	s23 =	simm.s32 $0x80  }
0x159: {  	[tilespmem:s7], [sflag:$0x2] =	stream.indirect.gather [hbm4b:s5+s4], $0x20, s23, s4, $0xb8;
	[tilespmem:$0x16450] =	vst v63  }
0x15a: {  	s24 =	simm.s32 $0x100  }
0x15b: {  	[tilespmem:s10], [sflag:$0x3] =	stream.indirect.gather [hbm4b:s5+s4], $0x20, s24, s4, $0xb8;
	[tilespmem:$0x16450] =	vst v63  }
.LBB2_6:
0x15c: {  	p3 =	sne.s32 s19, $0x0  }
0x15d: {  	p4 =	por !p1, !p3  }
0x15e: {  	p4 =	por !p4, !p4  }
.Ltmp4:
0x15f: {  	_ = 	snop;
	(pc) =	sbr.rel @!p4 .LBB2_8-.Ltmp4, $4  }
0x160: {  	_ =	swait.ge [sflag:s0], $0xFA0  }
0x161: {  	s20 =	sshra.s32 s19, $0x2;
	[sflag:s0] =	ssyncset.done $0x0  }
0x162: {  	s21 =	sadd.s32 $0x5000, s20;
	[sflag:s0] =	ssyncadd.s32 $0xFFFFF060  }
0x163: {  	[spmem:s2] =	stream.indirect.scatter.add.bf16 [tilespmem:s6], [sflag:$0x5], $0x20, s21, s4, $0xb8;
	[tilespmem:$0x16450] =	vst v63  }
.Ltmp5:
0x164: {  	(pc) =	sbr.rel .LBB2_9-.Ltmp5, $4  }
0x165: {  	_ = 	snop  }
0x166: {  	_ =	swait.ge [sflag:s11], $0x7D0  }
0x167: {  	[sflag:s11] =	ssyncset.done $0x0  }
0x168: {  	[sflag:s11] =	ssyncadd.s32 $0xFFFFF830  }
.LBB2_8:
.Ltmp6:
0x169: {  	(pc) =	sbr.rel @p2 .LBB2_10-.Ltmp6, $1  }
0x16a: {  	_ =	sdelay $0x3  }
.LBB2_9:
0x16b: {  	[spmem:s3] =	stream.indirect.scatter.add.f32 [tilespmem:s12], [sflag:$0x9], $0x10, s21, s4, $0xb8;
	[tilespmem:$0x16450] =	vst v63  }
.LBB2_10:
0x16c: {  	p5 =	seq.s32 s19, $0x0  }
0x16d: {  	s21 =	simm.s32 @!p5 $0x8  }
0x16e: {  	_ =	swait.ge @!p5 [sflag:s21], $0xFA0  }
0x16f: {  	[sflag:s21] =	ssyncset.done @!p5 $0x0  }
0x170: {  	s24 =	sadd.s32 $0x180, s20;
	[sflag:s21] =	ssyncadd.s32 @!p5 $0xFFFFF060  }
0x171: {  	[tilespmem:s13], [sflag:$0x4] =	stream.indirect.gather [hbm4b:s5+s4], $0x20, s24, s4, $0xb8;
	[tilespmem:$0x16450] =	vst v63  }
0x172: {  	p3 =	por !p3, !p0;
	_ =	swait.ge [sflag:s1], $0xFA0  }
0x173: {  	p3 =	por !p3, !p3;
	[sflag:s1] =	ssyncset.done $0x0  }
0x174: {  	s22 =	simm.s32 @p3 $0xA;
	s21 =	sadd.s32 $0x5080, s20;
	[sflag:s1] =	ssyncadd.s32 $0xFFFFF060  }
0x175: {  	[spmem:s2] =	stream.indirect.scatter.add.bf16 [tilespmem:s7], [sflag:$0x6], $0x20, s21, s4, $0xb8;
	[tilespmem:$0x16450] =	vst v63  }
0x176: {  	_ =	swait.ge @p3 [sflag:s22], $0x7D0  }
0x177: {  	s23 =	simm.s32 @p0 $0xDE80;
	[sflag:s22] =	ssyncset.done @p3 $0x0  }
0x178: {  	p5 =	seq.s32 s19, $0x13800;
	[sflag:s22] =	ssyncadd.s32 @p3 $0xFFFFF830;
	s22 =	simm.s32 @p0 $0x7D  }
0x179: {  	[spmem:s3] =	stream.indirect.scatter.add.f32 @p0 [tilespmem:s23], [sflag:$0xA], $0x10, s21, s22, $0xb8;
	[tilespmem:$0x16450] =	vst v63  }
0x17a: {  	s21 =	simm.s32 @!p5 $0x5  }
0x17b: {  	_ =	swait.ge @!p5 [sflag:s21], $0xFA0  }
0x17c: {  	[sflag:s21] =	ssyncset.done @!p5 $0x0  }
0x17d: {  	[sflag:s21] =	ssyncadd.s32 @!p5 $0xFFFFF060;
	s21 =	sshra.s32 @!p5 s19, $0x2  }
0x17e: {  	s24 =	simm.s32 @!p5 $0xA000;
	s23 =	simm.s32 @!p5 $0x7D;
	s22 =	sadd.s32 @!p5 $0x200, s21  }
0x17f: {  	[tilespmem:s24], [sflag:$0x1] =	stream.indirect.gather @!p5 [hbm4b:s5+s23], $0x20, s22, s23, $0xb8;
	[tilespmem:$0x16450] =	vst v63  }
.Ltmp7:
0x180: {  	_ = 	snop;
	(pc) =	sbr.rel @!p4 .LBB2_12-.Ltmp7, $4  }
0x181: {  	_ =	swait.ge [sflag:s14], $0xFA0  }
0x182: {  	[sflag:s14] =	ssyncset.done $0x0  }
0x183: {  	s22 =	sadd.s32 $0x5100, s20;
	[sflag:s14] =	ssyncadd.s32 $0xFFFFF060  }
0x184: {  	[spmem:s2] =	stream.indirect.scatter.add.bf16 [tilespmem:s10], [sflag:$0x7], $0x20, s22, s4, $0xb8;
	[tilespmem:$0x16450] =	vst v63  }
.Ltmp8:
0x185: {  	(pc) =	sbr.rel .LBB2_13-.Ltmp8, $4  }
0x186: {  	_ = 	snop  }
0x187: {  	_ =	swait.ge [sflag:s15], $0x7D0  }
0x188: {  	[sflag:s15] =	ssyncset.done $0x0  }
0x189: {  	[sflag:s15] =	ssyncadd.s32 $0xFFFFF830  }
.LBB2_12:
.Ltmp9:
0x18a: {  	(pc) =	sbr.rel @p2 .LBB2_14-.Ltmp9, $1  }
0x18b: {  	_ =	sdelay $0x3  }
.LBB2_13:
0x18c: {  	[spmem:s3] =	stream.indirect.scatter.add.f32 [tilespmem:s12], [sflag:$0xB], $0x10, s22, s4, $0xb8;
	[tilespmem:$0x16450] =	vst v63  }
.LBB2_14:
0x18d: {  	s22 =	simm.s32 @!p5 $0x6  }
0x18e: {  	_ =	swait.ge @!p5 [sflag:s22], $0xFA0  }
0x18f: {  	s21 =	sadd.s32 @!p5 $0x280, s21;
	[sflag:s22] =	ssyncset.done @!p5 $0x0  }
0x190: {  	s23 =	simm.s32 @!p5 $0xAFA0;
	[sflag:s22] =	ssyncadd.s32 @!p5 $0xFFFFF060;
	s22 =	simm.s32 @!p5 $0x7D  }
0x191: {  	[tilespmem:s23], [sflag:$0x2] =	stream.indirect.gather @!p5 [hbm4b:s5+s22], $0x20, s21, s22, $0xb8;
	[tilespmem:$0x16450] =	vst v63  }
0x192: {  	_ =	swait.ge [sflag:s16], $0xFA0  }
0x193: {  	[sflag:s16] =	ssyncset.done $0x0  }
0x194: {  	s21 =	sadd.s32 $0x5180, s20;
	[sflag:s16] =	ssyncadd.s32 $0xFFFFF060  }
0x195: {  	[spmem:s2] =	stream.indirect.scatter.add.bf16 [tilespmem:s13], [sflag:$0x8], $0x20, s21, s4, $0xb8;
	[tilespmem:$0x16450] =	vst v63  }
.Ltmp10:
0x196: {  	s22 =	simm.s32 @p3 $0xC;
	(pc) =	sbr.rel @p5 .LBB2_16-.Ltmp10, $4  }
0x197: {  	_ =	swait.ge @p3 [sflag:s22], $0x7D0  }
0x198: {  	[sflag:s22] =	ssyncset.done @p3 $0x0  }
0x199: {  	s23 =	simm.s32 @p0 $0xDE80;
	[sflag:s22] =	ssyncadd.s32 @p3 $0xFFFFF830;
	s22 =	simm.s32 @p0 $0x7D  }
0x19a: {  	[spmem:s3] =	stream.indirect.scatter.add.f32 @p0 [tilespmem:s23], [sflag:$0xC], $0x10, s21, s22, $0xb8;
	[tilespmem:$0x16450] =	vst v63  }
.Ltmp11:
0x19b: {  	(pc) =	sbr.rel .LBB2_6-.Ltmp11, $4  }
0x19c: {  	_ =	swait.ge [sflag:s30], $0xFA0  }
0x19d: {  	[sflag:s30] =	ssyncset.done $0x0  }
0x19e: {  	s20 =	sadd.s32 $0x300, s20;
	s19 =	sadd.s32 $0x800, s19;
	[sflag:s30] =	ssyncadd.s32 $0xFFFFF060  }
0x19f: {  	[tilespmem:s10], [sflag:$0x3] =	stream.indirect.gather [hbm4b:s5+s4], $0x20, s20, s4, $0xb8;
	[tilespmem:$0x16450] =	vst v63  }
.LBB2_17:
0x1a0: {  	_ =	sfence.sel $0x180000  }
0x1a1: {  	[bflag:$0x0] =	sbarrier.arrive $0xFFFF  }
0x1a2: {  	_ =	strace $0x90000047  }
0x1a3: {  	s0 =	stileid.u32;
	[bflag:$0x2] =	sbarrier.arrive $0xFFFF  }
0x1a4: {  	p0 =	sne.s32 s0, $0x0;
	s0 =	rddreg [dreg:$0x4]  }
0x1a5: {  	s0 =	sadd.s32 @!p0 $0x100000, s0  }
0x1a6: {  	[sflag:s0] =	ssyncadd.tile.s32 @!p0 $0x1;
	_ =	shalt  }
.Lfunc_end2:
_tile_overlayer_lowered:
.L_overlay_start_2:
0x1a7: {  	(tag) =	ssettag $0x2  }
0x1a8: {  	s0 =	rddreg [dreg:$0x0];
	s2 =	stileid.u32  }
0x1a9: {  	s1 =	rddreg [dreg:$0x1];
	p0 =	sne.s32 s2, $0x0  }
0x1aa: {  	s3 =	rddreg [dreg:$0x2];
	[bflag:$0x3] =	sbarrier.arrive $0xFFFF;
	s2 =	simm.s32 @!p0 $0x1C0D  }
0x1ab: {  	[timem:s3], [sflag:s2] =	dma.local @!p0 [hbm:s0], s1  }
0x1ac: {  	s0 =	simm.s32 @!p0 $0xD  }
0x1ad: {  	_ =	swait.ge @!p0 [sflag:s0], s1  }
0x1ae: {  	s1 =	ssub.s32 @!p0 $0x0, s1;
	[sflag:s0] =	ssyncset.done @!p0 $0x0  }
0x1af: {  	[sflag:s0] =	ssyncadd.s32 @!p0 s1  }
0x1b0: {  	[bflag:$0x3] =	sbarrier.arrive $0xFFFF  }
0x1b1: {  	_ =	shalt  }

</sc_bundles>
